<compile_context>
chip_gen: v7x
topology: tpu7x:2x2x1
jax: 0.10.2.dev20260603
libtpu: 0.0.44.dev20260713+nightly
codegen_flags: <defaults>
</compile_context>

<pallas_src>
import jax
import jax.numpy as jnp
from jax import lax
from jax.experimental import pallas as pl
from jax.experimental.pallas import tpu as pltpu
from jax.experimental.pallas import tpu_sc as plsc

N_NODES = 10000
N_EDGES = 50000
N_PAIR = 16
H = 64
HW = 128

NC = 2
NS = 16
NW = NC * NS
EDGES_PAD = 50176
EPW = EDGES_PAD // NW
GCH = 112
CHUNKS = EPW // GCH
NBUF = 4

HALF = N_NODES // NC
ACC_ROWS = 5120
ZROWS = ACC_ROWS // NS
DUMMY = HALF
TROWS = 625
SPS = EDGES_PAD // NS
SCHUNKS = SPS // GCH

_mesh = plsc.VectorSubcoreMesh(core_axis_name="c", subcore_axis_name="s")
_params = pltpu.CompilerParams(use_tc_tiling_on_sc=False)


def _gather_body(af, src, l_out, idx_v, b0, b1, b2, b3, s0, s1, s2, s3):
    c = lax.axis_index("c")
    s = lax.axis_index("s")
    base = (s * NC + c) * EPW
    pltpu.sync_copy(src.at[pl.ds(base, EPW)], idx_v)
    bufs = (b0, b1, b2, b3)
    sems = (s0, s1, s2, s3)

    def g(j):
        return pltpu.async_copy(
            af.at[idx_v.at[pl.ds(j * GCH, GCH)]], bufs[j % NBUF], sems[j % NBUF])

    gd = [None] * CHUNKS
    wd = [None] * CHUNKS
    for j in range(NBUF - 1):
        gd[j] = g(j)
    for j in range(CHUNKS):
        gd[j].wait()
        if j > 0:
            wd[j - 1].wait()
        wd[j] = pltpu.async_copy(
            bufs[j % NBUF], l_out.at[pl.ds(base + j * GCH, GCH)], sems[j % NBUF])
        if j + NBUF - 1 < CHUNKS:
            gd[j + NBUF - 1] = g(j + NBUF - 1)
    wd[CHUNKS - 1].wait()


_gather = pl.kernel(
    _gather_body,
    out_type=jax.ShapeDtypeStruct((EDGES_PAD, HW), jnp.float32),
    mesh=_mesh,
    compiler_params=_params,
    scratch_types=[
        pltpu.VMEM((EPW,), jnp.int32),
        pltpu.VMEM((GCH, HW), jnp.float32),
        pltpu.VMEM((GCH, HW), jnp.float32),
        pltpu.VMEM((GCH, HW), jnp.float32),
        pltpu.VMEM((GCH, HW), jnp.float32),
        pltpu.SemaphoreType.DMA,
        pltpu.SemaphoreType.DMA,
        pltpu.SemaphoreType.DMA,
        pltpu.SemaphoreType.DMA,
    ],
)


def _scatter_body(out_e, dsta, zrows, t_out, i0, i1, r0, r1, acc,
                  s0, s1, si0, si1):
    c = lax.axis_index("c")
    s = lax.axis_index("s")
    pltpu.sync_copy(zrows, acc.at[pl.ds(s * ZROWS, ZROWS)])
    plsc.subcore_barrier()

    base = s * SPS
    ibase = c * EDGES_PAD + base
    ibufs = (i0, i1)
    rbufs = (r0, r1)
    rsems = (s0, s1)
    isems = (si0, si1)
    rd = [None] * SCHUNKS
    idd = [None] * SCHUNKS

    def load(j):
        b = j % 2
        rd[j] = pltpu.async_copy(
            out_e.at[pl.ds(base + j * GCH, GCH), pl.ds(0, H)], rbufs[b], rsems[b])
        idd[j] = pltpu.async_copy(
            dsta.at[pl.ds(ibase + j * GCH, GCH)], ibufs[b], isems[b])

    load(0)
    for j in range(SCHUNKS):
        rd[j].wait()
        idd[j].wait()
        if j + 1 < SCHUNKS:
            load(j + 1)
        pltpu.sync_copy(rbufs[j % 2], acc.at[ibufs[j % 2]], add=True)
    plsc.subcore_barrier()

    @pl.when(s < 8)
    def _():
        pltpu.sync_copy(acc.at[pl.ds(s * TROWS, TROWS)],
                        t_out.at[pl.ds(c * HALF + s * TROWS, TROWS)])


_scatter = pl.kernel(
    _scatter_body,
    out_type=jax.ShapeDtypeStruct((N_NODES, H), jnp.float32),
    mesh=_mesh,
    compiler_params=_params,
    scratch_types=[
        pltpu.VMEM((GCH,), jnp.int32),
        pltpu.VMEM((GCH,), jnp.int32),
        pltpu.VMEM((GCH, H), jnp.float32),
        pltpu.VMEM((GCH, H), jnp.float32),
        pltpu.VMEM_SHARED((ACC_ROWS, H), jnp.float32),
        pltpu.SemaphoreType.DMA,
        pltpu.SemaphoreType.DMA,
        pltpu.SemaphoreType.DMA,
        pltpu.SemaphoreType.DMA,
    ],
)

TILE = 2048
GRID = EDGES_PAD // TILE if EDGES_PAD % TILE == 0 else EDGES_PAD // TILE + 1


def _mm_body(pf_ref, l_ref, w_ref, out_ref):
    lv = l_ref[...].astype(jnp.bfloat16)
    pfb = pf_ref[...].astype(jnp.bfloat16)
    acc = jnp.dot(lv, w_ref[0], preferred_element_type=jnp.float32)
    for p in range(N_PAIR):
        acc += jnp.dot(pfb[:, p:p + 1] * lv, w_ref[p + 1],
                       preferred_element_type=jnp.float32)
    out_ref[:, :H] = acc


_mm = pl.pallas_call(
    _mm_body,
    grid=(GRID,),
    in_specs=[
        pl.BlockSpec((TILE, N_PAIR), lambda i: (i, 0)),
        pl.BlockSpec((TILE, HW), lambda i: (i, 0)),
        pl.BlockSpec((N_PAIR + 1, HW, H), lambda i: (0, 0, 0)),
    ],
    out_specs=pl.BlockSpec((TILE, HW), lambda i: (i, 0)),
    out_shape=jax.ShapeDtypeStruct((EDGES_PAD, HW), jnp.float32),
)


def kernel(pair_features, atom_features, atom_to_pair, W, b):
    pad = EDGES_PAD - N_EDGES
    src_p = jnp.concatenate([atom_to_pair[:, 1], jnp.zeros((pad,), jnp.int32)])
    dst_p = jnp.concatenate(
        [atom_to_pair[:, 0], jnp.full((pad,), N_NODES, jnp.int32)])
    halves = jnp.arange(NC, dtype=jnp.int32)[:, None] * HALF
    dadj = dst_p[None] - halves
    dadj = jnp.where((dadj >= 0) & (dadj < HALF), dadj, DUMMY)
    dadj = dadj.reshape(NC * EDGES_PAD)

    af128 = jnp.pad(atom_features, ((0, 0), (0, HW - H)))
    wbig = jnp.concatenate(
        [b.reshape(1, H, H), W.reshape(N_PAIR, H, H)], axis=0)
    wbig = jnp.pad(wbig.transpose(0, 2, 1), ((0, 0), (0, HW - H), (0, 0)))
    wbig = wbig.astype(jnp.bfloat16)

    l = _gather(af128, src_p)
    out_e = _mm(pair_features, l, wbig)
    zrows = jnp.zeros((ZROWS, H), jnp.float32)
    return _scatter(out_e, dadj, zrows)

# --- scband reference (transcript-rebuilt; emitter-appended) ---
"""Pipeline reference for scband-edge-network-61057255080035 (READ-ONLY COPY).

The authoritative reference and input builder live on the scoring server;
editing this copy changes nothing except your own understanding.
"""

import jax, jax.numpy as jnp
import numpy as np

N_NODES = 10000
N_EDGES = 50000
N_PAIR_FEATURES = 16
N_HIDDEN = 64


def setup_inputs(seed: int = 0) -> dict:
    key = jax.random.key(seed)
    k1, k2, k3, k4 = jax.random.split(key, 4)
    pair_features = jax.random.normal(k1, (N_EDGES, N_PAIR_FEATURES), dtype=jnp.float32)
    atom_features = jax.random.normal(k2, (N_NODES, N_HIDDEN), dtype=jnp.float32)
    # tf.sort(..., axis=0): each column sorted independently; segment ids (col 0) end up sorted
    atom_to_pair = jnp.sort(
        jax.random.randint(k3, (N_EDGES, 2), 0, N_NODES, dtype=jnp.int32), axis=0
    )
    # glorot_uniform for W [n_pair_features, n_hidden*n_hidden]
    limit = float(np.sqrt(6.0 / (N_PAIR_FEATURES + N_HIDDEN * N_HIDDEN)))
    W = jax.random.uniform(
        k4, (N_PAIR_FEATURES, N_HIDDEN * N_HIDDEN), minval=-limit, maxval=limit, dtype=jnp.float32
    )
    b = jnp.zeros((N_HIDDEN * N_HIDDEN,), dtype=jnp.float32)
    return {
        "pair_features": pair_features,
        "atom_features": atom_features,
        "atom_to_pair": atom_to_pair,
        "W": W,
        "b": b,
    }


def reference(pair_features, atom_features, atom_to_pair, W, b):
    # A = pair_features @ W + b, reshaped to per-edge [n_hidden, n_hidden] matrices
    A = jnp.matmul(pair_features, W) + b
    A = A.reshape(-1, N_HIDDEN, N_HIDDEN)
    # gather source atom features for each edge (atom_to_pair[:, 1])
    l = jnp.take(atom_features, atom_to_pair[:, 1], axis=0)
    out = jnp.squeeze(jnp.matmul(A, l[:, :, None]), axis=2)
    # segment-sum messages into destination atoms (atom_to_pair[:, 0], sorted)
    t = jax.ops.segment_sum(out, atom_to_pair[:, 0], num_segments=N_NODES)
    return t

if __name__ == "__main__":
    import jax
    _d = setup_inputs()
    print(jax.jit(kernel)(*tuple(_d.values())))

</pallas_src>

<mosaic_0001>
#map = affine_map<(d0, d1) -> (0, 0)>
#map1 = affine_map<(d0, d1) -> (0)>
module attributes {stable_mosaic.version = 14 : i64} {
  func.func @_gather_body(%arg0: i32, %arg1: i32, %arg2: memref<10000x128xf32, #tpu.memory_space<hbm>>, %arg3: memref<50176xi32, #tpu.memory_space<hbm>>, %arg4: memref<50176x128xf32, #tpu.memory_space<hbm>>, %arg5: memref<1568xi32, #tpu.memory_space<vmem>>, %arg6: memref<112x128xf32, #tpu.memory_space<vmem>>, %arg7: memref<112x128xf32, #tpu.memory_space<vmem>>, %arg8: memref<112x128xf32, #tpu.memory_space<vmem>>, %arg9: memref<112x128xf32, #tpu.memory_space<vmem>>, %arg10: memref<!tpu.dma_semaphore, #tpu.memory_space<semaphore_mem>>, %arg11: memref<!tpu.dma_semaphore, #tpu.memory_space<semaphore_mem>>, %arg12: memref<!tpu.dma_semaphore, #tpu.memory_space<semaphore_mem>>, %arg13: memref<!tpu.dma_semaphore, #tpu.memory_space<semaphore_mem>>) attributes {dimension_semantics = [#tpu.dimension_semantics<core_parallel>, #tpu.dimension_semantics<subcore_parallel>], iteration_bounds = array<i64: 2, 16>, scalar_prefetch = 0 : i64, scratch_operands = 9 : i64, tpu.core_type = #tpu.core_type<sc_vector_subcore>, window_params = [{transform_indices = #map}, {transform_indices = #map1}, {transform_indices = #map}]} {
    %mul3A = arith.constant 2 : i32
    %mul3A_0 = arith.muli %arg1, %mul3A : i32
    %add3A = arith.addi %mul3A_0, %arg0 : i32
    %mul3A_1 = arith.constant 1568 : i32
    %mul3A_2 = arith.muli %add3A, %mul3A_1 : i32
    "tpu.region"() ({
      %run_scoped3A = tpu.sem_alloc : memref<!tpu.dma_semaphore, #tpu.memory_space<semaphore_mem>>
      %dma_start3A_281 = tpu.memref_slice %arg3[%mul3A_2] : memref<50176xi32, #tpu.memory_space<hbm>> -> memref<1568xi32, #tpu.memory_space<hbm>>
      %dma_start3A_282 = tpu.memref_slice %arg3[%mul3A_2] : memref<50176xi32, #tpu.memory_space<hbm>> -> memref<1568xi32, #tpu.memory_space<hbm>>
      tpu.enqueue_dma source(%dma_start3A_282 : memref<1568xi32, #tpu.memory_space<hbm>>) target(%arg5 : memref<1568xi32, #tpu.memory_space<vmem>>) target_semaphore(%run_scoped3A : memref<!tpu.dma_semaphore, #tpu.memory_space<semaphore_mem>>)
      %dma_wait3A_283 = tpu.memref_slice %arg3[%mul3A_2] : memref<50176xi32, #tpu.memory_space<hbm>> -> memref<1568xi32, #tpu.memory_space<hbm>>
      %dma_wait3A_284 = tpu.memref_slice %arg3[%mul3A_2] : memref<50176xi32, #tpu.memory_space<hbm>> -> memref<1568xi32, #tpu.memory_space<hbm>>
      tpu.wait_dma2 semaphore(%run_scoped3A : memref<!tpu.dma_semaphore, #tpu.memory_space<semaphore_mem>>) src(%dma_wait3A_284 : memref<1568xi32, #tpu.memory_space<hbm>>) dst(%arg5 : memref<1568xi32, #tpu.memory_space<vmem>>)
      tpu.yield
    }) : () -> ()
    %dma_start3A = arith.constant 0 : i32
    %dma_start3A_3 = tpu.memref_slice %arg5[%dma_start3A] : memref<1568xi32, #tpu.memory_space<vmem>> -> memref<112xi32, #tpu.memory_space<vmem>>
    %dma_start3A_4 = arith.constant 0 : i32
    %dma_start3A_5 = arith.constant 0 : i32
    %dma_start3A_6 = tpu.memref_slice %arg2[%dma_start3A_4, %dma_start3A_5] : memref<10000x128xf32, #tpu.memory_space<hbm>> -> memref<10000x128xf32, #tpu.memory_space<hbm>>
    tpu.enqueue_indirect_dma source(%dma_start3A_6 : memref<10000x128xf32, #tpu.memory_space<hbm>>) target(%arg6 : memref<112x128xf32, #tpu.memory_space<vmem>>) offsets(%dma_start3A_3 : memref<112xi32, #tpu.memory_space<vmem>>) semaphore(%arg10 : memref<!tpu.dma_semaphore, #tpu.memory_space<semaphore_mem>>)
    %dma_start3A_7 = arith.constant 112 : i32
    %dma_start3A_8 = tpu.memref_slice %arg5[%dma_start3A_7] : memref<1568xi32, #tpu.memory_space<vmem>> -> memref<112xi32, #tpu.memory_space<vmem>>
    %dma_start3A_9 = arith.constant 0 : i32
    %dma_start3A_10 = arith.constant 0 : i32
    %dma_start3A_11 = tpu.memref_slice %arg2[%dma_start3A_9, %dma_start3A_10] : memref<10000x128xf32, #tpu.memory_space<hbm>> -> memref<10000x128xf32, #tpu.memory_space<hbm>>
    tpu.enqueue_indirect_dma source(%dma_start3A_11 : memref<10000x128xf32, #tpu.memory_space<hbm>>) target(%arg7 : memref<112x128xf32, #tpu.memory_space<vmem>>) offsets(%dma_start3A_8 : memref<112xi32, #tpu.memory_space<vmem>>) semaphore(%arg11 : memref<!tpu.dma_semaphore, #tpu.memory_space<semaphore_mem>>)
    %dma_start3A_12 = arith.constant 224 : i32
    %dma_start3A_13 = tpu.memref_slice %arg5[%dma_start3A_12] : memref<1568xi32, #tpu.memory_space<vmem>> -> memref<112xi32, #tpu.memory_space<vmem>>
    %dma_start3A_14 = arith.constant 0 : i32
    %dma_start3A_15 = arith.constant 0 : i32
    %dma_start3A_16 = tpu.memref_slice %arg2[%dma_start3A_14, %dma_start3A_15] : memref<10000x128xf32, #tpu.memory_space<hbm>> -> memref<10000x128xf32, #tpu.memory_space<hbm>>
    tpu.enqueue_indirect_dma source(%dma_start3A_16 : memref<10000x128xf32, #tpu.memory_space<hbm>>) target(%arg8 : memref<112x128xf32, #tpu.memory_space<vmem>>) offsets(%dma_start3A_13 : memref<112xi32, #tpu.memory_space<vmem>>) semaphore(%arg12 : memref<!tpu.dma_semaphore, #tpu.memory_space<semaphore_mem>>)
    %dma_wait3A = arith.constant 0 : i32
    %dma_wait3A_17 = tpu.memref_slice %arg5[%dma_wait3A] : memref<1568xi32, #tpu.memory_space<vmem>> -> memref<112xi32, #tpu.memory_space<vmem>>
    %dma_wait3A_18 = arith.constant 0 : i32
    %dma_wait3A_19 = arith.constant 0 : i32
    %dma_wait3A_20 = tpu.memref_slice %arg2[%dma_wait3A_18, %dma_wait3A_19] : memref<10000x128xf32, #tpu.memory_space<hbm>> -> memref<10000x128xf32, #tpu.memory_space<hbm>>
    tpu.wait_indirect_dma semaphore(%arg10 : memref<!tpu.dma_semaphore, #tpu.memory_space<semaphore_mem>>) src(%dma_wait3A_20 : memref<10000x128xf32, #tpu.memory_space<hbm>>) dst(%arg6 : memref<112x128xf32, #tpu.memory_space<vmem>>)
    %add3A_21 = arith.constant 0 : i32
    %add3A_22 = arith.addi %mul3A_2, %add3A_21 : i32
    %dma_start3A_23 = arith.constant 0 : i32
    %dma_start3A_24 = tpu.memref_slice %arg4[%add3A_22, %dma_start3A_23] : memref<50176x128xf32, #tpu.memory_space<hbm>> -> memref<112x128xf32, #tpu.memory_space<hbm>>
    %dma_start3A_25 = arith.constant 0 : i32
    %dma_start3A_26 = tpu.memref_slice %arg4[%add3A_22, %dma_start3A_25] : memref<50176x128xf32, #tpu.memory_space<hbm>> -> memref<112x128xf32, #tpu.memory_space<hbm>>
    tpu.enqueue_dma source(%arg6 : memref<112x128xf32, #tpu.memory_space<vmem>>) target(%dma_start3A_26 : memref<112x128xf32, #tpu.memory_space<hbm>>) target_semaphore(%arg10 : memref<!tpu.dma_semaphore, #tpu.memory_space<semaphore_mem>>)
    %dma_start3A_27 = arith.constant 336 : i32
    %dma_start3A_28 = tpu.memref_slice %arg5[%dma_start3A_27] : memref<1568xi32, #tpu.memory_space<vmem>> -> memref<112xi32, #tpu.memory_space<vmem>>
    %dma_start3A_29 = arith.constant 0 : i32
    %dma_start3A_30 = arith.constant 0 : i32
    %dma_start3A_31 = tpu.memref_slice %arg2[%dma_start3A_29, %dma_start3A_30] : memref<10000x128xf32, #tpu.memory_space<hbm>> -> memref<10000x128xf32, #tpu.memory_space<hbm>>
    tpu.enqueue_indirect_dma source(%dma_start3A_31 : memref<10000x128xf32, #tpu.memory_space<hbm>>) target(%arg9 : memref<112x128xf32, #tpu.memory_space<vmem>>) offsets(%dma_start3A_28 : memref<112xi32, #tpu.memory_space<vmem>>) semaphore(%arg13 : memref<!tpu.dma_semaphore, #tpu.memory_space<semaphore_mem>>)
    %dma_wait3A_32 = arith.constant 112 : i32
    %dma_wait3A_33 = tpu.memref_slice %arg5[%dma_wait3A_32] : memref<1568xi32, #tpu.memory_space<vmem>> -> memref<112xi32, #tpu.memory_space<vmem>>
    %dma_wait3A_34 = arith.constant 0 : i32
    %dma_wait3A_35 = arith.constant 0 : i32
    %dma_wait3A_36 = tpu.memref_slice %arg2[%dma_wait3A_34, %dma_wait3A_35] : memref<10000x128xf32, #tpu.memory_space<hbm>> -> memref<10000x128xf32, #tpu.memory_space<hbm>>
    tpu.wait_indirect_dma semaphore(%arg11 : memref<!tpu.dma_semaphore, #tpu.memory_space<semaphore_mem>>) src(%dma_wait3A_36 : memref<10000x128xf32, #tpu.memory_space<hbm>>) dst(%arg7 : memref<112x128xf32, #tpu.memory_space<vmem>>)
    %dma_wait3A_37 = arith.constant 0 : i32
    %dma_wait3A_38 = tpu.memref_slice %arg4[%add3A_22, %dma_wait3A_37] : memref<50176x128xf32, #tpu.memory_space<hbm>> -> memref<112x128xf32, #tpu.memory_space<hbm>>
    %dma_wait3A_39 = arith.constant 0 : i32
    %dma_wait3A_40 = tpu.memref_slice %arg4[%add3A_22, %dma_wait3A_39] : memref<50176x128xf32, #tpu.memory_space<hbm>> -> memref<112x128xf32, #tpu.memory_space<hbm>>
    tpu.wait_dma2 semaphore(%arg10 : memref<!tpu.dma_semaphore, #tpu.memory_space<semaphore_mem>>) src(%arg6 : memref<112x128xf32, #tpu.memory_space<vmem>>) dst(%dma_wait3A_40 : memref<112x128xf32, #tpu.memory_space<hbm>>)
    %add3A_41 = arith.constant 112 : i32
    %add3A_42 = arith.addi %mul3A_2, %add3A_41 : i32
    %dma_start3A_43 = arith.constant 0 : i32
    %dma_start3A_44 = tpu.memref_slice %arg4[%add3A_42, %dma_start3A_43] : memref<50176x128xf32, #tpu.memory_space<hbm>> -> memref<112x128xf32, #tpu.memory_space<hbm>>
    %dma_start3A_45 = arith.constant 0 : i32
    %dma_start3A_46 = tpu.memref_slice %arg4[%add3A_42, %dma_start3A_45] : memref<50176x128xf32, #tpu.memory_space<hbm>> -> memref<112x128xf32, #tpu.memory_space<hbm>>
    tpu.enqueue_dma source(%arg7 : memref<112x128xf32, #tpu.memory_space<vmem>>) target(%dma_start3A_46 : memref<112x128xf32, #tpu.memory_space<hbm>>) target_semaphore(%arg11 : memref<!tpu.dma_semaphore, #tpu.memory_space<semaphore_mem>>)
    %dma_start3A_47 = arith.constant 448 : i32
    %dma_start3A_48 = tpu.memref_slice %arg5[%dma_start3A_47] : memref<1568xi32, #tpu.memory_space<vmem>> -> memref<112xi32, #tpu.memory_space<vmem>>
    %dma_start3A_49 = arith.constant 0 : i32
    %dma_start3A_50 = arith.constant 0 : i32
    %dma_start3A_51 = tpu.memref_slice %arg2[%dma_start3A_49, %dma_start3A_50] : memref<10000x128xf32, #tpu.memory_space<hbm>> -> memref<10000x128xf32, #tpu.memory_space<hbm>>
    tpu.enqueue_indirect_dma source(%dma_start3A_51 : memref<10000x128xf32, #tpu.memory_space<hbm>>) target(%arg6 : memref<112x128xf32, #tpu.memory_space<vmem>>) offsets(%dma_start3A_48 : memref<112xi32, #tpu.memory_space<vmem>>) semaphore(%arg10 : memref<!tpu.dma_semaphore, #tpu.memory_space<semaphore_mem>>)
    %dma_wait3A_52 = arith.constant 224 : i32
    %dma_wait3A_53 = tpu.memref_slice %arg5[%dma_wait3A_52] : memref<1568xi32, #tpu.memory_space<vmem>> -> memref<112xi32, #tpu.memory_space<vmem>>
    %dma_wait3A_54 = arith.constant 0 : i32
    %dma_wait3A_55 = arith.constant 0 : i32
    %dma_wait3A_56 = tpu.memref_slice %arg2[%dma_wait3A_54, %dma_wait3A_55] : memref<10000x128xf32, #tpu.memory_space<hbm>> -> memref<10000x128xf32, #tpu.memory_space<hbm>>
    tpu.wait_indirect_dma semaphore(%arg12 : memref<!tpu.dma_semaphore, #tpu.memory_space<semaphore_mem>>) src(%dma_wait3A_56 : memref<10000x128xf32, #tpu.memory_space<hbm>>) dst(%arg8 : memref<112x128xf32, #tpu.memory_space<vmem>>)
    %dma_wait3A_57 = arith.constant 0 : i32
    %dma_wait3A_58 = tpu.memref_slice %arg4[%add3A_42, %dma_wait3A_57] : memref<50176x128xf32, #tpu.memory_space<hbm>> -> memref<112x128xf32, #tpu.memory_space<hbm>>
    %dma_wait3A_59 = arith.constant 0 : i32
    %dma_wait3A_60 = tpu.memref_slice %arg4[%add3A_42, %dma_wait3A_59] : memref<50176x128xf32, #tpu.memory_space<hbm>> -> memref<112x128xf32, #tpu.memory_space<hbm>>
    tpu.wait_dma2 semaphore(%arg11 : memref<!tpu.dma_semaphore, #tpu.memory_space<semaphore_mem>>) src(%arg7 : memref<112x128xf32, #tpu.memory_space<vmem>>) dst(%dma_wait3A_60 : memref<112x128xf32, #tpu.memory_space<hbm>>)
    %add3A_61 = arith.constant 224 : i32
    %add3A_62 = arith.addi %mul3A_2, %add3A_61 : i32
    %dma_start3A_63 = arith.constant 0 : i32
    %dma_start3A_64 = tpu.memref_slice %arg4[%add3A_62, %dma_start3A_63] : memref<50176x128xf32, #tpu.memory_space<hbm>> -> memref<112x128xf32, #tpu.memory_space<hbm>>
    %dma_start3A_65 = arith.constant 0 : i32
    %dma_start3A_66 = tpu.memref_slice %arg4[%add3A_62, %dma_start3A_65] : memref<50176x128xf32, #tpu.memory_space<hbm>> -> memref<112x128xf32, #tpu.memory_space<hbm>>
    tpu.enqueue_dma source(%arg8 : memref<112x128xf32, #tpu.memory_space<vmem>>) target(%dma_start3A_66 : memref<112x128xf32, #tpu.memory_space<hbm>>) target_semaphore(%arg12 : memref<!tpu.dma_semaphore, #tpu.memory_space<semaphore_mem>>)
    %dma_start3A_67 = arith.constant 560 : i32
    %dma_start3A_68 = tpu.memref_slice %arg5[%dma_start3A_67] : memref<1568xi32, #tpu.memory_space<vmem>> -> memref<112xi32, #tpu.memory_space<vmem>>
    %dma_start3A_69 = arith.constant 0 : i32
    %dma_start3A_70 = arith.constant 0 : i32
    %dma_start3A_71 = tpu.memref_slice %arg2[%dma_start3A_69, %dma_start3A_70] : memref<10000x128xf32, #tpu.memory_space<hbm>> -> memref<10000x128xf32, #tpu.memory_space<hbm>>
    tpu.enqueue_indirect_dma source(%dma_start3A_71 : memref<10000x128xf32, #tpu.memory_space<hbm>>) target(%arg7 : memref<112x128xf32, #tpu.memory_space<vmem>>) offsets(%dma_start3A_68 : memref<112xi32, #tpu.memory_space<vmem>>) semaphore(%arg11 : memref<!tpu.dma_semaphore, #tpu.memory_space<semaphore_mem>>)
    %dma_wait3A_72 = arith.constant 336 : i32
    %dma_wait3A_73 = tpu.memref_slice %arg5[%dma_wait3A_72] : memref<1568xi32, #tpu.memory_space<vmem>> -> memref<112xi32, #tpu.memory_space<vmem>>
    %dma_wait3A_74 = arith.constant 0 : i32
    %dma_wait3A_75 = arith.constant 0 : i32
    %dma_wait3A_76 = tpu.memref_slice %arg2[%dma_wait3A_74, %dma_wait3A_75] : memref<10000x128xf32, #tpu.memory_space<hbm>> -> memref<10000x128xf32, #tpu.memory_space<hbm>>
    tpu.wait_indirect_dma semaphore(%arg13 : memref<!tpu.dma_semaphore, #tpu.memory_space<semaphore_mem>>) src(%dma_wait3A_76 : memref<10000x128xf32, #tpu.memory_space<hbm>>) dst(%arg9 : memref<112x128xf32, #tpu.memory_space<vmem>>)
    %dma_wait3A_77 = arith.constant 0 : i32
    %dma_wait3A_78 = tpu.memref_slice %arg4[%add3A_62, %dma_wait3A_77] : memref<50176x128xf32, #tpu.memory_space<hbm>> -> memref<112x128xf32, #tpu.memory_space<hbm>>
    %dma_wait3A_79 = arith.constant 0 : i32
    %dma_wait3A_80 = tpu.memref_slice %arg4[%add3A_62, %dma_wait3A_79] : memref<50176x128xf32, #tpu.memory_space<hbm>> -> memref<112x128xf32, #tpu.memory_space<hbm>>
    tpu.wait_dma2 semaphore(%arg12 : memref<!tpu.dma_semaphore, #tpu.memory_space<semaphore_mem>>) src(%arg8 : memref<112x128xf32, #tpu.memory_space<vmem>>) dst(%dma_wait3A_80 : memref<112x128xf32, #tpu.memory_space<hbm>>)
    %add3A_81 = arith.constant 336 : i32
    %add3A_82 = arith.addi %mul3A_2, %add3A_81 : i32
    %dma_start3A_83 = arith.constant 0 : i32
    %dma_start3A_84 = tpu.memref_slice %arg4[%add3A_82, %dma_start3A_83] : memref<50176x128xf32, #tpu.memory_space<hbm>> -> memref<112x128xf32, #tpu.memory_space<hbm>>
    %dma_start3A_85 = arith.constant 0 : i32
    %dma_start3A_86 = tpu.memref_slice %arg4[%add3A_82, %dma_start3A_85] : memref<50176x128xf32, #tpu.memory_space<hbm>> -> memref<112x128xf32, #tpu.memory_space<hbm>>
    tpu.enqueue_dma source(%arg9 : memref<112x128xf32, #tpu.memory_space<vmem>>) target(%dma_start3A_86 : memref<112x128xf32, #tpu.memory_space<hbm>>) target_semaphore(%arg13 : memref<!tpu.dma_semaphore, #tpu.memory_space<semaphore_mem>>)
    %dma_start3A_87 = arith.constant 672 : i32
    %dma_start3A_88 = tpu.memref_slice %arg5[%dma_start3A_87] : memref<1568xi32, #tpu.memory_space<vmem>> -> memref<112xi32, #tpu.memory_space<vmem>>
    %dma_start3A_89 = arith.constant 0 : i32
    %dma_start3A_90 = arith.constant 0 : i32
    %dma_start3A_91 = tpu.memref_slice %arg2[%dma_start3A_89, %dma_start3A_90] : memref<10000x128xf32, #tpu.memory_space<hbm>> -> memref<10000x128xf32, #tpu.memory_space<hbm>>
    tpu.enqueue_indirect_dma source(%dma_start3A_91 : memref<10000x128xf32, #tpu.memory_space<hbm>>) target(%arg8 : memref<112x128xf32, #tpu.memory_space<vmem>>) offsets(%dma_start3A_88 : memref<112xi32, #tpu.memory_space<vmem>>) semaphore(%arg12 : memref<!tpu.dma_semaphore, #tpu.memory_space<semaphore_mem>>)
    %dma_wait3A_92 = arith.constant 448 : i32
    %dma_wait3A_93 = tpu.memref_slice %arg5[%dma_wait3A_92] : memref<1568xi32, #tpu.memory_space<vmem>> -> memref<112xi32, #tpu.memory_space<vmem>>
    %dma_wait3A_94 = arith.constant 0 : i32
    %dma_wait3A_95 = arith.constant 0 : i32
    %dma_wait3A_96 = tpu.memref_slice %arg2[%dma_wait3A_94, %dma_wait3A_95] : memref<10000x128xf32, #tpu.memory_space<hbm>> -> memref<10000x128xf32, #tpu.memory_space<hbm>>
    tpu.wait_indirect_dma semaphore(%arg10 : memref<!tpu.dma_semaphore, #tpu.memory_space<semaphore_mem>>) src(%dma_wait3A_96 : memref<10000x128xf32, #tpu.memory_space<hbm>>) dst(%arg6 : memref<112x128xf32, #tpu.memory_space<vmem>>)
    %dma_wait3A_97 = arith.constant 0 : i32
    %dma_wait3A_98 = tpu.memref_slice %arg4[%add3A_82, %dma_wait3A_97] : memref<50176x128xf32, #tpu.memory_space<hbm>> -> memref<112x128xf32, #tpu.memory_space<hbm>>
    %dma_wait3A_99 = arith.constant 0 : i32
    %dma_wait3A_100 = tpu.memref_slice %arg4[%add3A_82, %dma_wait3A_99] : memref<50176x128xf32, #tpu.memory_space<hbm>> -> memref<112x128xf32, #tpu.memory_space<hbm>>
    tpu.wait_dma2 semaphore(%arg13 : memref<!tpu.dma_semaphore, #tpu.memory_space<semaphore_mem>>) src(%arg9 : memref<112x128xf32, #tpu.memory_space<vmem>>) dst(%dma_wait3A_100 : memref<112x128xf32, #tpu.memory_space<hbm>>)
    %add3A_101 = arith.constant 448 : i32
    %add3A_102 = arith.addi %mul3A_2, %add3A_101 : i32
    %dma_start3A_103 = arith.constant 0 : i32
    %dma_start3A_104 = tpu.memref_slice %arg4[%add3A_102, %dma_start3A_103] : memref<50176x128xf32, #tpu.memory_space<hbm>> -> memref<112x128xf32, #tpu.memory_space<hbm>>
    %dma_start3A_105 = arith.constant 0 : i32
    %dma_start3A_106 = tpu.memref_slice %arg4[%add3A_102, %dma_start3A_105] : memref<50176x128xf32, #tpu.memory_space<hbm>> -> memref<112x128xf32, #tpu.memory_space<hbm>>
    tpu.enqueue_dma source(%arg6 : memref<112x128xf32, #tpu.memory_space<vmem>>) target(%dma_start3A_106 : memref<112x128xf32, #tpu.memory_space<hbm>>) target_semaphore(%arg10 : memref<!tpu.dma_semaphore, #tpu.memory_space<semaphore_mem>>)
    %dma_start3A_107 = arith.constant 784 : i32
    %dma_start3A_108 = tpu.memref_slice %arg5[%dma_start3A_107] : memref<1568xi32, #tpu.memory_space<vmem>> -> memref<112xi32, #tpu.memory_space<vmem>>
    %dma_start3A_109 = arith.constant 0 : i32
    %dma_start3A_110 = arith.constant 0 : i32
    %dma_start3A_111 = tpu.memref_slice %arg2[%dma_start3A_109, %dma_start3A_110] : memref<10000x128xf32, #tpu.memory_space<hbm>> -> memref<10000x128xf32, #tpu.memory_space<hbm>>
    tpu.enqueue_indirect_dma source(%dma_start3A_111 : memref<10000x128xf32, #tpu.memory_space<hbm>>) target(%arg9 : memref<112x128xf32, #tpu.memory_space<vmem>>) offsets(%dma_start3A_108 : memref<112xi32, #tpu.memory_space<vmem>>) semaphore(%arg13 : memref<!tpu.dma_semaphore, #tpu.memory_space<semaphore_mem>>)
    %dma_wait3A_112 = arith.constant 560 : i32
    %dma_wait3A_113 = tpu.memref_slice %arg5[%dma_wait3A_112] : memref<1568xi32, #tpu.memory_space<vmem>> -> memref<112xi32, #tpu.memory_space<vmem>>
    %dma_wait3A_114 = arith.constant 0 : i32
    %dma_wait3A_115 = arith.constant 0 : i32
    %dma_wait3A_116 = tpu.memref_slice %arg2[%dma_wait3A_114, %dma_wait3A_115] : memref<10000x128xf32, #tpu.memory_space<hbm>> -> memref<10000x128xf32, #tpu.memory_space<hbm>>
    tpu.wait_indirect_dma semaphore(%arg11 : memref<!tpu.dma_semaphore, #tpu.memory_space<semaphore_mem>>) src(%dma_wait3A_116 : memref<10000x128xf32, #tpu.memory_space<hbm>>) dst(%arg7 : memref<112x128xf32, #tpu.memory_space<vmem>>)
    %dma_wait3A_117 = arith.constant 0 : i32
    %dma_wait3A_118 = tpu.memref_slice %arg4[%add3A_102, %dma_wait3A_117] : memref<50176x128xf32, #tpu.memory_space<hbm>> -> memref<112x128xf32, #tpu.memory_space<hbm>>
    %dma_wait3A_119 = arith.constant 0 : i32
    %dma_wait3A_120 = tpu.memref_slice %arg4[%add3A_102, %dma_wait3A_119] : memref<50176x128xf32, #tpu.memory_space<hbm>> -> memref<112x128xf32, #tpu.memory_space<hbm>>
    tpu.wait_dma2 semaphore(%arg10 : memref<!tpu.dma_semaphore, #tpu.memory_space<semaphore_mem>>) src(%arg6 : memref<112x128xf32, #tpu.memory_space<vmem>>) dst(%dma_wait3A_120 : memref<112x128xf32, #tpu.memory_space<hbm>>)
    %add3A_121 = arith.constant 560 : i32
    %add3A_122 = arith.addi %mul3A_2, %add3A_121 : i32
    %dma_start3A_123 = arith.constant 0 : i32
    %dma_start3A_124 = tpu.memref_slice %arg4[%add3A_122, %dma_start3A_123] : memref<50176x128xf32, #tpu.memory_space<hbm>> -> memref<112x128xf32, #tpu.memory_space<hbm>>
    %dma_start3A_125 = arith.constant 0 : i32
    %dma_start3A_126 = tpu.memref_slice %arg4[%add3A_122, %dma_start3A_125] : memref<50176x128xf32, #tpu.memory_space<hbm>> -> memref<112x128xf32, #tpu.memory_space<hbm>>
    tpu.enqueue_dma source(%arg7 : memref<112x128xf32, #tpu.memory_space<vmem>>) target(%dma_start3A_126 : memref<112x128xf32, #tpu.memory_space<hbm>>) target_semaphore(%arg11 : memref<!tpu.dma_semaphore, #tpu.memory_space<semaphore_mem>>)
    %dma_start3A_127 = arith.constant 896 : i32
    %dma_start3A_128 = tpu.memref_slice %arg5[%dma_start3A_127] : memref<1568xi32, #tpu.memory_space<vmem>> -> memref<112xi32, #tpu.memory_space<vmem>>
    %dma_start3A_129 = arith.constant 0 : i32
    %dma_start3A_130 = arith.constant 0 : i32
    %dma_start3A_131 = tpu.memref_slice %arg2[%dma_start3A_129, %dma_start3A_130] : memref<10000x128xf32, #tpu.memory_space<hbm>> -> memref<10000x128xf32, #tpu.memory_space<hbm>>
    tpu.enqueue_indirect_dma source(%dma_start3A_131 : memref<10000x128xf32, #tpu.memory_space<hbm>>) target(%arg6 : memref<112x128xf32, #tpu.memory_space<vmem>>) offsets(%dma_start3A_128 : memref<112xi32, #tpu.memory_space<vmem>>) semaphore(%arg10 : memref<!tpu.dma_semaphore, #tpu.memory_space<semaphore_mem>>)
    %dma_wait3A_132 = arith.constant 672 : i32
    %dma_wait3A_133 = tpu.memref_slice %arg5[%dma_wait3A_132] : memref<1568xi32, #tpu.memory_space<vmem>> -> memref<112xi32, #tpu.memory_space<vmem>>
    %dma_wait3A_134 = arith.constant 0 : i32
    %dma_wait3A_135 = arith.constant 0 : i32
    %dma_wait3A_136 = tpu.memref_slice %arg2[%dma_wait3A_134, %dma_wait3A_135] : memref<10000x128xf32, #tpu.memory_space<hbm>> -> memref<10000x128xf32, #tpu.memory_space<hbm>>
    tpu.wait_indirect_dma semaphore(%arg12 : memref<!tpu.dma_semaphore, #tpu.memory_space<semaphore_mem>>) src(%dma_wait3A_136 : memref<10000x128xf32, #tpu.memory_space<hbm>>) dst(%arg8 : memref<112x128xf32, #tpu.memory_space<vmem>>)
    %dma_wait3A_137 = arith.constant 0 : i32
    %dma_wait3A_138 = tpu.memref_slice %arg4[%add3A_122, %dma_wait3A_137] : memref<50176x128xf32, #tpu.memory_space<hbm>> -> memref<112x128xf32, #tpu.memory_space<hbm>>
    %dma_wait3A_139 = arith.constant 0 : i32
    %dma_wait3A_140 = tpu.memref_slice %arg4[%add3A_122, %dma_wait3A_139] : memref<50176x128xf32, #tpu.memory_space<hbm>> -> memref<112x128xf32, #tpu.memory_space<hbm>>
    tpu.wait_dma2 semaphore(%arg11 : memref<!tpu.dma_semaphore, #tpu.memory_space<semaphore_mem>>) src(%arg7 : memref<112x128xf32, #tpu.memory_space<vmem>>) dst(%dma_wait3A_140 : memref<112x128xf32, #tpu.memory_space<hbm>>)
    %add3A_141 = arith.constant 672 : i32
    %add3A_142 = arith.addi %mul3A_2, %add3A_141 : i32
    %dma_start3A_143 = arith.constant 0 : i32
    %dma_start3A_144 = tpu.memref_slice %arg4[%add3A_142, %dma_start3A_143] : memref<50176x128xf32, #tpu.memory_space<hbm>> -> memref<112x128xf32, #tpu.memory_space<hbm>>
    %dma_start3A_145 = arith.constant 0 : i32
    %dma_start3A_146 = tpu.memref_slice %arg4[%add3A_142, %dma_start3A_145] : memref<50176x128xf32, #tpu.memory_space<hbm>> -> memref<112x128xf32, #tpu.memory_space<hbm>>
    tpu.enqueue_dma source(%arg8 : memref<112x128xf32, #tpu.memory_space<vmem>>) target(%dma_start3A_146 : memref<112x128xf32, #tpu.memory_space<hbm>>) target_semaphore(%arg12 : memref<!tpu.dma_semaphore, #tpu.memory_space<semaphore_mem>>)
    %dma_start3A_147 = arith.constant 1008 : i32
    %dma_start3A_148 = tpu.memref_slice %arg5[%dma_start3A_147] : memref<1568xi32, #tpu.memory_space<vmem>> -> memref<112xi32, #tpu.memory_space<vmem>>
    %dma_start3A_149 = arith.constant 0 : i32
    %dma_start3A_150 = arith.constant 0 : i32
    %dma_start3A_151 = tpu.memref_slice %arg2[%dma_start3A_149, %dma_start3A_150] : memref<10000x128xf32, #tpu.memory_space<hbm>> -> memref<10000x128xf32, #tpu.memory_space<hbm>>
    tpu.enqueue_indirect_dma source(%dma_start3A_151 : memref<10000x128xf32, #tpu.memory_space<hbm>>) target(%arg7 : memref<112x128xf32, #tpu.memory_space<vmem>>) offsets(%dma_start3A_148 : memref<112xi32, #tpu.memory_space<vmem>>) semaphore(%arg11 : memref<!tpu.dma_semaphore, #tpu.memory_space<semaphore_mem>>)
    %dma_wait3A_152 = arith.constant 784 : i32
    %dma_wait3A_153 = tpu.memref_slice %arg5[%dma_wait3A_152] : memref<1568xi32, #tpu.memory_space<vmem>> -> memref<112xi32, #tpu.memory_space<vmem>>
    %dma_wait3A_154 = arith.constant 0 : i32
    %dma_wait3A_155 = arith.constant 0 : i32
    %dma_wait3A_156 = tpu.memref_slice %arg2[%dma_wait3A_154, %dma_wait3A_155] : memref<10000x128xf32, #tpu.memory_space<hbm>> -> memref<10000x128xf32, #tpu.memory_space<hbm>>
    tpu.wait_indirect_dma semaphore(%arg13 : memref<!tpu.dma_semaphore, #tpu.memory_space<semaphore_mem>>) src(%dma_wait3A_156 : memref<10000x128xf32, #tpu.memory_space<hbm>>) dst(%arg9 : memref<112x128xf32, #tpu.memory_space<vmem>>)
    %dma_wait3A_157 = arith.constant 0 : i32
    %dma_wait3A_158 = tpu.memref_slice %arg4[%add3A_142, %dma_wait3A_157] : memref<50176x128xf32, #tpu.memory_space<hbm>> -> memref<112x128xf32, #tpu.memory_space<hbm>>
    %dma_wait3A_159 = arith.constant 0 : i32
    %dma_wait3A_160 = tpu.memref_slice %arg4[%add3A_142, %dma_wait3A_159] : memref<50176x128xf32, #tpu.memory_space<hbm>> -> memref<112x128xf32, #tpu.memory_space<hbm>>
    tpu.wait_dma2 semaphore(%arg12 : memref<!tpu.dma_semaphore, #tpu.memory_space<semaphore_mem>>) src(%arg8 : memref<112x128xf32, #tpu.memory_space<vmem>>) dst(%dma_wait3A_160 : memref<112x128xf32, #tpu.memory_space<hbm>>)
    %add3A_161 = arith.constant 784 : i32
    %add3A_162 = arith.addi %mul3A_2, %add3A_161 : i32
    %dma_start3A_163 = arith.constant 0 : i32
    %dma_start3A_164 = tpu.memref_slice %arg4[%add3A_162, %dma_start3A_163] : memref<50176x128xf32, #tpu.memory_space<hbm>> -> memref<112x128xf32, #tpu.memory_space<hbm>>
    %dma_start3A_165 = arith.constant 0 : i32
    %dma_start3A_166 = tpu.memref_slice %arg4[%add3A_162, %dma_start3A_165] : memref<50176x128xf32, #tpu.memory_space<hbm>> -> memref<112x128xf32, #tpu.memory_space<hbm>>
    tpu.enqueue_dma source(%arg9 : memref<112x128xf32, #tpu.memory_space<vmem>>) target(%dma_start3A_166 : memref<112x128xf32, #tpu.memory_space<hbm>>) target_semaphore(%arg13 : memref<!tpu.dma_semaphore, #tpu.memory_space<semaphore_mem>>)
    %dma_start3A_167 = arith.constant 1120 : i32
    %dma_start3A_168 = tpu.memref_slice %arg5[%dma_start3A_167] : memref<1568xi32, #tpu.memory_space<vmem>> -> memref<112xi32, #tpu.memory_space<vmem>>
    %dma_start3A_169 = arith.constant 0 : i32
    %dma_start3A_170 = arith.constant 0 : i32
    %dma_start3A_171 = tpu.memref_slice %arg2[%dma_start3A_169, %dma_start3A_170] : memref<10000x128xf32, #tpu.memory_space<hbm>> -> memref<10000x128xf32, #tpu.memory_space<hbm>>
    tpu.enqueue_indirect_dma source(%dma_start3A_171 : memref<10000x128xf32, #tpu.memory_space<hbm>>) target(%arg8 : memref<112x128xf32, #tpu.memory_space<vmem>>) offsets(%dma_start3A_168 : memref<112xi32, #tpu.memory_space<vmem>>) semaphore(%arg12 : memref<!tpu.dma_semaphore, #tpu.memory_space<semaphore_mem>>)
    %dma_wait3A_172 = arith.constant 896 : i32
    %dma_wait3A_173 = tpu.memref_slice %arg5[%dma_wait3A_172] : memref<1568xi32, #tpu.memory_space<vmem>> -> memref<112xi32, #tpu.memory_space<vmem>>
    %dma_wait3A_174 = arith.constant 0 : i32
    %dma_wait3A_175 = arith.constant 0 : i32
    %dma_wait3A_176 = tpu.memref_slice %arg2[%dma_wait3A_174, %dma_wait3A_175] : memref<10000x128xf32, #tpu.memory_space<hbm>> -> memref<10000x128xf32, #tpu.memory_space<hbm>>
    tpu.wait_indirect_dma semaphore(%arg10 : memref<!tpu.dma_semaphore, #tpu.memory_space<semaphore_mem>>) src(%dma_wait3A_176 : memref<10000x128xf32, #tpu.memory_space<hbm>>) dst(%arg6 : memref<112x128xf32, #tpu.memory_space<vmem>>)
    %dma_wait3A_177 = arith.constant 0 : i32
    %dma_wait3A_178 = tpu.memref_slice %arg4[%add3A_162, %dma_wait3A_177] : memref<50176x128xf32, #tpu.memory_space<hbm>> -> memref<112x128xf32, #tpu.memory_space<hbm>>
    %dma_wait3A_179 = arith.constant 0 : i32
    %dma_wait3A_180 = tpu.memref_slice %arg4[%add3A_162, %dma_wait3A_179] : memref<50176x128xf32, #tpu.memory_space<hbm>> -> memref<112x128xf32, #tpu.memory_space<hbm>>
    tpu.wait_dma2 semaphore(%arg13 : memref<!tpu.dma_semaphore, #tpu.memory_space<semaphore_mem>>) src(%arg9 : memref<112x128xf32, #tpu.memory_space<vmem>>) dst(%dma_wait3A_180 : memref<112x128xf32, #tpu.memory_space<hbm>>)
    %add3A_181 = arith.constant 896 : i32
    %add3A_182 = arith.addi %mul3A_2, %add3A_181 : i32
    %dma_start3A_183 = arith.constant 0 : i32
    %dma_start3A_184 = tpu.memref_slice %arg4[%add3A_182, %dma_start3A_183] : memref<50176x128xf32, #tpu.memory_space<hbm>> -> memref<112x128xf32, #tpu.memory_space<hbm>>
    %dma_start3A_185 = arith.constant 0 : i32
    %dma_start3A_186 = tpu.memref_slice %arg4[%add3A_182, %dma_start3A_185] : memref<50176x128xf32, #tpu.memory_space<hbm>> -> memref<112x128xf32, #tpu.memory_space<hbm>>
    tpu.enqueue_dma source(%arg6 : memref<112x128xf32, #tpu.memory_space<vmem>>) target(%dma_start3A_186 : memref<112x128xf32, #tpu.memory_space<hbm>>) target_semaphore(%arg10 : memref<!tpu.dma_semaphore, #tpu.memory_space<semaphore_mem>>)
    %dma_start3A_187 = arith.constant 1232 : i32
    %dma_start3A_188 = tpu.memref_slice %arg5[%dma_start3A_187] : memref<1568xi32, #tpu.memory_space<vmem>> -> memref<112xi32, #tpu.memory_space<vmem>>
    %dma_start3A_189 = arith.constant 0 : i32
    %dma_start3A_190 = arith.constant 0 : i32
    %dma_start3A_191 = tpu.memref_slice %arg2[%dma_start3A_189, %dma_start3A_190] : memref<10000x128xf32, #tpu.memory_space<hbm>> -> memref<10000x128xf32, #tpu.memory_space<hbm>>
    tpu.enqueue_indirect_dma source(%dma_start3A_191 : memref<10000x128xf32, #tpu.memory_space<hbm>>) target(%arg9 : memref<112x128xf32, #tpu.memory_space<vmem>>) offsets(%dma_start3A_188 : memref<112xi32, #tpu.memory_space<vmem>>) semaphore(%arg13 : memref<!tpu.dma_semaphore, #tpu.memory_space<semaphore_mem>>)
    %dma_wait3A_192 = arith.constant 1008 : i32
    %dma_wait3A_193 = tpu.memref_slice %arg5[%dma_wait3A_192] : memref<1568xi32, #tpu.memory_space<vmem>> -> memref<112xi32, #tpu.memory_space<vmem>>
    %dma_wait3A_194 = arith.constant 0 : i32
    %dma_wait3A_195 = arith.constant 0 : i32
    %dma_wait3A_196 = tpu.memref_slice %arg2[%dma_wait3A_194, %dma_wait3A_195] : memref<10000x128xf32, #tpu.memory_space<hbm>> -> memref<10000x128xf32, #tpu.memory_space<hbm>>
    tpu.wait_indirect_dma semaphore(%arg11 : memref<!tpu.dma_semaphore, #tpu.memory_space<semaphore_mem>>) src(%dma_wait3A_196 : memref<10000x128xf32, #tpu.memory_space<hbm>>) dst(%arg7 : memref<112x128xf32, #tpu.memory_space<vmem>>)
    %dma_wait3A_197 = arith.constant 0 : i32
    %dma_wait3A_198 = tpu.memref_slice %arg4[%add3A_182, %dma_wait3A_197] : memref<50176x128xf32, #tpu.memory_space<hbm>> -> memref<112x128xf32, #tpu.memory_space<hbm>>
    %dma_wait3A_199 = arith.constant 0 : i32
    %dma_wait3A_200 = tpu.memref_slice %arg4[%add3A_182, %dma_wait3A_199] : memref<50176x128xf32, #tpu.memory_space<hbm>> -> memref<112x128xf32, #tpu.memory_space<hbm>>
    tpu.wait_dma2 semaphore(%arg10 : memref<!tpu.dma_semaphore, #tpu.memory_space<semaphore_mem>>) src(%arg6 : memref<112x128xf32, #tpu.memory_space<vmem>>) dst(%dma_wait3A_200 : memref<112x128xf32, #tpu.memory_space<hbm>>)
    %add3A_201 = arith.constant 1008 : i32
    %add3A_202 = arith.addi %mul3A_2, %add3A_201 : i32
    %dma_start3A_203 = arith.constant 0 : i32
    %dma_start3A_204 = tpu.memref_slice %arg4[%add3A_202, %dma_start3A_203] : memref<50176x128xf32, #tpu.memory_space<hbm>> -> memref<112x128xf32, #tpu.memory_space<hbm>>
    %dma_start3A_205 = arith.constant 0 : i32
    %dma_start3A_206 = tpu.memref_slice %arg4[%add3A_202, %dma_start3A_205] : memref<50176x128xf32, #tpu.memory_space<hbm>> -> memref<112x128xf32, #tpu.memory_space<hbm>>
    tpu.enqueue_dma source(%arg7 : memref<112x128xf32, #tpu.memory_space<vmem>>) target(%dma_start3A_206 : memref<112x128xf32, #tpu.memory_space<hbm>>) target_semaphore(%arg11 : memref<!tpu.dma_semaphore, #tpu.memory_space<semaphore_mem>>)
    %dma_start3A_207 = arith.constant 1344 : i32
    %dma_start3A_208 = tpu.memref_slice %arg5[%dma_start3A_207] : memref<1568xi32, #tpu.memory_space<vmem>> -> memref<112xi32, #tpu.memory_space<vmem>>
    %dma_start3A_209 = arith.constant 0 : i32
    %dma_start3A_210 = arith.constant 0 : i32
    %dma_start3A_211 = tpu.memref_slice %arg2[%dma_start3A_209, %dma_start3A_210] : memref<10000x128xf32, #tpu.memory_space<hbm>> -> memref<10000x128xf32, #tpu.memory_space<hbm>>
    tpu.enqueue_indirect_dma source(%dma_start3A_211 : memref<10000x128xf32, #tpu.memory_space<hbm>>) target(%arg6 : memref<112x128xf32, #tpu.memory_space<vmem>>) offsets(%dma_start3A_208 : memref<112xi32, #tpu.memory_space<vmem>>) semaphore(%arg10 : memref<!tpu.dma_semaphore, #tpu.memory_space<semaphore_mem>>)
    %dma_wait3A_212 = arith.constant 1120 : i32
    %dma_wait3A_213 = tpu.memref_slice %arg5[%dma_wait3A_212] : memref<1568xi32, #tpu.memory_space<vmem>> -> memref<112xi32, #tpu.memory_space<vmem>>
    %dma_wait3A_214 = arith.constant 0 : i32
    %dma_wait3A_215 = arith.constant 0 : i32
    %dma_wait3A_216 = tpu.memref_slice %arg2[%dma_wait3A_214, %dma_wait3A_215] : memref<10000x128xf32, #tpu.memory_space<hbm>> -> memref<10000x128xf32, #tpu.memory_space<hbm>>
    tpu.wait_indirect_dma semaphore(%arg12 : memref<!tpu.dma_semaphore, #tpu.memory_space<semaphore_mem>>) src(%dma_wait3A_216 : memref<10000x128xf32, #tpu.memory_space<hbm>>) dst(%arg8 : memref<112x128xf32, #tpu.memory_space<vmem>>)
    %dma_wait3A_217 = arith.constant 0 : i32
    %dma_wait3A_218 = tpu.memref_slice %arg4[%add3A_202, %dma_wait3A_217] : memref<50176x128xf32, #tpu.memory_space<hbm>> -> memref<112x128xf32, #tpu.memory_space<hbm>>
    %dma_wait3A_219 = arith.constant 0 : i32
    %dma_wait3A_220 = tpu.memref_slice %arg4[%add3A_202, %dma_wait3A_219] : memref<50176x128xf32, #tpu.memory_space<hbm>> -> memref<112x128xf32, #tpu.memory_space<hbm>>
    tpu.wait_dma2 semaphore(%arg11 : memref<!tpu.dma_semaphore, #tpu.memory_space<semaphore_mem>>) src(%arg7 : memref<112x128xf32, #tpu.memory_space<vmem>>) dst(%dma_wait3A_220 : memref<112x128xf32, #tpu.memory_space<hbm>>)
    %add3A_221 = arith.constant 1120 : i32
    %add3A_222 = arith.addi %mul3A_2, %add3A_221 : i32
    %dma_start3A_223 = arith.constant 0 : i32
    %dma_start3A_224 = tpu.memref_slice %arg4[%add3A_222, %dma_start3A_223] : memref<50176x128xf32, #tpu.memory_space<hbm>> -> memref<112x128xf32, #tpu.memory_space<hbm>>
    %dma_start3A_225 = arith.constant 0 : i32
    %dma_start3A_226 = tpu.memref_slice %arg4[%add3A_222, %dma_start3A_225] : memref<50176x128xf32, #tpu.memory_space<hbm>> -> memref<112x128xf32, #tpu.memory_space<hbm>>
    tpu.enqueue_dma source(%arg8 : memref<112x128xf32, #tpu.memory_space<vmem>>) target(%dma_start3A_226 : memref<112x128xf32, #tpu.memory_space<hbm>>) target_semaphore(%arg12 : memref<!tpu.dma_semaphore, #tpu.memory_space<semaphore_mem>>)
    %dma_start3A_227 = arith.constant 1456 : i32
    %dma_start3A_228 = tpu.memref_slice %arg5[%dma_start3A_227] : memref<1568xi32, #tpu.memory_space<vmem>> -> memref<112xi32, #tpu.memory_space<vmem>>
    %dma_start3A_229 = arith.constant 0 : i32
    %dma_start3A_230 = arith.constant 0 : i32
    %dma_start3A_231 = tpu.memref_slice %arg2[%dma_start3A_229, %dma_start3A_230] : memref<10000x128xf32, #tpu.memory_space<hbm>> -> memref<10000x128xf32, #tpu.memory_space<hbm>>
    tpu.enqueue_indirect_dma source(%dma_start3A_231 : memref<10000x128xf32, #tpu.memory_space<hbm>>) target(%arg7 : memref<112x128xf32, #tpu.memory_space<vmem>>) offsets(%dma_start3A_228 : memref<112xi32, #tpu.memory_space<vmem>>) semaphore(%arg11 : memref<!tpu.dma_semaphore, #tpu.memory_space<semaphore_mem>>)
    %dma_wait3A_232 = arith.constant 1232 : i32
    %dma_wait3A_233 = tpu.memref_slice %arg5[%dma_wait3A_232] : memref<1568xi32, #tpu.memory_space<vmem>> -> memref<112xi32, #tpu.memory_space<vmem>>
    %dma_wait3A_234 = arith.constant 0 : i32
    %dma_wait3A_235 = arith.constant 0 : i32
    %dma_wait3A_236 = tpu.memref_slice %arg2[%dma_wait3A_234, %dma_wait3A_235] : memref<10000x128xf32, #tpu.memory_space<hbm>> -> memref<10000x128xf32, #tpu.memory_space<hbm>>
    tpu.wait_indirect_dma semaphore(%arg13 : memref<!tpu.dma_semaphore, #tpu.memory_space<semaphore_mem>>) src(%dma_wait3A_236 : memref<10000x128xf32, #tpu.memory_space<hbm>>) dst(%arg9 : memref<112x128xf32, #tpu.memory_space<vmem>>)
    %dma_wait3A_237 = arith.constant 0 : i32
    %dma_wait3A_238 = tpu.memref_slice %arg4[%add3A_222, %dma_wait3A_237] : memref<50176x128xf32, #tpu.memory_space<hbm>> -> memref<112x128xf32, #tpu.memory_space<hbm>>
    %dma_wait3A_239 = arith.constant 0 : i32
    %dma_wait3A_240 = tpu.memref_slice %arg4[%add3A_222, %dma_wait3A_239] : memref<50176x128xf32, #tpu.memory_space<hbm>> -> memref<112x128xf32, #tpu.memory_space<hbm>>
    tpu.wait_dma2 semaphore(%arg12 : memref<!tpu.dma_semaphore, #tpu.memory_space<semaphore_mem>>) src(%arg8 : memref<112x128xf32, #tpu.memory_space<vmem>>) dst(%dma_wait3A_240 : memref<112x128xf32, #tpu.memory_space<hbm>>)
    %add3A_241 = arith.constant 1232 : i32
    %add3A_242 = arith.addi %mul3A_2, %add3A_241 : i32
    %dma_start3A_243 = arith.constant 0 : i32
    %dma_start3A_244 = tpu.memref_slice %arg4[%add3A_242, %dma_start3A_243] : memref<50176x128xf32, #tpu.memory_space<hbm>> -> memref<112x128xf32, #tpu.memory_space<hbm>>
    %dma_start3A_245 = arith.constant 0 : i32
    %dma_start3A_246 = tpu.memref_slice %arg4[%add3A_242, %dma_start3A_245] : memref<50176x128xf32, #tpu.memory_space<hbm>> -> memref<112x128xf32, #tpu.memory_space<hbm>>
    tpu.enqueue_dma source(%arg9 : memref<112x128xf32, #tpu.memory_space<vmem>>) target(%dma_start3A_246 : memref<112x128xf32, #tpu.memory_space<hbm>>) target_semaphore(%arg13 : memref<!tpu.dma_semaphore, #tpu.memory_space<semaphore_mem>>)
    %dma_wait3A_247 = arith.constant 1344 : i32
    %dma_wait3A_248 = tpu.memref_slice %arg5[%dma_wait3A_247] : memref<1568xi32, #tpu.memory_space<vmem>> -> memref<112xi32, #tpu.memory_space<vmem>>
    %dma_wait3A_249 = arith.constant 0 : i32
    %dma_wait3A_250 = arith.constant 0 : i32
    %dma_wait3A_251 = tpu.memref_slice %arg2[%dma_wait3A_249, %dma_wait3A_250] : memref<10000x128xf32, #tpu.memory_space<hbm>> -> memref<10000x128xf32, #tpu.memory_space<hbm>>
    tpu.wait_indirect_dma semaphore(%arg10 : memref<!tpu.dma_semaphore, #tpu.memory_space<semaphore_mem>>) src(%dma_wait3A_251 : memref<10000x128xf32, #tpu.memory_space<hbm>>) dst(%arg6 : memref<112x128xf32, #tpu.memory_space<vmem>>)
    %dma_wait3A_252 = arith.constant 0 : i32
    %dma_wait3A_253 = tpu.memref_slice %arg4[%add3A_242, %dma_wait3A_252] : memref<50176x128xf32, #tpu.memory_space<hbm>> -> memref<112x128xf32, #tpu.memory_space<hbm>>
    %dma_wait3A_254 = arith.constant 0 : i32
    %dma_wait3A_255 = tpu.memref_slice %arg4[%add3A_242, %dma_wait3A_254] : memref<50176x128xf32, #tpu.memory_space<hbm>> -> memref<112x128xf32, #tpu.memory_space<hbm>>
    tpu.wait_dma2 semaphore(%arg13 : memref<!tpu.dma_semaphore, #tpu.memory_space<semaphore_mem>>) src(%arg9 : memref<112x128xf32, #tpu.memory_space<vmem>>) dst(%dma_wait3A_255 : memref<112x128xf32, #tpu.memory_space<hbm>>)
    %add3A_256 = arith.constant 1344 : i32
    %add3A_257 = arith.addi %mul3A_2, %add3A_256 : i32
    %dma_start3A_258 = arith.constant 0 : i32
    %dma_start3A_259 = tpu.memref_slice %arg4[%add3A_257, %dma_start3A_258] : memref<50176x128xf32, #tpu.memory_space<hbm>> -> memref<112x128xf32, #tpu.memory_space<hbm>>
    %dma_start3A_260 = arith.constant 0 : i32
    %dma_start3A_261 = tpu.memref_slice %arg4[%add3A_257, %dma_start3A_260] : memref<50176x128xf32, #tpu.memory_space<hbm>> -> memref<112x128xf32, #tpu.memory_space<hbm>>
    tpu.enqueue_dma source(%arg6 : memref<112x128xf32, #tpu.memory_space<vmem>>) target(%dma_start3A_261 : memref<112x128xf32, #tpu.memory_space<hbm>>) target_semaphore(%arg10 : memref<!tpu.dma_semaphore, #tpu.memory_space<semaphore_mem>>)
    %dma_wait3A_262 = arith.constant 1456 : i32
    %dma_wait3A_263 = tpu.memref_slice %arg5[%dma_wait3A_262] : memref<1568xi32, #tpu.memory_space<vmem>> -> memref<112xi32, #tpu.memory_space<vmem>>
    %dma_wait3A_264 = arith.constant 0 : i32
    %dma_wait3A_265 = arith.constant 0 : i32
    %dma_wait3A_266 = tpu.memref_slice %arg2[%dma_wait3A_264, %dma_wait3A_265] : memref<10000x128xf32, #tpu.memory_space<hbm>> -> memref<10000x128xf32, #tpu.memory_space<hbm>>
    tpu.wait_indirect_dma semaphore(%arg11 : memref<!tpu.dma_semaphore, #tpu.memory_space<semaphore_mem>>) src(%dma_wait3A_266 : memref<10000x128xf32, #tpu.memory_space<hbm>>) dst(%arg7 : memref<112x128xf32, #tpu.memory_space<vmem>>)
    %dma_wait3A_267 = arith.constant 0 : i32
    %dma_wait3A_268 = tpu.memref_slice %arg4[%add3A_257, %dma_wait3A_267] : memref<50176x128xf32, #tpu.memory_space<hbm>> -> memref<112x128xf32, #tpu.memory_space<hbm>>
    %dma_wait3A_269 = arith.constant 0 : i32
    %dma_wait3A_270 = tpu.memref_slice %arg4[%add3A_257, %dma_wait3A_269] : memref<50176x128xf32, #tpu.memory_space<hbm>> -> memref<112x128xf32, #tpu.memory_space<hbm>>
    tpu.wait_dma2 semaphore(%arg10 : memref<!tpu.dma_semaphore, #tpu.memory_space<semaphore_mem>>) src(%arg6 : memref<112x128xf32, #tpu.memory_space<vmem>>) dst(%dma_wait3A_270 : memref<112x128xf32, #tpu.memory_space<hbm>>)
    %add3A_271 = arith.constant 1456 : i32
    %add3A_272 = arith.addi %mul3A_2, %add3A_271 : i32
    %dma_start3A_273 = arith.constant 0 : i32
    %dma_start3A_274 = tpu.memref_slice %arg4[%add3A_272, %dma_start3A_273] : memref<50176x128xf32, #tpu.memory_space<hbm>> -> memref<112x128xf32, #tpu.memory_space<hbm>>
    %dma_start3A_275 = arith.constant 0 : i32
    %dma_start3A_276 = tpu.memref_slice %arg4[%add3A_272, %dma_start3A_275] : memref<50176x128xf32, #tpu.memory_space<hbm>> -> memref<112x128xf32, #tpu.memory_space<hbm>>
    tpu.enqueue_dma source(%arg7 : memref<112x128xf32, #tpu.memory_space<vmem>>) target(%dma_start3A_276 : memref<112x128xf32, #tpu.memory_space<hbm>>) target_semaphore(%arg11 : memref<!tpu.dma_semaphore, #tpu.memory_space<semaphore_mem>>)
    %dma_wait3A_277 = arith.constant 0 : i32
    %dma_wait3A_278 = tpu.memref_slice %arg4[%add3A_272, %dma_wait3A_277] : memref<50176x128xf32, #tpu.memory_space<hbm>> -> memref<112x128xf32, #tpu.memory_space<hbm>>
    %dma_wait3A_279 = arith.constant 0 : i32
    %dma_wait3A_280 = tpu.memref_slice %arg4[%add3A_272, %dma_wait3A_279] : memref<50176x128xf32, #tpu.memory_space<hbm>> -> memref<112x128xf32, #tpu.memory_space<hbm>>
    tpu.wait_dma2 semaphore(%arg11 : memref<!tpu.dma_semaphore, #tpu.memory_space<semaphore_mem>>) src(%arg7 : memref<112x128xf32, #tpu.memory_space<vmem>>) dst(%dma_wait3A_280 : memref<112x128xf32, #tpu.memory_space<hbm>>)
    return
  }
}

#map = affine_map<(d0, d1) -> (0, 0)>
#map1 = affine_map<(d0, d1) -> (0)>
module attributes {stable_mosaic.version = 14 : i64} {
  func.func @_scatter_body(%arg0: i32, %arg1: i32, %arg2: memref<50176x128xf32, #tpu.memory_space<hbm>>, %arg3: memref<100352xi32, #tpu.memory_space<hbm>>, %arg4: memref<320x64xf32, #tpu.memory_space<hbm>>, %arg5: memref<10000x64xf32, #tpu.memory_space<hbm>>, %arg6: memref<112xi32, #tpu.memory_space<vmem>>, %arg7: memref<112xi32, #tpu.memory_space<vmem>>, %arg8: memref<112x64xf32, #tpu.memory_space<vmem>>, %arg9: memref<112x64xf32, #tpu.memory_space<vmem>>, %arg10: memref<5120x64xf32, #tpu.memory_space<vmem_shared>>, %arg11: memref<!tpu.dma_semaphore, #tpu.memory_space<semaphore_mem>>, %arg12: memref<!tpu.dma_semaphore, #tpu.memory_space<semaphore_mem>>, %arg13: memref<!tpu.dma_semaphore, #tpu.memory_space<semaphore_mem>>, %arg14: memref<!tpu.dma_semaphore, #tpu.memory_space<semaphore_mem>>) attributes {dimension_semantics = [#tpu.dimension_semantics<core_parallel>, #tpu.dimension_semantics<subcore_parallel>], iteration_bounds = array<i64: 2, 16>, scalar_prefetch = 0 : i64, scratch_operands = 9 : i64, tpu.core_type = #tpu.core_type<sc_vector_subcore>, window_params = [{transform_indices = #map}, {transform_indices = #map1}, {transform_indices = #map}, {transform_indices = #map}]} {
    %mul3A = arith.constant 320 : i32
    %mul3A_0 = arith.muli %arg1, %mul3A : i32
    "tpu.region"() ({
      %run_scoped3A = tpu.sem_alloc : memref<!tpu.dma_semaphore, #tpu.memory_space<semaphore_mem>>
      %dma_start3A_454 = arith.constant 0 : i32
      %dma_start3A_455 = tpu.memref_slice %arg10[%mul3A_0, %dma_start3A_454] : memref<5120x64xf32, #tpu.memory_space<vmem_shared>> -> memref<320x64xf32, #tpu.memory_space<vmem_shared>>
      tpu.enqueue_dma source(%arg4 : memref<320x64xf32, #tpu.memory_space<hbm>>) target(%dma_start3A_455 : memref<320x64xf32, #tpu.memory_space<vmem_shared>>) target_semaphore(%run_scoped3A : memref<!tpu.dma_semaphore, #tpu.memory_space<semaphore_mem>>)
      %dma_wait3A_456 = arith.constant 0 : i32
      %dma_wait3A_457 = tpu.memref_slice %arg10[%mul3A_0, %dma_wait3A_456] : memref<5120x64xf32, #tpu.memory_space<vmem_shared>> -> memref<320x64xf32, #tpu.memory_space<vmem_shared>>
      tpu.wait_dma2 semaphore(%run_scoped3A : memref<!tpu.dma_semaphore, #tpu.memory_space<semaphore_mem>>) src(%arg4 : memref<320x64xf32, #tpu.memory_space<hbm>>) dst(%dma_wait3A_457 : memref<320x64xf32, #tpu.memory_space<vmem_shared>>)
      tpu.yield
    }) : () -> ()
    %barrier3A = arith.constant 0 : index
    tpu.barrier barrier_id(%barrier3A)
    %mul3A_1 = arith.constant 3136 : i32
    %mul3A_2 = arith.muli %arg1, %mul3A_1 : i32
    %mul3A_3 = arith.constant 50176 : i32
    %mul3A_4 = arith.muli %arg0, %mul3A_3 : i32
    %add3A = arith.addi %mul3A_4, %mul3A_2 : i32
    %add3A_5 = arith.constant 0 : i32
    %add3A_6 = arith.addi %mul3A_2, %add3A_5 : i32
    %dma_start3A = arith.constant 0 : i32
    %dma_start3A_7 = tpu.memref_slice %arg2[%add3A_6, %dma_start3A] : memref<50176x128xf32, #tpu.memory_space<hbm>> -> memref<112x64xf32, #tpu.memory_space<hbm>>
    %dma_start3A_8 = arith.constant 0 : i32
    %dma_start3A_9 = tpu.memref_slice %arg2[%add3A_6, %dma_start3A_8] : memref<50176x128xf32, #tpu.memory_space<hbm>> -> memref<112x64xf32, #tpu.memory_space<hbm>>
    tpu.enqueue_dma source(%dma_start3A_9 : memref<112x64xf32, #tpu.memory_space<hbm>>) target(%arg8 : memref<112x64xf32, #tpu.memory_space<vmem>>) target_semaphore(%arg11 : memref<!tpu.dma_semaphore, #tpu.memory_space<semaphore_mem>>)
    %add3A_10 = arith.constant 0 : i32
    %add3A_11 = arith.addi %add3A, %add3A_10 : i32
    %dma_start3A_12 = tpu.memref_slice %arg3[%add3A_11] : memref<100352xi32, #tpu.memory_space<hbm>> -> memref<112xi32, #tpu.memory_space<hbm>>
    %dma_start3A_13 = tpu.memref_slice %arg3[%add3A_11] : memref<100352xi32, #tpu.memory_space<hbm>> -> memref<112xi32, #tpu.memory_space<hbm>>
    tpu.enqueue_dma source(%dma_start3A_13 : memref<112xi32, #tpu.memory_space<hbm>>) target(%arg6 : memref<112xi32, #tpu.memory_space<vmem>>) target_semaphore(%arg13 : memref<!tpu.dma_semaphore, #tpu.memory_space<semaphore_mem>>)
    %dma_wait3A = arith.constant 0 : i32
    %dma_wait3A_14 = tpu.memref_slice %arg2[%add3A_6, %dma_wait3A] : memref<50176x128xf32, #tpu.memory_space<hbm>> -> memref<112x64xf32, #tpu.memory_space<hbm>>
    %dma_wait3A_15 = arith.constant 0 : i32
    %dma_wait3A_16 = tpu.memref_slice %arg2[%add3A_6, %dma_wait3A_15] : memref<50176x128xf32, #tpu.memory_space<hbm>> -> memref<112x64xf32, #tpu.memory_space<hbm>>
    tpu.wait_dma2 semaphore(%arg11 : memref<!tpu.dma_semaphore, #tpu.memory_space<semaphore_mem>>) src(%dma_wait3A_16 : memref<112x64xf32, #tpu.memory_space<hbm>>) dst(%arg8 : memref<112x64xf32, #tpu.memory_space<vmem>>)
    %dma_wait3A_17 = tpu.memref_slice %arg3[%add3A_11] : memref<100352xi32, #tpu.memory_space<hbm>> -> memref<112xi32, #tpu.memory_space<hbm>>
    %dma_wait3A_18 = tpu.memref_slice %arg3[%add3A_11] : memref<100352xi32, #tpu.memory_space<hbm>> -> memref<112xi32, #tpu.memory_space<hbm>>
    tpu.wait_dma2 semaphore(%arg13 : memref<!tpu.dma_semaphore, #tpu.memory_space<semaphore_mem>>) src(%dma_wait3A_18 : memref<112xi32, #tpu.memory_space<hbm>>) dst(%arg6 : memref<112xi32, #tpu.memory_space<vmem>>)
    %add3A_19 = arith.constant 112 : i32
    %add3A_20 = arith.addi %mul3A_2, %add3A_19 : i32
    %dma_start3A_21 = arith.constant 0 : i32
    %dma_start3A_22 = tpu.memref_slice %arg2[%add3A_20, %dma_start3A_21] : memref<50176x128xf32, #tpu.memory_space<hbm>> -> memref<112x64xf32, #tpu.memory_space<hbm>>
    %dma_start3A_23 = arith.constant 0 : i32
    %dma_start3A_24 = tpu.memref_slice %arg2[%add3A_20, %dma_start3A_23] : memref<50176x128xf32, #tpu.memory_space<hbm>> -> memref<112x64xf32, #tpu.memory_space<hbm>>
    tpu.enqueue_dma source(%dma_start3A_24 : memref<112x64xf32, #tpu.memory_space<hbm>>) target(%arg9 : memref<112x64xf32, #tpu.memory_space<vmem>>) target_semaphore(%arg12 : memref<!tpu.dma_semaphore, #tpu.memory_space<semaphore_mem>>)
    %add3A_25 = arith.constant 112 : i32
    %add3A_26 = arith.addi %add3A, %add3A_25 : i32
    %dma_start3A_27 = tpu.memref_slice %arg3[%add3A_26] : memref<100352xi32, #tpu.memory_space<hbm>> -> memref<112xi32, #tpu.memory_space<hbm>>
    %dma_start3A_28 = tpu.memref_slice %arg3[%add3A_26] : memref<100352xi32, #tpu.memory_space<hbm>> -> memref<112xi32, #tpu.memory_space<hbm>>
    tpu.enqueue_dma source(%dma_start3A_28 : memref<112xi32, #tpu.memory_space<hbm>>) target(%arg7 : memref<112xi32, #tpu.memory_space<vmem>>) target_semaphore(%arg14 : memref<!tpu.dma_semaphore, #tpu.memory_space<semaphore_mem>>)
    "tpu.region"() ({
      %run_scoped3A = tpu.sem_alloc : memref<!tpu.dma_semaphore, #tpu.memory_space<semaphore_mem>>
      %dma_start3A_454 = arith.constant 0 : i32
      %dma_start3A_455 = arith.constant 0 : i32
      %dma_start3A_456 = tpu.memref_slice %arg10[%dma_start3A_454, %dma_start3A_455] : memref<5120x64xf32, #tpu.memory_space<vmem_shared>> -> memref<5120x64xf32, #tpu.memory_space<vmem_shared>>
      tpu.enqueue_indirect_dma source(%arg8 : memref<112x64xf32, #tpu.memory_space<vmem>>) target(%dma_start3A_456 : memref<5120x64xf32, #tpu.memory_space<vmem_shared>>) offsets(%arg6 : memref<112xi32, #tpu.memory_space<vmem>>) semaphore(%run_scoped3A : memref<!tpu.dma_semaphore, #tpu.memory_space<semaphore_mem>>) {add = true}
      %dma_wait3A_457 = arith.constant 0 : i32
      %dma_wait3A_458 = arith.constant 0 : i32
      %dma_wait3A_459 = tpu.memref_slice %arg10[%dma_wait3A_457, %dma_wait3A_458] : memref<5120x64xf32, #tpu.memory_space<vmem_shared>> -> memref<5120x64xf32, #tpu.memory_space<vmem_shared>>
      tpu.wait_indirect_dma semaphore(%run_scoped3A : memref<!tpu.dma_semaphore, #tpu.memory_space<semaphore_mem>>) src(%arg8 : memref<112x64xf32, #tpu.memory_space<vmem>>) dst(%dma_wait3A_459 : memref<5120x64xf32, #tpu.memory_space<vmem_shared>>)
      tpu.yield
    }) : () -> ()
    %dma_wait3A_29 = arith.constant 0 : i32
    %dma_wait3A_30 = tpu.memref_slice %arg2[%add3A_20, %dma_wait3A_29] : memref<50176x128xf32, #tpu.memory_space<hbm>> -> memref<112x64xf32, #tpu.memory_space<hbm>>
    %dma_wait3A_31 = arith.constant 0 : i32
    %dma_wait3A_32 = tpu.memref_slice %arg2[%add3A_20, %dma_wait3A_31] : memref<50176x128xf32, #tpu.memory_space<hbm>> -> memref<112x64xf32, #tpu.memory_space<hbm>>
    tpu.wait_dma2 semaphore(%arg12 : memref<!tpu.dma_semaphore, #tpu.memory_space<semaphore_mem>>) src(%dma_wait3A_32 : memref<112x64xf32, #tpu.memory_space<hbm>>) dst(%arg9 : memref<112x64xf32, #tpu.memory_space<vmem>>)
    %dma_wait3A_33 = tpu.memref_slice %arg3[%add3A_26] : memref<100352xi32, #tpu.memory_space<hbm>> -> memref<112xi32, #tpu.memory_space<hbm>>
    %dma_wait3A_34 = tpu.memref_slice %arg3[%add3A_26] : memref<100352xi32, #tpu.memory_space<hbm>> -> memref<112xi32, #tpu.memory_space<hbm>>
    tpu.wait_dma2 semaphore(%arg14 : memref<!tpu.dma_semaphore, #tpu.memory_space<semaphore_mem>>) src(%dma_wait3A_34 : memref<112xi32, #tpu.memory_space<hbm>>) dst(%arg7 : memref<112xi32, #tpu.memory_space<vmem>>)
    %add3A_35 = arith.constant 224 : i32
    %add3A_36 = arith.addi %mul3A_2, %add3A_35 : i32
    %dma_start3A_37 = arith.constant 0 : i32
    %dma_start3A_38 = tpu.memref_slice %arg2[%add3A_36, %dma_start3A_37] : memref<50176x128xf32, #tpu.memory_space<hbm>> -> memref<112x64xf32, #tpu.memory_space<hbm>>
    %dma_start3A_39 = arith.constant 0 : i32
    %dma_start3A_40 = tpu.memref_slice %arg2[%add3A_36, %dma_start3A_39] : memref<50176x128xf32, #tpu.memory_space<hbm>> -> memref<112x64xf32, #tpu.memory_space<hbm>>
    tpu.enqueue_dma source(%dma_start3A_40 : memref<112x64xf32, #tpu.memory_space<hbm>>) target(%arg8 : memref<112x64xf32, #tpu.memory_space<vmem>>) target_semaphore(%arg11 : memref<!tpu.dma_semaphore, #tpu.memory_space<semaphore_mem>>)
    %add3A_41 = arith.constant 224 : i32
    %add3A_42 = arith.addi %add3A, %add3A_41 : i32
    %dma_start3A_43 = tpu.memref_slice %arg3[%add3A_42] : memref<100352xi32, #tpu.memory_space<hbm>> -> memref<112xi32, #tpu.memory_space<hbm>>
    %dma_start3A_44 = tpu.memref_slice %arg3[%add3A_42] : memref<100352xi32, #tpu.memory_space<hbm>> -> memref<112xi32, #tpu.memory_space<hbm>>
    tpu.enqueue_dma source(%dma_start3A_44 : memref<112xi32, #tpu.memory_space<hbm>>) target(%arg6 : memref<112xi32, #tpu.memory_space<vmem>>) target_semaphore(%arg13 : memref<!tpu.dma_semaphore, #tpu.memory_space<semaphore_mem>>)
    "tpu.region"() ({
      %run_scoped3A = tpu.sem_alloc : memref<!tpu.dma_semaphore, #tpu.memory_space<semaphore_mem>>
      %dma_start3A_454 = arith.constant 0 : i32
      %dma_start3A_455 = arith.constant 0 : i32
      %dma_start3A_456 = tpu.memref_slice %arg10[%dma_start3A_454, %dma_start3A_455] : memref<5120x64xf32, #tpu.memory_space<vmem_shared>> -> memref<5120x64xf32, #tpu.memory_space<vmem_shared>>
      tpu.enqueue_indirect_dma source(%arg9 : memref<112x64xf32, #tpu.memory_space<vmem>>) target(%dma_start3A_456 : memref<5120x64xf32, #tpu.memory_space<vmem_shared>>) offsets(%arg7 : memref<112xi32, #tpu.memory_space<vmem>>) semaphore(%run_scoped3A : memref<!tpu.dma_semaphore, #tpu.memory_space<semaphore_mem>>) {add = true}
      %dma_wait3A_457 = arith.constant 0 : i32
      %dma_wait3A_458 = arith.constant 0 : i32
      %dma_wait3A_459 = tpu.memref_slice %arg10[%dma_wait3A_457, %dma_wait3A_458] : memref<5120x64xf32, #tpu.memory_space<vmem_shared>> -> memref<5120x64xf32, #tpu.memory_space<vmem_shared>>
      tpu.wait_indirect_dma semaphore(%run_scoped3A : memref<!tpu.dma_semaphore, #tpu.memory_space<semaphore_mem>>) src(%arg9 : memref<112x64xf32, #tpu.memory_space<vmem>>) dst(%dma_wait3A_459 : memref<5120x64xf32, #tpu.memory_space<vmem_shared>>)
      tpu.yield
    }) : () -> ()
    %dma_wait3A_45 = arith.constant 0 : i32
    %dma_wait3A_46 = tpu.memref_slice %arg2[%add3A_36, %dma_wait3A_45] : memref<50176x128xf32, #tpu.memory_space<hbm>> -> memref<112x64xf32, #tpu.memory_space<hbm>>
    %dma_wait3A_47 = arith.constant 0 : i32
    %dma_wait3A_48 = tpu.memref_slice %arg2[%add3A_36, %dma_wait3A_47] : memref<50176x128xf32, #tpu.memory_space<hbm>> -> memref<112x64xf32, #tpu.memory_space<hbm>>
    tpu.wait_dma2 semaphore(%arg11 : memref<!tpu.dma_semaphore, #tpu.memory_space<semaphore_mem>>) src(%dma_wait3A_48 : memref<112x64xf32, #tpu.memory_space<hbm>>) dst(%arg8 : memref<112x64xf32, #tpu.memory_space<vmem>>)
    %dma_wait3A_49 = tpu.memref_slice %arg3[%add3A_42] : memref<100352xi32, #tpu.memory_space<hbm>> -> memref<112xi32, #tpu.memory_space<hbm>>
    %dma_wait3A_50 = tpu.memref_slice %arg3[%add3A_42] : memref<100352xi32, #tpu.memory_space<hbm>> -> memref<112xi32, #tpu.memory_space<hbm>>
    tpu.wait_dma2 semaphore(%arg13 : memref<!tpu.dma_semaphore, #tpu.memory_space<semaphore_mem>>) src(%dma_wait3A_50 : memref<112xi32, #tpu.memory_space<hbm>>) dst(%arg6 : memref<112xi32, #tpu.memory_space<vmem>>)
    %add3A_51 = arith.constant 336 : i32
    %add3A_52 = arith.addi %mul3A_2, %add3A_51 : i32
    %dma_start3A_53 = arith.constant 0 : i32
    %dma_start3A_54 = tpu.memref_slice %arg2[%add3A_52, %dma_start3A_53] : memref<50176x128xf32, #tpu.memory_space<hbm>> -> memref<112x64xf32, #tpu.memory_space<hbm>>
    %dma_start3A_55 = arith.constant 0 : i32
    %dma_start3A_56 = tpu.memref_slice %arg2[%add3A_52, %dma_start3A_55] : memref<50176x128xf32, #tpu.memory_space<hbm>> -> memref<112x64xf32, #tpu.memory_space<hbm>>
    tpu.enqueue_dma source(%dma_start3A_56 : memref<112x64xf32, #tpu.memory_space<hbm>>) target(%arg9 : memref<112x64xf32, #tpu.memory_space<vmem>>) target_semaphore(%arg12 : memref<!tpu.dma_semaphore, #tpu.memory_space<semaphore_mem>>)
    %add3A_57 = arith.constant 336 : i32
    %add3A_58 = arith.addi %add3A, %add3A_57 : i32
    %dma_start3A_59 = tpu.memref_slice %arg3[%add3A_58] : memref<100352xi32, #tpu.memory_space<hbm>> -> memref<112xi32, #tpu.memory_space<hbm>>
    %dma_start3A_60 = tpu.memref_slice %arg3[%add3A_58] : memref<100352xi32, #tpu.memory_space<hbm>> -> memref<112xi32, #tpu.memory_space<hbm>>
    tpu.enqueue_dma source(%dma_start3A_60 : memref<112xi32, #tpu.memory_space<hbm>>) target(%arg7 : memref<112xi32, #tpu.memory_space<vmem>>) target_semaphore(%arg14 : memref<!tpu.dma_semaphore, #tpu.memory_space<semaphore_mem>>)
    "tpu.region"() ({
      %run_scoped3A = tpu.sem_alloc : memref<!tpu.dma_semaphore, #tpu.memory_space<semaphore_mem>>
      %dma_start3A_454 = arith.constant 0 : i32
      %dma_start3A_455 = arith.constant 0 : i32
      %dma_start3A_456 = tpu.memref_slice %arg10[%dma_start3A_454, %dma_start3A_455] : memref<5120x64xf32, #tpu.memory_space<vmem_shared>> -> memref<5120x64xf32, #tpu.memory_space<vmem_shared>>
      tpu.enqueue_indirect_dma source(%arg8 : memref<112x64xf32, #tpu.memory_space<vmem>>) target(%dma_start3A_456 : memref<5120x64xf32, #tpu.memory_space<vmem_shared>>) offsets(%arg6 : memref<112xi32, #tpu.memory_space<vmem>>) semaphore(%run_scoped3A : memref<!tpu.dma_semaphore, #tpu.memory_space<semaphore_mem>>) {add = true}
      %dma_wait3A_457 = arith.constant 0 : i32
      %dma_wait3A_458 = arith.constant 0 : i32
      %dma_wait3A_459 = tpu.memref_slice %arg10[%dma_wait3A_457, %dma_wait3A_458] : memref<5120x64xf32, #tpu.memory_space<vmem_shared>> -> memref<5120x64xf32, #tpu.memory_space<vmem_shared>>
      tpu.wait_indirect_dma semaphore(%run_scoped3A : memref<!tpu.dma_semaphore, #tpu.memory_space<semaphore_mem>>) src(%arg8 : memref<112x64xf32, #tpu.memory_space<vmem>>) dst(%dma_wait3A_459 : memref<5120x64xf32, #tpu.memory_space<vmem_shared>>)
      tpu.yield
    }) : () -> ()
    %dma_wait3A_61 = arith.constant 0 : i32
    %dma_wait3A_62 = tpu.memref_slice %arg2[%add3A_52, %dma_wait3A_61] : memref<50176x128xf32, #tpu.memory_space<hbm>> -> memref<112x64xf32, #tpu.memory_space<hbm>>
    %dma_wait3A_63 = arith.constant 0 : i32
    %dma_wait3A_64 = tpu.memref_slice %arg2[%add3A_52, %dma_wait3A_63] : memref<50176x128xf32, #tpu.memory_space<hbm>> -> memref<112x64xf32, #tpu.memory_space<hbm>>
    tpu.wait_dma2 semaphore(%arg12 : memref<!tpu.dma_semaphore, #tpu.memory_space<semaphore_mem>>) src(%dma_wait3A_64 : memref<112x64xf32, #tpu.memory_space<hbm>>) dst(%arg9 : memref<112x64xf32, #tpu.memory_space<vmem>>)
    %dma_wait3A_65 = tpu.memref_slice %arg3[%add3A_58] : memref<100352xi32, #tpu.memory_space<hbm>> -> memref<112xi32, #tpu.memory_space<hbm>>
    %dma_wait3A_66 = tpu.memref_slice %arg3[%add3A_58] : memref<100352xi32, #tpu.memory_space<hbm>> -> memref<112xi32, #tpu.memory_space<hbm>>
    tpu.wait_dma2 semaphore(%arg14 : memref<!tpu.dma_semaphore, #tpu.memory_space<semaphore_mem>>) src(%dma_wait3A_66 : memref<112xi32, #tpu.memory_space<hbm>>) dst(%arg7 : memref<112xi32, #tpu.memory_space<vmem>>)
    %add3A_67 = arith.constant 448 : i32
    %add3A_68 = arith.addi %mul3A_2, %add3A_67 : i32
    %dma_start3A_69 = arith.constant 0 : i32
    %dma_start3A_70 = tpu.memref_slice %arg2[%add3A_68, %dma_start3A_69] : memref<50176x128xf32, #tpu.memory_space<hbm>> -> memref<112x64xf32, #tpu.memory_space<hbm>>
    %dma_start3A_71 = arith.constant 0 : i32
    %dma_start3A_72 = tpu.memref_slice %arg2[%add3A_68, %dma_start3A_71] : memref<50176x128xf32, #tpu.memory_space<hbm>> -> memref<112x64xf32, #tpu.memory_space<hbm>>
    tpu.enqueue_dma source(%dma_start3A_72 : memref<112x64xf32, #tpu.memory_space<hbm>>) target(%arg8 : memref<112x64xf32, #tpu.memory_space<vmem>>) target_semaphore(%arg11 : memref<!tpu.dma_semaphore, #tpu.memory_space<semaphore_mem>>)
    %add3A_73 = arith.constant 448 : i32
    %add3A_74 = arith.addi %add3A, %add3A_73 : i32
    %dma_start3A_75 = tpu.memref_slice %arg3[%add3A_74] : memref<100352xi32, #tpu.memory_space<hbm>> -> memref<112xi32, #tpu.memory_space<hbm>>
    %dma_start3A_76 = tpu.memref_slice %arg3[%add3A_74] : memref<100352xi32, #tpu.memory_space<hbm>> -> memref<112xi32, #tpu.memory_space<hbm>>
    tpu.enqueue_dma source(%dma_start3A_76 : memref<112xi32, #tpu.memory_space<hbm>>) target(%arg6 : memref<112xi32, #tpu.memory_space<vmem>>) target_semaphore(%arg13 : memref<!tpu.dma_semaphore, #tpu.memory_space<semaphore_mem>>)
    "tpu.region"() ({
      %run_scoped3A = tpu.sem_alloc : memref<!tpu.dma_semaphore, #tpu.memory_space<semaphore_mem>>
      %dma_start3A_454 = arith.constant 0 : i32
      %dma_start3A_455 = arith.constant 0 : i32
      %dma_start3A_456 = tpu.memref_slice %arg10[%dma_start3A_454, %dma_start3A_455] : memref<5120x64xf32, #tpu.memory_space<vmem_shared>> -> memref<5120x64xf32, #tpu.memory_space<vmem_shared>>
      tpu.enqueue_indirect_dma source(%arg9 : memref<112x64xf32, #tpu.memory_space<vmem>>) target(%dma_start3A_456 : memref<5120x64xf32, #tpu.memory_space<vmem_shared>>) offsets(%arg7 : memref<112xi32, #tpu.memory_space<vmem>>) semaphore(%run_scoped3A : memref<!tpu.dma_semaphore, #tpu.memory_space<semaphore_mem>>) {add = true}
      %dma_wait3A_457 = arith.constant 0 : i32
      %dma_wait3A_458 = arith.constant 0 : i32
      %dma_wait3A_459 = tpu.memref_slice %arg10[%dma_wait3A_457, %dma_wait3A_458] : memref<5120x64xf32, #tpu.memory_space<vmem_shared>> -> memref<5120x64xf32, #tpu.memory_space<vmem_shared>>
      tpu.wait_indirect_dma semaphore(%run_scoped3A : memref<!tpu.dma_semaphore, #tpu.memory_space<semaphore_mem>>) src(%arg9 : memref<112x64xf32, #tpu.memory_space<vmem>>) dst(%dma_wait3A_459 : memref<5120x64xf32, #tpu.memory_space<vmem_shared>>)
      tpu.yield
    }) : () -> ()
    %dma_wait3A_77 = arith.constant 0 : i32
    %dma_wait3A_78 = tpu.memref_slice %arg2[%add3A_68, %dma_wait3A_77] : memref<50176x128xf32, #tpu.memory_space<hbm>> -> memref<112x64xf32, #tpu.memory_space<hbm>>
    %dma_wait3A_79 = arith.constant 0 : i32
    %dma_wait3A_80 = tpu.memref_slice %arg2[%add3A_68, %dma_wait3A_79] : memref<50176x128xf32, #tpu.memory_space<hbm>> -> memref<112x64xf32, #tpu.memory_space<hbm>>
    tpu.wait_dma2 semaphore(%arg11 : memref<!tpu.dma_semaphore, #tpu.memory_space<semaphore_mem>>) src(%dma_wait3A_80 : memref<112x64xf32, #tpu.memory_space<hbm>>) dst(%arg8 : memref<112x64xf32, #tpu.memory_space<vmem>>)
    %dma_wait3A_81 = tpu.memref_slice %arg3[%add3A_74] : memref<100352xi32, #tpu.memory_space<hbm>> -> memref<112xi32, #tpu.memory_space<hbm>>
    %dma_wait3A_82 = tpu.memref_slice %arg3[%add3A_74] : memref<100352xi32, #tpu.memory_space<hbm>> -> memref<112xi32, #tpu.memory_space<hbm>>
    tpu.wait_dma2 semaphore(%arg13 : memref<!tpu.dma_semaphore, #tpu.memory_space<semaphore_mem>>) src(%dma_wait3A_82 : memref<112xi32, #tpu.memory_space<hbm>>) dst(%arg6 : memref<112xi32, #tpu.memory_space<vmem>>)
    %add3A_83 = arith.constant 560 : i32
    %add3A_84 = arith.addi %mul3A_2, %add3A_83 : i32
    %dma_start3A_85 = arith.constant 0 : i32
    %dma_start3A_86 = tpu.memref_slice %arg2[%add3A_84, %dma_start3A_85] : memref<50176x128xf32, #tpu.memory_space<hbm>> -> memref<112x64xf32, #tpu.memory_space<hbm>>
    %dma_start3A_87 = arith.constant 0 : i32
    %dma_start3A_88 = tpu.memref_slice %arg2[%add3A_84, %dma_start3A_87] : memref<50176x128xf32, #tpu.memory_space<hbm>> -> memref<112x64xf32, #tpu.memory_space<hbm>>
    tpu.enqueue_dma source(%dma_start3A_88 : memref<112x64xf32, #tpu.memory_space<hbm>>) target(%arg9 : memref<112x64xf32, #tpu.memory_space<vmem>>) target_semaphore(%arg12 : memref<!tpu.dma_semaphore, #tpu.memory_space<semaphore_mem>>)
    %add3A_89 = arith.constant 560 : i32
    %add3A_90 = arith.addi %add3A, %add3A_89 : i32
    %dma_start3A_91 = tpu.memref_slice %arg3[%add3A_90] : memref<100352xi32, #tpu.memory_space<hbm>> -> memref<112xi32, #tpu.memory_space<hbm>>
    %dma_start3A_92 = tpu.memref_slice %arg3[%add3A_90] : memref<100352xi32, #tpu.memory_space<hbm>> -> memref<112xi32, #tpu.memory_space<hbm>>
    tpu.enqueue_dma source(%dma_start3A_92 : memref<112xi32, #tpu.memory_space<hbm>>) target(%arg7 : memref<112xi32, #tpu.memory_space<vmem>>) target_semaphore(%arg14 : memref<!tpu.dma_semaphore, #tpu.memory_space<semaphore_mem>>)
    "tpu.region"() ({
      %run_scoped3A = tpu.sem_alloc : memref<!tpu.dma_semaphore, #tpu.memory_space<semaphore_mem>>
      %dma_start3A_454 = arith.constant 0 : i32
      %dma_start3A_455 = arith.constant 0 : i32
      %dma_start3A_456 = tpu.memref_slice %arg10[%dma_start3A_454, %dma_start3A_455] : memref<5120x64xf32, #tpu.memory_space<vmem_shared>> -> memref<5120x64xf32, #tpu.memory_space<vmem_shared>>
      tpu.enqueue_indirect_dma source(%arg8 : memref<112x64xf32, #tpu.memory_space<vmem>>) target(%dma_start3A_456 : memref<5120x64xf32, #tpu.memory_space<vmem_shared>>) offsets(%arg6 : memref<112xi32, #tpu.memory_space<vmem>>) semaphore(%run_scoped3A : memref<!tpu.dma_semaphore, #tpu.memory_space<semaphore_mem>>) {add = true}
      %dma_wait3A_457 = arith.constant 0 : i32
      %dma_wait3A_458 = arith.constant 0 : i32
      %dma_wait3A_459 = tpu.memref_slice %arg10[%dma_wait3A_457, %dma_wait3A_458] : memref<5120x64xf32, #tpu.memory_space<vmem_shared>> -> memref<5120x64xf32, #tpu.memory_space<vmem_shared>>
      tpu.wait_indirect_dma semaphore(%run_scoped3A : memref<!tpu.dma_semaphore, #tpu.memory_space<semaphore_mem>>) src(%arg8 : memref<112x64xf32, #tpu.memory_space<vmem>>) dst(%dma_wait3A_459 : memref<5120x64xf32, #tpu.memory_space<vmem_shared>>)
      tpu.yield
    }) : () -> ()
    %dma_wait3A_93 = arith.constant 0 : i32
    %dma_wait3A_94 = tpu.memref_slice %arg2[%add3A_84, %dma_wait3A_93] : memref<50176x128xf32, #tpu.memory_space<hbm>> -> memref<112x64xf32, #tpu.memory_space<hbm>>
    %dma_wait3A_95 = arith.constant 0 : i32
    %dma_wait3A_96 = tpu.memref_slice %arg2[%add3A_84, %dma_wait3A_95] : memref<50176x128xf32, #tpu.memory_space<hbm>> -> memref<112x64xf32, #tpu.memory_space<hbm>>
    tpu.wait_dma2 semaphore(%arg12 : memref<!tpu.dma_semaphore, #tpu.memory_space<semaphore_mem>>) src(%dma_wait3A_96 : memref<112x64xf32, #tpu.memory_space<hbm>>) dst(%arg9 : memref<112x64xf32, #tpu.memory_space<vmem>>)
    %dma_wait3A_97 = tpu.memref_slice %arg3[%add3A_90] : memref<100352xi32, #tpu.memory_space<hbm>> -> memref<112xi32, #tpu.memory_space<hbm>>
    %dma_wait3A_98 = tpu.memref_slice %arg3[%add3A_90] : memref<100352xi32, #tpu.memory_space<hbm>> -> memref<112xi32, #tpu.memory_space<hbm>>
    tpu.wait_dma2 semaphore(%arg14 : memref<!tpu.dma_semaphore, #tpu.memory_space<semaphore_mem>>) src(%dma_wait3A_98 : memref<112xi32, #tpu.memory_space<hbm>>) dst(%arg7 : memref<112xi32, #tpu.memory_space<vmem>>)
    %add3A_99 = arith.constant 672 : i32
    %add3A_100 = arith.addi %mul3A_2, %add3A_99 : i32
    %dma_start3A_101 = arith.constant 0 : i32
    %dma_start3A_102 = tpu.memref_slice %arg2[%add3A_100, %dma_start3A_101] : memref<50176x128xf32, #tpu.memory_space<hbm>> -> memref<112x64xf32, #tpu.memory_space<hbm>>
    %dma_start3A_103 = arith.constant 0 : i32
    %dma_start3A_104 = tpu.memref_slice %arg2[%add3A_100, %dma_start3A_103] : memref<50176x128xf32, #tpu.memory_space<hbm>> -> memref<112x64xf32, #tpu.memory_space<hbm>>
    tpu.enqueue_dma source(%dma_start3A_104 : memref<112x64xf32, #tpu.memory_space<hbm>>) target(%arg8 : memref<112x64xf32, #tpu.memory_space<vmem>>) target_semaphore(%arg11 : memref<!tpu.dma_semaphore, #tpu.memory_space<semaphore_mem>>)
    %add3A_105 = arith.constant 672 : i32
    %add3A_106 = arith.addi %add3A, %add3A_105 : i32
    %dma_start3A_107 = tpu.memref_slice %arg3[%add3A_106] : memref<100352xi32, #tpu.memory_space<hbm>> -> memref<112xi32, #tpu.memory_space<hbm>>
    %dma_start3A_108 = tpu.memref_slice %arg3[%add3A_106] : memref<100352xi32, #tpu.memory_space<hbm>> -> memref<112xi32, #tpu.memory_space<hbm>>
    tpu.enqueue_dma source(%dma_start3A_108 : memref<112xi32, #tpu.memory_space<hbm>>) target(%arg6 : memref<112xi32, #tpu.memory_space<vmem>>) target_semaphore(%arg13 : memref<!tpu.dma_semaphore, #tpu.memory_space<semaphore_mem>>)
    "tpu.region"() ({
      %run_scoped3A = tpu.sem_alloc : memref<!tpu.dma_semaphore, #tpu.memory_space<semaphore_mem>>
      %dma_start3A_454 = arith.constant 0 : i32
      %dma_start3A_455 = arith.constant 0 : i32
      %dma_start3A_456 = tpu.memref_slice %arg10[%dma_start3A_454, %dma_start3A_455] : memref<5120x64xf32, #tpu.memory_space<vmem_shared>> -> memref<5120x64xf32, #tpu.memory_space<vmem_shared>>
      tpu.enqueue_indirect_dma source(%arg9 : memref<112x64xf32, #tpu.memory_space<vmem>>) target(%dma_start3A_456 : memref<5120x64xf32, #tpu.memory_space<vmem_shared>>) offsets(%arg7 : memref<112xi32, #tpu.memory_space<vmem>>) semaphore(%run_scoped3A : memref<!tpu.dma_semaphore, #tpu.memory_space<semaphore_mem>>) {add = true}
      %dma_wait3A_457 = arith.constant 0 : i32
      %dma_wait3A_458 = arith.constant 0 : i32
      %dma_wait3A_459 = tpu.memref_slice %arg10[%dma_wait3A_457, %dma_wait3A_458] : memref<5120x64xf32, #tpu.memory_space<vmem_shared>> -> memref<5120x64xf32, #tpu.memory_space<vmem_shared>>
      tpu.wait_indirect_dma semaphore(%run_scoped3A : memref<!tpu.dma_semaphore, #tpu.memory_space<semaphore_mem>>) src(%arg9 : memref<112x64xf32, #tpu.memory_space<vmem>>) dst(%dma_wait3A_459 : memref<5120x64xf32, #tpu.memory_space<vmem_shared>>)
      tpu.yield
    }) : () -> ()
    %dma_wait3A_109 = arith.constant 0 : i32
    %dma_wait3A_110 = tpu.memref_slice %arg2[%add3A_100, %dma_wait3A_109] : memref<50176x128xf32, #tpu.memory_space<hbm>> -> memref<112x64xf32, #tpu.memory_space<hbm>>
    %dma_wait3A_111 = arith.constant 0 : i32
    %dma_wait3A_112 = tpu.memref_slice %arg2[%add3A_100, %dma_wait3A_111] : memref<50176x128xf32, #tpu.memory_space<hbm>> -> memref<112x64xf32, #tpu.memory_space<hbm>>
    tpu.wait_dma2 semaphore(%arg11 : memref<!tpu.dma_semaphore, #tpu.memory_space<semaphore_mem>>) src(%dma_wait3A_112 : memref<112x64xf32, #tpu.memory_space<hbm>>) dst(%arg8 : memref<112x64xf32, #tpu.memory_space<vmem>>)
    %dma_wait3A_113 = tpu.memref_slice %arg3[%add3A_106] : memref<100352xi32, #tpu.memory_space<hbm>> -> memref<112xi32, #tpu.memory_space<hbm>>
    %dma_wait3A_114 = tpu.memref_slice %arg3[%add3A_106] : memref<100352xi32, #tpu.memory_space<hbm>> -> memref<112xi32, #tpu.memory_space<hbm>>
    tpu.wait_dma2 semaphore(%arg13 : memref<!tpu.dma_semaphore, #tpu.memory_space<semaphore_mem>>) src(%dma_wait3A_114 : memref<112xi32, #tpu.memory_space<hbm>>) dst(%arg6 : memref<112xi32, #tpu.memory_space<vmem>>)
    %add3A_115 = arith.constant 784 : i32
    %add3A_116 = arith.addi %mul3A_2, %add3A_115 : i32
    %dma_start3A_117 = arith.constant 0 : i32
    %dma_start3A_118 = tpu.memref_slice %arg2[%add3A_116, %dma_start3A_117] : memref<50176x128xf32, #tpu.memory_space<hbm>> -> memref<112x64xf32, #tpu.memory_space<hbm>>
    %dma_start3A_119 = arith.constant 0 : i32
    %dma_start3A_120 = tpu.memref_slice %arg2[%add3A_116, %dma_start3A_119] : memref<50176x128xf32, #tpu.memory_space<hbm>> -> memref<112x64xf32, #tpu.memory_space<hbm>>
    tpu.enqueue_dma source(%dma_start3A_120 : memref<112x64xf32, #tpu.memory_space<hbm>>) target(%arg9 : memref<112x64xf32, #tpu.memory_space<vmem>>) target_semaphore(%arg12 : memref<!tpu.dma_semaphore, #tpu.memory_space<semaphore_mem>>)
    %add3A_121 = arith.constant 784 : i32
    %add3A_122 = arith.addi %add3A, %add3A_121 : i32
    %dma_start3A_123 = tpu.memref_slice %arg3[%add3A_122] : memref<100352xi32, #tpu.memory_space<hbm>> -> memref<112xi32, #tpu.memory_space<hbm>>
    %dma_start3A_124 = tpu.memref_slice %arg3[%add3A_122] : memref<100352xi32, #tpu.memory_space<hbm>> -> memref<112xi32, #tpu.memory_space<hbm>>
    tpu.enqueue_dma source(%dma_start3A_124 : memref<112xi32, #tpu.memory_space<hbm>>) target(%arg7 : memref<112xi32, #tpu.memory_space<vmem>>) target_semaphore(%arg14 : memref<!tpu.dma_semaphore, #tpu.memory_space<semaphore_mem>>)
    "tpu.region"() ({
      %run_scoped3A = tpu.sem_alloc : memref<!tpu.dma_semaphore, #tpu.memory_space<semaphore_mem>>
      %dma_start3A_454 = arith.constant 0 : i32
      %dma_start3A_455 = arith.constant 0 : i32
      %dma_start3A_456 = tpu.memref_slice %arg10[%dma_start3A_454, %dma_start3A_455] : memref<5120x64xf32, #tpu.memory_space<vmem_shared>> -> memref<5120x64xf32, #tpu.memory_space<vmem_shared>>
      tpu.enqueue_indirect_dma source(%arg8 : memref<112x64xf32, #tpu.memory_space<vmem>>) target(%dma_start3A_456 : memref<5120x64xf32, #tpu.memory_space<vmem_shared>>) offsets(%arg6 : memref<112xi32, #tpu.memory_space<vmem>>) semaphore(%run_scoped3A : memref<!tpu.dma_semaphore, #tpu.memory_space<semaphore_mem>>) {add = true}
      %dma_wait3A_457 = arith.constant 0 : i32
      %dma_wait3A_458 = arith.constant 0 : i32
      %dma_wait3A_459 = tpu.memref_slice %arg10[%dma_wait3A_457, %dma_wait3A_458] : memref<5120x64xf32, #tpu.memory_space<vmem_shared>> -> memref<5120x64xf32, #tpu.memory_space<vmem_shared>>
      tpu.wait_indirect_dma semaphore(%run_scoped3A : memref<!tpu.dma_semaphore, #tpu.memory_space<semaphore_mem>>) src(%arg8 : memref<112x64xf32, #tpu.memory_space<vmem>>) dst(%dma_wait3A_459 : memref<5120x64xf32, #tpu.memory_space<vmem_shared>>)
      tpu.yield
    }) : () -> ()
    %dma_wait3A_125 = arith.constant 0 : i32
    %dma_wait3A_126 = tpu.memref_slice %arg2[%add3A_116, %dma_wait3A_125] : memref<50176x128xf32, #tpu.memory_space<hbm>> -> memref<112x64xf32, #tpu.memory_space<hbm>>
    %dma_wait3A_127 = arith.constant 0 : i32
    %dma_wait3A_128 = tpu.memref_slice %arg2[%add3A_116, %dma_wait3A_127] : memref<50176x128xf32, #tpu.memory_space<hbm>> -> memref<112x64xf32, #tpu.memory_space<hbm>>
    tpu.wait_dma2 semaphore(%arg12 : memref<!tpu.dma_semaphore, #tpu.memory_space<semaphore_mem>>) src(%dma_wait3A_128 : memref<112x64xf32, #tpu.memory_space<hbm>>) dst(%arg9 : memref<112x64xf32, #tpu.memory_space<vmem>>)
    %dma_wait3A_129 = tpu.memref_slice %arg3[%add3A_122] : memref<100352xi32, #tpu.memory_space<hbm>> -> memref<112xi32, #tpu.memory_space<hbm>>
    %dma_wait3A_130 = tpu.memref_slice %arg3[%add3A_122] : memref<100352xi32, #tpu.memory_space<hbm>> -> memref<112xi32, #tpu.memory_space<hbm>>
    tpu.wait_dma2 semaphore(%arg14 : memref<!tpu.dma_semaphore, #tpu.memory_space<semaphore_mem>>) src(%dma_wait3A_130 : memref<112xi32, #tpu.memory_space<hbm>>) dst(%arg7 : memref<112xi32, #tpu.memory_space<vmem>>)
    %add3A_131 = arith.constant 896 : i32
    %add3A_132 = arith.addi %mul3A_2, %add3A_131 : i32
    %dma_start3A_133 = arith.constant 0 : i32
    %dma_start3A_134 = tpu.memref_slice %arg2[%add3A_132, %dma_start3A_133] : memref<50176x128xf32, #tpu.memory_space<hbm>> -> memref<112x64xf32, #tpu.memory_space<hbm>>
    %dma_start3A_135 = arith.constant 0 : i32
    %dma_start3A_136 = tpu.memref_slice %arg2[%add3A_132, %dma_start3A_135] : memref<50176x128xf32, #tpu.memory_space<hbm>> -> memref<112x64xf32, #tpu.memory_space<hbm>>
    tpu.enqueue_dma source(%dma_start3A_136 : memref<112x64xf32, #tpu.memory_space<hbm>>) target(%arg8 : memref<112x64xf32, #tpu.memory_space<vmem>>) target_semaphore(%arg11 : memref<!tpu.dma_semaphore, #tpu.memory_space<semaphore_mem>>)
    %add3A_137 = arith.constant 896 : i32
    %add3A_138 = arith.addi %add3A, %add3A_137 : i32
    %dma_start3A_139 = tpu.memref_slice %arg3[%add3A_138] : memref<100352xi32, #tpu.memory_space<hbm>> -> memref<112xi32, #tpu.memory_space<hbm>>
    %dma_start3A_140 = tpu.memref_slice %arg3[%add3A_138] : memref<100352xi32, #tpu.memory_space<hbm>> -> memref<112xi32, #tpu.memory_space<hbm>>
    tpu.enqueue_dma source(%dma_start3A_140 : memref<112xi32, #tpu.memory_space<hbm>>) target(%arg6 : memref<112xi32, #tpu.memory_space<vmem>>) target_semaphore(%arg13 : memref<!tpu.dma_semaphore, #tpu.memory_space<semaphore_mem>>)
    "tpu.region"() ({
      %run_scoped3A = tpu.sem_alloc : memref<!tpu.dma_semaphore, #tpu.memory_space<semaphore_mem>>
      %dma_start3A_454 = arith.constant 0 : i32
      %dma_start3A_455 = arith.constant 0 : i32
      %dma_start3A_456 = tpu.memref_slice %arg10[%dma_start3A_454, %dma_start3A_455] : memref<5120x64xf32, #tpu.memory_space<vmem_shared>> -> memref<5120x64xf32, #tpu.memory_space<vmem_shared>>
      tpu.enqueue_indirect_dma source(%arg9 : memref<112x64xf32, #tpu.memory_space<vmem>>) target(%dma_start3A_456 : memref<5120x64xf32, #tpu.memory_space<vmem_shared>>) offsets(%arg7 : memref<112xi32, #tpu.memory_space<vmem>>) semaphore(%run_scoped3A : memref<!tpu.dma_semaphore, #tpu.memory_space<semaphore_mem>>) {add = true}
      %dma_wait3A_457 = arith.constant 0 : i32
      %dma_wait3A_458 = arith.constant 0 : i32
      %dma_wait3A_459 = tpu.memref_slice %arg10[%dma_wait3A_457, %dma_wait3A_458] : memref<5120x64xf32, #tpu.memory_space<vmem_shared>> -> memref<5120x64xf32, #tpu.memory_space<vmem_shared>>
      tpu.wait_indirect_dma semaphore(%run_scoped3A : memref<!tpu.dma_semaphore, #tpu.memory_space<semaphore_mem>>) src(%arg9 : memref<112x64xf32, #tpu.memory_space<vmem>>) dst(%dma_wait3A_459 : memref<5120x64xf32, #tpu.memory_space<vmem_shared>>)
      tpu.yield
    }) : () -> ()
    %dma_wait3A_141 = arith.constant 0 : i32
    %dma_wait3A_142 = tpu.memref_slice %arg2[%add3A_132, %dma_wait3A_141] : memref<50176x128xf32, #tpu.memory_space<hbm>> -> memref<112x64xf32, #tpu.memory_space<hbm>>
    %dma_wait3A_143 = arith.constant 0 : i32
    %dma_wait3A_144 = tpu.memref_slice %arg2[%add3A_132, %dma_wait3A_143] : memref<50176x128xf32, #tpu.memory_space<hbm>> -> memref<112x64xf32, #tpu.memory_space<hbm>>
    tpu.wait_dma2 semaphore(%arg11 : memref<!tpu.dma_semaphore, #tpu.memory_space<semaphore_mem>>) src(%dma_wait3A_144 : memref<112x64xf32, #tpu.memory_space<hbm>>) dst(%arg8 : memref<112x64xf32, #tpu.memory_space<vmem>>)
    %dma_wait3A_145 = tpu.memref_slice %arg3[%add3A_138] : memref<100352xi32, #tpu.memory_space<hbm>> -> memref<112xi32, #tpu.memory_space<hbm>>
    %dma_wait3A_146 = tpu.memref_slice %arg3[%add3A_138] : memref<100352xi32, #tpu.memory_space<hbm>> -> memref<112xi32, #tpu.memory_space<hbm>>
    tpu.wait_dma2 semaphore(%arg13 : memref<!tpu.dma_semaphore, #tpu.memory_space<semaphore_mem>>) src(%dma_wait3A_146 : memref<112xi32, #tpu.memory_space<hbm>>) dst(%arg6 : memref<112xi32, #tpu.memory_space<vmem>>)
    %add3A_147 = arith.constant 1008 : i32
    %add3A_148 = arith.addi %mul3A_2, %add3A_147 : i32
    %dma_start3A_149 = arith.constant 0 : i32
    %dma_start3A_150 = tpu.memref_slice %arg2[%add3A_148, %dma_start3A_149] : memref<50176x128xf32, #tpu.memory_space<hbm>> -> memref<112x64xf32, #tpu.memory_space<hbm>>
    %dma_start3A_151 = arith.constant 0 : i32
    %dma_start3A_152 = tpu.memref_slice %arg2[%add3A_148, %dma_start3A_151] : memref<50176x128xf32, #tpu.memory_space<hbm>> -> memref<112x64xf32, #tpu.memory_space<hbm>>
    tpu.enqueue_dma source(%dma_start3A_152 : memref<112x64xf32, #tpu.memory_space<hbm>>) target(%arg9 : memref<112x64xf32, #tpu.memory_space<vmem>>) target_semaphore(%arg12 : memref<!tpu.dma_semaphore, #tpu.memory_space<semaphore_mem>>)
    %add3A_153 = arith.constant 1008 : i32
    %add3A_154 = arith.addi %add3A, %add3A_153 : i32
    %dma_start3A_155 = tpu.memref_slice %arg3[%add3A_154] : memref<100352xi32, #tpu.memory_space<hbm>> -> memref<112xi32, #tpu.memory_space<hbm>>
    %dma_start3A_156 = tpu.memref_slice %arg3[%add3A_154] : memref<100352xi32, #tpu.memory_space<hbm>> -> memref<112xi32, #tpu.memory_space<hbm>>
    tpu.enqueue_dma source(%dma_start3A_156 : memref<112xi32, #tpu.memory_space<hbm>>) target(%arg7 : memref<112xi32, #tpu.memory_space<vmem>>) target_semaphore(%arg14 : memref<!tpu.dma_semaphore, #tpu.memory_space<semaphore_mem>>)
    "tpu.region"() ({
      %run_scoped3A = tpu.sem_alloc : memref<!tpu.dma_semaphore, #tpu.memory_space<semaphore_mem>>
      %dma_start3A_454 = arith.constant 0 : i32
      %dma_start3A_455 = arith.constant 0 : i32
      %dma_start3A_456 = tpu.memref_slice %arg10[%dma_start3A_454, %dma_start3A_455] : memref<5120x64xf32, #tpu.memory_space<vmem_shared>> -> memref<5120x64xf32, #tpu.memory_space<vmem_shared>>
      tpu.enqueue_indirect_dma source(%arg8 : memref<112x64xf32, #tpu.memory_space<vmem>>) target(%dma_start3A_456 : memref<5120x64xf32, #tpu.memory_space<vmem_shared>>) offsets(%arg6 : memref<112xi32, #tpu.memory_space<vmem>>) semaphore(%run_scoped3A : memref<!tpu.dma_semaphore, #tpu.memory_space<semaphore_mem>>) {add = true}
      %dma_wait3A_457 = arith.constant 0 : i32
      %dma_wait3A_458 = arith.constant 0 : i32
      %dma_wait3A_459 = tpu.memref_slice %arg10[%dma_wait3A_457, %dma_wait3A_458] : memref<5120x64xf32, #tpu.memory_space<vmem_shared>> -> memref<5120x64xf32, #tpu.memory_space<vmem_shared>>
      tpu.wait_indirect_dma semaphore(%run_scoped3A : memref<!tpu.dma_semaphore, #tpu.memory_space<semaphore_mem>>) src(%arg8 : memref<112x64xf32, #tpu.memory_space<vmem>>) dst(%dma_wait3A_459 : memref<5120x64xf32, #tpu.memory_space<vmem_shared>>)
      tpu.yield
    }) : () -> ()
    %dma_wait3A_157 = arith.constant 0 : i32
    %dma_wait3A_158 = tpu.memref_slice %arg2[%add3A_148, %dma_wait3A_157] : memref<50176x128xf32, #tpu.memory_space<hbm>> -> memref<112x64xf32, #tpu.memory_space<hbm>>
    %dma_wait3A_159 = arith.constant 0 : i32
    %dma_wait3A_160 = tpu.memref_slice %arg2[%add3A_148, %dma_wait3A_159] : memref<50176x128xf32, #tpu.memory_space<hbm>> -> memref<112x64xf32, #tpu.memory_space<hbm>>
    tpu.wait_dma2 semaphore(%arg12 : memref<!tpu.dma_semaphore, #tpu.memory_space<semaphore_mem>>) src(%dma_wait3A_160 : memref<112x64xf32, #tpu.memory_space<hbm>>) dst(%arg9 : memref<112x64xf32, #tpu.memory_space<vmem>>)
    %dma_wait3A_161 = tpu.memref_slice %arg3[%add3A_154] : memref<100352xi32, #tpu.memory_space<hbm>> -> memref<112xi32, #tpu.memory_space<hbm>>
    %dma_wait3A_162 = tpu.memref_slice %arg3[%add3A_154] : memref<100352xi32, #tpu.memory_space<hbm>> -> memref<112xi32, #tpu.memory_space<hbm>>
    tpu.wait_dma2 semaphore(%arg14 : memref<!tpu.dma_semaphore, #tpu.memory_space<semaphore_mem>>) src(%dma_wait3A_162 : memref<112xi32, #tpu.memory_space<hbm>>) dst(%arg7 : memref<112xi32, #tpu.memory_space<vmem>>)
    %add3A_163 = arith.constant 1120 : i32
    %add3A_164 = arith.addi %mul3A_2, %add3A_163 : i32
    %dma_start3A_165 = arith.constant 0 : i32
    %dma_start3A_166 = tpu.memref_slice %arg2[%add3A_164, %dma_start3A_165] : memref<50176x128xf32, #tpu.memory_space<hbm>> -> memref<112x64xf32, #tpu.memory_space<hbm>>
    %dma_start3A_167 = arith.constant 0 : i32
    %dma_start3A_168 = tpu.memref_slice %arg2[%add3A_164, %dma_start3A_167] : memref<50176x128xf32, #tpu.memory_space<hbm>> -> memref<112x64xf32, #tpu.memory_space<hbm>>
    tpu.enqueue_dma source(%dma_start3A_168 : memref<112x64xf32, #tpu.memory_space<hbm>>) target(%arg8 : memref<112x64xf32, #tpu.memory_space<vmem>>) target_semaphore(%arg11 : memref<!tpu.dma_semaphore, #tpu.memory_space<semaphore_mem>>)
    %add3A_169 = arith.constant 1120 : i32
    %add3A_170 = arith.addi %add3A, %add3A_169 : i32
    %dma_start3A_171 = tpu.memref_slice %arg3[%add3A_170] : memref<100352xi32, #tpu.memory_space<hbm>> -> memref<112xi32, #tpu.memory_space<hbm>>
    %dma_start3A_172 = tpu.memref_slice %arg3[%add3A_170] : memref<100352xi32, #tpu.memory_space<hbm>> -> memref<112xi32, #tpu.memory_space<hbm>>
    tpu.enqueue_dma source(%dma_start3A_172 : memref<112xi32, #tpu.memory_space<hbm>>) target(%arg6 : memref<112xi32, #tpu.memory_space<vmem>>) target_semaphore(%arg13 : memref<!tpu.dma_semaphore, #tpu.memory_space<semaphore_mem>>)
    "tpu.region"() ({
      %run_scoped3A = tpu.sem_alloc : memref<!tpu.dma_semaphore, #tpu.memory_space<semaphore_mem>>
      %dma_start3A_454 = arith.constant 0 : i32
      %dma_start3A_455 = arith.constant 0 : i32
      %dma_start3A_456 = tpu.memref_slice %arg10[%dma_start3A_454, %dma_start3A_455] : memref<5120x64xf32, #tpu.memory_space<vmem_shared>> -> memref<5120x64xf32, #tpu.memory_space<vmem_shared>>
      tpu.enqueue_indirect_dma source(%arg9 : memref<112x64xf32, #tpu.memory_space<vmem>>) target(%dma_start3A_456 : memref<5120x64xf32, #tpu.memory_space<vmem_shared>>) offsets(%arg7 : memref<112xi32, #tpu.memory_space<vmem>>) semaphore(%run_scoped3A : memref<!tpu.dma_semaphore, #tpu.memory_space<semaphore_mem>>) {add = true}
      %dma_wait3A_457 = arith.constant 0 : i32
      %dma_wait3A_458 = arith.constant 0 : i32
      %dma_wait3A_459 = tpu.memref_slice %arg10[%dma_wait3A_457, %dma_wait3A_458] : memref<5120x64xf32, #tpu.memory_space<vmem_shared>> -> memref<5120x64xf32, #tpu.memory_space<vmem_shared>>
      tpu.wait_indirect_dma semaphore(%run_scoped3A : memref<!tpu.dma_semaphore, #tpu.memory_space<semaphore_mem>>) src(%arg9 : memref<112x64xf32, #tpu.memory_space<vmem>>) dst(%dma_wait3A_459 : memref<5120x64xf32, #tpu.memory_space<vmem_shared>>)
      tpu.yield
    }) : () -> ()
    %dma_wait3A_173 = arith.constant 0 : i32
    %dma_wait3A_174 = tpu.memref_slice %arg2[%add3A_164, %dma_wait3A_173] : memref<50176x128xf32, #tpu.memory_space<hbm>> -> memref<112x64xf32, #tpu.memory_space<hbm>>
    %dma_wait3A_175 = arith.constant 0 : i32
    %dma_wait3A_176 = tpu.memref_slice %arg2[%add3A_164, %dma_wait3A_175] : memref<50176x128xf32, #tpu.memory_space<hbm>> -> memref<112x64xf32, #tpu.memory_space<hbm>>
    tpu.wait_dma2 semaphore(%arg11 : memref<!tpu.dma_semaphore, #tpu.memory_space<semaphore_mem>>) src(%dma_wait3A_176 : memref<112x64xf32, #tpu.memory_space<hbm>>) dst(%arg8 : memref<112x64xf32, #tpu.memory_space<vmem>>)
    %dma_wait3A_177 = tpu.memref_slice %arg3[%add3A_170] : memref<100352xi32, #tpu.memory_space<hbm>> -> memref<112xi32, #tpu.memory_space<hbm>>
    %dma_wait3A_178 = tpu.memref_slice %arg3[%add3A_170] : memref<100352xi32, #tpu.memory_space<hbm>> -> memref<112xi32, #tpu.memory_space<hbm>>
    tpu.wait_dma2 semaphore(%arg13 : memref<!tpu.dma_semaphore, #tpu.memory_space<semaphore_mem>>) src(%dma_wait3A_178 : memref<112xi32, #tpu.memory_space<hbm>>) dst(%arg6 : memref<112xi32, #tpu.memory_space<vmem>>)
    %add3A_179 = arith.constant 1232 : i32
    %add3A_180 = arith.addi %mul3A_2, %add3A_179 : i32
    %dma_start3A_181 = arith.constant 0 : i32
    %dma_start3A_182 = tpu.memref_slice %arg2[%add3A_180, %dma_start3A_181] : memref<50176x128xf32, #tpu.memory_space<hbm>> -> memref<112x64xf32, #tpu.memory_space<hbm>>
    %dma_start3A_183 = arith.constant 0 : i32
    %dma_start3A_184 = tpu.memref_slice %arg2[%add3A_180, %dma_start3A_183] : memref<50176x128xf32, #tpu.memory_space<hbm>> -> memref<112x64xf32, #tpu.memory_space<hbm>>
    tpu.enqueue_dma source(%dma_start3A_184 : memref<112x64xf32, #tpu.memory_space<hbm>>) target(%arg9 : memref<112x64xf32, #tpu.memory_space<vmem>>) target_semaphore(%arg12 : memref<!tpu.dma_semaphore, #tpu.memory_space<semaphore_mem>>)
    %add3A_185 = arith.constant 1232 : i32
    %add3A_186 = arith.addi %add3A, %add3A_185 : i32
    %dma_start3A_187 = tpu.memref_slice %arg3[%add3A_186] : memref<100352xi32, #tpu.memory_space<hbm>> -> memref<112xi32, #tpu.memory_space<hbm>>
    %dma_start3A_188 = tpu.memref_slice %arg3[%add3A_186] : memref<100352xi32, #tpu.memory_space<hbm>> -> memref<112xi32, #tpu.memory_space<hbm>>
    tpu.enqueue_dma source(%dma_start3A_188 : memref<112xi32, #tpu.memory_space<hbm>>) target(%arg7 : memref<112xi32, #tpu.memory_space<vmem>>) target_semaphore(%arg14 : memref<!tpu.dma_semaphore, #tpu.memory_space<semaphore_mem>>)
    "tpu.region"() ({
      %run_scoped3A = tpu.sem_alloc : memref<!tpu.dma_semaphore, #tpu.memory_space<semaphore_mem>>
      %dma_start3A_454 = arith.constant 0 : i32
      %dma_start3A_455 = arith.constant 0 : i32
      %dma_start3A_456 = tpu.memref_slice %arg10[%dma_start3A_454, %dma_start3A_455] : memref<5120x64xf32, #tpu.memory_space<vmem_shared>> -> memref<5120x64xf32, #tpu.memory_space<vmem_shared>>
      tpu.enqueue_indirect_dma source(%arg8 : memref<112x64xf32, #tpu.memory_space<vmem>>) target(%dma_start3A_456 : memref<5120x64xf32, #tpu.memory_space<vmem_shared>>) offsets(%arg6 : memref<112xi32, #tpu.memory_space<vmem>>) semaphore(%run_scoped3A : memref<!tpu.dma_semaphore, #tpu.memory_space<semaphore_mem>>) {add = true}
      %dma_wait3A_457 = arith.constant 0 : i32
      %dma_wait3A_458 = arith.constant 0 : i32
      %dma_wait3A_459 = tpu.memref_slice %arg10[%dma_wait3A_457, %dma_wait3A_458] : memref<5120x64xf32, #tpu.memory_space<vmem_shared>> -> memref<5120x64xf32, #tpu.memory_space<vmem_shared>>
      tpu.wait_indirect_dma semaphore(%run_scoped3A : memref<!tpu.dma_semaphore, #tpu.memory_space<semaphore_mem>>) src(%arg8 : memref<112x64xf32, #tpu.memory_space<vmem>>) dst(%dma_wait3A_459 : memref<5120x64xf32, #tpu.memory_space<vmem_shared>>)
      tpu.yield
    }) : () -> ()
    %dma_wait3A_189 = arith.constant 0 : i32
    %dma_wait3A_190 = tpu.memref_slice %arg2[%add3A_180, %dma_wait3A_189] : memref<50176x128xf32, #tpu.memory_space<hbm>> -> memref<112x64xf32, #tpu.memory_space<hbm>>
    %dma_wait3A_191 = arith.constant 0 : i32
    %dma_wait3A_192 = tpu.memref_slice %arg2[%add3A_180, %dma_wait3A_191] : memref<50176x128xf32, #tpu.memory_space<hbm>> -> memref<112x64xf32, #tpu.memory_space<hbm>>
    tpu.wait_dma2 semaphore(%arg12 : memref<!tpu.dma_semaphore, #tpu.memory_space<semaphore_mem>>) src(%dma_wait3A_192 : memref<112x64xf32, #tpu.memory_space<hbm>>) dst(%arg9 : memref<112x64xf32, #tpu.memory_space<vmem>>)
    %dma_wait3A_193 = tpu.memref_slice %arg3[%add3A_186] : memref<100352xi32, #tpu.memory_space<hbm>> -> memref<112xi32, #tpu.memory_space<hbm>>
    %dma_wait3A_194 = tpu.memref_slice %arg3[%add3A_186] : memref<100352xi32, #tpu.memory_space<hbm>> -> memref<112xi32, #tpu.memory_space<hbm>>
    tpu.wait_dma2 semaphore(%arg14 : memref<!tpu.dma_semaphore, #tpu.memory_space<semaphore_mem>>) src(%dma_wait3A_194 : memref<112xi32, #tpu.memory_space<hbm>>) dst(%arg7 : memref<112xi32, #tpu.memory_space<vmem>>)
    %add3A_195 = arith.constant 1344 : i32
    %add3A_196 = arith.addi %mul3A_2, %add3A_195 : i32
    %dma_start3A_197 = arith.constant 0 : i32
    %dma_start3A_198 = tpu.memref_slice %arg2[%add3A_196, %dma_start3A_197] : memref<50176x128xf32, #tpu.memory_space<hbm>> -> memref<112x64xf32, #tpu.memory_space<hbm>>
    %dma_start3A_199 = arith.constant 0 : i32
    %dma_start3A_200 = tpu.memref_slice %arg2[%add3A_196, %dma_start3A_199] : memref<50176x128xf32, #tpu.memory_space<hbm>> -> memref<112x64xf32, #tpu.memory_space<hbm>>
    tpu.enqueue_dma source(%dma_start3A_200 : memref<112x64xf32, #tpu.memory_space<hbm>>) target(%arg8 : memref<112x64xf32, #tpu.memory_space<vmem>>) target_semaphore(%arg11 : memref<!tpu.dma_semaphore, #tpu.memory_space<semaphore_mem>>)
    %add3A_201 = arith.constant 1344 : i32
    %add3A_202 = arith.addi %add3A, %add3A_201 : i32
    %dma_start3A_203 = tpu.memref_slice %arg3[%add3A_202] : memref<100352xi32, #tpu.memory_space<hbm>> -> memref<112xi32, #tpu.memory_space<hbm>>
    %dma_start3A_204 = tpu.memref_slice %arg3[%add3A_202] : memref<100352xi32, #tpu.memory_space<hbm>> -> memref<112xi32, #tpu.memory_space<hbm>>
    tpu.enqueue_dma source(%dma_start3A_204 : memref<112xi32, #tpu.memory_space<hbm>>) target(%arg6 : memref<112xi32, #tpu.memory_space<vmem>>) target_semaphore(%arg13 : memref<!tpu.dma_semaphore, #tpu.memory_space<semaphore_mem>>)
    "tpu.region"() ({
      %run_scoped3A = tpu.sem_alloc : memref<!tpu.dma_semaphore, #tpu.memory_space<semaphore_mem>>
      %dma_start3A_454 = arith.constant 0 : i32
      %dma_start3A_455 = arith.constant 0 : i32
      %dma_start3A_456 = tpu.memref_slice %arg10[%dma_start3A_454, %dma_start3A_455] : memref<5120x64xf32, #tpu.memory_space<vmem_shared>> -> memref<5120x64xf32, #tpu.memory_space<vmem_shared>>
      tpu.enqueue_indirect_dma source(%arg9 : memref<112x64xf32, #tpu.memory_space<vmem>>) target(%dma_start3A_456 : memref<5120x64xf32, #tpu.memory_space<vmem_shared>>) offsets(%arg7 : memref<112xi32, #tpu.memory_space<vmem>>) semaphore(%run_scoped3A : memref<!tpu.dma_semaphore, #tpu.memory_space<semaphore_mem>>) {add = true}
      %dma_wait3A_457 = arith.constant 0 : i32
      %dma_wait3A_458 = arith.constant 0 : i32
      %dma_wait3A_459 = tpu.memref_slice %arg10[%dma_wait3A_457, %dma_wait3A_458] : memref<5120x64xf32, #tpu.memory_space<vmem_shared>> -> memref<5120x64xf32, #tpu.memory_space<vmem_shared>>
      tpu.wait_indirect_dma semaphore(%run_scoped3A : memref<!tpu.dma_semaphore, #tpu.memory_space<semaphore_mem>>) src(%arg9 : memref<112x64xf32, #tpu.memory_space<vmem>>) dst(%dma_wait3A_459 : memref<5120x64xf32, #tpu.memory_space<vmem_shared>>)
      tpu.yield
    }) : () -> ()
    %dma_wait3A_205 = arith.constant 0 : i32
    %dma_wait3A_206 = tpu.memref_slice %arg2[%add3A_196, %dma_wait3A_205] : memref<50176x128xf32, #tpu.memory_space<hbm>> -> memref<112x64xf32, #tpu.memory_space<hbm>>
    %dma_wait3A_207 = arith.constant 0 : i32
    %dma_wait3A_208 = tpu.memref_slice %arg2[%add3A_196, %dma_wait3A_207] : memref<50176x128xf32, #tpu.memory_space<hbm>> -> memref<112x64xf32, #tpu.memory_space<hbm>>
    tpu.wait_dma2 semaphore(%arg11 : memref<!tpu.dma_semaphore, #tpu.memory_space<semaphore_mem>>) src(%dma_wait3A_208 : memref<112x64xf32, #tpu.memory_space<hbm>>) dst(%arg8 : memref<112x64xf32, #tpu.memory_space<vmem>>)
    %dma_wait3A_209 = tpu.memref_slice %arg3[%add3A_202] : memref<100352xi32, #tpu.memory_space<hbm>> -> memref<112xi32, #tpu.memory_space<hbm>>
    %dma_wait3A_210 = tpu.memref_slice %arg3[%add3A_202] : memref<100352xi32, #tpu.memory_space<hbm>> -> memref<112xi32, #tpu.memory_space<hbm>>
    tpu.wait_dma2 semaphore(%arg13 : memref<!tpu.dma_semaphore, #tpu.memory_space<semaphore_mem>>) src(%dma_wait3A_210 : memref<112xi32, #tpu.memory_space<hbm>>) dst(%arg6 : memref<112xi32, #tpu.memory_space<vmem>>)
    %add3A_211 = arith.constant 1456 : i32
    %add3A_212 = arith.addi %mul3A_2, %add3A_211 : i32
    %dma_start3A_213 = arith.constant 0 : i32
    %dma_start3A_214 = tpu.memref_slice %arg2[%add3A_212, %dma_start3A_213] : memref<50176x128xf32, #tpu.memory_space<hbm>> -> memref<112x64xf32, #tpu.memory_space<hbm>>
    %dma_start3A_215 = arith.constant 0 : i32
    %dma_start3A_216 = tpu.memref_slice %arg2[%add3A_212, %dma_start3A_215] : memref<50176x128xf32, #tpu.memory_space<hbm>> -> memref<112x64xf32, #tpu.memory_space<hbm>>
    tpu.enqueue_dma source(%dma_start3A_216 : memref<112x64xf32, #tpu.memory_space<hbm>>) target(%arg9 : memref<112x64xf32, #tpu.memory_space<vmem>>) target_semaphore(%arg12 : memref<!tpu.dma_semaphore, #tpu.memory_space<semaphore_mem>>)
    %add3A_217 = arith.constant 1456 : i32
    %add3A_218 = arith.addi %add3A, %add3A_217 : i32
    %dma_start3A_219 = tpu.memref_slice %arg3[%add3A_218] : memref<100352xi32, #tpu.memory_space<hbm>> -> memref<112xi32, #tpu.memory_space<hbm>>
    %dma_start3A_220 = tpu.memref_slice %arg3[%add3A_218] : memref<100352xi32, #tpu.memory_space<hbm>> -> memref<112xi32, #tpu.memory_space<hbm>>
    tpu.enqueue_dma source(%dma_start3A_220 : memref<112xi32, #tpu.memory_space<hbm>>) target(%arg7 : memref<112xi32, #tpu.memory_space<vmem>>) target_semaphore(%arg14 : memref<!tpu.dma_semaphore, #tpu.memory_space<semaphore_mem>>)
    "tpu.region"() ({
      %run_scoped3A = tpu.sem_alloc : memref<!tpu.dma_semaphore, #tpu.memory_space<semaphore_mem>>
      %dma_start3A_454 = arith.constant 0 : i32
      %dma_start3A_455 = arith.constant 0 : i32
      %dma_start3A_456 = tpu.memref_slice %arg10[%dma_start3A_454, %dma_start3A_455] : memref<5120x64xf32, #tpu.memory_space<vmem_shared>> -> memref<5120x64xf32, #tpu.memory_space<vmem_shared>>
      tpu.enqueue_indirect_dma source(%arg8 : memref<112x64xf32, #tpu.memory_space<vmem>>) target(%dma_start3A_456 : memref<5120x64xf32, #tpu.memory_space<vmem_shared>>) offsets(%arg6 : memref<112xi32, #tpu.memory_space<vmem>>) semaphore(%run_scoped3A : memref<!tpu.dma_semaphore, #tpu.memory_space<semaphore_mem>>) {add = true}
      %dma_wait3A_457 = arith.constant 0 : i32
      %dma_wait3A_458 = arith.constant 0 : i32
      %dma_wait3A_459 = tpu.memref_slice %arg10[%dma_wait3A_457, %dma_wait3A_458] : memref<5120x64xf32, #tpu.memory_space<vmem_shared>> -> memref<5120x64xf32, #tpu.memory_space<vmem_shared>>
      tpu.wait_indirect_dma semaphore(%run_scoped3A : memref<!tpu.dma_semaphore, #tpu.memory_space<semaphore_mem>>) src(%arg8 : memref<112x64xf32, #tpu.memory_space<vmem>>) dst(%dma_wait3A_459 : memref<5120x64xf32, #tpu.memory_space<vmem_shared>>)
      tpu.yield
    }) : () -> ()
    %dma_wait3A_221 = arith.constant 0 : i32
    %dma_wait3A_222 = tpu.memref_slice %arg2[%add3A_212, %dma_wait3A_221] : memref<50176x128xf32, #tpu.memory_space<hbm>> -> memref<112x64xf32, #tpu.memory_space<hbm>>
    %dma_wait3A_223 = arith.constant 0 : i32
    %dma_wait3A_224 = tpu.memref_slice %arg2[%add3A_212, %dma_wait3A_223] : memref<50176x128xf32, #tpu.memory_space<hbm>> -> memref<112x64xf32, #tpu.memory_space<hbm>>
    tpu.wait_dma2 semaphore(%arg12 : memref<!tpu.dma_semaphore, #tpu.memory_space<semaphore_mem>>) src(%dma_wait3A_224 : memref<112x64xf32, #tpu.memory_space<hbm>>) dst(%arg9 : memref<112x64xf32, #tpu.memory_space<vmem>>)
    %dma_wait3A_225 = tpu.memref_slice %arg3[%add3A_218] : memref<100352xi32, #tpu.memory_space<hbm>> -> memref<112xi32, #tpu.memory_space<hbm>>
    %dma_wait3A_226 = tpu.memref_slice %arg3[%add3A_218] : memref<100352xi32, #tpu.memory_space<hbm>> -> memref<112xi32, #tpu.memory_space<hbm>>
    tpu.wait_dma2 semaphore(%arg14 : memref<!tpu.dma_semaphore, #tpu.memory_space<semaphore_mem>>) src(%dma_wait3A_226 : memref<112xi32, #tpu.memory_space<hbm>>) dst(%arg7 : memref<112xi32, #tpu.memory_space<vmem>>)
    %add3A_227 = arith.constant 1568 : i32
    %add3A_228 = arith.addi %mul3A_2, %add3A_227 : i32
    %dma_start3A_229 = arith.constant 0 : i32
    %dma_start3A_230 = tpu.memref_slice %arg2[%add3A_228, %dma_start3A_229] : memref<50176x128xf32, #tpu.memory_space<hbm>> -> memref<112x64xf32, #tpu.memory_space<hbm>>
    %dma_start3A_231 = arith.constant 0 : i32
    %dma_start3A_232 = tpu.memref_slice %arg2[%add3A_228, %dma_start3A_231] : memref<50176x128xf32, #tpu.memory_space<hbm>> -> memref<112x64xf32, #tpu.memory_space<hbm>>
    tpu.enqueue_dma source(%dma_start3A_232 : memref<112x64xf32, #tpu.memory_space<hbm>>) target(%arg8 : memref<112x64xf32, #tpu.memory_space<vmem>>) target_semaphore(%arg11 : memref<!tpu.dma_semaphore, #tpu.memory_space<semaphore_mem>>)
    %add3A_233 = arith.constant 1568 : i32
    %add3A_234 = arith.addi %add3A, %add3A_233 : i32
    %dma_start3A_235 = tpu.memref_slice %arg3[%add3A_234] : memref<100352xi32, #tpu.memory_space<hbm>> -> memref<112xi32, #tpu.memory_space<hbm>>
    %dma_start3A_236 = tpu.memref_slice %arg3[%add3A_234] : memref<100352xi32, #tpu.memory_space<hbm>> -> memref<112xi32, #tpu.memory_space<hbm>>
    tpu.enqueue_dma source(%dma_start3A_236 : memref<112xi32, #tpu.memory_space<hbm>>) target(%arg6 : memref<112xi32, #tpu.memory_space<vmem>>) target_semaphore(%arg13 : memref<!tpu.dma_semaphore, #tpu.memory_space<semaphore_mem>>)
    "tpu.region"() ({
      %run_scoped3A = tpu.sem_alloc : memref<!tpu.dma_semaphore, #tpu.memory_space<semaphore_mem>>
      %dma_start3A_454 = arith.constant 0 : i32
      %dma_start3A_455 = arith.constant 0 : i32
      %dma_start3A_456 = tpu.memref_slice %arg10[%dma_start3A_454, %dma_start3A_455] : memref<5120x64xf32, #tpu.memory_space<vmem_shared>> -> memref<5120x64xf32, #tpu.memory_space<vmem_shared>>
      tpu.enqueue_indirect_dma source(%arg9 : memref<112x64xf32, #tpu.memory_space<vmem>>) target(%dma_start3A_456 : memref<5120x64xf32, #tpu.memory_space<vmem_shared>>) offsets(%arg7 : memref<112xi32, #tpu.memory_space<vmem>>) semaphore(%run_scoped3A : memref<!tpu.dma_semaphore, #tpu.memory_space<semaphore_mem>>) {add = true}
      %dma_wait3A_457 = arith.constant 0 : i32
      %dma_wait3A_458 = arith.constant 0 : i32
      %dma_wait3A_459 = tpu.memref_slice %arg10[%dma_wait3A_457, %dma_wait3A_458] : memref<5120x64xf32, #tpu.memory_space<vmem_shared>> -> memref<5120x64xf32, #tpu.memory_space<vmem_shared>>
      tpu.wait_indirect_dma semaphore(%run_scoped3A : memref<!tpu.dma_semaphore, #tpu.memory_space<semaphore_mem>>) src(%arg9 : memref<112x64xf32, #tpu.memory_space<vmem>>) dst(%dma_wait3A_459 : memref<5120x64xf32, #tpu.memory_space<vmem_shared>>)
      tpu.yield
    }) : () -> ()
    %dma_wait3A_237 = arith.constant 0 : i32
    %dma_wait3A_238 = tpu.memref_slice %arg2[%add3A_228, %dma_wait3A_237] : memref<50176x128xf32, #tpu.memory_space<hbm>> -> memref<112x64xf32, #tpu.memory_space<hbm>>
    %dma_wait3A_239 = arith.constant 0 : i32
    %dma_wait3A_240 = tpu.memref_slice %arg2[%add3A_228, %dma_wait3A_239] : memref<50176x128xf32, #tpu.memory_space<hbm>> -> memref<112x64xf32, #tpu.memory_space<hbm>>
    tpu.wait_dma2 semaphore(%arg11 : memref<!tpu.dma_semaphore, #tpu.memory_space<semaphore_mem>>) src(%dma_wait3A_240 : memref<112x64xf32, #tpu.memory_space<hbm>>) dst(%arg8 : memref<112x64xf32, #tpu.memory_space<vmem>>)
    %dma_wait3A_241 = tpu.memref_slice %arg3[%add3A_234] : memref<100352xi32, #tpu.memory_space<hbm>> -> memref<112xi32, #tpu.memory_space<hbm>>
    %dma_wait3A_242 = tpu.memref_slice %arg3[%add3A_234] : memref<100352xi32, #tpu.memory_space<hbm>> -> memref<112xi32, #tpu.memory_space<hbm>>
    tpu.wait_dma2 semaphore(%arg13 : memref<!tpu.dma_semaphore, #tpu.memory_space<semaphore_mem>>) src(%dma_wait3A_242 : memref<112xi32, #tpu.memory_space<hbm>>) dst(%arg6 : memref<112xi32, #tpu.memory_space<vmem>>)
    %add3A_243 = arith.constant 1680 : i32
    %add3A_244 = arith.addi %mul3A_2, %add3A_243 : i32
    %dma_start3A_245 = arith.constant 0 : i32
    %dma_start3A_246 = tpu.memref_slice %arg2[%add3A_244, %dma_start3A_245] : memref<50176x128xf32, #tpu.memory_space<hbm>> -> memref<112x64xf32, #tpu.memory_space<hbm>>
    %dma_start3A_247 = arith.constant 0 : i32
    %dma_start3A_248 = tpu.memref_slice %arg2[%add3A_244, %dma_start3A_247] : memref<50176x128xf32, #tpu.memory_space<hbm>> -> memref<112x64xf32, #tpu.memory_space<hbm>>
    tpu.enqueue_dma source(%dma_start3A_248 : memref<112x64xf32, #tpu.memory_space<hbm>>) target(%arg9 : memref<112x64xf32, #tpu.memory_space<vmem>>) target_semaphore(%arg12 : memref<!tpu.dma_semaphore, #tpu.memory_space<semaphore_mem>>)
    %add3A_249 = arith.constant 1680 : i32
    %add3A_250 = arith.addi %add3A, %add3A_249 : i32
    %dma_start3A_251 = tpu.memref_slice %arg3[%add3A_250] : memref<100352xi32, #tpu.memory_space<hbm>> -> memref<112xi32, #tpu.memory_space<hbm>>
    %dma_start3A_252 = tpu.memref_slice %arg3[%add3A_250] : memref<100352xi32, #tpu.memory_space<hbm>> -> memref<112xi32, #tpu.memory_space<hbm>>
    tpu.enqueue_dma source(%dma_start3A_252 : memref<112xi32, #tpu.memory_space<hbm>>) target(%arg7 : memref<112xi32, #tpu.memory_space<vmem>>) target_semaphore(%arg14 : memref<!tpu.dma_semaphore, #tpu.memory_space<semaphore_mem>>)
    "tpu.region"() ({
      %run_scoped3A = tpu.sem_alloc : memref<!tpu.dma_semaphore, #tpu.memory_space<semaphore_mem>>
      %dma_start3A_454 = arith.constant 0 : i32
      %dma_start3A_455 = arith.constant 0 : i32
      %dma_start3A_456 = tpu.memref_slice %arg10[%dma_start3A_454, %dma_start3A_455] : memref<5120x64xf32, #tpu.memory_space<vmem_shared>> -> memref<5120x64xf32, #tpu.memory_space<vmem_shared>>
      tpu.enqueue_indirect_dma source(%arg8 : memref<112x64xf32, #tpu.memory_space<vmem>>) target(%dma_start3A_456 : memref<5120x64xf32, #tpu.memory_space<vmem_shared>>) offsets(%arg6 : memref<112xi32, #tpu.memory_space<vmem>>) semaphore(%run_scoped3A : memref<!tpu.dma_semaphore, #tpu.memory_space<semaphore_mem>>) {add = true}
      %dma_wait3A_457 = arith.constant 0 : i32
      %dma_wait3A_458 = arith.constant 0 : i32
      %dma_wait3A_459 = tpu.memref_slice %arg10[%dma_wait3A_457, %dma_wait3A_458] : memref<5120x64xf32, #tpu.memory_space<vmem_shared>> -> memref<5120x64xf32, #tpu.memory_space<vmem_shared>>
      tpu.wait_indirect_dma semaphore(%run_scoped3A : memref<!tpu.dma_semaphore, #tpu.memory_space<semaphore_mem>>) src(%arg8 : memref<112x64xf32, #tpu.memory_space<vmem>>) dst(%dma_wait3A_459 : memref<5120x64xf32, #tpu.memory_space<vmem_shared>>)
      tpu.yield
    }) : () -> ()
    %dma_wait3A_253 = arith.constant 0 : i32
    %dma_wait3A_254 = tpu.memref_slice %arg2[%add3A_244, %dma_wait3A_253] : memref<50176x128xf32, #tpu.memory_space<hbm>> -> memref<112x64xf32, #tpu.memory_space<hbm>>
    %dma_wait3A_255 = arith.constant 0 : i32
    %dma_wait3A_256 = tpu.memref_slice %arg2[%add3A_244, %dma_wait3A_255] : memref<50176x128xf32, #tpu.memory_space<hbm>> -> memref<112x64xf32, #tpu.memory_space<hbm>>
    tpu.wait_dma2 semaphore(%arg12 : memref<!tpu.dma_semaphore, #tpu.memory_space<semaphore_mem>>) src(%dma_wait3A_256 : memref<112x64xf32, #tpu.memory_space<hbm>>) dst(%arg9 : memref<112x64xf32, #tpu.memory_space<vmem>>)
    %dma_wait3A_257 = tpu.memref_slice %arg3[%add3A_250] : memref<100352xi32, #tpu.memory_space<hbm>> -> memref<112xi32, #tpu.memory_space<hbm>>
    %dma_wait3A_258 = tpu.memref_slice %arg3[%add3A_250] : memref<100352xi32, #tpu.memory_space<hbm>> -> memref<112xi32, #tpu.memory_space<hbm>>
    tpu.wait_dma2 semaphore(%arg14 : memref<!tpu.dma_semaphore, #tpu.memory_space<semaphore_mem>>) src(%dma_wait3A_258 : memref<112xi32, #tpu.memory_space<hbm>>) dst(%arg7 : memref<112xi32, #tpu.memory_space<vmem>>)
    %add3A_259 = arith.constant 1792 : i32
    %add3A_260 = arith.addi %mul3A_2, %add3A_259 : i32
    %dma_start3A_261 = arith.constant 0 : i32
    %dma_start3A_262 = tpu.memref_slice %arg2[%add3A_260, %dma_start3A_261] : memref<50176x128xf32, #tpu.memory_space<hbm>> -> memref<112x64xf32, #tpu.memory_space<hbm>>
    %dma_start3A_263 = arith.constant 0 : i32
    %dma_start3A_264 = tpu.memref_slice %arg2[%add3A_260, %dma_start3A_263] : memref<50176x128xf32, #tpu.memory_space<hbm>> -> memref<112x64xf32, #tpu.memory_space<hbm>>
    tpu.enqueue_dma source(%dma_start3A_264 : memref<112x64xf32, #tpu.memory_space<hbm>>) target(%arg8 : memref<112x64xf32, #tpu.memory_space<vmem>>) target_semaphore(%arg11 : memref<!tpu.dma_semaphore, #tpu.memory_space<semaphore_mem>>)
    %add3A_265 = arith.constant 1792 : i32
    %add3A_266 = arith.addi %add3A, %add3A_265 : i32
    %dma_start3A_267 = tpu.memref_slice %arg3[%add3A_266] : memref<100352xi32, #tpu.memory_space<hbm>> -> memref<112xi32, #tpu.memory_space<hbm>>
    %dma_start3A_268 = tpu.memref_slice %arg3[%add3A_266] : memref<100352xi32, #tpu.memory_space<hbm>> -> memref<112xi32, #tpu.memory_space<hbm>>
    tpu.enqueue_dma source(%dma_start3A_268 : memref<112xi32, #tpu.memory_space<hbm>>) target(%arg6 : memref<112xi32, #tpu.memory_space<vmem>>) target_semaphore(%arg13 : memref<!tpu.dma_semaphore, #tpu.memory_space<semaphore_mem>>)
    "tpu.region"() ({
      %run_scoped3A = tpu.sem_alloc : memref<!tpu.dma_semaphore, #tpu.memory_space<semaphore_mem>>
      %dma_start3A_454 = arith.constant 0 : i32
      %dma_start3A_455 = arith.constant 0 : i32
      %dma_start3A_456 = tpu.memref_slice %arg10[%dma_start3A_454, %dma_start3A_455] : memref<5120x64xf32, #tpu.memory_space<vmem_shared>> -> memref<5120x64xf32, #tpu.memory_space<vmem_shared>>
      tpu.enqueue_indirect_dma source(%arg9 : memref<112x64xf32, #tpu.memory_space<vmem>>) target(%dma_start3A_456 : memref<5120x64xf32, #tpu.memory_space<vmem_shared>>) offsets(%arg7 : memref<112xi32, #tpu.memory_space<vmem>>) semaphore(%run_scoped3A : memref<!tpu.dma_semaphore, #tpu.memory_space<semaphore_mem>>) {add = true}
      %dma_wait3A_457 = arith.constant 0 : i32
      %dma_wait3A_458 = arith.constant 0 : i32
      %dma_wait3A_459 = tpu.memref_slice %arg10[%dma_wait3A_457, %dma_wait3A_458] : memref<5120x64xf32, #tpu.memory_space<vmem_shared>> -> memref<5120x64xf32, #tpu.memory_space<vmem_shared>>
      tpu.wait_indirect_dma semaphore(%run_scoped3A : memref<!tpu.dma_semaphore, #tpu.memory_space<semaphore_mem>>) src(%arg9 : memref<112x64xf32, #tpu.memory_space<vmem>>) dst(%dma_wait3A_459 : memref<5120x64xf32, #tpu.memory_space<vmem_shared>>)
      tpu.yield
    }) : () -> ()
    %dma_wait3A_269 = arith.constant 0 : i32
    %dma_wait3A_270 = tpu.memref_slice %arg2[%add3A_260, %dma_wait3A_269] : memref<50176x128xf32, #tpu.memory_space<hbm>> -> memref<112x64xf32, #tpu.memory_space<hbm>>
    %dma_wait3A_271 = arith.constant 0 : i32
    %dma_wait3A_272 = tpu.memref_slice %arg2[%add3A_260, %dma_wait3A_271] : memref<50176x128xf32, #tpu.memory_space<hbm>> -> memref<112x64xf32, #tpu.memory_space<hbm>>
    tpu.wait_dma2 semaphore(%arg11 : memref<!tpu.dma_semaphore, #tpu.memory_space<semaphore_mem>>) src(%dma_wait3A_272 : memref<112x64xf32, #tpu.memory_space<hbm>>) dst(%arg8 : memref<112x64xf32, #tpu.memory_space<vmem>>)
    %dma_wait3A_273 = tpu.memref_slice %arg3[%add3A_266] : memref<100352xi32, #tpu.memory_space<hbm>> -> memref<112xi32, #tpu.memory_space<hbm>>
    %dma_wait3A_274 = tpu.memref_slice %arg3[%add3A_266] : memref<100352xi32, #tpu.memory_space<hbm>> -> memref<112xi32, #tpu.memory_space<hbm>>
    tpu.wait_dma2 semaphore(%arg13 : memref<!tpu.dma_semaphore, #tpu.memory_space<semaphore_mem>>) src(%dma_wait3A_274 : memref<112xi32, #tpu.memory_space<hbm>>) dst(%arg6 : memref<112xi32, #tpu.memory_space<vmem>>)
    %add3A_275 = arith.constant 1904 : i32
    %add3A_276 = arith.addi %mul3A_2, %add3A_275 : i32
    %dma_start3A_277 = arith.constant 0 : i32
    %dma_start3A_278 = tpu.memref_slice %arg2[%add3A_276, %dma_start3A_277] : memref<50176x128xf32, #tpu.memory_space<hbm>> -> memref<112x64xf32, #tpu.memory_space<hbm>>
    %dma_start3A_279 = arith.constant 0 : i32
    %dma_start3A_280 = tpu.memref_slice %arg2[%add3A_276, %dma_start3A_279] : memref<50176x128xf32, #tpu.memory_space<hbm>> -> memref<112x64xf32, #tpu.memory_space<hbm>>
    tpu.enqueue_dma source(%dma_start3A_280 : memref<112x64xf32, #tpu.memory_space<hbm>>) target(%arg9 : memref<112x64xf32, #tpu.memory_space<vmem>>) target_semaphore(%arg12 : memref<!tpu.dma_semaphore, #tpu.memory_space<semaphore_mem>>)
    %add3A_281 = arith.constant 1904 : i32
    %add3A_282 = arith.addi %add3A, %add3A_281 : i32
    %dma_start3A_283 = tpu.memref_slice %arg3[%add3A_282] : memref<100352xi32, #tpu.memory_space<hbm>> -> memref<112xi32, #tpu.memory_space<hbm>>
    %dma_start3A_284 = tpu.memref_slice %arg3[%add3A_282] : memref<100352xi32, #tpu.memory_space<hbm>> -> memref<112xi32, #tpu.memory_space<hbm>>
    tpu.enqueue_dma source(%dma_start3A_284 : memref<112xi32, #tpu.memory_space<hbm>>) target(%arg7 : memref<112xi32, #tpu.memory_space<vmem>>) target_semaphore(%arg14 : memref<!tpu.dma_semaphore, #tpu.memory_space<semaphore_mem>>)
    "tpu.region"() ({
      %run_scoped3A = tpu.sem_alloc : memref<!tpu.dma_semaphore, #tpu.memory_space<semaphore_mem>>
      %dma_start3A_454 = arith.constant 0 : i32
      %dma_start3A_455 = arith.constant 0 : i32
      %dma_start3A_456 = tpu.memref_slice %arg10[%dma_start3A_454, %dma_start3A_455] : memref<5120x64xf32, #tpu.memory_space<vmem_shared>> -> memref<5120x64xf32, #tpu.memory_space<vmem_shared>>
      tpu.enqueue_indirect_dma source(%arg8 : memref<112x64xf32, #tpu.memory_space<vmem>>) target(%dma_start3A_456 : memref<5120x64xf32, #tpu.memory_space<vmem_shared>>) offsets(%arg6 : memref<112xi32, #tpu.memory_space<vmem>>) semaphore(%run_scoped3A : memref<!tpu.dma_semaphore, #tpu.memory_space<semaphore_mem>>) {add = true}
      %dma_wait3A_457 = arith.constant 0 : i32
      %dma_wait3A_458 = arith.constant 0 : i32
      %dma_wait3A_459 = tpu.memref_slice %arg10[%dma_wait3A_457, %dma_wait3A_458] : memref<5120x64xf32, #tpu.memory_space<vmem_shared>> -> memref<5120x64xf32, #tpu.memory_space<vmem_shared>>
      tpu.wait_indirect_dma semaphore(%run_scoped3A : memref<!tpu.dma_semaphore, #tpu.memory_space<semaphore_mem>>) src(%arg8 : memref<112x64xf32, #tpu.memory_space<vmem>>) dst(%dma_wait3A_459 : memref<5120x64xf32, #tpu.memory_space<vmem_shared>>)
      tpu.yield
    }) : () -> ()
    %dma_wait3A_285 = arith.constant 0 : i32
    %dma_wait3A_286 = tpu.memref_slice %arg2[%add3A_276, %dma_wait3A_285] : memref<50176x128xf32, #tpu.memory_space<hbm>> -> memref<112x64xf32, #tpu.memory_space<hbm>>
    %dma_wait3A_287 = arith.constant 0 : i32
    %dma_wait3A_288 = tpu.memref_slice %arg2[%add3A_276, %dma_wait3A_287] : memref<50176x128xf32, #tpu.memory_space<hbm>> -> memref<112x64xf32, #tpu.memory_space<hbm>>
    tpu.wait_dma2 semaphore(%arg12 : memref<!tpu.dma_semaphore, #tpu.memory_space<semaphore_mem>>) src(%dma_wait3A_288 : memref<112x64xf32, #tpu.memory_space<hbm>>) dst(%arg9 : memref<112x64xf32, #tpu.memory_space<vmem>>)
    %dma_wait3A_289 = tpu.memref_slice %arg3[%add3A_282] : memref<100352xi32, #tpu.memory_space<hbm>> -> memref<112xi32, #tpu.memory_space<hbm>>
    %dma_wait3A_290 = tpu.memref_slice %arg3[%add3A_282] : memref<100352xi32, #tpu.memory_space<hbm>> -> memref<112xi32, #tpu.memory_space<hbm>>
    tpu.wait_dma2 semaphore(%arg14 : memref<!tpu.dma_semaphore, #tpu.memory_space<semaphore_mem>>) src(%dma_wait3A_290 : memref<112xi32, #tpu.memory_space<hbm>>) dst(%arg7 : memref<112xi32, #tpu.memory_space<vmem>>)
    %add3A_291 = arith.constant 2016 : i32
    %add3A_292 = arith.addi %mul3A_2, %add3A_291 : i32
    %dma_start3A_293 = arith.constant 0 : i32
    %dma_start3A_294 = tpu.memref_slice %arg2[%add3A_292, %dma_start3A_293] : memref<50176x128xf32, #tpu.memory_space<hbm>> -> memref<112x64xf32, #tpu.memory_space<hbm>>
    %dma_start3A_295 = arith.constant 0 : i32
    %dma_start3A_296 = tpu.memref_slice %arg2[%add3A_292, %dma_start3A_295] : memref<50176x128xf32, #tpu.memory_space<hbm>> -> memref<112x64xf32, #tpu.memory_space<hbm>>
    tpu.enqueue_dma source(%dma_start3A_296 : memref<112x64xf32, #tpu.memory_space<hbm>>) target(%arg8 : memref<112x64xf32, #tpu.memory_space<vmem>>) target_semaphore(%arg11 : memref<!tpu.dma_semaphore, #tpu.memory_space<semaphore_mem>>)
    %add3A_297 = arith.constant 2016 : i32
    %add3A_298 = arith.addi %add3A, %add3A_297 : i32
    %dma_start3A_299 = tpu.memref_slice %arg3[%add3A_298] : memref<100352xi32, #tpu.memory_space<hbm>> -> memref<112xi32, #tpu.memory_space<hbm>>
    %dma_start3A_300 = tpu.memref_slice %arg3[%add3A_298] : memref<100352xi32, #tpu.memory_space<hbm>> -> memref<112xi32, #tpu.memory_space<hbm>>
    tpu.enqueue_dma source(%dma_start3A_300 : memref<112xi32, #tpu.memory_space<hbm>>) target(%arg6 : memref<112xi32, #tpu.memory_space<vmem>>) target_semaphore(%arg13 : memref<!tpu.dma_semaphore, #tpu.memory_space<semaphore_mem>>)
    "tpu.region"() ({
      %run_scoped3A = tpu.sem_alloc : memref<!tpu.dma_semaphore, #tpu.memory_space<semaphore_mem>>
      %dma_start3A_454 = arith.constant 0 : i32
      %dma_start3A_455 = arith.constant 0 : i32
      %dma_start3A_456 = tpu.memref_slice %arg10[%dma_start3A_454, %dma_start3A_455] : memref<5120x64xf32, #tpu.memory_space<vmem_shared>> -> memref<5120x64xf32, #tpu.memory_space<vmem_shared>>
      tpu.enqueue_indirect_dma source(%arg9 : memref<112x64xf32, #tpu.memory_space<vmem>>) target(%dma_start3A_456 : memref<5120x64xf32, #tpu.memory_space<vmem_shared>>) offsets(%arg7 : memref<112xi32, #tpu.memory_space<vmem>>) semaphore(%run_scoped3A : memref<!tpu.dma_semaphore, #tpu.memory_space<semaphore_mem>>) {add = true}
      %dma_wait3A_457 = arith.constant 0 : i32
      %dma_wait3A_458 = arith.constant 0 : i32
      %dma_wait3A_459 = tpu.memref_slice %arg10[%dma_wait3A_457, %dma_wait3A_458] : memref<5120x64xf32, #tpu.memory_space<vmem_shared>> -> memref<5120x64xf32, #tpu.memory_space<vmem_shared>>
      tpu.wait_indirect_dma semaphore(%run_scoped3A : memref<!tpu.dma_semaphore, #tpu.memory_space<semaphore_mem>>) src(%arg9 : memref<112x64xf32, #tpu.memory_space<vmem>>) dst(%dma_wait3A_459 : memref<5120x64xf32, #tpu.memory_space<vmem_shared>>)
      tpu.yield
    }) : () -> ()
    %dma_wait3A_301 = arith.constant 0 : i32
    %dma_wait3A_302 = tpu.memref_slice %arg2[%add3A_292, %dma_wait3A_301] : memref<50176x128xf32, #tpu.memory_space<hbm>> -> memref<112x64xf32, #tpu.memory_space<hbm>>
    %dma_wait3A_303 = arith.constant 0 : i32
    %dma_wait3A_304 = tpu.memref_slice %arg2[%add3A_292, %dma_wait3A_303] : memref<50176x128xf32, #tpu.memory_space<hbm>> -> memref<112x64xf32, #tpu.memory_space<hbm>>
    tpu.wait_dma2 semaphore(%arg11 : memref<!tpu.dma_semaphore, #tpu.memory_space<semaphore_mem>>) src(%dma_wait3A_304 : memref<112x64xf32, #tpu.memory_space<hbm>>) dst(%arg8 : memref<112x64xf32, #tpu.memory_space<vmem>>)
    %dma_wait3A_305 = tpu.memref_slice %arg3[%add3A_298] : memref<100352xi32, #tpu.memory_space<hbm>> -> memref<112xi32, #tpu.memory_space<hbm>>
    %dma_wait3A_306 = tpu.memref_slice %arg3[%add3A_298] : memref<100352xi32, #tpu.memory_space<hbm>> -> memref<112xi32, #tpu.memory_space<hbm>>
    tpu.wait_dma2 semaphore(%arg13 : memref<!tpu.dma_semaphore, #tpu.memory_space<semaphore_mem>>) src(%dma_wait3A_306 : memref<112xi32, #tpu.memory_space<hbm>>) dst(%arg6 : memref<112xi32, #tpu.memory_space<vmem>>)
    %add3A_307 = arith.constant 2128 : i32
    %add3A_308 = arith.addi %mul3A_2, %add3A_307 : i32
    %dma_start3A_309 = arith.constant 0 : i32
    %dma_start3A_310 = tpu.memref_slice %arg2[%add3A_308, %dma_start3A_309] : memref<50176x128xf32, #tpu.memory_space<hbm>> -> memref<112x64xf32, #tpu.memory_space<hbm>>
    %dma_start3A_311 = arith.constant 0 : i32
    %dma_start3A_312 = tpu.memref_slice %arg2[%add3A_308, %dma_start3A_311] : memref<50176x128xf32, #tpu.memory_space<hbm>> -> memref<112x64xf32, #tpu.memory_space<hbm>>
    tpu.enqueue_dma source(%dma_start3A_312 : memref<112x64xf32, #tpu.memory_space<hbm>>) target(%arg9 : memref<112x64xf32, #tpu.memory_space<vmem>>) target_semaphore(%arg12 : memref<!tpu.dma_semaphore, #tpu.memory_space<semaphore_mem>>)
    %add3A_313 = arith.constant 2128 : i32
    %add3A_314 = arith.addi %add3A, %add3A_313 : i32
    %dma_start3A_315 = tpu.memref_slice %arg3[%add3A_314] : memref<100352xi32, #tpu.memory_space<hbm>> -> memref<112xi32, #tpu.memory_space<hbm>>
    %dma_start3A_316 = tpu.memref_slice %arg3[%add3A_314] : memref<100352xi32, #tpu.memory_space<hbm>> -> memref<112xi32, #tpu.memory_space<hbm>>
    tpu.enqueue_dma source(%dma_start3A_316 : memref<112xi32, #tpu.memory_space<hbm>>) target(%arg7 : memref<112xi32, #tpu.memory_space<vmem>>) target_semaphore(%arg14 : memref<!tpu.dma_semaphore, #tpu.memory_space<semaphore_mem>>)
    "tpu.region"() ({
      %run_scoped3A = tpu.sem_alloc : memref<!tpu.dma_semaphore, #tpu.memory_space<semaphore_mem>>
      %dma_start3A_454 = arith.constant 0 : i32
      %dma_start3A_455 = arith.constant 0 : i32
      %dma_start3A_456 = tpu.memref_slice %arg10[%dma_start3A_454, %dma_start3A_455] : memref<5120x64xf32, #tpu.memory_space<vmem_shared>> -> memref<5120x64xf32, #tpu.memory_space<vmem_shared>>
      tpu.enqueue_indirect_dma source(%arg8 : memref<112x64xf32, #tpu.memory_space<vmem>>) target(%dma_start3A_456 : memref<5120x64xf32, #tpu.memory_space<vmem_shared>>) offsets(%arg6 : memref<112xi32, #tpu.memory_space<vmem>>) semaphore(%run_scoped3A : memref<!tpu.dma_semaphore, #tpu.memory_space<semaphore_mem>>) {add = true}
      %dma_wait3A_457 = arith.constant 0 : i32
      %dma_wait3A_458 = arith.constant 0 : i32
      %dma_wait3A_459 = tpu.memref_slice %arg10[%dma_wait3A_457, %dma_wait3A_458] : memref<5120x64xf32, #tpu.memory_space<vmem_shared>> -> memref<5120x64xf32, #tpu.memory_space<vmem_shared>>
      tpu.wait_indirect_dma semaphore(%run_scoped3A : memref<!tpu.dma_semaphore, #tpu.memory_space<semaphore_mem>>) src(%arg8 : memref<112x64xf32, #tpu.memory_space<vmem>>) dst(%dma_wait3A_459 : memref<5120x64xf32, #tpu.memory_space<vmem_shared>>)
      tpu.yield
    }) : () -> ()
    %dma_wait3A_317 = arith.constant 0 : i32
    %dma_wait3A_318 = tpu.memref_slice %arg2[%add3A_308, %dma_wait3A_317] : memref<50176x128xf32, #tpu.memory_space<hbm>> -> memref<112x64xf32, #tpu.memory_space<hbm>>
    %dma_wait3A_319 = arith.constant 0 : i32
    %dma_wait3A_320 = tpu.memref_slice %arg2[%add3A_308, %dma_wait3A_319] : memref<50176x128xf32, #tpu.memory_space<hbm>> -> memref<112x64xf32, #tpu.memory_space<hbm>>
    tpu.wait_dma2 semaphore(%arg12 : memref<!tpu.dma_semaphore, #tpu.memory_space<semaphore_mem>>) src(%dma_wait3A_320 : memref<112x64xf32, #tpu.memory_space<hbm>>) dst(%arg9 : memref<112x64xf32, #tpu.memory_space<vmem>>)
    %dma_wait3A_321 = tpu.memref_slice %arg3[%add3A_314] : memref<100352xi32, #tpu.memory_space<hbm>> -> memref<112xi32, #tpu.memory_space<hbm>>
    %dma_wait3A_322 = tpu.memref_slice %arg3[%add3A_314] : memref<100352xi32, #tpu.memory_space<hbm>> -> memref<112xi32, #tpu.memory_space<hbm>>
    tpu.wait_dma2 semaphore(%arg14 : memref<!tpu.dma_semaphore, #tpu.memory_space<semaphore_mem>>) src(%dma_wait3A_322 : memref<112xi32, #tpu.memory_space<hbm>>) dst(%arg7 : memref<112xi32, #tpu.memory_space<vmem>>)
    %add3A_323 = arith.constant 2240 : i32
    %add3A_324 = arith.addi %mul3A_2, %add3A_323 : i32
    %dma_start3A_325 = arith.constant 0 : i32
    %dma_start3A_326 = tpu.memref_slice %arg2[%add3A_324, %dma_start3A_325] : memref<50176x128xf32, #tpu.memory_space<hbm>> -> memref<112x64xf32, #tpu.memory_space<hbm>>
    %dma_start3A_327 = arith.constant 0 : i32
    %dma_start3A_328 = tpu.memref_slice %arg2[%add3A_324, %dma_start3A_327] : memref<50176x128xf32, #tpu.memory_space<hbm>> -> memref<112x64xf32, #tpu.memory_space<hbm>>
    tpu.enqueue_dma source(%dma_start3A_328 : memref<112x64xf32, #tpu.memory_space<hbm>>) target(%arg8 : memref<112x64xf32, #tpu.memory_space<vmem>>) target_semaphore(%arg11 : memref<!tpu.dma_semaphore, #tpu.memory_space<semaphore_mem>>)
    %add3A_329 = arith.constant 2240 : i32
    %add3A_330 = arith.addi %add3A, %add3A_329 : i32
    %dma_start3A_331 = tpu.memref_slice %arg3[%add3A_330] : memref<100352xi32, #tpu.memory_space<hbm>> -> memref<112xi32, #tpu.memory_space<hbm>>
    %dma_start3A_332 = tpu.memref_slice %arg3[%add3A_330] : memref<100352xi32, #tpu.memory_space<hbm>> -> memref<112xi32, #tpu.memory_space<hbm>>
    tpu.enqueue_dma source(%dma_start3A_332 : memref<112xi32, #tpu.memory_space<hbm>>) target(%arg6 : memref<112xi32, #tpu.memory_space<vmem>>) target_semaphore(%arg13 : memref<!tpu.dma_semaphore, #tpu.memory_space<semaphore_mem>>)
    "tpu.region"() ({
      %run_scoped3A = tpu.sem_alloc : memref<!tpu.dma_semaphore, #tpu.memory_space<semaphore_mem>>
      %dma_start3A_454 = arith.constant 0 : i32
      %dma_start3A_455 = arith.constant 0 : i32
      %dma_start3A_456 = tpu.memref_slice %arg10[%dma_start3A_454, %dma_start3A_455] : memref<5120x64xf32, #tpu.memory_space<vmem_shared>> -> memref<5120x64xf32, #tpu.memory_space<vmem_shared>>
      tpu.enqueue_indirect_dma source(%arg9 : memref<112x64xf32, #tpu.memory_space<vmem>>) target(%dma_start3A_456 : memref<5120x64xf32, #tpu.memory_space<vmem_shared>>) offsets(%arg7 : memref<112xi32, #tpu.memory_space<vmem>>) semaphore(%run_scoped3A : memref<!tpu.dma_semaphore, #tpu.memory_space<semaphore_mem>>) {add = true}
      %dma_wait3A_457 = arith.constant 0 : i32
      %dma_wait3A_458 = arith.constant 0 : i32
      %dma_wait3A_459 = tpu.memref_slice %arg10[%dma_wait3A_457, %dma_wait3A_458] : memref<5120x64xf32, #tpu.memory_space<vmem_shared>> -> memref<5120x64xf32, #tpu.memory_space<vmem_shared>>
      tpu.wait_indirect_dma semaphore(%run_scoped3A : memref<!tpu.dma_semaphore, #tpu.memory_space<semaphore_mem>>) src(%arg9 : memref<112x64xf32, #tpu.memory_space<vmem>>) dst(%dma_wait3A_459 : memref<5120x64xf32, #tpu.memory_space<vmem_shared>>)
      tpu.yield
    }) : () -> ()
    %dma_wait3A_333 = arith.constant 0 : i32
    %dma_wait3A_334 = tpu.memref_slice %arg2[%add3A_324, %dma_wait3A_333] : memref<50176x128xf32, #tpu.memory_space<hbm>> -> memref<112x64xf32, #tpu.memory_space<hbm>>
    %dma_wait3A_335 = arith.constant 0 : i32
    %dma_wait3A_336 = tpu.memref_slice %arg2[%add3A_324, %dma_wait3A_335] : memref<50176x128xf32, #tpu.memory_space<hbm>> -> memref<112x64xf32, #tpu.memory_space<hbm>>
    tpu.wait_dma2 semaphore(%arg11 : memref<!tpu.dma_semaphore, #tpu.memory_space<semaphore_mem>>) src(%dma_wait3A_336 : memref<112x64xf32, #tpu.memory_space<hbm>>) dst(%arg8 : memref<112x64xf32, #tpu.memory_space<vmem>>)
    %dma_wait3A_337 = tpu.memref_slice %arg3[%add3A_330] : memref<100352xi32, #tpu.memory_space<hbm>> -> memref<112xi32, #tpu.memory_space<hbm>>
    %dma_wait3A_338 = tpu.memref_slice %arg3[%add3A_330] : memref<100352xi32, #tpu.memory_space<hbm>> -> memref<112xi32, #tpu.memory_space<hbm>>
    tpu.wait_dma2 semaphore(%arg13 : memref<!tpu.dma_semaphore, #tpu.memory_space<semaphore_mem>>) src(%dma_wait3A_338 : memref<112xi32, #tpu.memory_space<hbm>>) dst(%arg6 : memref<112xi32, #tpu.memory_space<vmem>>)
    %add3A_339 = arith.constant 2352 : i32
    %add3A_340 = arith.addi %mul3A_2, %add3A_339 : i32
    %dma_start3A_341 = arith.constant 0 : i32
    %dma_start3A_342 = tpu.memref_slice %arg2[%add3A_340, %dma_start3A_341] : memref<50176x128xf32, #tpu.memory_space<hbm>> -> memref<112x64xf32, #tpu.memory_space<hbm>>
    %dma_start3A_343 = arith.constant 0 : i32
    %dma_start3A_344 = tpu.memref_slice %arg2[%add3A_340, %dma_start3A_343] : memref<50176x128xf32, #tpu.memory_space<hbm>> -> memref<112x64xf32, #tpu.memory_space<hbm>>
    tpu.enqueue_dma source(%dma_start3A_344 : memref<112x64xf32, #tpu.memory_space<hbm>>) target(%arg9 : memref<112x64xf32, #tpu.memory_space<vmem>>) target_semaphore(%arg12 : memref<!tpu.dma_semaphore, #tpu.memory_space<semaphore_mem>>)
    %add3A_345 = arith.constant 2352 : i32
    %add3A_346 = arith.addi %add3A, %add3A_345 : i32
    %dma_start3A_347 = tpu.memref_slice %arg3[%add3A_346] : memref<100352xi32, #tpu.memory_space<hbm>> -> memref<112xi32, #tpu.memory_space<hbm>>
    %dma_start3A_348 = tpu.memref_slice %arg3[%add3A_346] : memref<100352xi32, #tpu.memory_space<hbm>> -> memref<112xi32, #tpu.memory_space<hbm>>
    tpu.enqueue_dma source(%dma_start3A_348 : memref<112xi32, #tpu.memory_space<hbm>>) target(%arg7 : memref<112xi32, #tpu.memory_space<vmem>>) target_semaphore(%arg14 : memref<!tpu.dma_semaphore, #tpu.memory_space<semaphore_mem>>)
    "tpu.region"() ({
      %run_scoped3A = tpu.sem_alloc : memref<!tpu.dma_semaphore, #tpu.memory_space<semaphore_mem>>
      %dma_start3A_454 = arith.constant 0 : i32
      %dma_start3A_455 = arith.constant 0 : i32
      %dma_start3A_456 = tpu.memref_slice %arg10[%dma_start3A_454, %dma_start3A_455] : memref<5120x64xf32, #tpu.memory_space<vmem_shared>> -> memref<5120x64xf32, #tpu.memory_space<vmem_shared>>
      tpu.enqueue_indirect_dma source(%arg8 : memref<112x64xf32, #tpu.memory_space<vmem>>) target(%dma_start3A_456 : memref<5120x64xf32, #tpu.memory_space<vmem_shared>>) offsets(%arg6 : memref<112xi32, #tpu.memory_space<vmem>>) semaphore(%run_scoped3A : memref<!tpu.dma_semaphore, #tpu.memory_space<semaphore_mem>>) {add = true}
      %dma_wait3A_457 = arith.constant 0 : i32
      %dma_wait3A_458 = arith.constant 0 : i32
      %dma_wait3A_459 = tpu.memref_slice %arg10[%dma_wait3A_457, %dma_wait3A_458] : memref<5120x64xf32, #tpu.memory_space<vmem_shared>> -> memref<5120x64xf32, #tpu.memory_space<vmem_shared>>
      tpu.wait_indirect_dma semaphore(%run_scoped3A : memref<!tpu.dma_semaphore, #tpu.memory_space<semaphore_mem>>) src(%arg8 : memref<112x64xf32, #tpu.memory_space<vmem>>) dst(%dma_wait3A_459 : memref<5120x64xf32, #tpu.memory_space<vmem_shared>>)
      tpu.yield
    }) : () -> ()
    %dma_wait3A_349 = arith.constant 0 : i32
    %dma_wait3A_350 = tpu.memref_slice %arg2[%add3A_340, %dma_wait3A_349] : memref<50176x128xf32, #tpu.memory_space<hbm>> -> memref<112x64xf32, #tpu.memory_space<hbm>>
    %dma_wait3A_351 = arith.constant 0 : i32
    %dma_wait3A_352 = tpu.memref_slice %arg2[%add3A_340, %dma_wait3A_351] : memref<50176x128xf32, #tpu.memory_space<hbm>> -> memref<112x64xf32, #tpu.memory_space<hbm>>
    tpu.wait_dma2 semaphore(%arg12 : memref<!tpu.dma_semaphore, #tpu.memory_space<semaphore_mem>>) src(%dma_wait3A_352 : memref<112x64xf32, #tpu.memory_space<hbm>>) dst(%arg9 : memref<112x64xf32, #tpu.memory_space<vmem>>)
    %dma_wait3A_353 = tpu.memref_slice %arg3[%add3A_346] : memref<100352xi32, #tpu.memory_space<hbm>> -> memref<112xi32, #tpu.memory_space<hbm>>
    %dma_wait3A_354 = tpu.memref_slice %arg3[%add3A_346] : memref<100352xi32, #tpu.memory_space<hbm>> -> memref<112xi32, #tpu.memory_space<hbm>>
    tpu.wait_dma2 semaphore(%arg14 : memref<!tpu.dma_semaphore, #tpu.memory_space<semaphore_mem>>) src(%dma_wait3A_354 : memref<112xi32, #tpu.memory_space<hbm>>) dst(%arg7 : memref<112xi32, #tpu.memory_space<vmem>>)
    %add3A_355 = arith.constant 2464 : i32
    %add3A_356 = arith.addi %mul3A_2, %add3A_355 : i32
    %dma_start3A_357 = arith.constant 0 : i32
    %dma_start3A_358 = tpu.memref_slice %arg2[%add3A_356, %dma_start3A_357] : memref<50176x128xf32, #tpu.memory_space<hbm>> -> memref<112x64xf32, #tpu.memory_space<hbm>>
    %dma_start3A_359 = arith.constant 0 : i32
    %dma_start3A_360 = tpu.memref_slice %arg2[%add3A_356, %dma_start3A_359] : memref<50176x128xf32, #tpu.memory_space<hbm>> -> memref<112x64xf32, #tpu.memory_space<hbm>>
    tpu.enqueue_dma source(%dma_start3A_360 : memref<112x64xf32, #tpu.memory_space<hbm>>) target(%arg8 : memref<112x64xf32, #tpu.memory_space<vmem>>) target_semaphore(%arg11 : memref<!tpu.dma_semaphore, #tpu.memory_space<semaphore_mem>>)
    %add3A_361 = arith.constant 2464 : i32
    %add3A_362 = arith.addi %add3A, %add3A_361 : i32
    %dma_start3A_363 = tpu.memref_slice %arg3[%add3A_362] : memref<100352xi32, #tpu.memory_space<hbm>> -> memref<112xi32, #tpu.memory_space<hbm>>
    %dma_start3A_364 = tpu.memref_slice %arg3[%add3A_362] : memref<100352xi32, #tpu.memory_space<hbm>> -> memref<112xi32, #tpu.memory_space<hbm>>
    tpu.enqueue_dma source(%dma_start3A_364 : memref<112xi32, #tpu.memory_space<hbm>>) target(%arg6 : memref<112xi32, #tpu.memory_space<vmem>>) target_semaphore(%arg13 : memref<!tpu.dma_semaphore, #tpu.memory_space<semaphore_mem>>)
    "tpu.region"() ({
      %run_scoped3A = tpu.sem_alloc : memref<!tpu.dma_semaphore, #tpu.memory_space<semaphore_mem>>
      %dma_start3A_454 = arith.constant 0 : i32
      %dma_start3A_455 = arith.constant 0 : i32
      %dma_start3A_456 = tpu.memref_slice %arg10[%dma_start3A_454, %dma_start3A_455] : memref<5120x64xf32, #tpu.memory_space<vmem_shared>> -> memref<5120x64xf32, #tpu.memory_space<vmem_shared>>
      tpu.enqueue_indirect_dma source(%arg9 : memref<112x64xf32, #tpu.memory_space<vmem>>) target(%dma_start3A_456 : memref<5120x64xf32, #tpu.memory_space<vmem_shared>>) offsets(%arg7 : memref<112xi32, #tpu.memory_space<vmem>>) semaphore(%run_scoped3A : memref<!tpu.dma_semaphore, #tpu.memory_space<semaphore_mem>>) {add = true}
      %dma_wait3A_457 = arith.constant 0 : i32
      %dma_wait3A_458 = arith.constant 0 : i32
      %dma_wait3A_459 = tpu.memref_slice %arg10[%dma_wait3A_457, %dma_wait3A_458] : memref<5120x64xf32, #tpu.memory_space<vmem_shared>> -> memref<5120x64xf32, #tpu.memory_space<vmem_shared>>
      tpu.wait_indirect_dma semaphore(%run_scoped3A : memref<!tpu.dma_semaphore, #tpu.memory_space<semaphore_mem>>) src(%arg9 : memref<112x64xf32, #tpu.memory_space<vmem>>) dst(%dma_wait3A_459 : memref<5120x64xf32, #tpu.memory_space<vmem_shared>>)
      tpu.yield
    }) : () -> ()
    %dma_wait3A_365 = arith.constant 0 : i32
    %dma_wait3A_366 = tpu.memref_slice %arg2[%add3A_356, %dma_wait3A_365] : memref<50176x128xf32, #tpu.memory_space<hbm>> -> memref<112x64xf32, #tpu.memory_space<hbm>>
    %dma_wait3A_367 = arith.constant 0 : i32
    %dma_wait3A_368 = tpu.memref_slice %arg2[%add3A_356, %dma_wait3A_367] : memref<50176x128xf32, #tpu.memory_space<hbm>> -> memref<112x64xf32, #tpu.memory_space<hbm>>
    tpu.wait_dma2 semaphore(%arg11 : memref<!tpu.dma_semaphore, #tpu.memory_space<semaphore_mem>>) src(%dma_wait3A_368 : memref<112x64xf32, #tpu.memory_space<hbm>>) dst(%arg8 : memref<112x64xf32, #tpu.memory_space<vmem>>)
    %dma_wait3A_369 = tpu.memref_slice %arg3[%add3A_362] : memref<100352xi32, #tpu.memory_space<hbm>> -> memref<112xi32, #tpu.memory_space<hbm>>
    %dma_wait3A_370 = tpu.memref_slice %arg3[%add3A_362] : memref<100352xi32, #tpu.memory_space<hbm>> -> memref<112xi32, #tpu.memory_space<hbm>>
    tpu.wait_dma2 semaphore(%arg13 : memref<!tpu.dma_semaphore, #tpu.memory_space<semaphore_mem>>) src(%dma_wait3A_370 : memref<112xi32, #tpu.memory_space<hbm>>) dst(%arg6 : memref<112xi32, #tpu.memory_space<vmem>>)
    %add3A_371 = arith.constant 2576 : i32
    %add3A_372 = arith.addi %mul3A_2, %add3A_371 : i32
    %dma_start3A_373 = arith.constant 0 : i32
    %dma_start3A_374 = tpu.memref_slice %arg2[%add3A_372, %dma_start3A_373] : memref<50176x128xf32, #tpu.memory_space<hbm>> -> memref<112x64xf32, #tpu.memory_space<hbm>>
    %dma_start3A_375 = arith.constant 0 : i32
    %dma_start3A_376 = tpu.memref_slice %arg2[%add3A_372, %dma_start3A_375] : memref<50176x128xf32, #tpu.memory_space<hbm>> -> memref<112x64xf32, #tpu.memory_space<hbm>>
    tpu.enqueue_dma source(%dma_start3A_376 : memref<112x64xf32, #tpu.memory_space<hbm>>) target(%arg9 : memref<112x64xf32, #tpu.memory_space<vmem>>) target_semaphore(%arg12 : memref<!tpu.dma_semaphore, #tpu.memory_space<semaphore_mem>>)
    %add3A_377 = arith.constant 2576 : i32
    %add3A_378 = arith.addi %add3A, %add3A_377 : i32
    %dma_start3A_379 = tpu.memref_slice %arg3[%add3A_378] : memref<100352xi32, #tpu.memory_space<hbm>> -> memref<112xi32, #tpu.memory_space<hbm>>
    %dma_start3A_380 = tpu.memref_slice %arg3[%add3A_378] : memref<100352xi32, #tpu.memory_space<hbm>> -> memref<112xi32, #tpu.memory_space<hbm>>
    tpu.enqueue_dma source(%dma_start3A_380 : memref<112xi32, #tpu.memory_space<hbm>>) target(%arg7 : memref<112xi32, #tpu.memory_space<vmem>>) target_semaphore(%arg14 : memref<!tpu.dma_semaphore, #tpu.memory_space<semaphore_mem>>)
    "tpu.region"() ({
      %run_scoped3A = tpu.sem_alloc : memref<!tpu.dma_semaphore, #tpu.memory_space<semaphore_mem>>
      %dma_start3A_454 = arith.constant 0 : i32
      %dma_start3A_455 = arith.constant 0 : i32
      %dma_start3A_456 = tpu.memref_slice %arg10[%dma_start3A_454, %dma_start3A_455] : memref<5120x64xf32, #tpu.memory_space<vmem_shared>> -> memref<5120x64xf32, #tpu.memory_space<vmem_shared>>
      tpu.enqueue_indirect_dma source(%arg8 : memref<112x64xf32, #tpu.memory_space<vmem>>) target(%dma_start3A_456 : memref<5120x64xf32, #tpu.memory_space<vmem_shared>>) offsets(%arg6 : memref<112xi32, #tpu.memory_space<vmem>>) semaphore(%run_scoped3A : memref<!tpu.dma_semaphore, #tpu.memory_space<semaphore_mem>>) {add = true}
      %dma_wait3A_457 = arith.constant 0 : i32
      %dma_wait3A_458 = arith.constant 0 : i32
      %dma_wait3A_459 = tpu.memref_slice %arg10[%dma_wait3A_457, %dma_wait3A_458] : memref<5120x64xf32, #tpu.memory_space<vmem_shared>> -> memref<5120x64xf32, #tpu.memory_space<vmem_shared>>
      tpu.wait_indirect_dma semaphore(%run_scoped3A : memref<!tpu.dma_semaphore, #tpu.memory_space<semaphore_mem>>) src(%arg8 : memref<112x64xf32, #tpu.memory_space<vmem>>) dst(%dma_wait3A_459 : memref<5120x64xf32, #tpu.memory_space<vmem_shared>>)
      tpu.yield
    }) : () -> ()
    %dma_wait3A_381 = arith.constant 0 : i32
    %dma_wait3A_382 = tpu.memref_slice %arg2[%add3A_372, %dma_wait3A_381] : memref<50176x128xf32, #tpu.memory_space<hbm>> -> memref<112x64xf32, #tpu.memory_space<hbm>>
    %dma_wait3A_383 = arith.constant 0 : i32
    %dma_wait3A_384 = tpu.memref_slice %arg2[%add3A_372, %dma_wait3A_383] : memref<50176x128xf32, #tpu.memory_space<hbm>> -> memref<112x64xf32, #tpu.memory_space<hbm>>
    tpu.wait_dma2 semaphore(%arg12 : memref<!tpu.dma_semaphore, #tpu.memory_space<semaphore_mem>>) src(%dma_wait3A_384 : memref<112x64xf32, #tpu.memory_space<hbm>>) dst(%arg9 : memref<112x64xf32, #tpu.memory_space<vmem>>)
    %dma_wait3A_385 = tpu.memref_slice %arg3[%add3A_378] : memref<100352xi32, #tpu.memory_space<hbm>> -> memref<112xi32, #tpu.memory_space<hbm>>
    %dma_wait3A_386 = tpu.memref_slice %arg3[%add3A_378] : memref<100352xi32, #tpu.memory_space<hbm>> -> memref<112xi32, #tpu.memory_space<hbm>>
    tpu.wait_dma2 semaphore(%arg14 : memref<!tpu.dma_semaphore, #tpu.memory_space<semaphore_mem>>) src(%dma_wait3A_386 : memref<112xi32, #tpu.memory_space<hbm>>) dst(%arg7 : memref<112xi32, #tpu.memory_space<vmem>>)
    %add3A_387 = arith.constant 2688 : i32
    %add3A_388 = arith.addi %mul3A_2, %add3A_387 : i32
    %dma_start3A_389 = arith.constant 0 : i32
    %dma_start3A_390 = tpu.memref_slice %arg2[%add3A_388, %dma_start3A_389] : memref<50176x128xf32, #tpu.memory_space<hbm>> -> memref<112x64xf32, #tpu.memory_space<hbm>>
    %dma_start3A_391 = arith.constant 0 : i32
    %dma_start3A_392 = tpu.memref_slice %arg2[%add3A_388, %dma_start3A_391] : memref<50176x128xf32, #tpu.memory_space<hbm>> -> memref<112x64xf32, #tpu.memory_space<hbm>>
    tpu.enqueue_dma source(%dma_start3A_392 : memref<112x64xf32, #tpu.memory_space<hbm>>) target(%arg8 : memref<112x64xf32, #tpu.memory_space<vmem>>) target_semaphore(%arg11 : memref<!tpu.dma_semaphore, #tpu.memory_space<semaphore_mem>>)
    %add3A_393 = arith.constant 2688 : i32
    %add3A_394 = arith.addi %add3A, %add3A_393 : i32
    %dma_start3A_395 = tpu.memref_slice %arg3[%add3A_394] : memref<100352xi32, #tpu.memory_space<hbm>> -> memref<112xi32, #tpu.memory_space<hbm>>
    %dma_start3A_396 = tpu.memref_slice %arg3[%add3A_394] : memref<100352xi32, #tpu.memory_space<hbm>> -> memref<112xi32, #tpu.memory_space<hbm>>
    tpu.enqueue_dma source(%dma_start3A_396 : memref<112xi32, #tpu.memory_space<hbm>>) target(%arg6 : memref<112xi32, #tpu.memory_space<vmem>>) target_semaphore(%arg13 : memref<!tpu.dma_semaphore, #tpu.memory_space<semaphore_mem>>)
    "tpu.region"() ({
      %run_scoped3A = tpu.sem_alloc : memref<!tpu.dma_semaphore, #tpu.memory_space<semaphore_mem>>
      %dma_start3A_454 = arith.constant 0 : i32
      %dma_start3A_455 = arith.constant 0 : i32
      %dma_start3A_456 = tpu.memref_slice %arg10[%dma_start3A_454, %dma_start3A_455] : memref<5120x64xf32, #tpu.memory_space<vmem_shared>> -> memref<5120x64xf32, #tpu.memory_space<vmem_shared>>
      tpu.enqueue_indirect_dma source(%arg9 : memref<112x64xf32, #tpu.memory_space<vmem>>) target(%dma_start3A_456 : memref<5120x64xf32, #tpu.memory_space<vmem_shared>>) offsets(%arg7 : memref<112xi32, #tpu.memory_space<vmem>>) semaphore(%run_scoped3A : memref<!tpu.dma_semaphore, #tpu.memory_space<semaphore_mem>>) {add = true}
      %dma_wait3A_457 = arith.constant 0 : i32
      %dma_wait3A_458 = arith.constant 0 : i32
      %dma_wait3A_459 = tpu.memref_slice %arg10[%dma_wait3A_457, %dma_wait3A_458] : memref<5120x64xf32, #tpu.memory_space<vmem_shared>> -> memref<5120x64xf32, #tpu.memory_space<vmem_shared>>
      tpu.wait_indirect_dma semaphore(%run_scoped3A : memref<!tpu.dma_semaphore, #tpu.memory_space<semaphore_mem>>) src(%arg9 : memref<112x64xf32, #tpu.memory_space<vmem>>) dst(%dma_wait3A_459 : memref<5120x64xf32, #tpu.memory_space<vmem_shared>>)
      tpu.yield
    }) : () -> ()
    %dma_wait3A_397 = arith.constant 0 : i32
    %dma_wait3A_398 = tpu.memref_slice %arg2[%add3A_388, %dma_wait3A_397] : memref<50176x128xf32, #tpu.memory_space<hbm>> -> memref<112x64xf32, #tpu.memory_space<hbm>>
    %dma_wait3A_399 = arith.constant 0 : i32
    %dma_wait3A_400 = tpu.memref_slice %arg2[%add3A_388, %dma_wait3A_399] : memref<50176x128xf32, #tpu.memory_space<hbm>> -> memref<112x64xf32, #tpu.memory_space<hbm>>
    tpu.wait_dma2 semaphore(%arg11 : memref<!tpu.dma_semaphore, #tpu.memory_space<semaphore_mem>>) src(%dma_wait3A_400 : memref<112x64xf32, #tpu.memory_space<hbm>>) dst(%arg8 : memref<112x64xf32, #tpu.memory_space<vmem>>)
    %dma_wait3A_401 = tpu.memref_slice %arg3[%add3A_394] : memref<100352xi32, #tpu.memory_space<hbm>> -> memref<112xi32, #tpu.memory_space<hbm>>
    %dma_wait3A_402 = tpu.memref_slice %arg3[%add3A_394] : memref<100352xi32, #tpu.memory_space<hbm>> -> memref<112xi32, #tpu.memory_space<hbm>>
    tpu.wait_dma2 semaphore(%arg13 : memref<!tpu.dma_semaphore, #tpu.memory_space<semaphore_mem>>) src(%dma_wait3A_402 : memref<112xi32, #tpu.memory_space<hbm>>) dst(%arg6 : memref<112xi32, #tpu.memory_space<vmem>>)
    %add3A_403 = arith.constant 2800 : i32
    %add3A_404 = arith.addi %mul3A_2, %add3A_403 : i32
    %dma_start3A_405 = arith.constant 0 : i32
    %dma_start3A_406 = tpu.memref_slice %arg2[%add3A_404, %dma_start3A_405] : memref<50176x128xf32, #tpu.memory_space<hbm>> -> memref<112x64xf32, #tpu.memory_space<hbm>>
    %dma_start3A_407 = arith.constant 0 : i32
    %dma_start3A_408 = tpu.memref_slice %arg2[%add3A_404, %dma_start3A_407] : memref<50176x128xf32, #tpu.memory_space<hbm>> -> memref<112x64xf32, #tpu.memory_space<hbm>>
    tpu.enqueue_dma source(%dma_start3A_408 : memref<112x64xf32, #tpu.memory_space<hbm>>) target(%arg9 : memref<112x64xf32, #tpu.memory_space<vmem>>) target_semaphore(%arg12 : memref<!tpu.dma_semaphore, #tpu.memory_space<semaphore_mem>>)
    %add3A_409 = arith.constant 2800 : i32
    %add3A_410 = arith.addi %add3A, %add3A_409 : i32
    %dma_start3A_411 = tpu.memref_slice %arg3[%add3A_410] : memref<100352xi32, #tpu.memory_space<hbm>> -> memref<112xi32, #tpu.memory_space<hbm>>
    %dma_start3A_412 = tpu.memref_slice %arg3[%add3A_410] : memref<100352xi32, #tpu.memory_space<hbm>> -> memref<112xi32, #tpu.memory_space<hbm>>
    tpu.enqueue_dma source(%dma_start3A_412 : memref<112xi32, #tpu.memory_space<hbm>>) target(%arg7 : memref<112xi32, #tpu.memory_space<vmem>>) target_semaphore(%arg14 : memref<!tpu.dma_semaphore, #tpu.memory_space<semaphore_mem>>)
    "tpu.region"() ({
      %run_scoped3A = tpu.sem_alloc : memref<!tpu.dma_semaphore, #tpu.memory_space<semaphore_mem>>
      %dma_start3A_454 = arith.constant 0 : i32
      %dma_start3A_455 = arith.constant 0 : i32
      %dma_start3A_456 = tpu.memref_slice %arg10[%dma_start3A_454, %dma_start3A_455] : memref<5120x64xf32, #tpu.memory_space<vmem_shared>> -> memref<5120x64xf32, #tpu.memory_space<vmem_shared>>
      tpu.enqueue_indirect_dma source(%arg8 : memref<112x64xf32, #tpu.memory_space<vmem>>) target(%dma_start3A_456 : memref<5120x64xf32, #tpu.memory_space<vmem_shared>>) offsets(%arg6 : memref<112xi32, #tpu.memory_space<vmem>>) semaphore(%run_scoped3A : memref<!tpu.dma_semaphore, #tpu.memory_space<semaphore_mem>>) {add = true}
      %dma_wait3A_457 = arith.constant 0 : i32
      %dma_wait3A_458 = arith.constant 0 : i32
      %dma_wait3A_459 = tpu.memref_slice %arg10[%dma_wait3A_457, %dma_wait3A_458] : memref<5120x64xf32, #tpu.memory_space<vmem_shared>> -> memref<5120x64xf32, #tpu.memory_space<vmem_shared>>
      tpu.wait_indirect_dma semaphore(%run_scoped3A : memref<!tpu.dma_semaphore, #tpu.memory_space<semaphore_mem>>) src(%arg8 : memref<112x64xf32, #tpu.memory_space<vmem>>) dst(%dma_wait3A_459 : memref<5120x64xf32, #tpu.memory_space<vmem_shared>>)
      tpu.yield
    }) : () -> ()
    %dma_wait3A_413 = arith.constant 0 : i32
    %dma_wait3A_414 = tpu.memref_slice %arg2[%add3A_404, %dma_wait3A_413] : memref<50176x128xf32, #tpu.memory_space<hbm>> -> memref<112x64xf32, #tpu.memory_space<hbm>>
    %dma_wait3A_415 = arith.constant 0 : i32
    %dma_wait3A_416 = tpu.memref_slice %arg2[%add3A_404, %dma_wait3A_415] : memref<50176x128xf32, #tpu.memory_space<hbm>> -> memref<112x64xf32, #tpu.memory_space<hbm>>
    tpu.wait_dma2 semaphore(%arg12 : memref<!tpu.dma_semaphore, #tpu.memory_space<semaphore_mem>>) src(%dma_wait3A_416 : memref<112x64xf32, #tpu.memory_space<hbm>>) dst(%arg9 : memref<112x64xf32, #tpu.memory_space<vmem>>)
    %dma_wait3A_417 = tpu.memref_slice %arg3[%add3A_410] : memref<100352xi32, #tpu.memory_space<hbm>> -> memref<112xi32, #tpu.memory_space<hbm>>
    %dma_wait3A_418 = tpu.memref_slice %arg3[%add3A_410] : memref<100352xi32, #tpu.memory_space<hbm>> -> memref<112xi32, #tpu.memory_space<hbm>>
    tpu.wait_dma2 semaphore(%arg14 : memref<!tpu.dma_semaphore, #tpu.memory_space<semaphore_mem>>) src(%dma_wait3A_418 : memref<112xi32, #tpu.memory_space<hbm>>) dst(%arg7 : memref<112xi32, #tpu.memory_space<vmem>>)
    %add3A_419 = arith.constant 2912 : i32
    %add3A_420 = arith.addi %mul3A_2, %add3A_419 : i32
    %dma_start3A_421 = arith.constant 0 : i32
    %dma_start3A_422 = tpu.memref_slice %arg2[%add3A_420, %dma_start3A_421] : memref<50176x128xf32, #tpu.memory_space<hbm>> -> memref<112x64xf32, #tpu.memory_space<hbm>>
    %dma_start3A_423 = arith.constant 0 : i32
    %dma_start3A_424 = tpu.memref_slice %arg2[%add3A_420, %dma_start3A_423] : memref<50176x128xf32, #tpu.memory_space<hbm>> -> memref<112x64xf32, #tpu.memory_space<hbm>>
    tpu.enqueue_dma source(%dma_start3A_424 : memref<112x64xf32, #tpu.memory_space<hbm>>) target(%arg8 : memref<112x64xf32, #tpu.memory_space<vmem>>) target_semaphore(%arg11 : memref<!tpu.dma_semaphore, #tpu.memory_space<semaphore_mem>>)
    %add3A_425 = arith.constant 2912 : i32
    %add3A_426 = arith.addi %add3A, %add3A_425 : i32
    %dma_start3A_427 = tpu.memref_slice %arg3[%add3A_426] : memref<100352xi32, #tpu.memory_space<hbm>> -> memref<112xi32, #tpu.memory_space<hbm>>
    %dma_start3A_428 = tpu.memref_slice %arg3[%add3A_426] : memref<100352xi32, #tpu.memory_space<hbm>> -> memref<112xi32, #tpu.memory_space<hbm>>
    tpu.enqueue_dma source(%dma_start3A_428 : memref<112xi32, #tpu.memory_space<hbm>>) target(%arg6 : memref<112xi32, #tpu.memory_space<vmem>>) target_semaphore(%arg13 : memref<!tpu.dma_semaphore, #tpu.memory_space<semaphore_mem>>)
    "tpu.region"() ({
      %run_scoped3A = tpu.sem_alloc : memref<!tpu.dma_semaphore, #tpu.memory_space<semaphore_mem>>
      %dma_start3A_454 = arith.constant 0 : i32
      %dma_start3A_455 = arith.constant 0 : i32
      %dma_start3A_456 = tpu.memref_slice %arg10[%dma_start3A_454, %dma_start3A_455] : memref<5120x64xf32, #tpu.memory_space<vmem_shared>> -> memref<5120x64xf32, #tpu.memory_space<vmem_shared>>
      tpu.enqueue_indirect_dma source(%arg9 : memref<112x64xf32, #tpu.memory_space<vmem>>) target(%dma_start3A_456 : memref<5120x64xf32, #tpu.memory_space<vmem_shared>>) offsets(%arg7 : memref<112xi32, #tpu.memory_space<vmem>>) semaphore(%run_scoped3A : memref<!tpu.dma_semaphore, #tpu.memory_space<semaphore_mem>>) {add = true}
      %dma_wait3A_457 = arith.constant 0 : i32
      %dma_wait3A_458 = arith.constant 0 : i32
      %dma_wait3A_459 = tpu.memref_slice %arg10[%dma_wait3A_457, %dma_wait3A_458] : memref<5120x64xf32, #tpu.memory_space<vmem_shared>> -> memref<5120x64xf32, #tpu.memory_space<vmem_shared>>
      tpu.wait_indirect_dma semaphore(%run_scoped3A : memref<!tpu.dma_semaphore, #tpu.memory_space<semaphore_mem>>) src(%arg9 : memref<112x64xf32, #tpu.memory_space<vmem>>) dst(%dma_wait3A_459 : memref<5120x64xf32, #tpu.memory_space<vmem_shared>>)
      tpu.yield
    }) : () -> ()
    %dma_wait3A_429 = arith.constant 0 : i32
    %dma_wait3A_430 = tpu.memref_slice %arg2[%add3A_420, %dma_wait3A_429] : memref<50176x128xf32, #tpu.memory_space<hbm>> -> memref<112x64xf32, #tpu.memory_space<hbm>>
    %dma_wait3A_431 = arith.constant 0 : i32
    %dma_wait3A_432 = tpu.memref_slice %arg2[%add3A_420, %dma_wait3A_431] : memref<50176x128xf32, #tpu.memory_space<hbm>> -> memref<112x64xf32, #tpu.memory_space<hbm>>
    tpu.wait_dma2 semaphore(%arg11 : memref<!tpu.dma_semaphore, #tpu.memory_space<semaphore_mem>>) src(%dma_wait3A_432 : memref<112x64xf32, #tpu.memory_space<hbm>>) dst(%arg8 : memref<112x64xf32, #tpu.memory_space<vmem>>)
    %dma_wait3A_433 = tpu.memref_slice %arg3[%add3A_426] : memref<100352xi32, #tpu.memory_space<hbm>> -> memref<112xi32, #tpu.memory_space<hbm>>
    %dma_wait3A_434 = tpu.memref_slice %arg3[%add3A_426] : memref<100352xi32, #tpu.memory_space<hbm>> -> memref<112xi32, #tpu.memory_space<hbm>>
    tpu.wait_dma2 semaphore(%arg13 : memref<!tpu.dma_semaphore, #tpu.memory_space<semaphore_mem>>) src(%dma_wait3A_434 : memref<112xi32, #tpu.memory_space<hbm>>) dst(%arg6 : memref<112xi32, #tpu.memory_space<vmem>>)
    %add3A_435 = arith.constant 3024 : i32
    %add3A_436 = arith.addi %mul3A_2, %add3A_435 : i32
    %dma_start3A_437 = arith.constant 0 : i32
    %dma_start3A_438 = tpu.memref_slice %arg2[%add3A_436, %dma_start3A_437] : memref<50176x128xf32, #tpu.memory_space<hbm>> -> memref<112x64xf32, #tpu.memory_space<hbm>>
    %dma_start3A_439 = arith.constant 0 : i32
    %dma_start3A_440 = tpu.memref_slice %arg2[%add3A_436, %dma_start3A_439] : memref<50176x128xf32, #tpu.memory_space<hbm>> -> memref<112x64xf32, #tpu.memory_space<hbm>>
    tpu.enqueue_dma source(%dma_start3A_440 : memref<112x64xf32, #tpu.memory_space<hbm>>) target(%arg9 : memref<112x64xf32, #tpu.memory_space<vmem>>) target_semaphore(%arg12 : memref<!tpu.dma_semaphore, #tpu.memory_space<semaphore_mem>>)
    %add3A_441 = arith.constant 3024 : i32
    %add3A_442 = arith.addi %add3A, %add3A_441 : i32
    %dma_start3A_443 = tpu.memref_slice %arg3[%add3A_442] : memref<100352xi32, #tpu.memory_space<hbm>> -> memref<112xi32, #tpu.memory_space<hbm>>
    %dma_start3A_444 = tpu.memref_slice %arg3[%add3A_442] : memref<100352xi32, #tpu.memory_space<hbm>> -> memref<112xi32, #tpu.memory_space<hbm>>
    tpu.enqueue_dma source(%dma_start3A_444 : memref<112xi32, #tpu.memory_space<hbm>>) target(%arg7 : memref<112xi32, #tpu.memory_space<vmem>>) target_semaphore(%arg14 : memref<!tpu.dma_semaphore, #tpu.memory_space<semaphore_mem>>)
    "tpu.region"() ({
      %run_scoped3A = tpu.sem_alloc : memref<!tpu.dma_semaphore, #tpu.memory_space<semaphore_mem>>
      %dma_start3A_454 = arith.constant 0 : i32
      %dma_start3A_455 = arith.constant 0 : i32
      %dma_start3A_456 = tpu.memref_slice %arg10[%dma_start3A_454, %dma_start3A_455] : memref<5120x64xf32, #tpu.memory_space<vmem_shared>> -> memref<5120x64xf32, #tpu.memory_space<vmem_shared>>
      tpu.enqueue_indirect_dma source(%arg8 : memref<112x64xf32, #tpu.memory_space<vmem>>) target(%dma_start3A_456 : memref<5120x64xf32, #tpu.memory_space<vmem_shared>>) offsets(%arg6 : memref<112xi32, #tpu.memory_space<vmem>>) semaphore(%run_scoped3A : memref<!tpu.dma_semaphore, #tpu.memory_space<semaphore_mem>>) {add = true}
      %dma_wait3A_457 = arith.constant 0 : i32
      %dma_wait3A_458 = arith.constant 0 : i32
      %dma_wait3A_459 = tpu.memref_slice %arg10[%dma_wait3A_457, %dma_wait3A_458] : memref<5120x64xf32, #tpu.memory_space<vmem_shared>> -> memref<5120x64xf32, #tpu.memory_space<vmem_shared>>
      tpu.wait_indirect_dma semaphore(%run_scoped3A : memref<!tpu.dma_semaphore, #tpu.memory_space<semaphore_mem>>) src(%arg8 : memref<112x64xf32, #tpu.memory_space<vmem>>) dst(%dma_wait3A_459 : memref<5120x64xf32, #tpu.memory_space<vmem_shared>>)
      tpu.yield
    }) : () -> ()
    %dma_wait3A_445 = arith.constant 0 : i32
    %dma_wait3A_446 = tpu.memref_slice %arg2[%add3A_436, %dma_wait3A_445] : memref<50176x128xf32, #tpu.memory_space<hbm>> -> memref<112x64xf32, #tpu.memory_space<hbm>>
    %dma_wait3A_447 = arith.constant 0 : i32
    %dma_wait3A_448 = tpu.memref_slice %arg2[%add3A_436, %dma_wait3A_447] : memref<50176x128xf32, #tpu.memory_space<hbm>> -> memref<112x64xf32, #tpu.memory_space<hbm>>
    tpu.wait_dma2 semaphore(%arg12 : memref<!tpu.dma_semaphore, #tpu.memory_space<semaphore_mem>>) src(%dma_wait3A_448 : memref<112x64xf32, #tpu.memory_space<hbm>>) dst(%arg9 : memref<112x64xf32, #tpu.memory_space<vmem>>)
    %dma_wait3A_449 = tpu.memref_slice %arg3[%add3A_442] : memref<100352xi32, #tpu.memory_space<hbm>> -> memref<112xi32, #tpu.memory_space<hbm>>
    %dma_wait3A_450 = tpu.memref_slice %arg3[%add3A_442] : memref<100352xi32, #tpu.memory_space<hbm>> -> memref<112xi32, #tpu.memory_space<hbm>>
    tpu.wait_dma2 semaphore(%arg14 : memref<!tpu.dma_semaphore, #tpu.memory_space<semaphore_mem>>) src(%dma_wait3A_450 : memref<112xi32, #tpu.memory_space<hbm>>) dst(%arg7 : memref<112xi32, #tpu.memory_space<vmem>>)
    "tpu.region"() ({
      %run_scoped3A = tpu.sem_alloc : memref<!tpu.dma_semaphore, #tpu.memory_space<semaphore_mem>>
      %dma_start3A_454 = arith.constant 0 : i32
      %dma_start3A_455 = arith.constant 0 : i32
      %dma_start3A_456 = tpu.memref_slice %arg10[%dma_start3A_454, %dma_start3A_455] : memref<5120x64xf32, #tpu.memory_space<vmem_shared>> -> memref<5120x64xf32, #tpu.memory_space<vmem_shared>>
      tpu.enqueue_indirect_dma source(%arg9 : memref<112x64xf32, #tpu.memory_space<vmem>>) target(%dma_start3A_456 : memref<5120x64xf32, #tpu.memory_space<vmem_shared>>) offsets(%arg7 : memref<112xi32, #tpu.memory_space<vmem>>) semaphore(%run_scoped3A : memref<!tpu.dma_semaphore, #tpu.memory_space<semaphore_mem>>) {add = true}
      %dma_wait3A_457 = arith.constant 0 : i32
      %dma_wait3A_458 = arith.constant 0 : i32
      %dma_wait3A_459 = tpu.memref_slice %arg10[%dma_wait3A_457, %dma_wait3A_458] : memref<5120x64xf32, #tpu.memory_space<vmem_shared>> -> memref<5120x64xf32, #tpu.memory_space<vmem_shared>>
      tpu.wait_indirect_dma semaphore(%run_scoped3A : memref<!tpu.dma_semaphore, #tpu.memory_space<semaphore_mem>>) src(%arg9 : memref<112x64xf32, #tpu.memory_space<vmem>>) dst(%dma_wait3A_459 : memref<5120x64xf32, #tpu.memory_space<vmem_shared>>)
      tpu.yield
    }) : () -> ()
    %barrier3A_451 = arith.constant 0 : index
    tpu.barrier barrier_id(%barrier3A_451)
    %lt3A = arith.constant 8 : i32
    %lt3A_452 = arith.cmpi slt, %arg1, %lt3A : i32
    %convert_element_type3A = arith.extui %lt3A_452 : i1 to i32
    %cond3A = arith.constant 0 : i32
    %cond3A_453 = arith.cmpi ne, %convert_element_type3A, %cond3A : i32
    scf.if %cond3A_453 {
      %mul3A_454 = arith.constant 625 : i32
      %mul3A_455 = arith.muli %arg1, %mul3A_454 : i32
      %mul3A_456 = arith.constant 5000 : i32
      %mul3A_457 = arith.muli %arg0, %mul3A_456 : i32
      %mul3A_458 = arith.constant 625 : i32
      %mul3A_459 = arith.muli %arg1, %mul3A_458 : i32
      %add3A_460 = arith.addi %mul3A_457, %mul3A_459 : i32
      "tpu.region"() ({
        %run_scoped3A = tpu.sem_alloc : memref<!tpu.dma_semaphore, #tpu.memory_space<semaphore_mem>>
        %dma_start3A_461 = arith.constant 0 : i32
        %dma_start3A_462 = tpu.memref_slice %arg5[%add3A_460, %dma_start3A_461] : memref<10000x64xf32, #tpu.memory_space<hbm>> -> memref<625x64xf32, #tpu.memory_space<hbm>>
        %dma_start3A_463 = arith.constant 0 : i32
        %dma_start3A_464 = tpu.memref_slice %arg10[%mul3A_455, %dma_start3A_463] : memref<5120x64xf32, #tpu.memory_space<vmem_shared>> -> memref<625x64xf32, #tpu.memory_space<vmem_shared>>
        tpu.enqueue_dma source(%dma_start3A_464 : memref<625x64xf32, #tpu.memory_space<vmem_shared>>) target(%dma_start3A_462 : memref<625x64xf32, #tpu.memory_space<hbm>>) target_semaphore(%run_scoped3A : memref<!tpu.dma_semaphore, #tpu.memory_space<semaphore_mem>>)
        %dma_wait3A_465 = arith.constant 0 : i32
        %dma_wait3A_466 = tpu.memref_slice %arg5[%add3A_460, %dma_wait3A_465] : memref<10000x64xf32, #tpu.memory_space<hbm>> -> memref<625x64xf32, #tpu.memory_space<hbm>>
        %dma_wait3A_467 = arith.constant 0 : i32
        %dma_wait3A_468 = tpu.memref_slice %arg10[%mul3A_455, %dma_wait3A_467] : memref<5120x64xf32, #tpu.memory_space<vmem_shared>> -> memref<625x64xf32, #tpu.memory_space<vmem_shared>>
        tpu.wait_dma2 semaphore(%run_scoped3A : memref<!tpu.dma_semaphore, #tpu.memory_space<semaphore_mem>>) src(%dma_wait3A_468 : memref<625x64xf32, #tpu.memory_space<vmem_shared>>) dst(%dma_wait3A_466 : memref<625x64xf32, #tpu.memory_space<hbm>>)
        tpu.yield
      }) : () -> ()
    } else {
    }
    return
  }
}

module attributes {stable_mosaic.version = 14 : i64} {
  func.func @_mm_body(%arg0: i32, %arg1: memref<2048x16xf32, #tpu.memory_space<vmem>>, %arg2: memref<2048x128xf32, #tpu.memory_space<vmem>>, %arg3: memref<17x128x64xbf16, #tpu.memory_space<vmem>>, %arg4: memref<2048x128xf32, #tpu.memory_space<vmem>>) attributes {dimension_semantics = [#tpu.dimension_semantics<arbitrary>], iteration_bounds = array<i64: 25>, scalar_prefetch = 0 : i64, scratch_operands = 0 : i64, tpu.core_type = #tpu.core_type<tc>, window_params = [{transform_indices = @transform_0, window_bounds = array<i64: 2048, 16>}, {transform_indices = @transform_1, window_bounds = array<i64: 2048, 128>}, {pipeline_mode = #tpu.pipeline_mode<synchronous>, transform_indices = @transform_2, window_bounds = array<i64: 17, 128, 64>}, {transform_indices = @transform_3, window_bounds = array<i64: 2048, 128>}]} {
    %get3A = arith.constant 0 : index
    %get3A_0 = arith.constant 0 : index
    %get3A_1 = vector.load %arg2[%get3A, %get3A_0] : memref<2048x128xf32, #tpu.memory_space<vmem>>, vector<2048x128xf32>
    %convert_element_type3A = arith.truncf %get3A_1 : vector<2048x128xf32> to vector<2048x128xbf16>
    %get3A_2 = arith.constant 0 : index
    %get3A_3 = arith.constant 0 : index
    %get3A_4 = vector.load %arg1[%get3A_2, %get3A_3] : memref<2048x16xf32, #tpu.memory_space<vmem>>, vector<2048x16xf32>
    %convert_element_type3A_5 = arith.truncf %get3A_4 : vector<2048x16xf32> to vector<2048x16xbf16>
    %get3A_6 = arith.constant 0 : index
    %get3A_7 = arith.constant 0 : index
    %get3A_8 = arith.constant 0 : index
    %get3A_9 = vector.load %arg3[%get3A_6, %get3A_7, %get3A_8] : memref<17x128x64xbf16, #tpu.memory_space<vmem>>, vector<1x128x64xbf16>
    %get3A_10 = vector.shape_cast %get3A_9 : vector<1x128x64xbf16> to vector<128x64xbf16>
    %dot_general3A = arith.constant dense<0.000000e+00> : vector<2048x64xf32>
    %dot_general3A_11 = tpu.matmul %convert_element_type3A, %get3A_10, %dot_general3A {dimension_numbers = #tpu.dot_dimension_numbers<[1], [0], [0], [1], [0, 0, 1, 1], [], []>, transpose_lhs_hint = false} : vector<2048x128xbf16>, vector<128x64xbf16>, vector<2048x64xf32> -> vector<2048x64xf32>
    %slice3A = vector.extract_strided_slice %convert_element_type3A_5 {offsets = [0, 0], sizes = [2048, 1], strides = [1, 1]} : vector<2048x16xbf16> to vector<2048x1xbf16>
    %mul3A = vector.broadcast %slice3A : vector<2048x1xbf16> to vector<2048x128xbf16>
    %mul3A_12 = arith.mulf %mul3A, %convert_element_type3A : vector<2048x128xbf16>
    %get3A_13 = arith.constant 1 : index
    %get3A_14 = arith.constant 0 : index
    %get3A_15 = arith.constant 0 : index
    %get3A_16 = vector.load %arg3[%get3A_13, %get3A_14, %get3A_15] : memref<17x128x64xbf16, #tpu.memory_space<vmem>>, vector<1x128x64xbf16>
    %get3A_17 = vector.shape_cast %get3A_16 : vector<1x128x64xbf16> to vector<128x64xbf16>
    %dot_general3A_18 = arith.constant dense<0.000000e+00> : vector<2048x64xf32>
    %dot_general3A_19 = tpu.matmul %mul3A_12, %get3A_17, %dot_general3A_18 {dimension_numbers = #tpu.dot_dimension_numbers<[1], [0], [0], [1], [0, 0, 1, 1], [], []>, transpose_lhs_hint = false} : vector<2048x128xbf16>, vector<128x64xbf16>, vector<2048x64xf32> -> vector<2048x64xf32>
    %add3A = arith.addf %dot_general3A_11, %dot_general3A_19 : vector<2048x64xf32>
    %slice3A_20 = vector.extract_strided_slice %convert_element_type3A_5 {offsets = [0, 1], sizes = [2048, 1], strides = [1, 1]} : vector<2048x16xbf16> to vector<2048x1xbf16>
    %mul3A_21 = vector.broadcast %slice3A_20 : vector<2048x1xbf16> to vector<2048x128xbf16>
    %mul3A_22 = arith.mulf %mul3A_21, %convert_element_type3A : vector<2048x128xbf16>
    %get3A_23 = arith.constant 2 : index
    %get3A_24 = arith.constant 0 : index
    %get3A_25 = arith.constant 0 : index
    %get3A_26 = vector.load %arg3[%get3A_23, %get3A_24, %get3A_25] : memref<17x128x64xbf16, #tpu.memory_space<vmem>>, vector<1x128x64xbf16>
    %get3A_27 = vector.shape_cast %get3A_26 : vector<1x128x64xbf16> to vector<128x64xbf16>
    %dot_general3A_28 = arith.constant dense<0.000000e+00> : vector<2048x64xf32>
    %dot_general3A_29 = tpu.matmul %mul3A_22, %get3A_27, %dot_general3A_28 {dimension_numbers = #tpu.dot_dimension_numbers<[1], [0], [0], [1], [0, 0, 1, 1], [], []>, transpose_lhs_hint = false} : vector<2048x128xbf16>, vector<128x64xbf16>, vector<2048x64xf32> -> vector<2048x64xf32>
    %add3A_30 = arith.addf %add3A, %dot_general3A_29 : vector<2048x64xf32>
    %slice3A_31 = vector.extract_strided_slice %convert_element_type3A_5 {offsets = [0, 2], sizes = [2048, 1], strides = [1, 1]} : vector<2048x16xbf16> to vector<2048x1xbf16>
    %mul3A_32 = vector.broadcast %slice3A_31 : vector<2048x1xbf16> to vector<2048x128xbf16>
    %mul3A_33 = arith.mulf %mul3A_32, %convert_element_type3A : vector<2048x128xbf16>
    %get3A_34 = arith.constant 3 : index
    %get3A_35 = arith.constant 0 : index
    %get3A_36 = arith.constant 0 : index
    %get3A_37 = vector.load %arg3[%get3A_34, %get3A_35, %get3A_36] : memref<17x128x64xbf16, #tpu.memory_space<vmem>>, vector<1x128x64xbf16>
    %get3A_38 = vector.shape_cast %get3A_37 : vector<1x128x64xbf16> to vector<128x64xbf16>
    %dot_general3A_39 = arith.constant dense<0.000000e+00> : vector<2048x64xf32>
    %dot_general3A_40 = tpu.matmul %mul3A_33, %get3A_38, %dot_general3A_39 {dimension_numbers = #tpu.dot_dimension_numbers<[1], [0], [0], [1], [0, 0, 1, 1], [], []>, transpose_lhs_hint = false} : vector<2048x128xbf16>, vector<128x64xbf16>, vector<2048x64xf32> -> vector<2048x64xf32>
    %add3A_41 = arith.addf %add3A_30, %dot_general3A_40 : vector<2048x64xf32>
    %slice3A_42 = vector.extract_strided_slice %convert_element_type3A_5 {offsets = [0, 3], sizes = [2048, 1], strides = [1, 1]} : vector<2048x16xbf16> to vector<2048x1xbf16>
    %mul3A_43 = vector.broadcast %slice3A_42 : vector<2048x1xbf16> to vector<2048x128xbf16>
    %mul3A_44 = arith.mulf %mul3A_43, %convert_element_type3A : vector<2048x128xbf16>
    %get3A_45 = arith.constant 4 : index
    %get3A_46 = arith.constant 0 : index
    %get3A_47 = arith.constant 0 : index
    %get3A_48 = vector.load %arg3[%get3A_45, %get3A_46, %get3A_47] : memref<17x128x64xbf16, #tpu.memory_space<vmem>>, vector<1x128x64xbf16>
    %get3A_49 = vector.shape_cast %get3A_48 : vector<1x128x64xbf16> to vector<128x64xbf16>
    %dot_general3A_50 = arith.constant dense<0.000000e+00> : vector<2048x64xf32>
    %dot_general3A_51 = tpu.matmul %mul3A_44, %get3A_49, %dot_general3A_50 {dimension_numbers = #tpu.dot_dimension_numbers<[1], [0], [0], [1], [0, 0, 1, 1], [], []>, transpose_lhs_hint = false} : vector<2048x128xbf16>, vector<128x64xbf16>, vector<2048x64xf32> -> vector<2048x64xf32>
    %add3A_52 = arith.addf %add3A_41, %dot_general3A_51 : vector<2048x64xf32>
    %slice3A_53 = vector.extract_strided_slice %convert_element_type3A_5 {offsets = [0, 4], sizes = [2048, 1], strides = [1, 1]} : vector<2048x16xbf16> to vector<2048x1xbf16>
    %mul3A_54 = vector.broadcast %slice3A_53 : vector<2048x1xbf16> to vector<2048x128xbf16>
    %mul3A_55 = arith.mulf %mul3A_54, %convert_element_type3A : vector<2048x128xbf16>
    %get3A_56 = arith.constant 5 : index
    %get3A_57 = arith.constant 0 : index
    %get3A_58 = arith.constant 0 : index
    %get3A_59 = vector.load %arg3[%get3A_56, %get3A_57, %get3A_58] : memref<17x128x64xbf16, #tpu.memory_space<vmem>>, vector<1x128x64xbf16>
    %get3A_60 = vector.shape_cast %get3A_59 : vector<1x128x64xbf16> to vector<128x64xbf16>
    %dot_general3A_61 = arith.constant dense<0.000000e+00> : vector<2048x64xf32>
    %dot_general3A_62 = tpu.matmul %mul3A_55, %get3A_60, %dot_general3A_61 {dimension_numbers = #tpu.dot_dimension_numbers<[1], [0], [0], [1], [0, 0, 1, 1], [], []>, transpose_lhs_hint = false} : vector<2048x128xbf16>, vector<128x64xbf16>, vector<2048x64xf32> -> vector<2048x64xf32>
    %add3A_63 = arith.addf %add3A_52, %dot_general3A_62 : vector<2048x64xf32>
    %slice3A_64 = vector.extract_strided_slice %convert_element_type3A_5 {offsets = [0, 5], sizes = [2048, 1], strides = [1, 1]} : vector<2048x16xbf16> to vector<2048x1xbf16>
    %mul3A_65 = vector.broadcast %slice3A_64 : vector<2048x1xbf16> to vector<2048x128xbf16>
    %mul3A_66 = arith.mulf %mul3A_65, %convert_element_type3A : vector<2048x128xbf16>
    %get3A_67 = arith.constant 6 : index
    %get3A_68 = arith.constant 0 : index
    %get3A_69 = arith.constant 0 : index
    %get3A_70 = vector.load %arg3[%get3A_67, %get3A_68, %get3A_69] : memref<17x128x64xbf16, #tpu.memory_space<vmem>>, vector<1x128x64xbf16>
    %get3A_71 = vector.shape_cast %get3A_70 : vector<1x128x64xbf16> to vector<128x64xbf16>
    %dot_general3A_72 = arith.constant dense<0.000000e+00> : vector<2048x64xf32>
    %dot_general3A_73 = tpu.matmul %mul3A_66, %get3A_71, %dot_general3A_72 {dimension_numbers = #tpu.dot_dimension_numbers<[1], [0], [0], [1], [0, 0, 1, 1], [], []>, transpose_lhs_hint = false} : vector<2048x128xbf16>, vector<128x64xbf16>, vector<2048x64xf32> -> vector<2048x64xf32>
    %add3A_74 = arith.addf %add3A_63, %dot_general3A_73 : vector<2048x64xf32>
    %slice3A_75 = vector.extract_strided_slice %convert_element_type3A_5 {offsets = [0, 6], sizes = [2048, 1], strides = [1, 1]} : vector<2048x16xbf16> to vector<2048x1xbf16>
    %mul3A_76 = vector.broadcast %slice3A_75 : vector<2048x1xbf16> to vector<2048x128xbf16>
    %mul3A_77 = arith.mulf %mul3A_76, %convert_element_type3A : vector<2048x128xbf16>
    %get3A_78 = arith.constant 7 : index
    %get3A_79 = arith.constant 0 : index
    %get3A_80 = arith.constant 0 : index
    %get3A_81 = vector.load %arg3[%get3A_78, %get3A_79, %get3A_80] : memref<17x128x64xbf16, #tpu.memory_space<vmem>>, vector<1x128x64xbf16>
    %get3A_82 = vector.shape_cast %get3A_81 : vector<1x128x64xbf16> to vector<128x64xbf16>
    %dot_general3A_83 = arith.constant dense<0.000000e+00> : vector<2048x64xf32>
    %dot_general3A_84 = tpu.matmul %mul3A_77, %get3A_82, %dot_general3A_83 {dimension_numbers = #tpu.dot_dimension_numbers<[1], [0], [0], [1], [0, 0, 1, 1], [], []>, transpose_lhs_hint = false} : vector<2048x128xbf16>, vector<128x64xbf16>, vector<2048x64xf32> -> vector<2048x64xf32>
    %add3A_85 = arith.addf %add3A_74, %dot_general3A_84 : vector<2048x64xf32>
    %slice3A_86 = vector.extract_strided_slice %convert_element_type3A_5 {offsets = [0, 7], sizes = [2048, 1], strides = [1, 1]} : vector<2048x16xbf16> to vector<2048x1xbf16>
    %mul3A_87 = vector.broadcast %slice3A_86 : vector<2048x1xbf16> to vector<2048x128xbf16>
    %mul3A_88 = arith.mulf %mul3A_87, %convert_element_type3A : vector<2048x128xbf16>
    %get3A_89 = arith.constant 8 : index
    %get3A_90 = arith.constant 0 : index
    %get3A_91 = arith.constant 0 : index
    %get3A_92 = vector.load %arg3[%get3A_89, %get3A_90, %get3A_91] : memref<17x128x64xbf16, #tpu.memory_space<vmem>>, vector<1x128x64xbf16>
    %get3A_93 = vector.shape_cast %get3A_92 : vector<1x128x64xbf16> to vector<128x64xbf16>
    %dot_general3A_94 = arith.constant dense<0.000000e+00> : vector<2048x64xf32>
    %dot_general3A_95 = tpu.matmul %mul3A_88, %get3A_93, %dot_general3A_94 {dimension_numbers = #tpu.dot_dimension_numbers<[1], [0], [0], [1], [0, 0, 1, 1], [], []>, transpose_lhs_hint = false} : vector<2048x128xbf16>, vector<128x64xbf16>, vector<2048x64xf32> -> vector<2048x64xf32>
    %add3A_96 = arith.addf %add3A_85, %dot_general3A_95 : vector<2048x64xf32>
    %slice3A_97 = vector.extract_strided_slice %convert_element_type3A_5 {offsets = [0, 8], sizes = [2048, 1], strides = [1, 1]} : vector<2048x16xbf16> to vector<2048x1xbf16>
    %mul3A_98 = vector.broadcast %slice3A_97 : vector<2048x1xbf16> to vector<2048x128xbf16>
    %mul3A_99 = arith.mulf %mul3A_98, %convert_element_type3A : vector<2048x128xbf16>
    %get3A_100 = arith.constant 9 : index
    %get3A_101 = arith.constant 0 : index
    %get3A_102 = arith.constant 0 : index
    %get3A_103 = vector.load %arg3[%get3A_100, %get3A_101, %get3A_102] : memref<17x128x64xbf16, #tpu.memory_space<vmem>>, vector<1x128x64xbf16>
    %get3A_104 = vector.shape_cast %get3A_103 : vector<1x128x64xbf16> to vector<128x64xbf16>
    %dot_general3A_105 = arith.constant dense<0.000000e+00> : vector<2048x64xf32>
    %dot_general3A_106 = tpu.matmul %mul3A_99, %get3A_104, %dot_general3A_105 {dimension_numbers = #tpu.dot_dimension_numbers<[1], [0], [0], [1], [0, 0, 1, 1], [], []>, transpose_lhs_hint = false} : vector<2048x128xbf16>, vector<128x64xbf16>, vector<2048x64xf32> -> vector<2048x64xf32>
    %add3A_107 = arith.addf %add3A_96, %dot_general3A_106 : vector<2048x64xf32>
    %slice3A_108 = vector.extract_strided_slice %convert_element_type3A_5 {offsets = [0, 9], sizes = [2048, 1], strides = [1, 1]} : vector<2048x16xbf16> to vector<2048x1xbf16>
    %mul3A_109 = vector.broadcast %slice3A_108 : vector<2048x1xbf16> to vector<2048x128xbf16>
    %mul3A_110 = arith.mulf %mul3A_109, %convert_element_type3A : vector<2048x128xbf16>
    %get3A_111 = arith.constant 10 : index
    %get3A_112 = arith.constant 0 : index
    %get3A_113 = arith.constant 0 : index
    %get3A_114 = vector.load %arg3[%get3A_111, %get3A_112, %get3A_113] : memref<17x128x64xbf16, #tpu.memory_space<vmem>>, vector<1x128x64xbf16>
    %get3A_115 = vector.shape_cast %get3A_114 : vector<1x128x64xbf16> to vector<128x64xbf16>
    %dot_general3A_116 = arith.constant dense<0.000000e+00> : vector<2048x64xf32>
    %dot_general3A_117 = tpu.matmul %mul3A_110, %get3A_115, %dot_general3A_116 {dimension_numbers = #tpu.dot_dimension_numbers<[1], [0], [0], [1], [0, 0, 1, 1], [], []>, transpose_lhs_hint = false} : vector<2048x128xbf16>, vector<128x64xbf16>, vector<2048x64xf32> -> vector<2048x64xf32>
    %add3A_118 = arith.addf %add3A_107, %dot_general3A_117 : vector<2048x64xf32>
    %slice3A_119 = vector.extract_strided_slice %convert_element_type3A_5 {offsets = [0, 10], sizes = [2048, 1], strides = [1, 1]} : vector<2048x16xbf16> to vector<2048x1xbf16>
    %mul3A_120 = vector.broadcast %slice3A_119 : vector<2048x1xbf16> to vector<2048x128xbf16>
    %mul3A_121 = arith.mulf %mul3A_120, %convert_element_type3A : vector<2048x128xbf16>
    %get3A_122 = arith.constant 11 : index
    %get3A_123 = arith.constant 0 : index
    %get3A_124 = arith.constant 0 : index
    %get3A_125 = vector.load %arg3[%get3A_122, %get3A_123, %get3A_124] : memref<17x128x64xbf16, #tpu.memory_space<vmem>>, vector<1x128x64xbf16>
    %get3A_126 = vector.shape_cast %get3A_125 : vector<1x128x64xbf16> to vector<128x64xbf16>
    %dot_general3A_127 = arith.constant dense<0.000000e+00> : vector<2048x64xf32>
    %dot_general3A_128 = tpu.matmul %mul3A_121, %get3A_126, %dot_general3A_127 {dimension_numbers = #tpu.dot_dimension_numbers<[1], [0], [0], [1], [0, 0, 1, 1], [], []>, transpose_lhs_hint = false} : vector<2048x128xbf16>, vector<128x64xbf16>, vector<2048x64xf32> -> vector<2048x64xf32>
    %add3A_129 = arith.addf %add3A_118, %dot_general3A_128 : vector<2048x64xf32>
    %slice3A_130 = vector.extract_strided_slice %convert_element_type3A_5 {offsets = [0, 11], sizes = [2048, 1], strides = [1, 1]} : vector<2048x16xbf16> to vector<2048x1xbf16>
    %mul3A_131 = vector.broadcast %slice3A_130 : vector<2048x1xbf16> to vector<2048x128xbf16>
    %mul3A_132 = arith.mulf %mul3A_131, %convert_element_type3A : vector<2048x128xbf16>
    %get3A_133 = arith.constant 12 : index
    %get3A_134 = arith.constant 0 : index
    %get3A_135 = arith.constant 0 : index
    %get3A_136 = vector.load %arg3[%get3A_133, %get3A_134, %get3A_135] : memref<17x128x64xbf16, #tpu.memory_space<vmem>>, vector<1x128x64xbf16>
    %get3A_137 = vector.shape_cast %get3A_136 : vector<1x128x64xbf16> to vector<128x64xbf16>
    %dot_general3A_138 = arith.constant dense<0.000000e+00> : vector<2048x64xf32>
    %dot_general3A_139 = tpu.matmul %mul3A_132, %get3A_137, %dot_general3A_138 {dimension_numbers = #tpu.dot_dimension_numbers<[1], [0], [0], [1], [0, 0, 1, 1], [], []>, transpose_lhs_hint = false} : vector<2048x128xbf16>, vector<128x64xbf16>, vector<2048x64xf32> -> vector<2048x64xf32>
    %add3A_140 = arith.addf %add3A_129, %dot_general3A_139 : vector<2048x64xf32>
    %slice3A_141 = vector.extract_strided_slice %convert_element_type3A_5 {offsets = [0, 12], sizes = [2048, 1], strides = [1, 1]} : vector<2048x16xbf16> to vector<2048x1xbf16>
    %mul3A_142 = vector.broadcast %slice3A_141 : vector<2048x1xbf16> to vector<2048x128xbf16>
    %mul3A_143 = arith.mulf %mul3A_142, %convert_element_type3A : vector<2048x128xbf16>
    %get3A_144 = arith.constant 13 : index
    %get3A_145 = arith.constant 0 : index
    %get3A_146 = arith.constant 0 : index
    %get3A_147 = vector.load %arg3[%get3A_144, %get3A_145, %get3A_146] : memref<17x128x64xbf16, #tpu.memory_space<vmem>>, vector<1x128x64xbf16>
    %get3A_148 = vector.shape_cast %get3A_147 : vector<1x128x64xbf16> to vector<128x64xbf16>
    %dot_general3A_149 = arith.constant dense<0.000000e+00> : vector<2048x64xf32>
    %dot_general3A_150 = tpu.matmul %mul3A_143, %get3A_148, %dot_general3A_149 {dimension_numbers = #tpu.dot_dimension_numbers<[1], [0], [0], [1], [0, 0, 1, 1], [], []>, transpose_lhs_hint = false} : vector<2048x128xbf16>, vector<128x64xbf16>, vector<2048x64xf32> -> vector<2048x64xf32>
    %add3A_151 = arith.addf %add3A_140, %dot_general3A_150 : vector<2048x64xf32>
    %slice3A_152 = vector.extract_strided_slice %convert_element_type3A_5 {offsets = [0, 13], sizes = [2048, 1], strides = [1, 1]} : vector<2048x16xbf16> to vector<2048x1xbf16>
    %mul3A_153 = vector.broadcast %slice3A_152 : vector<2048x1xbf16> to vector<2048x128xbf16>
    %mul3A_154 = arith.mulf %mul3A_153, %convert_element_type3A : vector<2048x128xbf16>
    %get3A_155 = arith.constant 14 : index
    %get3A_156 = arith.constant 0 : index
    %get3A_157 = arith.constant 0 : index
    %get3A_158 = vector.load %arg3[%get3A_155, %get3A_156, %get3A_157] : memref<17x128x64xbf16, #tpu.memory_space<vmem>>, vector<1x128x64xbf16>
    %get3A_159 = vector.shape_cast %get3A_158 : vector<1x128x64xbf16> to vector<128x64xbf16>
    %dot_general3A_160 = arith.constant dense<0.000000e+00> : vector<2048x64xf32>
    %dot_general3A_161 = tpu.matmul %mul3A_154, %get3A_159, %dot_general3A_160 {dimension_numbers = #tpu.dot_dimension_numbers<[1], [0], [0], [1], [0, 0, 1, 1], [], []>, transpose_lhs_hint = false} : vector<2048x128xbf16>, vector<128x64xbf16>, vector<2048x64xf32> -> vector<2048x64xf32>
    %add3A_162 = arith.addf %add3A_151, %dot_general3A_161 : vector<2048x64xf32>
    %slice3A_163 = vector.extract_strided_slice %convert_element_type3A_5 {offsets = [0, 14], sizes = [2048, 1], strides = [1, 1]} : vector<2048x16xbf16> to vector<2048x1xbf16>
    %mul3A_164 = vector.broadcast %slice3A_163 : vector<2048x1xbf16> to vector<2048x128xbf16>
    %mul3A_165 = arith.mulf %mul3A_164, %convert_element_type3A : vector<2048x128xbf16>
    %get3A_166 = arith.constant 15 : index
    %get3A_167 = arith.constant 0 : index
    %get3A_168 = arith.constant 0 : index
    %get3A_169 = vector.load %arg3[%get3A_166, %get3A_167, %get3A_168] : memref<17x128x64xbf16, #tpu.memory_space<vmem>>, vector<1x128x64xbf16>
    %get3A_170 = vector.shape_cast %get3A_169 : vector<1x128x64xbf16> to vector<128x64xbf16>
    %dot_general3A_171 = arith.constant dense<0.000000e+00> : vector<2048x64xf32>
    %dot_general3A_172 = tpu.matmul %mul3A_165, %get3A_170, %dot_general3A_171 {dimension_numbers = #tpu.dot_dimension_numbers<[1], [0], [0], [1], [0, 0, 1, 1], [], []>, transpose_lhs_hint = false} : vector<2048x128xbf16>, vector<128x64xbf16>, vector<2048x64xf32> -> vector<2048x64xf32>
    %add3A_173 = arith.addf %add3A_162, %dot_general3A_172 : vector<2048x64xf32>
    %slice3A_174 = vector.extract_strided_slice %convert_element_type3A_5 {offsets = [0, 15], sizes = [2048, 1], strides = [1, 1]} : vector<2048x16xbf16> to vector<2048x1xbf16>
    %mul3A_175 = vector.broadcast %slice3A_174 : vector<2048x1xbf16> to vector<2048x128xbf16>
    %mul3A_176 = arith.mulf %mul3A_175, %convert_element_type3A : vector<2048x128xbf16>
    %get3A_177 = arith.constant 16 : index
    %get3A_178 = arith.constant 0 : index
    %get3A_179 = arith.constant 0 : index
    %get3A_180 = vector.load %arg3[%get3A_177, %get3A_178, %get3A_179] : memref<17x128x64xbf16, #tpu.memory_space<vmem>>, vector<1x128x64xbf16>
    %get3A_181 = vector.shape_cast %get3A_180 : vector<1x128x64xbf16> to vector<128x64xbf16>
    %dot_general3A_182 = arith.constant dense<0.000000e+00> : vector<2048x64xf32>
    %dot_general3A_183 = tpu.matmul %mul3A_176, %get3A_181, %dot_general3A_182 {dimension_numbers = #tpu.dot_dimension_numbers<[1], [0], [0], [1], [0, 0, 1, 1], [], []>, transpose_lhs_hint = false} : vector<2048x128xbf16>, vector<128x64xbf16>, vector<2048x64xf32> -> vector<2048x64xf32>
    %add3A_184 = arith.addf %add3A_173, %dot_general3A_183 : vector<2048x64xf32>
    %swap3A = arith.constant 0 : index
    %swap3A_185 = arith.constant 0 : index
    %swap3A_186 = vector.load %arg4[%swap3A, %swap3A_185] : memref<2048x128xf32, #tpu.memory_space<vmem>>, vector<2048x64xf32>
    tpu.vector_store %arg4[%swap3A, %swap3A_185], %add3A_184 {strides = array<i32>} : memref<2048x128xf32, #tpu.memory_space<vmem>>, vector<2048x64xf32>,
    return
  }
  func.func @transform_0(%arg0: i32) -> (i32, i32) {
    %c0_i32 = arith.constant 0 : i32
    %c0_i32_0 = arith.constant 0 : i32
    return %arg0, %c0_i32 : i32, i32
  }
  func.func @transform_1(%arg0: i32) -> (i32, i32) {
    %c0_i32 = arith.constant 0 : i32
    %c0_i32_0 = arith.constant 0 : i32
    return %arg0, %c0_i32 : i32, i32
  }
  func.func @transform_2(%arg0: i32) -> (i32, i32, i32) {
    %c0_i32 = arith.constant 0 : i32
    %c0_i32_0 = arith.constant 0 : i32
    %c0_i32_1 = arith.constant 0 : i32
    %c0_i32_2 = arith.constant 0 : i32
    return %c0_i32, %c0_i32_0, %c0_i32_1 : i32, i32, i32
  }
  func.func @transform_3(%arg0: i32) -> (i32, i32) {
    %c0_i32 = arith.constant 0 : i32
    %c0_i32_0 = arith.constant 0 : i32
    return %arg0, %c0_i32 : i32, i32
  }
}

</mosaic_0001>

<sc_bundles>
// kernel: kernel.5.cloned.1.call-start
scs
__scs_entry_jumppad:
0x0: {  	(pc) =	sbr.rel $0x88, $3  }
0x1: {  	(tag) =	ssettag $0x0;
	lr =	simm.s32 $0x1  }
0x2: {  	[smem:$0x3F9C] =	sst lr;
	_ =	strace $0xD0000000  }
0x3: {  	_ = 	snop  }
0x4: {  	_ = 	snop  }
0x5: {  	_ = 	snop  }
0x6: {  	_ = 	snop  }
0x7: {  	_ = 	snop  }
__scs_overlays_trampoline_lowered:
0x8: {  	[smem:$0x3FAB] =	sst s0  }
0x9: {  	[smem:$0x3FAC] =	sst s1  }
0xa: {  	[smem:$0x3FAD] =	sst s2  }
0xb: {  	[smem:$0x3FAE] =	sst s3  }
0xc: {  	[smem:$0x3FAF] =	sst s4  }
0xd: {  	[smem:$0x3FB0] =	sst s5  }
0xe: {  	[smem:$0x3FB1] =	sst s6  }
0xf: {  	[smem:$0x3FB2] =	sst s7  }
0x10: {  	[smem:$0x3FB3] =	sst s8  }
0x11: {  	[smem:$0x3FB4] =	sst s9;
	s0 =	simm.s32 @!p0 $0x0  }
0x12: {  	s1 =	sld [smem:$0x3F9A];
	s0 =	simm.s32 @p0 $0x1  }
0x13: {  	[smem:$0x3FB5] =	sst s0;
	s0 =	simm.s32 @!p1 $0x0  }
0x14: {  	s2 =	sld [smem:$0x3F99];
	s0 =	simm.s32 @p1 $0x1  }
0x15: {  	[smem:$0x3FB6] =	sst s0;
	s0 =	simm.s32 @!p2 $0x0  }
0x16: {  	s3 =	sld [smem:$0x3FDB];
	s0 =	simm.s32 @p2 $0x1  }
0x17: {  	s4 =	simm.s32 $0x1BF5;
	[smem:$0x3FB8] =	sst s0  }
0x18: {  	s0 =	sld [smem:$0x3F9B];
	_ =	swait.ge [sflag:s4], $0x0  }
0x19: {  	s7 =	sld [smem:$0x3F9C]  }
0x1a: {  	s8 =	sadd.s32 $0xFFFFE003, lr  }
0x1b: {  	s9 =	sadd.s32 $0xFFFFFEF7, lr;
	s5 =	simm.s32 $0xFFFFFFFF;
	p2 =	slt.u32 s8, $0xFFFFF086  }
0x1c: {  	p1 =	slt.u32 s9, $0xF7A;
	s5 =	simm.s32 @!p2 $0x0  }
0x1d: {  	s5 =	simm.s32 @p1 $0x1;
	p0 =	seq.s32 s7, s2  }
0x1e: {  	s7 =	smul.u32 @!p0 $0xF7A, s2;
	p2 =	seq.s32 @!p0 s5, $0x0  }
0x1f: {  	s9 =	smul.u32 $0xF7A, s1;
	s8 =	simm.s32 @!p0 $0x1BF5;
	p2 =	por !p2, p0  }
0x20: {  	[sflag:s8] =	ssyncset.s32 @!p0 $0xFFFFF086;
	s6 =	sadd.s32 @!p0 s3, s7;
	s7 =	simm.s32 @!p0 $0x108  }
0x21: {  	s3 =	sadd.s32 s3, s9;
	s6 =	sadd.s32 @!p0 $0x88, s6;
	s7 =	simm.s32 @p2 $0x1082  }
0x22: {  	[simem:s7], [sflag:s8] =	dma.local @!p0 [hbm:s6], $0xF7A  }
0x23: {  	s9 =	sor.u32 $0xD0000000, s2;
	s6 =	simm.s32 $0x108;
	_ =	swait.ge @!p0 [sflag:s8], $0x0  }
0x24: {  	s3 =	sadd.s32 $0x88, s3;
	s6 =	simm.s32 @!p1 $0x1082;
	[sflag:s4] =	ssyncset.s32 $0xFFFFF086  }
0x25: {  	[simem:s6], [sflag:s4] =	dma.local [hbm:s3], $0xF7A  }
0x26: {  	[smem:$0x3F9C] =	sst s1;
	(tag) =	ssettag s2;
	_ =	strace s9  }
0x27: {  	s1 =	sld [smem:$0x3FAC]  }
0x28: {  	s2 =	sld [smem:$0x3FAD]  }
0x29: {  	s4 =	sld [smem:$0x3FAF]  }
0x2a: {  	p0 =	seq.s32 s5, $0x0;
	s5 =	sld [smem:$0x3FB0]  }
0x2b: {  	s6 =	sld [smem:$0x3FB1]  }
0x2c: {  	s7 =	sld [smem:$0x3FB2]  }
0x2d: {  	s3 =	simm.s32 $0x108;
	s8 =	sld [smem:$0x3FB3]  }
0x2e: {  	s3 =	simm.s32 @!p0 $0x1082;
	s9 =	sld [smem:$0x3FB4]  }
0x2f: {  	lr =	sadd.s32 s0, s3;
	s0 =	sld [smem:$0x3FAB]  }
0x30: {  	s3 =	sld [smem:$0x3FAE]  }
0x31: {  	[smem:$0x3FB7] =	sst s10  }
0x32: {  	s10 =	sld [smem:$0x3FB5];
	_ =	sdelay $0x3  }
0x33: {  	p0 =	seq.s32 s10, $0x1;
	s10 =	sld [smem:$0x3FB7];
	_ =	sdelay $0x3  }
0x34: {  	[smem:$0x3FB7] =	sst s10  }
0x35: {  	s10 =	sld [smem:$0x3FB6];
	_ =	sdelay $0x3  }
0x36: {  	p1 =	seq.s32 s10, $0x1;
	s10 =	sld [smem:$0x3FB7];
	_ =	sdelay $0x3  }
0x37: {  	[smem:$0x3FB7] =	sst s10  }
0x38: {  	s10 =	sld [smem:$0x3FB8]  }
0x39: {  	_ = 	snop;
	(pc) =	sbr.ind lr, $3  }
0x3a: {  	_ = 	snop  }
0x3b: {  	_ = 	snop  }
0x3c: {  	p2 =	seq.s32 s10, $0x1;
	s10 =	sld [smem:$0x3FB7]  }
0x3d: {  	_ =	shalt  }
0x3e: {  	_ =	shalt  }
0x3f: {  	_ =	shalt  }
0x40: {  	_ =	shalt  }
0x41: {  	_ =	shalt  }
0x42: {  	_ =	shalt  }
0x43: {  	_ =	shalt  }
0x44: {  	_ =	shalt  }
0x45: {  	_ =	shalt  }
0x46: {  	_ =	shalt  }
0x47: {  	_ =	shalt  }
0x48: {  	_ =	shalt  }
0x49: {  	_ =	shalt  }
0x4a: {  	_ =	shalt  }
0x4b: {  	_ =	shalt  }
0x4c: {  	_ =	shalt  }
0x4d: {  	_ =	shalt  }
0x4e: {  	_ =	shalt  }
0x4f: {  	_ =	shalt  }
0x50: {  	_ =	shalt  }
0x51: {  	_ =	shalt  }
0x52: {  	_ =	shalt  }
0x53: {  	_ =	shalt  }
0x54: {  	_ =	shalt  }
0x55: {  	_ =	shalt  }
0x56: {  	_ =	shalt  }
0x57: {  	_ =	shalt  }
0x58: {  	_ =	shalt  }
0x59: {  	_ =	shalt  }
0x5a: {  	_ =	shalt  }
0x5b: {  	_ =	shalt  }
0x5c: {  	_ =	shalt  }
0x5d: {  	_ =	shalt  }
0x5e: {  	_ =	shalt  }
0x5f: {  	_ =	shalt  }
0x60: {  	_ =	shalt  }
0x61: {  	_ =	shalt  }
0x62: {  	_ =	shalt  }
0x63: {  	_ =	shalt  }
0x64: {  	_ =	shalt  }
0x65: {  	_ =	shalt  }
0x66: {  	_ =	shalt  }
0x67: {  	_ =	shalt  }
0x68: {  	_ =	shalt  }
0x69: {  	_ =	shalt  }
0x6a: {  	_ =	shalt  }
0x6b: {  	_ =	shalt  }
0x6c: {  	_ =	shalt  }
0x6d: {  	_ =	shalt  }
0x6e: {  	_ =	shalt  }
0x6f: {  	_ =	shalt  }
0x70: {  	_ =	shalt  }
0x71: {  	_ =	shalt  }
0x72: {  	_ =	shalt  }
0x73: {  	_ =	shalt  }
0x74: {  	_ =	shalt  }
0x75: {  	_ =	shalt  }
0x76: {  	_ =	shalt  }
0x77: {  	_ =	shalt  }
0x78: {  	_ =	shalt  }
0x79: {  	_ =	shalt  }
0x7a: {  	_ =	shalt  }
0x7b: {  	_ =	shalt  }
0x7c: {  	_ =	shalt  }
0x7d: {  	_ =	shalt  }
0x7e: {  	_ =	shalt  }
0x7f: {  	_ =	shalt  }
0x80: {  	_ =	shalt  }
0x81: {  	_ =	shalt  }
0x82: {  	_ =	shalt  }
0x83: {  	_ =	shalt  }
0x84: {  	_ =	shalt  }
0x85: {  	_ =	shalt  }
0x86: {  	_ =	shalt  }
0x87: {  	_ =	shalt  }
.Lfunc_end0:
.L_simem_size_0:
called_computation_lowered:
.L_overlay_start_0:
0x88: {  	s2 =	sld [smem:$0x3FD9]  }
0x89: {  	s3 =	sld [smem:$0x3FFE];
	_ =	sdelay $0x1  }
0x8a: {  	s1 =	srdreg.scid  }
0x8b: {  	s0 =	sand.u32 $0x1, s1  }
0x8c: {  	s17 =	sshll.u32 s0, $0xA;
	s2 =	sadd.s32 s3, s2  }
0x8d: {  	s2 =	sadd.s32 s2, s17  }
0x8e: {  	[smem:$0x3FC3] =	sst s2  }
0x8f: {  	_ = 	snop  }
0x90: {  	s2 =	sld [smem:$0x3FD0];
	(tm) =	ssettm $0x1  }
0x91: {  	s18 =	sld [smem:$0x3FFB];
	_ =	sdelay $0x3  }
0x92: {  	_ =	strace s18  }
0x93: {  	s3 =	sld [smem:$0x3FFC];
	_ =	sdelay $0x3  }
0x94: {  	_ =	strace s3  }
0x95: {  	s3 =	sld [smem:$0x3FFD];
	_ =	sdelay $0x3  }
0x96: {  	_ =	strace s3  }
0x97: {  	_ =	strace $0x8FFFFFFF  }
0x98: {  	s19 =	sld [smem:$0x3FDB];
	_ =	sdelay $0x1  }
0x99: {  	s4 =	simm.s32 $_scs_section_size  }
0x9a: {  	s5 =	simm.s32 $_size__tile_overlayer_lowered;
	s6 =	simm.s32 $_tile_overlayer_lowered  }
0x9b: {  	s22 =	simm.s32 $0x1BFF;
	s21 =	sshll.u32 s6, $0x1;
	s3 =	sadd.s32 s4, s19  }
0x9c: {  	s7 =	simm.s32 $0x0;
	s20 =	sshll.u32 s5, $0x1;
	s5 =	sadd.s32 s21, s3  }
0x9d: {  	[timem:s7], [sflag:s22] =	dma.local [hbm:s5], s20  }
0x9e: {  	_ =	swait.ge [sflag:s22], s20  }
0x9f: {  	s4 =	ssub.s32 $0x0, s20;
	[sflag:s22] =	ssyncset.done $0x0  }
0xa0: {  	[sflag:s22] =	ssyncadd.s32 s4;
	_ =	sdelay $0x1  }
0xa1: {  	s23 =	simm.s32 $0x1B8B  }
0xa2: {  	_ =	swait.ge [sflag:s23], $0x1  }
0xa3: {  	[sflag:s23] =	ssyncset.done $0x0  }
0xa4: {  	s25 =	simm.s32 $0x1B8E;
	s24 =	sld [smem:$0x3FFE];
	[sflag:s23] =	ssyncadd.s32 $0xFFFFFFFF  }
0xa5: {  	s26 =	simm.s32 $execute0_lowered;
	[smem:$0x3FD2] =	sst s25  }
0xa6: {  	s5 =	sshll.u32 s26, $0x1;
	_ =	strace $0x80000046;
	[dreg:$0x1] =	wrdreg $0xFFFFFFFF  }
0xa7: {  	s28 =	simm.s32 $_size_execute0_lowered;
	s3 =	sadd.s32 s3, s5;
	[dreg:$0x0] =	wrdreg $0x0  }
0xa8: {  	s5 =	sshll.u32 s28, $0x1;
	[dreg:$0x2] =	wrdreg s3  }
0xa9: {  	[dreg:$0x3] =	wrdreg s5  }
0xaa: {  	[dreg:$0x4] =	wrdreg $0xC0  }
0xab: {  	_ =	task [dreg:s7], $0x5FFFF  }
0xac: {  	[dreg:$0x1] =	wrdreg $0xFFFFFFFF  }
0xad: {  	[dreg:$0x0] =	wrdreg $0x60  }
0xae: {  	[dreg:$0x2] =	wrdreg s24  }
0xaf: {  	[dreg:$0x3] =	wrdreg s2  }
0xb0: {  	[dreg:$0x4] =	wrdreg $0x9  }
0xb1: {  	_ =	task.clear_ibuf [dreg:s7], $0x5FFFF;
	_ =	strace $0x90000046  }
0xb2: {  	s29 =	simm.s32 $0x9;
	_ =	strace $0x80000048  }
0xb3: {  	_ =	swait.ge [sflag:s29], $0x1  }
0xb4: {  	[sflag:s29] =	ssyncadd.s32 $0xFFFFFFFF  }
0xb5: {  	_ =	strace $0x90000048  }
0xb6: {  	_ =	sfence  }
0xb7: {  	s30 =	sld [smem:$0x0];
	_ =	sdelay $0x2  }
0xb8: {  	s31 =	sshll.u32 s1, $0xD;
	s1 =	sshrl.u32 s1, $0x2  }
0xb9: {  	s3 =	sand.u32 $0x4000, s31;
	s1 =	sadd.s32 s1, s30  }
0xba: {  	s0 =	sor.u32 s3, s0;
	s1 =	sshll.u32 s1, $0x11  }
0xbb: {  	s0 =	sor.u32 s1, s0  }
0xbc: {  	s0 =	sadd.s32 $0x8F2B, s0  }
0xbd: {  	[sflag:s0] =	ssyncadd.remote.s32 $0x1  }
0xbe: {  	_ =	sfence.sel $0xFFFF  }
0xbf: {  	[dreg:$0x0] =	wrdreg $0xFFFFFFFF;
	(pc) =	sbr.abs _section_cstart, $3  }
0xc0: {  	[dreg:$0x1] =	wrdreg $0xFFFFFFFF  }
0xc1: {  	_ =	task.clear_ibuf [dreg:s7], $0x2FFFF;
	_ =	strace $0x9FFFFFFF  }
0xc2: {  	(tm) =	ssettm $0x7FFFFFFF  }
0xc3: {  	_ =	shalt  }
tec
execute0_lowered:
.L_overlay_start_1:
0x0: {  	(tag) =	ssettag $0x1  }
0x1: {  	s0 =	srdreg.scid;
	s1 =	rddreg [dreg:$0x0]  }
0x2: {  	s2 =	stileid.u32;
	s3 =	rddreg [dreg:$0x1]  }
0x3: {  	s30 =	simm.s32 $0x5;
	s13 =	simm.s32 $0x70;
	s9 =	simm.s32 $0x620  }
0x4: {  	s31 =	simm.s32 $0xE0;
	s8 =	simm.s32 $0x1;
	s29 =	simm.s32 $0x150  }
0x5: {  	s14 =	simm.s32 $0xAE20;
	s0 =	sand.u32 $0x1, s0;
	s2 =	sshll.u32 s2, $0x1  }
0x6: {  	s28 =	simm.s32 $0x1C0;
	s12 =	simm.s32 $0x4;
	s4 =	sor.u32 s0, s2  }
0x7: {  	p0 =	por $0x0, $0x0;
	s7 =	sadd.s32 $0x27800, s1;
	s5 =	smul.u32 $0xC4, s4  }
0x8: {  	s2 =	simm.s32 $0x0;
	s0 =	ssub.s32 $0x2, s0;
	s6 =	smul.u32 $0x31000, s4  }
0x9: {  	[smem:$0x7FF] =	sst s2;
	s4 =	smul.u32 $0x6200, s4;
	s24 =	sshrl.u32 s0, $0x1  }
0xa: {  	_ =	strace $0x80000047;
	s0 =	ssub.s32 s0, s24;
	s24 =	simm.s32 $0x310  }
0xb: {  	s3 =	sadd.s32 s3, s5;
	s16 =	sshrl.u32 s6, $0x3;
	s17 =	sadd.s32 s7, s4  }
0xc: {  	s4 =	sadd.s32 $0x600, s1;
	s0 =	smax.u32 s0, $0x1;
	[dreg:$0x3] =	wrdreg s3  }
0xd: {  	s5 =	sadd.s32 s7, s16;
	[dreg:$0x4] =	wrdreg s17;
	s17 =	simm.s32 $0x7620  }
0xe: {  	s7 =	simm.s32 $0x2;
	s16 =	simm.s32 $0x3;
	p1 =	sne.s32 s0, $0x1  }
0xf: {  	s1 =	sadd.s32 $0xFFFFFFFF, s0;
	s18 =	sadd.s32 $0x700, s5;
	s0 =	rddreg [dreg:$0x3]  }
0x10: {  	s19 =	sadd.s32 $0xE00, s5;
	s20 =	sadd.s32 $0x1500, s5;
	[dreg:$0x5] =	wrdreg s18  }
0x11: {  	s21 =	sadd.s32 $0x1C00, s5;
	s22 =	sadd.s32 $0x2300, s5;
	[dreg:$0x6] =	wrdreg s19  }
0x12: {  	s23 =	sadd.s32 $0x2A00, s5;
	s25 =	sadd.s32 $0x3100, s5;
	[dreg:$0x7] =	wrdreg s20  }
0x13: {  	s26 =	sadd.s32 $0x3800, s5;
	s15 =	sadd.s32 $0x3F00, s5;
	[dreg:$0x8] =	wrdreg s21  }
0x14: {  	s11 =	sadd.s32 $0x4600, s5;
	s10 =	sadd.s32 $0x4D00, s5;
	[dreg:$0x9] =	wrdreg s22  }
.Ltmp0:
0x15: {  	s6 =	sadd.s32 $0x5400, s5;
	[dreg:$0xa] =	wrdreg s23;
	(pc) =	sbr.rel @!p1 .LBB2_3-.Ltmp0, $4  }
0x16: {  	s3 =	sadd.s32 $0x5B00, s5;
	s5 =	simm.s32 $0x3E20;
	[dreg:$0xb] =	wrdreg s25  }
0x17: {  	[dreg:$0xc] =	wrdreg s26;
	s26 =	simm.s32 $0x230;
	s25 =	simm.s32 $0x2A0  }
0x18: {  	s23 =	simm.s32 $0x380;
	s22 =	simm.s32 $0x3F0;
	s21 =	simm.s32 $0x460  }
0x19: {  	s20 =	simm.s32 $0x4D0;
	s19 =	simm.s32 $0x540;
	s18 =	simm.s32 $0x5B0  }
0x1a: {  	[tilespmem:s2], [sflag:$0x5] =	stream.linear.gather [hbm4b:s0+s2], $0x620, $0x38;
	[tilespmem:$0xE620] =	vst v63  }
0x1b: {  	_ =	swait.ge [sflag:s30], $0x620  }
0x1c: {  	[sflag:s30] =	ssyncset.done $0x0  }
0x1d: {  	[sflag:s30] =	ssyncadd.s32 $0xFFFFF9E0  }
0x1e: {  	[tilespmem:s9], [sflag:$0x1] =	stream.indirect.gather [hbm4b:s4+s13], $0x80, s2, s13, $0xb8;
	[tilespmem:$0xE620] =	vst v63  }
0x1f: {  	_ = 	snop  }
0x20: {  	[tilespmem:s5], [sflag:$0x2] =	stream.indirect.gather [hbm4b:s4+s13], $0x80, s13, s13, $0xb8;
	[tilespmem:$0xE620] =	vst v63  }
0x21: {  	_ = 	snop  }
0x22: {  	[tilespmem:s17], [sflag:$0x3] =	stream.indirect.gather [hbm4b:s4+s13], $0x80, s31, s13, $0xb8;
	[tilespmem:$0xE620] =	vst v63  }
0x23: {  	_ =	swait.ge [sflag:s8], $0x3800  }
0x24: {  	[sflag:s8] =	ssyncset.done $0x0  }
0x25: {  	s0 =	rddreg [dreg:$0x4];
	[sflag:s8] =	ssyncadd.s32 $0xFFFFC800  }
0x26: {  	[hbm4b:s0+s2] =	stream.linear.scatter [tilespmem:s9], [sflag:$0x1], $0x3800, $0x38;
	[tilespmem:$0xE620] =	vst v63  }
0x27: {  	_ = 	snop  }
0x28: {  	[tilespmem:s14], [sflag:$0x4] =	stream.indirect.gather [hbm4b:s4+s13], $0x80, s29, s13, $0xb8;
	[tilespmem:$0xE620] =	vst v63  }
0x29: {  	_ =	swait.ge [sflag:s7], $0x3800  }
0x2a: {  	[sflag:s7] =	ssyncset.done $0x0  }
0x2b: {  	[sflag:s7] =	ssyncadd.s32 $0xFFFFC800  }
0x2c: {  	_ =	swait.ge [sflag:s8], $0x3800  }
0x2d: {  	[sflag:s8] =	ssyncset.done $0x0  }
0x2e: {  	s0 =	rddreg [dreg:$0x5];
	[sflag:s8] =	ssyncadd.s32 $0xFFFFC800  }
0x2f: {  	[hbm4b:s0+s2] =	stream.linear.scatter [tilespmem:s5], [sflag:$0x2], $0x3800, $0x38;
	[tilespmem:$0xE620] =	vst v63  }
0x30: {  	_ = 	snop  }
0x31: {  	[tilespmem:s9], [sflag:$0x1] =	stream.indirect.gather [hbm4b:s4+s13], $0x80, s28, s13, $0xb8;
	[tilespmem:$0xE620] =	vst v63  }
0x32: {  	_ =	swait.ge [sflag:s16], $0x3800  }
0x33: {  	[sflag:s16] =	ssyncset.done $0x0  }
0x34: {  	[sflag:s16] =	ssyncadd.s32 $0xFFFFC800  }
0x35: {  	_ =	swait.ge [sflag:s7], $0x3800  }
0x36: {  	[sflag:s7] =	ssyncset.done $0x0  }
0x37: {  	s0 =	rddreg [dreg:$0x6];
	[sflag:s7] =	ssyncadd.s32 $0xFFFFC800  }
0x38: {  	[hbm4b:s0+s2] =	stream.linear.scatter [tilespmem:s17], [sflag:$0x3], $0x3800, $0x38;
	[tilespmem:$0xE620] =	vst v63  }
0x39: {  	_ = 	snop  }
0x3a: {  	[tilespmem:s5], [sflag:$0x2] =	stream.indirect.gather [hbm4b:s4+s13], $0x80, s26, s13, $0xb8;
	[tilespmem:$0xE620] =	vst v63  }
0x3b: {  	_ =	swait.ge [sflag:s12], $0x3800  }
0x3c: {  	[sflag:s12] =	ssyncset.done $0x0  }
0x3d: {  	[sflag:s12] =	ssyncadd.s32 $0xFFFFC800  }
0x3e: {  	_ =	swait.ge [sflag:s16], $0x3800  }
0x3f: {  	[sflag:s16] =	ssyncset.done $0x0  }
0x40: {  	s0 =	rddreg [dreg:$0x7];
	[sflag:s16] =	ssyncadd.s32 $0xFFFFC800  }
0x41: {  	[hbm4b:s0+s2] =	stream.linear.scatter [tilespmem:s14], [sflag:$0x4], $0x3800, $0x38;
	[tilespmem:$0xE620] =	vst v63  }
0x42: {  	_ = 	snop  }
0x43: {  	[tilespmem:s17], [sflag:$0x3] =	stream.indirect.gather [hbm4b:s4+s13], $0x80, s25, s13, $0xb8;
	[tilespmem:$0xE620] =	vst v63  }
0x44: {  	_ =	swait.ge [sflag:s8], $0x3800  }
0x45: {  	[sflag:s8] =	ssyncset.done $0x0  }
0x46: {  	[sflag:s8] =	ssyncadd.s32 $0xFFFFC800  }
0x47: {  	_ =	swait.ge [sflag:s12], $0x3800  }
0x48: {  	[sflag:s12] =	ssyncset.done $0x0  }
0x49: {  	s0 =	rddreg [dreg:$0x8];
	[sflag:s12] =	ssyncadd.s32 $0xFFFFC800  }
0x4a: {  	[hbm4b:s0+s2] =	stream.linear.scatter [tilespmem:s9], [sflag:$0x1], $0x3800, $0x38;
	[tilespmem:$0xE620] =	vst v63  }
0x4b: {  	_ = 	snop  }
0x4c: {  	[tilespmem:s14], [sflag:$0x4] =	stream.indirect.gather [hbm4b:s4+s13], $0x80, s24, s13, $0xb8;
	[tilespmem:$0xE620] =	vst v63  }
0x4d: {  	_ =	swait.ge [sflag:s7], $0x3800  }
0x4e: {  	[sflag:s7] =	ssyncset.done $0x0  }
0x4f: {  	[sflag:s7] =	ssyncadd.s32 $0xFFFFC800  }
0x50: {  	_ =	swait.ge [sflag:s8], $0x3800  }
0x51: {  	[sflag:s8] =	ssyncset.done $0x0  }
0x52: {  	s0 =	rddreg [dreg:$0x9];
	[sflag:s8] =	ssyncadd.s32 $0xFFFFC800  }
0x53: {  	[hbm4b:s0+s2] =	stream.linear.scatter [tilespmem:s5], [sflag:$0x2], $0x3800, $0x38;
	[tilespmem:$0xE620] =	vst v63  }
0x54: {  	_ = 	snop  }
0x55: {  	[tilespmem:s9], [sflag:$0x1] =	stream.indirect.gather [hbm4b:s4+s13], $0x80, s23, s13, $0xb8;
	[tilespmem:$0xE620] =	vst v63  }
0x56: {  	_ =	swait.ge [sflag:s16], $0x3800  }
0x57: {  	[sflag:s16] =	ssyncset.done $0x0  }
0x58: {  	[sflag:s16] =	ssyncadd.s32 $0xFFFFC800  }
0x59: {  	_ =	swait.ge [sflag:s7], $0x3800  }
0x5a: {  	[sflag:s7] =	ssyncset.done $0x0  }
0x5b: {  	s0 =	rddreg [dreg:$0xa];
	[sflag:s7] =	ssyncadd.s32 $0xFFFFC800  }
0x5c: {  	[hbm4b:s0+s2] =	stream.linear.scatter [tilespmem:s17], [sflag:$0x3], $0x3800, $0x38;
	[tilespmem:$0xE620] =	vst v63  }
0x5d: {  	_ = 	snop  }
0x5e: {  	[tilespmem:s5], [sflag:$0x2] =	stream.indirect.gather [hbm4b:s4+s13], $0x80, s22, s13, $0xb8;
	[tilespmem:$0xE620] =	vst v63  }
0x5f: {  	_ =	swait.ge [sflag:s12], $0x3800  }
0x60: {  	[sflag:s12] =	ssyncset.done $0x0  }
0x61: {  	[sflag:s12] =	ssyncadd.s32 $0xFFFFC800  }
0x62: {  	_ =	swait.ge [sflag:s16], $0x3800  }
0x63: {  	[sflag:s16] =	ssyncset.done $0x0  }
0x64: {  	s0 =	rddreg [dreg:$0xb];
	[sflag:s16] =	ssyncadd.s32 $0xFFFFC800  }
0x65: {  	[hbm4b:s0+s2] =	stream.linear.scatter [tilespmem:s14], [sflag:$0x4], $0x3800, $0x38;
	[tilespmem:$0xE620] =	vst v63  }
0x66: {  	_ = 	snop  }
0x67: {  	[tilespmem:s17], [sflag:$0x3] =	stream.indirect.gather [hbm4b:s4+s13], $0x80, s21, s13, $0xb8;
	[tilespmem:$0xE620] =	vst v63  }
0x68: {  	_ =	swait.ge [sflag:s8], $0x3800  }
0x69: {  	[sflag:s8] =	ssyncset.done $0x0  }
0x6a: {  	[sflag:s8] =	ssyncadd.s32 $0xFFFFC800  }
0x6b: {  	_ =	swait.ge [sflag:s12], $0x3800  }
0x6c: {  	[sflag:s12] =	ssyncset.done $0x0  }
0x6d: {  	s0 =	rddreg [dreg:$0xc];
	[sflag:s12] =	ssyncadd.s32 $0xFFFFC800  }
0x6e: {  	[hbm4b:s0+s2] =	stream.linear.scatter [tilespmem:s9], [sflag:$0x1], $0x3800, $0x38;
	[tilespmem:$0xE620] =	vst v63  }
0x6f: {  	_ = 	snop  }
0x70: {  	[tilespmem:s14], [sflag:$0x4] =	stream.indirect.gather [hbm4b:s4+s13], $0x80, s20, s13, $0xb8;
	[tilespmem:$0xE620] =	vst v63  }
0x71: {  	_ =	swait.ge [sflag:s7], $0x3800  }
0x72: {  	[sflag:s7] =	ssyncset.done $0x0  }
0x73: {  	[sflag:s7] =	ssyncadd.s32 $0xFFFFC800  }
0x74: {  	_ =	swait.ge [sflag:s8], $0x3800  }
0x75: {  	[sflag:s8] =	ssyncset.done $0x0  }
0x76: {  	[sflag:s8] =	ssyncadd.s32 $0xFFFFC800  }
0x77: {  	[hbm4b:s15+s2] =	stream.linear.scatter [tilespmem:s5], [sflag:$0x2], $0x3800, $0x38;
	[tilespmem:$0xE620] =	vst v63  }
0x78: {  	_ = 	snop  }
0x79: {  	[tilespmem:s9], [sflag:$0x1] =	stream.indirect.gather [hbm4b:s4+s13], $0x80, s19, s13, $0xb8;
	[tilespmem:$0xE620] =	vst v63  }
0x7a: {  	_ =	swait.ge [sflag:s16], $0x3800  }
0x7b: {  	[sflag:s16] =	ssyncset.done $0x0  }
0x7c: {  	[sflag:s16] =	ssyncadd.s32 $0xFFFFC800  }
0x7d: {  	_ =	swait.ge [sflag:s7], $0x3800  }
0x7e: {  	[sflag:s7] =	ssyncset.done $0x0  }
0x7f: {  	[sflag:s7] =	ssyncadd.s32 $0xFFFFC800  }
0x80: {  	[hbm4b:s11+s2] =	stream.linear.scatter [tilespmem:s17], [sflag:$0x3], $0x3800, $0x38;
	[tilespmem:$0xE620] =	vst v63  }
0x81: {  	_ = 	snop  }
0x82: {  	[tilespmem:s5], [sflag:$0x2] =	stream.indirect.gather [hbm4b:s4+s13], $0x80, s18, s13, $0xb8;
	[tilespmem:$0xE620] =	vst v63  }
0x83: {  	_ =	swait.ge [sflag:s12], $0x3800  }
0x84: {  	[sflag:s12] =	ssyncset.done $0x0  }
0x85: {  	[sflag:s12] =	ssyncadd.s32 $0xFFFFC800  }
0x86: {  	_ =	swait.ge [sflag:s16], $0x3800  }
0x87: {  	[sflag:s16] =	ssyncset.done $0x0  }
0x88: {  	[sflag:s16] =	ssyncadd.s32 $0xFFFFC800  }
0x89: {  	[hbm4b:s10+s2] =	stream.linear.scatter [tilespmem:s14], [sflag:$0x4], $0x3800, $0x38;
	[tilespmem:$0xE620] =	vst v63  }
0x8a: {  	_ =	swait.ge [sflag:s8], $0x3800  }
0x8b: {  	[sflag:s8] =	ssyncset.done $0x0  }
0x8c: {  	[sflag:s8] =	ssyncadd.s32 $0xFFFFC800  }
0x8d: {  	_ =	swait.ge [sflag:s12], $0x3800  }
0x8e: {  	[sflag:s12] =	ssyncset.done $0x0  }
0x8f: {  	[sflag:s12] =	ssyncadd.s32 $0xFFFFC800  }
0x90: {  	[hbm4b:s6+s2] =	stream.linear.scatter [tilespmem:s9], [sflag:$0x1], $0x3800, $0x38;
	[tilespmem:$0xE620] =	vst v63  }
0x91: {  	_ =	swait.ge [sflag:s7], $0x3800  }
0x92: {  	[sflag:s7] =	ssyncset.done $0x0  }
0x93: {  	[sflag:s7] =	ssyncadd.s32 $0xFFFFC800  }
0x94: {  	p1 =	sne.s32 s1, $0x1;
	_ =	swait.ge [sflag:s8], $0x3800  }
.Ltmp1:
0x95: {  	[sflag:s8] =	ssyncset.done $0x0;
	(pc) =	sbr.rel @!p1 .LBB2_3-.Ltmp1, $4  }
0x96: {  	[sflag:s8] =	ssyncadd.s32 $0xFFFFC800  }
0x97: {  	[hbm4b:s3+s2] =	stream.linear.scatter [tilespmem:s5], [sflag:$0x2], $0x3800, $0x38;
	[tilespmem:$0xE620] =	vst v63  }
0x98: {  	s1 =	sadd.s32 $0xFFFFFFFF, s1;
	_ =	swait.ge [sflag:s7], $0x3800  }
0x99: {  	p0 =	por $0x1, $0x1;
	s0 =	rddreg [dreg:$0x3];
	[sflag:s7] =	ssyncset.done $0x0  }
.LBB2_2:
0x9a: {  	[sflag:s7] =	ssyncadd.s32 $0xFFFFC800  }
0x9b: {  	[tilespmem:s2], [sflag:$0x5] =	stream.linear.gather [hbm4b:s0+s2], $0x620, $0x38;
	[tilespmem:$0xE620] =	vst v63  }
0x9c: {  	_ =	swait.ge [sflag:s30], $0x620  }
0x9d: {  	[sflag:s30] =	ssyncset.done $0x0  }
0x9e: {  	[sflag:s30] =	ssyncadd.s32 $0xFFFFF9E0  }
0x9f: {  	[tilespmem:s9], [sflag:$0x1] =	stream.indirect.gather [hbm4b:s4+s13], $0x80, s2, s13, $0xb8;
	[tilespmem:$0xE620] =	vst v63  }
0xa0: {  	_ = 	snop  }
0xa1: {  	[tilespmem:s5], [sflag:$0x2] =	stream.indirect.gather [hbm4b:s4+s13], $0x80, s13, s13, $0xb8;
	[tilespmem:$0xE620] =	vst v63  }
0xa2: {  	_ = 	snop  }
0xa3: {  	[tilespmem:s17], [sflag:$0x3] =	stream.indirect.gather [hbm4b:s4+s13], $0x80, s31, s13, $0xb8;
	[tilespmem:$0xE620] =	vst v63  }
0xa4: {  	_ =	swait.ge [sflag:s8], $0x3800  }
0xa5: {  	[sflag:s8] =	ssyncset.done $0x0  }
0xa6: {  	s0 =	rddreg [dreg:$0x4];
	[sflag:s8] =	ssyncadd.s32 $0xFFFFC800  }
0xa7: {  	[hbm4b:s0+s2] =	stream.linear.scatter [tilespmem:s9], [sflag:$0x1], $0x3800, $0x38;
	[tilespmem:$0xE620] =	vst v63  }
0xa8: {  	_ = 	snop  }
0xa9: {  	[tilespmem:s14], [sflag:$0x4] =	stream.indirect.gather [hbm4b:s4+s13], $0x80, s29, s13, $0xb8;
	[tilespmem:$0xE620] =	vst v63  }
0xaa: {  	_ =	swait.ge [sflag:s7], $0x3800  }
0xab: {  	[sflag:s7] =	ssyncset.done $0x0  }
0xac: {  	[sflag:s7] =	ssyncadd.s32 $0xFFFFC800  }
0xad: {  	_ =	swait.ge [sflag:s8], $0x3800  }
0xae: {  	[sflag:s8] =	ssyncset.done $0x0  }
0xaf: {  	s0 =	rddreg [dreg:$0x5];
	[sflag:s8] =	ssyncadd.s32 $0xFFFFC800  }
0xb0: {  	[hbm4b:s0+s2] =	stream.linear.scatter [tilespmem:s5], [sflag:$0x2], $0x3800, $0x38;
	[tilespmem:$0xE620] =	vst v63  }
0xb1: {  	_ = 	snop  }
0xb2: {  	[tilespmem:s9], [sflag:$0x1] =	stream.indirect.gather [hbm4b:s4+s13], $0x80, s28, s13, $0xb8;
	[tilespmem:$0xE620] =	vst v63  }
0xb3: {  	_ =	swait.ge [sflag:s16], $0x3800  }
0xb4: {  	[sflag:s16] =	ssyncset.done $0x0  }
0xb5: {  	[sflag:s16] =	ssyncadd.s32 $0xFFFFC800  }
0xb6: {  	_ =	swait.ge [sflag:s7], $0x3800  }
0xb7: {  	[sflag:s7] =	ssyncset.done $0x0  }
0xb8: {  	s0 =	rddreg [dreg:$0x6];
	[sflag:s7] =	ssyncadd.s32 $0xFFFFC800  }
0xb9: {  	[hbm4b:s0+s2] =	stream.linear.scatter [tilespmem:s17], [sflag:$0x3], $0x3800, $0x38;
	[tilespmem:$0xE620] =	vst v63  }
0xba: {  	_ = 	snop  }
0xbb: {  	[tilespmem:s5], [sflag:$0x2] =	stream.indirect.gather [hbm4b:s4+s13], $0x80, s26, s13, $0xb8;
	[tilespmem:$0xE620] =	vst v63  }
0xbc: {  	_ =	swait.ge [sflag:s12], $0x3800  }
0xbd: {  	[sflag:s12] =	ssyncset.done $0x0  }
0xbe: {  	[sflag:s12] =	ssyncadd.s32 $0xFFFFC800  }
0xbf: {  	_ =	swait.ge [sflag:s16], $0x3800  }
0xc0: {  	[sflag:s16] =	ssyncset.done $0x0  }
0xc1: {  	s0 =	rddreg [dreg:$0x7];
	[sflag:s16] =	ssyncadd.s32 $0xFFFFC800  }
0xc2: {  	[hbm4b:s0+s2] =	stream.linear.scatter [tilespmem:s14], [sflag:$0x4], $0x3800, $0x38;
	[tilespmem:$0xE620] =	vst v63  }
0xc3: {  	_ = 	snop  }
0xc4: {  	[tilespmem:s17], [sflag:$0x3] =	stream.indirect.gather [hbm4b:s4+s13], $0x80, s25, s13, $0xb8;
	[tilespmem:$0xE620] =	vst v63  }
0xc5: {  	_ =	swait.ge [sflag:s8], $0x3800  }
0xc6: {  	[sflag:s8] =	ssyncset.done $0x0  }
0xc7: {  	[sflag:s8] =	ssyncadd.s32 $0xFFFFC800  }
0xc8: {  	_ =	swait.ge [sflag:s12], $0x3800  }
0xc9: {  	[sflag:s12] =	ssyncset.done $0x0  }
0xca: {  	s0 =	rddreg [dreg:$0x8];
	[sflag:s12] =	ssyncadd.s32 $0xFFFFC800  }
0xcb: {  	[hbm4b:s0+s2] =	stream.linear.scatter [tilespmem:s9], [sflag:$0x1], $0x3800, $0x38;
	[tilespmem:$0xE620] =	vst v63  }
0xcc: {  	_ = 	snop  }
0xcd: {  	[tilespmem:s14], [sflag:$0x4] =	stream.indirect.gather [hbm4b:s4+s13], $0x80, s24, s13, $0xb8;
	[tilespmem:$0xE620] =	vst v63  }
0xce: {  	_ =	swait.ge [sflag:s7], $0x3800  }
0xcf: {  	[sflag:s7] =	ssyncset.done $0x0  }
0xd0: {  	[sflag:s7] =	ssyncadd.s32 $0xFFFFC800  }
0xd1: {  	_ =	swait.ge [sflag:s8], $0x3800  }
0xd2: {  	[sflag:s8] =	ssyncset.done $0x0  }
0xd3: {  	s0 =	rddreg [dreg:$0x9];
	[sflag:s8] =	ssyncadd.s32 $0xFFFFC800  }
0xd4: {  	[hbm4b:s0+s2] =	stream.linear.scatter [tilespmem:s5], [sflag:$0x2], $0x3800, $0x38;
	[tilespmem:$0xE620] =	vst v63  }
0xd5: {  	_ = 	snop  }
0xd6: {  	[tilespmem:s9], [sflag:$0x1] =	stream.indirect.gather [hbm4b:s4+s13], $0x80, s23, s13, $0xb8;
	[tilespmem:$0xE620] =	vst v63  }
0xd7: {  	_ =	swait.ge [sflag:s16], $0x3800  }
0xd8: {  	[sflag:s16] =	ssyncset.done $0x0  }
0xd9: {  	[sflag:s16] =	ssyncadd.s32 $0xFFFFC800  }
0xda: {  	_ =	swait.ge [sflag:s7], $0x3800  }
0xdb: {  	[sflag:s7] =	ssyncset.done $0x0  }
0xdc: {  	s0 =	rddreg [dreg:$0xa];
	[sflag:s7] =	ssyncadd.s32 $0xFFFFC800  }
0xdd: {  	[hbm4b:s0+s2] =	stream.linear.scatter [tilespmem:s17], [sflag:$0x3], $0x3800, $0x38;
	[tilespmem:$0xE620] =	vst v63  }
0xde: {  	_ = 	snop  }
0xdf: {  	[tilespmem:s5], [sflag:$0x2] =	stream.indirect.gather [hbm4b:s4+s13], $0x80, s22, s13, $0xb8;
	[tilespmem:$0xE620] =	vst v63  }
0xe0: {  	_ =	swait.ge [sflag:s12], $0x3800  }
0xe1: {  	[sflag:s12] =	ssyncset.done $0x0  }
0xe2: {  	[sflag:s12] =	ssyncadd.s32 $0xFFFFC800  }
0xe3: {  	_ =	swait.ge [sflag:s16], $0x3800  }
0xe4: {  	[sflag:s16] =	ssyncset.done $0x0  }
0xe5: {  	s0 =	rddreg [dreg:$0xb];
	[sflag:s16] =	ssyncadd.s32 $0xFFFFC800  }
0xe6: {  	[hbm4b:s0+s2] =	stream.linear.scatter [tilespmem:s14], [sflag:$0x4], $0x3800, $0x38;
	[tilespmem:$0xE620] =	vst v63  }
0xe7: {  	_ = 	snop  }
0xe8: {  	[tilespmem:s17], [sflag:$0x3] =	stream.indirect.gather [hbm4b:s4+s13], $0x80, s21, s13, $0xb8;
	[tilespmem:$0xE620] =	vst v63  }
0xe9: {  	_ =	swait.ge [sflag:s8], $0x3800  }
0xea: {  	[sflag:s8] =	ssyncset.done $0x0  }
0xeb: {  	[sflag:s8] =	ssyncadd.s32 $0xFFFFC800  }
0xec: {  	_ =	swait.ge [sflag:s12], $0x3800  }
0xed: {  	[sflag:s12] =	ssyncset.done $0x0  }
0xee: {  	s0 =	rddreg [dreg:$0xc];
	[sflag:s12] =	ssyncadd.s32 $0xFFFFC800  }
0xef: {  	[hbm4b:s0+s2] =	stream.linear.scatter [tilespmem:s9], [sflag:$0x1], $0x3800, $0x38;
	[tilespmem:$0xE620] =	vst v63  }
0xf0: {  	_ = 	snop  }
0xf1: {  	[tilespmem:s14], [sflag:$0x4] =	stream.indirect.gather [hbm4b:s4+s13], $0x80, s20, s13, $0xb8;
	[tilespmem:$0xE620] =	vst v63  }
0xf2: {  	_ =	swait.ge [sflag:s7], $0x3800  }
0xf3: {  	[sflag:s7] =	ssyncset.done $0x0  }
0xf4: {  	[sflag:s7] =	ssyncadd.s32 $0xFFFFC800  }
0xf5: {  	_ =	swait.ge [sflag:s8], $0x3800  }
0xf6: {  	[sflag:s8] =	ssyncset.done $0x0  }
0xf7: {  	[sflag:s8] =	ssyncadd.s32 $0xFFFFC800  }
0xf8: {  	[hbm4b:s15+s2] =	stream.linear.scatter [tilespmem:s5], [sflag:$0x2], $0x3800, $0x38;
	[tilespmem:$0xE620] =	vst v63  }
0xf9: {  	_ = 	snop  }
0xfa: {  	[tilespmem:s9], [sflag:$0x1] =	stream.indirect.gather [hbm4b:s4+s13], $0x80, s19, s13, $0xb8;
	[tilespmem:$0xE620] =	vst v63  }
0xfb: {  	_ =	swait.ge [sflag:s16], $0x3800  }
0xfc: {  	[sflag:s16] =	ssyncset.done $0x0  }
0xfd: {  	[sflag:s16] =	ssyncadd.s32 $0xFFFFC800  }
0xfe: {  	_ =	swait.ge [sflag:s7], $0x3800  }
0xff: {  	[sflag:s7] =	ssyncset.done $0x0  }
0x100: {  	[sflag:s7] =	ssyncadd.s32 $0xFFFFC800  }
0x101: {  	[hbm4b:s11+s2] =	stream.linear.scatter [tilespmem:s17], [sflag:$0x3], $0x3800, $0x38;
	[tilespmem:$0xE620] =	vst v63  }
0x102: {  	_ = 	snop  }
0x103: {  	[tilespmem:s5], [sflag:$0x2] =	stream.indirect.gather [hbm4b:s4+s13], $0x80, s18, s13, $0xb8;
	[tilespmem:$0xE620] =	vst v63  }
0x104: {  	_ =	swait.ge [sflag:s12], $0x3800  }
0x105: {  	[sflag:s12] =	ssyncset.done $0x0  }
0x106: {  	[sflag:s12] =	ssyncadd.s32 $0xFFFFC800  }
0x107: {  	_ =	swait.ge [sflag:s16], $0x3800  }
0x108: {  	[sflag:s16] =	ssyncset.done $0x0  }
0x109: {  	[sflag:s16] =	ssyncadd.s32 $0xFFFFC800  }
0x10a: {  	[hbm4b:s10+s2] =	stream.linear.scatter [tilespmem:s14], [sflag:$0x4], $0x3800, $0x38;
	[tilespmem:$0xE620] =	vst v63  }
0x10b: {  	_ =	swait.ge [sflag:s8], $0x3800  }
0x10c: {  	[sflag:s8] =	ssyncset.done $0x0  }
0x10d: {  	[sflag:s8] =	ssyncadd.s32 $0xFFFFC800  }
0x10e: {  	_ =	swait.ge [sflag:s12], $0x3800  }
0x10f: {  	[sflag:s12] =	ssyncset.done $0x0  }
0x110: {  	[sflag:s12] =	ssyncadd.s32 $0xFFFFC800  }
0x111: {  	[hbm4b:s6+s2] =	stream.linear.scatter [tilespmem:s9], [sflag:$0x1], $0x3800, $0x38;
	[tilespmem:$0xE620] =	vst v63  }
0x112: {  	_ =	swait.ge [sflag:s7], $0x3800  }
0x113: {  	[sflag:s7] =	ssyncset.done $0x0  }
0x114: {  	[sflag:s7] =	ssyncadd.s32 $0xFFFFC800  }
0x115: {  	p1 =	sne.s32 s1, $0x1;
	_ =	swait.ge [sflag:s8], $0x3800  }
.Ltmp2:
0x116: {  	[sflag:s8] =	ssyncset.done $0x0;
	(pc) =	sbr.rel @p1 .LBB2_2-.Ltmp2, $4  }
0x117: {  	[sflag:s8] =	ssyncadd.s32 $0xFFFFC800  }
0x118: {  	[hbm4b:s3+s2] =	stream.linear.scatter [tilespmem:s5], [sflag:$0x2], $0x3800, $0x38;
	[tilespmem:$0xE620] =	vst v63  }
0x119: {  	_ =	swait.ge [sflag:s7], $0x3800  }
0x11a: {  	s1 =	sadd.s32 $0xFFFFFFFF, s1;
	s0 =	rddreg [dreg:$0x3];
	[sflag:s7] =	ssyncset.done $0x0  }
.LBB2_3:
0x11b: {  	[sflag:s7] =	ssyncadd.s32 @p0 $0xFFFFC800  }
0x11c: {  	[tilespmem:s2], [sflag:$0x5] =	stream.linear.gather [hbm4b:s0+s2], $0x620, $0x38;
	[tilespmem:$0xE620] =	vst v63  }
0x11d: {  	_ =	swait.ge [sflag:s30], $0x620  }
0x11e: {  	[sflag:s30] =	ssyncset.done $0x0  }
0x11f: {  	[sflag:s30] =	ssyncadd.s32 $0xFFFFF9E0  }
0x120: {  	[tilespmem:s9], [sflag:$0x1] =	stream.indirect.gather [hbm4b:s4+s13], $0x80, s2, s13, $0xb8;
	[tilespmem:$0xE620] =	vst v63  }
0x121: {  	_ = 	snop  }
0x122: {  	[tilespmem:s5], [sflag:$0x2] =	stream.indirect.gather [hbm4b:s4+s13], $0x80, s13, s13, $0xb8;
	[tilespmem:$0xE620] =	vst v63  }
0x123: {  	_ = 	snop  }
0x124: {  	[tilespmem:s17], [sflag:$0x3] =	stream.indirect.gather [hbm4b:s4+s13], $0x80, s31, s13, $0xb8;
	[tilespmem:$0xE620] =	vst v63  }
0x125: {  	_ =	swait.ge [sflag:s8], $0x3800  }
0x126: {  	[sflag:s8] =	ssyncset.done $0x0  }
0x127: {  	s1 =	rddreg [dreg:$0x4];
	[sflag:s8] =	ssyncadd.s32 $0xFFFFC800  }
0x128: {  	[hbm4b:s1+s2] =	stream.linear.scatter [tilespmem:s9], [sflag:$0x1], $0x3800, $0x38;
	[tilespmem:$0xE620] =	vst v63  }
0x129: {  	_ = 	snop  }
0x12a: {  	[tilespmem:s14], [sflag:$0x4] =	stream.indirect.gather [hbm4b:s4+s13], $0x80, s29, s13, $0xb8;
	[tilespmem:$0xE620] =	vst v63  }
0x12b: {  	_ =	swait.ge [sflag:s7], $0x3800  }
0x12c: {  	[sflag:s7] =	ssyncset.done $0x0  }
0x12d: {  	[sflag:s7] =	ssyncadd.s32 $0xFFFFC800  }
0x12e: {  	_ =	swait.ge [sflag:s8], $0x3800  }
0x12f: {  	[sflag:s8] =	ssyncset.done $0x0  }
0x130: {  	s30 =	rddreg [dreg:$0x5];
	[sflag:s8] =	ssyncadd.s32 $0xFFFFC800  }
0x131: {  	[hbm4b:s30+s2] =	stream.linear.scatter [tilespmem:s5], [sflag:$0x2], $0x3800, $0x38;
	[tilespmem:$0xE620] =	vst v63  }
0x132: {  	_ = 	snop  }
0x133: {  	[tilespmem:s9], [sflag:$0x1] =	stream.indirect.gather [hbm4b:s4+s13], $0x80, s28, s13, $0xb8;
	[tilespmem:$0xE620] =	vst v63  }
0x134: {  	_ =	swait.ge [sflag:s16], $0x3800  }
0x135: {  	[sflag:s16] =	ssyncset.done $0x0  }
0x136: {  	[sflag:s16] =	ssyncadd.s32 $0xFFFFC800  }
0x137: {  	_ =	swait.ge [sflag:s7], $0x3800  }
0x138: {  	[sflag:s7] =	ssyncset.done $0x0  }
0x139: {  	s31 =	rddreg [dreg:$0x6];
	[sflag:s7] =	ssyncadd.s32 $0xFFFFC800  }
0x13a: {  	[hbm4b:s31+s2] =	stream.linear.scatter [tilespmem:s17], [sflag:$0x3], $0x3800, $0x38;
	[tilespmem:$0xE620] =	vst v63  }
0x13b: {  	_ = 	snop  }
0x13c: {  	[tilespmem:s5], [sflag:$0x2] =	stream.indirect.gather [hbm4b:s4+s13], $0x80, s26, s13, $0xb8;
	[tilespmem:$0xE620] =	vst v63  }
0x13d: {  	_ =	swait.ge [sflag:s12], $0x3800  }
0x13e: {  	[sflag:s12] =	ssyncset.done $0x0  }
0x13f: {  	[sflag:s12] =	ssyncadd.s32 $0xFFFFC800  }
0x140: {  	_ =	swait.ge [sflag:s16], $0x3800  }
0x141: {  	[sflag:s16] =	ssyncset.done $0x0  }
0x142: {  	s1 =	rddreg [dreg:$0x7];
	[sflag:s16] =	ssyncadd.s32 $0xFFFFC800  }
0x143: {  	[hbm4b:s1+s2] =	stream.linear.scatter [tilespmem:s14], [sflag:$0x4], $0x3800, $0x38;
	[tilespmem:$0xE620] =	vst v63  }
0x144: {  	_ = 	snop  }
0x145: {  	[tilespmem:s17], [sflag:$0x3] =	stream.indirect.gather [hbm4b:s4+s13], $0x80, s25, s13, $0xb8;
	[tilespmem:$0xE620] =	vst v63  }
0x146: {  	_ =	swait.ge [sflag:s8], $0x3800  }
0x147: {  	[sflag:s8] =	ssyncset.done $0x0  }
0x148: {  	[sflag:s8] =	ssyncadd.s32 $0xFFFFC800  }
0x149: {  	_ =	swait.ge [sflag:s12], $0x3800  }
0x14a: {  	[sflag:s12] =	ssyncset.done $0x0  }
0x14b: {  	s25 =	rddreg [dreg:$0x8];
	[sflag:s12] =	ssyncadd.s32 $0xFFFFC800  }
0x14c: {  	[hbm4b:s25+s2] =	stream.linear.scatter [tilespmem:s9], [sflag:$0x1], $0x3800, $0x38;
	[tilespmem:$0xE620] =	vst v63  }
0x14d: {  	_ = 	snop  }
0x14e: {  	[tilespmem:s14], [sflag:$0x4] =	stream.indirect.gather [hbm4b:s4+s13], $0x80, s24, s13, $0xb8;
	[tilespmem:$0xE620] =	vst v63  }
0x14f: {  	_ =	swait.ge [sflag:s7], $0x3800  }
0x150: {  	[sflag:s7] =	ssyncset.done $0x0  }
0x151: {  	[sflag:s7] =	ssyncadd.s32 $0xFFFFC800  }
0x152: {  	_ =	swait.ge [sflag:s8], $0x3800  }
0x153: {  	[sflag:s8] =	ssyncset.done $0x0  }
0x154: {  	s26 =	rddreg [dreg:$0x9];
	[sflag:s8] =	ssyncadd.s32 $0xFFFFC800  }
0x155: {  	[hbm4b:s26+s2] =	stream.linear.scatter [tilespmem:s5], [sflag:$0x2], $0x3800, $0x38;
	[tilespmem:$0xE620] =	vst v63  }
0x156: {  	_ = 	snop  }
0x157: {  	[tilespmem:s9], [sflag:$0x1] =	stream.indirect.gather [hbm4b:s4+s13], $0x80, s23, s13, $0xb8;
	[tilespmem:$0xE620] =	vst v63  }
0x158: {  	_ =	swait.ge [sflag:s16], $0x3800  }
0x159: {  	[sflag:s16] =	ssyncset.done $0x0  }
0x15a: {  	[sflag:s16] =	ssyncadd.s32 $0xFFFFC800  }
0x15b: {  	_ =	swait.ge [sflag:s7], $0x3800  }
0x15c: {  	[sflag:s7] =	ssyncset.done $0x0  }
0x15d: {  	s28 =	rddreg [dreg:$0xa];
	[sflag:s7] =	ssyncadd.s32 $0xFFFFC800  }
0x15e: {  	[hbm4b:s28+s2] =	stream.linear.scatter [tilespmem:s17], [sflag:$0x3], $0x3800, $0x38;
	[tilespmem:$0xE620] =	vst v63  }
0x15f: {  	_ = 	snop  }
0x160: {  	[tilespmem:s5], [sflag:$0x2] =	stream.indirect.gather [hbm4b:s4+s13], $0x80, s22, s13, $0xb8;
	[tilespmem:$0xE620] =	vst v63  }
0x161: {  	_ =	swait.ge [sflag:s12], $0x3800  }
0x162: {  	[sflag:s12] =	ssyncset.done $0x0  }
0x163: {  	[sflag:s12] =	ssyncadd.s32 $0xFFFFC800  }
0x164: {  	_ =	swait.ge [sflag:s16], $0x3800  }
0x165: {  	[sflag:s16] =	ssyncset.done $0x0  }
0x166: {  	s29 =	rddreg [dreg:$0xb];
	[sflag:s16] =	ssyncadd.s32 $0xFFFFC800  }
0x167: {  	[hbm4b:s29+s2] =	stream.linear.scatter [tilespmem:s14], [sflag:$0x4], $0x3800, $0x38;
	[tilespmem:$0xE620] =	vst v63  }
0x168: {  	_ = 	snop  }
0x169: {  	[tilespmem:s17], [sflag:$0x3] =	stream.indirect.gather [hbm4b:s4+s13], $0x80, s21, s13, $0xb8;
	[tilespmem:$0xE620] =	vst v63  }
0x16a: {  	_ =	swait.ge [sflag:s8], $0x3800  }
0x16b: {  	[sflag:s8] =	ssyncset.done $0x0  }
0x16c: {  	[sflag:s8] =	ssyncadd.s32 $0xFFFFC800  }
0x16d: {  	_ =	swait.ge [sflag:s12], $0x3800  }
0x16e: {  	[sflag:s12] =	ssyncset.done $0x0  }
0x16f: {  	s30 =	rddreg [dreg:$0xc];
	[sflag:s12] =	ssyncadd.s32 $0xFFFFC800  }
0x170: {  	[hbm4b:s30+s2] =	stream.linear.scatter [tilespmem:s9], [sflag:$0x1], $0x3800, $0x38;
	[tilespmem:$0xE620] =	vst v63  }
0x171: {  	_ = 	snop  }
0x172: {  	[tilespmem:s14], [sflag:$0x4] =	stream.indirect.gather [hbm4b:s4+s13], $0x80, s20, s13, $0xb8;
	[tilespmem:$0xE620] =	vst v63  }
0x173: {  	_ =	swait.ge [sflag:s7], $0x3800  }
0x174: {  	[sflag:s7] =	ssyncset.done $0x0  }
0x175: {  	[sflag:s7] =	ssyncadd.s32 $0xFFFFC800  }
0x176: {  	_ =	swait.ge [sflag:s8], $0x3800  }
0x177: {  	[sflag:s8] =	ssyncset.done $0x0  }
0x178: {  	[sflag:s8] =	ssyncadd.s32 $0xFFFFC800  }
0x179: {  	[hbm4b:s15+s2] =	stream.linear.scatter [tilespmem:s5], [sflag:$0x2], $0x3800, $0x38;
	[tilespmem:$0xE620] =	vst v63  }
0x17a: {  	_ = 	snop  }
0x17b: {  	[tilespmem:s9], [sflag:$0x1] =	stream.indirect.gather [hbm4b:s4+s13], $0x80, s19, s13, $0xb8;
	[tilespmem:$0xE620] =	vst v63  }
0x17c: {  	_ =	swait.ge [sflag:s16], $0x3800  }
0x17d: {  	[sflag:s16] =	ssyncset.done $0x0  }
0x17e: {  	[sflag:s16] =	ssyncadd.s32 $0xFFFFC800  }
0x17f: {  	_ =	swait.ge [sflag:s7], $0x3800  }
0x180: {  	[sflag:s7] =	ssyncset.done $0x0  }
0x181: {  	[sflag:s7] =	ssyncadd.s32 $0xFFFFC800  }
0x182: {  	[hbm4b:s11+s2] =	stream.linear.scatter [tilespmem:s17], [sflag:$0x3], $0x3800, $0x38;
	[tilespmem:$0xE620] =	vst v63  }
0x183: {  	_ = 	snop  }
0x184: {  	[tilespmem:s5], [sflag:$0x2] =	stream.indirect.gather [hbm4b:s4+s13], $0x80, s18, s13, $0xb8;
	[tilespmem:$0xE620] =	vst v63  }
0x185: {  	_ =	swait.ge [sflag:s12], $0x3800  }
0x186: {  	[sflag:s12] =	ssyncset.done $0x0  }
0x187: {  	[sflag:s12] =	ssyncadd.s32 $0xFFFFC800  }
0x188: {  	_ =	swait.ge [sflag:s16], $0x3800  }
0x189: {  	[sflag:s16] =	ssyncset.done $0x0  }
0x18a: {  	[sflag:s16] =	ssyncadd.s32 $0xFFFFC800  }
0x18b: {  	[hbm4b:s10+s2] =	stream.linear.scatter [tilespmem:s14], [sflag:$0x4], $0x3800, $0x38;
	[tilespmem:$0xE620] =	vst v63  }
0x18c: {  	_ =	swait.ge [sflag:s8], $0x3800  }
0x18d: {  	[sflag:s8] =	ssyncset.done $0x0  }
0x18e: {  	[sflag:s8] =	ssyncadd.s32 $0xFFFFC800  }
0x18f: {  	_ =	swait.ge [sflag:s12], $0x3800  }
0x190: {  	[sflag:s12] =	ssyncset.done $0x0  }
0x191: {  	[sflag:s12] =	ssyncadd.s32 $0xFFFFC800  }
0x192: {  	[hbm4b:s6+s2] =	stream.linear.scatter [tilespmem:s9], [sflag:$0x1], $0x3800, $0x38;
	[tilespmem:$0xE620] =	vst v63  }
0x193: {  	_ =	swait.ge [sflag:s7], $0x3800  }
0x194: {  	[sflag:s7] =	ssyncset.done $0x0  }
0x195: {  	[sflag:s7] =	ssyncadd.s32 $0xFFFFC800  }
0x196: {  	_ =	swait.ge [sflag:s8], $0x3800  }
0x197: {  	[sflag:s8] =	ssyncset.done $0x0  }
0x198: {  	[sflag:s8] =	ssyncadd.s32 $0xFFFFC800  }
0x199: {  	[hbm4b:s3+s2] =	stream.linear.scatter [tilespmem:s5], [sflag:$0x2], $0x3800, $0x38;
	[tilespmem:$0xE620] =	vst v63  }
0x19a: {  	_ =	swait.ge [sflag:s7], $0x3800  }
0x19b: {  	[sflag:s7] =	ssyncset.done $0x0  }
0x19c: {  	[sflag:s7] =	ssyncadd.s32 $0xFFFFC800  }
0x19d: {  	_ =	sfence.sel $0x180000  }
0x19e: {  	[bflag:$0x0] =	sbarrier.arrive $0xFFFF  }
0x19f: {  	_ =	strace $0x90000047  }
0x1a0: {  	s31 =	stileid.u32;
	[bflag:$0x2] =	sbarrier.arrive $0xFFFF  }
0x1a1: {  	p0 =	sne.s32 s31, $0x0;
	s0 =	rddreg [dreg:$0x2]  }
0x1a2: {  	s0 =	sadd.s32 @!p0 $0x100000, s0  }
0x1a3: {  	[sflag:s0] =	ssyncadd.tile.s32 @!p0 $0x1;
	_ =	shalt  }
.Lfunc_end2:
_tile_overlayer_lowered:
.L_overlay_start_2:
0x1a4: {  	(tag) =	ssettag $0x2  }
0x1a5: {  	s0 =	rddreg [dreg:$0x0];
	s2 =	stileid.u32  }
0x1a6: {  	s1 =	rddreg [dreg:$0x1];
	p0 =	sne.s32 s2, $0x0  }
0x1a7: {  	s3 =	rddreg [dreg:$0x2];
	[bflag:$0x3] =	sbarrier.arrive $0xFFFF;
	s2 =	simm.s32 @!p0 $0x1C05  }
0x1a8: {  	[timem:s3], [sflag:s2] =	dma.local @!p0 [hbm:s0], s1  }
0x1a9: {  	s0 =	simm.s32 @!p0 $0x5  }
0x1aa: {  	_ =	swait.ge @!p0 [sflag:s0], s1  }
0x1ab: {  	s1 =	ssub.s32 @!p0 $0x0, s1;
	[sflag:s0] =	ssyncset.done @!p0 $0x0  }
0x1ac: {  	[sflag:s0] =	ssyncadd.s32 @!p0 s1  }
0x1ad: {  	[bflag:$0x3] =	sbarrier.arrive $0xFFFF  }
0x1ae: {  	_ =	shalt  }

// kernel: kernel.8.cloned.1.call-start
scs
__scs_entry_jumppad:
0x0: {  	(pc) =	sbr.rel $0x88, $3  }
0x1: {  	(tag) =	ssettag $0x0;
	lr =	simm.s32 $0x1  }
0x2: {  	[smem:$0x3F9C] =	sst lr;
	_ =	strace $0xD0000000  }
0x3: {  	_ = 	snop  }
0x4: {  	_ = 	snop  }
0x5: {  	_ = 	snop  }
0x6: {  	_ = 	snop  }
0x7: {  	_ = 	snop  }
__scs_overlays_trampoline_lowered:
0x8: {  	[smem:$0x3FAB] =	sst s0  }
0x9: {  	[smem:$0x3FAC] =	sst s1  }
0xa: {  	[smem:$0x3FAD] =	sst s2  }
0xb: {  	[smem:$0x3FAE] =	sst s3  }
0xc: {  	[smem:$0x3FAF] =	sst s4  }
0xd: {  	[smem:$0x3FB0] =	sst s5  }
0xe: {  	[smem:$0x3FB1] =	sst s6  }
0xf: {  	[smem:$0x3FB2] =	sst s7  }
0x10: {  	[smem:$0x3FB3] =	sst s8  }
0x11: {  	[smem:$0x3FB4] =	sst s9;
	s0 =	simm.s32 @!p0 $0x0  }
0x12: {  	s1 =	sld [smem:$0x3F9A];
	s0 =	simm.s32 @p0 $0x1  }
0x13: {  	[smem:$0x3FB5] =	sst s0;
	s0 =	simm.s32 @!p1 $0x0  }
0x14: {  	s2 =	sld [smem:$0x3F99];
	s0 =	simm.s32 @p1 $0x1  }
0x15: {  	[smem:$0x3FB6] =	sst s0;
	s0 =	simm.s32 @!p2 $0x0  }
0x16: {  	s3 =	sld [smem:$0x3FDB];
	s0 =	simm.s32 @p2 $0x1  }
0x17: {  	s4 =	simm.s32 $0x1BF5;
	[smem:$0x3FB8] =	sst s0  }
0x18: {  	s0 =	sld [smem:$0x3F9B];
	_ =	swait.ge [sflag:s4], $0x0  }
0x19: {  	s7 =	sld [smem:$0x3F9C]  }
0x1a: {  	s8 =	sadd.s32 $0xFFFFE003, lr  }
0x1b: {  	s9 =	sadd.s32 $0xFFFFFEF7, lr;
	s5 =	simm.s32 $0xFFFFFFFF;
	p2 =	slt.u32 s8, $0xFFFFF086  }
0x1c: {  	p1 =	slt.u32 s9, $0xF7A;
	s5 =	simm.s32 @!p2 $0x0  }
0x1d: {  	s5 =	simm.s32 @p1 $0x1;
	p0 =	seq.s32 s7, s2  }
0x1e: {  	s7 =	smul.u32 @!p0 $0xF7A, s2;
	p2 =	seq.s32 @!p0 s5, $0x0  }
0x1f: {  	s9 =	smul.u32 $0xF7A, s1;
	s8 =	simm.s32 @!p0 $0x1BF5;
	p2 =	por !p2, p0  }
0x20: {  	[sflag:s8] =	ssyncset.s32 @!p0 $0xFFFFF086;
	s6 =	sadd.s32 @!p0 s3, s7;
	s7 =	simm.s32 @!p0 $0x108  }
0x21: {  	s3 =	sadd.s32 s3, s9;
	s6 =	sadd.s32 @!p0 $0x88, s6;
	s7 =	simm.s32 @p2 $0x1082  }
0x22: {  	[simem:s7], [sflag:s8] =	dma.local @!p0 [hbm:s6], $0xF7A  }
0x23: {  	s9 =	sor.u32 $0xD0000000, s2;
	s6 =	simm.s32 $0x108;
	_ =	swait.ge @!p0 [sflag:s8], $0x0  }
0x24: {  	s3 =	sadd.s32 $0x88, s3;
	s6 =	simm.s32 @!p1 $0x1082;
	[sflag:s4] =	ssyncset.s32 $0xFFFFF086  }
0x25: {  	[simem:s6], [sflag:s4] =	dma.local [hbm:s3], $0xF7A  }
0x26: {  	[smem:$0x3F9C] =	sst s1;
	(tag) =	ssettag s2;
	_ =	strace s9  }
0x27: {  	s1 =	sld [smem:$0x3FAC]  }
0x28: {  	s2 =	sld [smem:$0x3FAD]  }
0x29: {  	s4 =	sld [smem:$0x3FAF]  }
0x2a: {  	p0 =	seq.s32 s5, $0x0;
	s5 =	sld [smem:$0x3FB0]  }
0x2b: {  	s6 =	sld [smem:$0x3FB1]  }
0x2c: {  	s7 =	sld [smem:$0x3FB2]  }
0x2d: {  	s3 =	simm.s32 $0x108;
	s8 =	sld [smem:$0x3FB3]  }
0x2e: {  	s3 =	simm.s32 @!p0 $0x1082;
	s9 =	sld [smem:$0x3FB4]  }
0x2f: {  	lr =	sadd.s32 s0, s3;
	s0 =	sld [smem:$0x3FAB]  }
0x30: {  	s3 =	sld [smem:$0x3FAE]  }
0x31: {  	[smem:$0x3FB7] =	sst s10  }
0x32: {  	s10 =	sld [smem:$0x3FB5];
	_ =	sdelay $0x3  }
0x33: {  	p0 =	seq.s32 s10, $0x1;
	s10 =	sld [smem:$0x3FB7];
	_ =	sdelay $0x3  }
0x34: {  	[smem:$0x3FB7] =	sst s10  }
0x35: {  	s10 =	sld [smem:$0x3FB6];
	_ =	sdelay $0x3  }
0x36: {  	p1 =	seq.s32 s10, $0x1;
	s10 =	sld [smem:$0x3FB7];
	_ =	sdelay $0x3  }
0x37: {  	[smem:$0x3FB7] =	sst s10  }
0x38: {  	s10 =	sld [smem:$0x3FB8]  }
0x39: {  	_ = 	snop;
	(pc) =	sbr.ind lr, $3  }
0x3a: {  	_ = 	snop  }
0x3b: {  	_ = 	snop  }
0x3c: {  	p2 =	seq.s32 s10, $0x1;
	s10 =	sld [smem:$0x3FB7]  }
0x3d: {  	_ =	shalt  }
0x3e: {  	_ =	shalt  }
0x3f: {  	_ =	shalt  }
0x40: {  	_ =	shalt  }
0x41: {  	_ =	shalt  }
0x42: {  	_ =	shalt  }
0x43: {  	_ =	shalt  }
0x44: {  	_ =	shalt  }
0x45: {  	_ =	shalt  }
0x46: {  	_ =	shalt  }
0x47: {  	_ =	shalt  }
0x48: {  	_ =	shalt  }
0x49: {  	_ =	shalt  }
0x4a: {  	_ =	shalt  }
0x4b: {  	_ =	shalt  }
0x4c: {  	_ =	shalt  }
0x4d: {  	_ =	shalt  }
0x4e: {  	_ =	shalt  }
0x4f: {  	_ =	shalt  }
0x50: {  	_ =	shalt  }
0x51: {  	_ =	shalt  }
0x52: {  	_ =	shalt  }
0x53: {  	_ =	shalt  }
0x54: {  	_ =	shalt  }
0x55: {  	_ =	shalt  }
0x56: {  	_ =	shalt  }
0x57: {  	_ =	shalt  }
0x58: {  	_ =	shalt  }
0x59: {  	_ =	shalt  }
0x5a: {  	_ =	shalt  }
0x5b: {  	_ =	shalt  }
0x5c: {  	_ =	shalt  }
0x5d: {  	_ =	shalt  }
0x5e: {  	_ =	shalt  }
0x5f: {  	_ =	shalt  }
0x60: {  	_ =	shalt  }
0x61: {  	_ =	shalt  }
0x62: {  	_ =	shalt  }
0x63: {  	_ =	shalt  }
0x64: {  	_ =	shalt  }
0x65: {  	_ =	shalt  }
0x66: {  	_ =	shalt  }
0x67: {  	_ =	shalt  }
0x68: {  	_ =	shalt  }
0x69: {  	_ =	shalt  }
0x6a: {  	_ =	shalt  }
0x6b: {  	_ =	shalt  }
0x6c: {  	_ =	shalt  }
0x6d: {  	_ =	shalt  }
0x6e: {  	_ =	shalt  }
0x6f: {  	_ =	shalt  }
0x70: {  	_ =	shalt  }
0x71: {  	_ =	shalt  }
0x72: {  	_ =	shalt  }
0x73: {  	_ =	shalt  }
0x74: {  	_ =	shalt  }
0x75: {  	_ =	shalt  }
0x76: {  	_ =	shalt  }
0x77: {  	_ =	shalt  }
0x78: {  	_ =	shalt  }
0x79: {  	_ =	shalt  }
0x7a: {  	_ =	shalt  }
0x7b: {  	_ =	shalt  }
0x7c: {  	_ =	shalt  }
0x7d: {  	_ =	shalt  }
0x7e: {  	_ =	shalt  }
0x7f: {  	_ =	shalt  }
0x80: {  	_ =	shalt  }
0x81: {  	_ =	shalt  }
0x82: {  	_ =	shalt  }
0x83: {  	_ =	shalt  }
0x84: {  	_ =	shalt  }
0x85: {  	_ =	shalt  }
0x86: {  	_ =	shalt  }
0x87: {  	_ =	shalt  }
.Lfunc_end0:
.L_simem_size_0:
called_computation.1_lowered:
.L_overlay_start_0:
0x88: {  	s2 =	sld [smem:$0x3FD9]  }
0x89: {  	s3 =	sld [smem:$0x3FFE];
	_ =	sdelay $0x1  }
0x8a: {  	s1 =	srdreg.scid  }
0x8b: {  	s0 =	sand.u32 $0x1, s1  }
0x8c: {  	s17 =	sshll.u32 s0, $0xA;
	s2 =	sadd.s32 s3, s2  }
0x8d: {  	s2 =	sadd.s32 s2, s17  }
0x8e: {  	[smem:$0x3FC3] =	sst s2  }
0x8f: {  	_ = 	snop  }
0x90: {  	s2 =	sld [smem:$0x3FD0];
	(tm) =	ssettm $0x1  }
0x91: {  	s18 =	sld [smem:$0x3FFB];
	_ =	sdelay $0x3  }
0x92: {  	_ =	strace s18  }
0x93: {  	s3 =	sld [smem:$0x3FFC];
	_ =	sdelay $0x3  }
0x94: {  	_ =	strace s3  }
0x95: {  	s3 =	sld [smem:$0x3FFD];
	_ =	sdelay $0x3  }
0x96: {  	_ =	strace s3  }
0x97: {  	_ =	strace $0x8FFFFFFF  }
0x98: {  	s19 =	sld [smem:$0x3FDB];
	_ =	sdelay $0x1  }
0x99: {  	s4 =	simm.s32 $_scs_section_size  }
0x9a: {  	s5 =	simm.s32 $_size__tile_overlayer_lowered;
	s6 =	simm.s32 $_tile_overlayer_lowered  }
0x9b: {  	s22 =	simm.s32 $0x1BFF;
	s21 =	sshll.u32 s6, $0x1;
	s3 =	sadd.s32 s4, s19  }
0x9c: {  	s7 =	simm.s32 $0x0;
	s20 =	sshll.u32 s5, $0x1;
	s5 =	sadd.s32 s21, s3  }
0x9d: {  	[timem:s7], [sflag:s22] =	dma.local [hbm:s5], s20  }
0x9e: {  	_ =	swait.ge [sflag:s22], s20  }
0x9f: {  	s4 =	ssub.s32 $0x0, s20;
	[sflag:s22] =	ssyncset.done $0x0  }
0xa0: {  	[sflag:s22] =	ssyncadd.s32 s4;
	_ =	sdelay $0x1  }
0xa1: {  	s23 =	simm.s32 $0x1B8B  }
0xa2: {  	_ =	swait.ge [sflag:s23], $0x1  }
0xa3: {  	[sflag:s23] =	ssyncset.done $0x0  }
0xa4: {  	s25 =	simm.s32 $0x1B8E;
	s24 =	sld [smem:$0x3FFE];
	[sflag:s23] =	ssyncadd.s32 $0xFFFFFFFF  }
0xa5: {  	s26 =	simm.s32 $execute0_lowered;
	[smem:$0x3FD2] =	sst s25  }
0xa6: {  	s5 =	sshll.u32 s26, $0x1;
	_ =	strace $0x80000049;
	[dreg:$0x1] =	wrdreg $0xFFFFFFFF  }
0xa7: {  	s28 =	simm.s32 $_size_execute0_lowered;
	s3 =	sadd.s32 s3, s5;
	[dreg:$0x0] =	wrdreg $0x0  }
0xa8: {  	s5 =	sshll.u32 s28, $0x1;
	[dreg:$0x2] =	wrdreg s3  }
0xa9: {  	[dreg:$0x3] =	wrdreg s5  }
0xaa: {  	[dreg:$0x4] =	wrdreg $0xC0  }
0xab: {  	_ =	task [dreg:s7], $0x5FFFF  }
0xac: {  	[dreg:$0x1] =	wrdreg $0xFFFFFFFF  }
0xad: {  	[dreg:$0x0] =	wrdreg $0x60  }
0xae: {  	[dreg:$0x2] =	wrdreg s24  }
0xaf: {  	[dreg:$0x3] =	wrdreg s2  }
0xb0: {  	[dreg:$0x4] =	wrdreg $0x38E00  }
0xb1: {  	[dreg:$0x5] =	wrdreg $0x9  }
0xb2: {  	_ =	task.clear_ibuf [dreg:s7], $0x6FFFF;
	_ =	strace $0x90000049  }
0xb3: {  	s29 =	simm.s32 $0x9;
	_ =	strace $0x8000004B  }
0xb4: {  	_ =	swait.ge [sflag:s29], $0x1  }
0xb5: {  	[sflag:s29] =	ssyncadd.s32 $0xFFFFFFFF  }
0xb6: {  	_ =	strace $0x9000004B  }
0xb7: {  	_ =	sfence  }
0xb8: {  	s30 =	sld [smem:$0x0];
	_ =	sdelay $0x2  }
0xb9: {  	s31 =	sshll.u32 s1, $0xD;
	s1 =	sshrl.u32 s1, $0x2  }
0xba: {  	s3 =	sand.u32 $0x4000, s31;
	s1 =	sadd.s32 s1, s30  }
0xbb: {  	s0 =	sor.u32 s3, s0;
	s1 =	sshll.u32 s1, $0x11  }
0xbc: {  	s0 =	sor.u32 s1, s0  }
0xbd: {  	s0 =	sadd.s32 $0x8F2B, s0  }
0xbe: {  	[sflag:s0] =	ssyncadd.remote.s32 $0x1  }
0xbf: {  	_ =	sfence.sel $0xFFFF  }
0xc0: {  	[dreg:$0x0] =	wrdreg $0xFFFFFFFF;
	(pc) =	sbr.abs _section_cstart, $3  }
0xc1: {  	[dreg:$0x1] =	wrdreg $0xFFFFFFFF  }
0xc2: {  	_ =	task.clear_ibuf [dreg:s7], $0x2FFFF;
	_ =	strace $0x9FFFFFFF  }
0xc3: {  	(tm) =	ssettm $0x7FFFFFFF  }
tec
execute0_lowered:
.L_overlay_start_1:
0x0: {  	(tag) =	ssettag $0x1  }
0x1: {  	s0 =	rddreg [dreg:$0x0]  }
0x2: {  	s2 =	srdreg.scid;
	s14 =	stileid.u32  }
0x3: {  	s1 =	rddreg [dreg:$0x1];
	s8 =	smul.u32 $0x62000, s14  }
0x4: {  	s3 =	simm.s32 $0x0;
	s5 =	sand.u32 $0x1, s2;
	s7 =	smul.u32 $0xC400, s14  }
0x5: {  	s2 =	rddreg [dreg:$0x2];
	s9 =	sadd.s32 $0x1B2000, s0;
	s25 =	sshrl.u32 s8, $0x3  }
0x6: {  	[smem:$0x7FF] =	sst s3;
	s24 =	sadd.s32 s9, s7;
	s7 =	sadd.s32 s9, s25  }
0x7: {  	_ =	strace $0x8000004A;
	[dreg:$0x5] =	wrdreg s24;
	s31 =	sadd.s32 $0x700, s7  }
0x8: {  	s8 =	sadd.s32 $0xE00, s7;
	[dreg:$0x7] =	wrdreg s31  }
0x9: {  	s10 =	sadd.s32 $0x1500, s7;
	[dreg:$0x9] =	wrdreg s8  }
0xa: {  	s12 =	sadd.s32 $0x1C00, s7;
	[dreg:$0xb] =	wrdreg s10  }
0xb: {  	s15 =	sadd.s32 $0x2300, s7;
	[dreg:$0xd] =	wrdreg s12  }
0xc: {  	s4 =	smul.u32 $0xC40, s14;
	s17 =	sadd.s32 $0x2A00, s7;
	[dreg:$0xf] =	wrdreg s15  }
0xd: {  	s6 =	smul.u32 $0xC400, s5;
	s19 =	sadd.s32 $0x3100, s7;
	[dreg:$0x11] =	wrdreg s17  }
0xe: {  	s21 =	sadd.s32 $0x3800, s7;
	[dreg:$0x13] =	wrdreg s19  }
0xf: {  	s4 =	sadd.s32 s4, s6;
	s23 =	sadd.s32 $0x3F00, s7;
	[dreg:$0x15] =	wrdreg s21  }
0x10: {  	s4 =	sshrl.u32 s4, $0x3;
	s25 =	sadd.s32 $0x4600, s7;
	[dreg:$0x17] =	wrdreg s23  }
0x11: {  	s6 =	sadd.s32 s4, s0;
	s0 =	sadd.s32 $0x600, s0;
	[dreg:$0x19] =	wrdreg s25  }
0x12: {  	s31 =	sadd.s32 $0x4D00, s7;
	[dreg:$0x4] =	wrdreg s0  }
0x13: {  	s8 =	sadd.s32 $0x5400, s7;
	[dreg:$0x1b] =	wrdreg s31  }
0x14: {  	s10 =	sadd.s32 $0x5B00, s7;
	[dreg:$0x1d] =	wrdreg s8  }
0x15: {  	s12 =	sadd.s32 $0x6200, s7;
	[dreg:$0x1f] =	wrdreg s10  }
0x16: {  	s15 =	sadd.s32 $0x6900, s7;
	[smem:$0x7EE] =	sst s12  }
0x17: {  	s17 =	sadd.s32 $0x7000, s7;
	[smem:$0x7F0] =	sst s15  }
0x18: {  	s19 =	sadd.s32 $0x7700, s7;
	[smem:$0x7F2] =	sst s17  }
0x19: {  	s21 =	sadd.s32 $0x7E00, s7;
	[smem:$0x7F4] =	sst s19  }
0x1a: {  	s25 =	sadd.s32 $0x8500, s7;
	[smem:$0x7F6] =	sst s21  }
0x1b: {  	s26 =	sadd.s32 $0x1AEE00, s6;
	[smem:$0x7F8] =	sst s25  }
0x1c: {  	s4 =	sadd.s32 $0x1AEE0E, s6;
	[dreg:$0x6] =	wrdreg s26  }
0x1d: {  	s9 =	sadd.s32 $0x1AEE1C, s6;
	[dreg:$0x8] =	wrdreg s4  }
0x1e: {  	s11 =	sadd.s32 $0x1AEE2A, s6;
	[dreg:$0xa] =	wrdreg s9  }
0x1f: {  	s13 =	sadd.s32 $0x1AEE38, s6;
	[dreg:$0xc] =	wrdreg s11  }
0x20: {  	s16 =	sadd.s32 $0x1AEE46, s6;
	[dreg:$0xe] =	wrdreg s13  }
0x21: {  	s18 =	sadd.s32 $0x1AEE54, s6;
	[dreg:$0x10] =	wrdreg s16  }
0x22: {  	s20 =	sadd.s32 $0x1AEE62, s6;
	[dreg:$0x12] =	wrdreg s18  }
0x23: {  	s22 =	sadd.s32 $0x1AEE70, s6;
	[dreg:$0x14] =	wrdreg s20  }
0x24: {  	s24 =	sadd.s32 $0x1AEE7E, s6;
	[dreg:$0x16] =	wrdreg s22  }
0x25: {  	p1 =	por $0x0, $0x0;
	s23 =	sadd.s32 $0x1AEEFC, s6;
	[dreg:$0x18] =	wrdreg s24  }
0x26: {  	p0 =	sgt.u32 s14, $0x7;
	s31 =	sadd.s32 $0x1AEF0A, s6;
	[smem:$0x7F7] =	sst s23  }
0x27: {  	s8 =	sadd.s32 $0x8C00, s7;
	s12 =	sadd.s32 $0x1AEF18, s6;
	[smem:$0x7F9] =	sst s31  }
0x28: {  	s29 =	sadd.s32 $0x9A00, s7;
	s28 =	sadd.s32 $0x1AEF34, s6;
	[smem:$0x7FA] =	sst s8  }
0x29: {  	s15 =	sshll.u32 s14, $0x6;
	s26 =	sadd.s32 $0x1AEE8C, s6;
	[smem:$0x7FB] =	sst s12  }
0x2a: {  	s25 =	sadd.s32 $0x1AEF42, s6;
	s4 =	sadd.s32 $0x1AEE9A, s6;
	[dreg:$0x1a] =	wrdreg s26  }
0x2b: {  	s9 =	sadd.s32 $0x1AEEA8, s6;
	s11 =	sadd.s32 $0x1AEEB6, s6;
	[dreg:$0x1c] =	wrdreg s4  }
0x2c: {  	s13 =	sadd.s32 $0x1AEEC4, s6;
	s16 =	sadd.s32 $0x1AEED2, s6;
	[dreg:$0x1e] =	wrdreg s9  }
0x2d: {  	s17 =	smul.u32 $0x9C40, s5;
	s18 =	sadd.s32 $0x1AEEE0, s6;
	[smem:$0x7ED] =	sst s11  }
0x2e: {  	s19 =	smul.u32 $0x27100, s14;
	s20 =	sadd.s32 $0x1AEEEE, s6;
	[smem:$0x7EF] =	sst s13  }
0x2f: {  	s22 =	ssub.s32 $0x2, s5;
	s23 =	sadd.s32 $0x1AEF50, s6;
	[smem:$0x7F1] =	sst s16  }
0x30: {  	s12 =	sadd.s32 $0xB600, s7;
	s8 =	sadd.s32 $0xBD00, s7;
	[smem:$0x7F3] =	sst s18  }
0x31: {  	[smem:$0x7F5] =	sst s20;
	s24 =	sshrl.u32 s22, $0x1;
	s26 =	smul.u32 $0x14000, s14  }
0x32: {  	s13 =	sadd.s32 $0x9300, s7;
	s16 =	sadd.s32 $0x1AEF26, s6;
	s4 =	sor.u32 $0x1C05, s15  }
0x33: {  	s18 =	smul.u32 $0x1388, s14;
	s20 =	sadd.s32 $0x1AEF5E, s6;
	s21 =	sshrl.u32 s19, $0x2  }
0x34: {  	s9 =	sadd.s32 $0x1AEF7A, s6;
	s14 =	simm.s32 $0x40;
	s15 =	simm.s32 $0xE0  }
0x35: {  	s19 =	simm.s32 $0x1;
	s10 =	ssub.s32 s22, s24;
	[smem:$0x7FC] =	sst s13  }
0x36: {  	[smem:$0x7FD] =	sst s16;
	s0 =	sadd.s32 s18, s17;
	s31 =	smax.u32 s10, $0x1  }
0x37: {  	s24 =	sadd.s32 $0xA800, s7;
	s5 =	sadd.s32 s1, s0;
	s1 =	sadd.s32 $0xFFFFFFFF, s31  }
0x38: {  	s22 =	sadd.s32 $0xAF00, s7;
	s13 =	sadd.s32 $0x1AEF6C, s6;
	p2 =	sne.s32 s1, $0x0  }
.Ltmp0:
0x39: {  	s6 =	simm.s32 $0x5;
	s16 =	simm.s32 $0x80;
	(pc) =	sbr.rel @!p2 .LBB2_1-.Ltmp0, $4  }
0x3a: {  	s11 =	sshrl.u32 s26, $0x2;
	s26 =	sadd.s32 $0xA100, s7;
	s10 =	simm.s32 $0x1CE0  }
0x3b: {  	s18 =	simm.s32 $0x2;
	s17 =	simm.s32 $0x4;
	s11 =	sadd.s32 s11, s2  }
0x3c: {  	s0 =	sadd.s32 s21, s2;
	s21 =	simm.s32 $0x3;
	s30 =	sshrl.u32 s11, $0x3  }
0x3d: {  	s7 =	sshrl.u32 @!p0 s0, $0x3;
	s11 =	simm.s32 $0x70;
	s0 =	rddreg [dreg:$0x4]  }
0x3e: {  	[spmem:s30], [sflag:s4] =	dma.local [hbm:s0], $0xA00  }
0x3f: {  	_ =	swait.ge [sflag:s6], $0xA00  }
0x40: {  	[sflag:s6] =	ssyncset.done $0x0  }
0x41: {  	[sflag:s6] =	ssyncadd.s32 $0xFFFFF600  }
0x42: {  	[bflag:$0x0] =	sbarrier.arrive $0xFFFF  }
0x43: {  	s0 =	rddreg [dreg:$0x5]  }
0x44: {  	[tilespmem:s15], [sflag:$0x1] =	stream.strided.gather [hbm4b:s0+s14], $0x1C00, s16, s14, $0x38;
	[tilespmem:$0x88E0] =	vst v63  }
0x45: {  	s31 =	rddreg [dreg:$0x6]  }
0x46: {  	[tilespmem:s3], [sflag:$0x3] =	stream.linear.gather [hbm4b:s31+s3], $0x70, $0x38;
	[tilespmem:$0x88E0] =	vst v63  }
0x47: {  	_ =	swait.ge [sflag:s19], $0x1C00  }
0x48: {  	[sflag:s19] =	ssyncset.done $0x0  }
0x49: {  	[sflag:s19] =	ssyncadd.s32 $0xFFFFE400  }
0x4a: {  	_ =	swait.ge [sflag:s21], $0x70  }
0x4b: {  	[sflag:s21] =	ssyncset.done $0x0  }
0x4c: {  	s0 =	rddreg [dreg:$0x7];
	[sflag:s21] =	ssyncadd.s32 $0xFFFFFF90  }
0x4d: {  	[tilespmem:s10], [sflag:$0x2] =	stream.strided.gather [hbm4b:s0+s14], $0x1C00, s16, s14, $0x38;
	[tilespmem:$0x88E0] =	vst v63  }
0x4e: {  	s31 =	rddreg [dreg:$0x8]  }
0x4f: {  	[tilespmem:s11], [sflag:$0x4] =	stream.linear.gather [hbm4b:s31+s3], $0x70, $0x38;
	[tilespmem:$0x88E0] =	vst v63  }
0x50: {  	_ = 	snop  }
0x51: {  	[spmem:s2] =	stream.indirect.scatter.add.f32 [tilespmem:s15], [sflag:$0x5], $0x40, s3, s11, $0xb8;
	[tilespmem:$0x88E0] =	vst v63  }
0x52: {  	_ =	swait.ge [sflag:s6], $0x1C00  }
0x53: {  	[sflag:s6] =	ssyncset.done $0x0  }
0x54: {  	[sflag:s6] =	ssyncadd.s32 $0xFFFFE400  }
0x55: {  	_ =	swait.ge [sflag:s18], $0x1C00  }
0x56: {  	[sflag:s18] =	ssyncset.done $0x0  }
0x57: {  	[sflag:s18] =	ssyncadd.s32 $0xFFFFE400  }
0x58: {  	_ =	swait.ge [sflag:s17], $0x70  }
0x59: {  	[sflag:s17] =	ssyncset.done $0x0  }
0x5a: {  	s0 =	rddreg [dreg:$0x9];
	[sflag:s17] =	ssyncadd.s32 $0xFFFFFF90  }
0x5b: {  	[tilespmem:s15], [sflag:$0x1] =	stream.strided.gather [hbm4b:s0+s14], $0x1C00, s16, s14, $0x38;
	[tilespmem:$0x88E0] =	vst v63  }
0x5c: {  	s31 =	rddreg [dreg:$0xa]  }
0x5d: {  	[tilespmem:s3], [sflag:$0x3] =	stream.linear.gather [hbm4b:s31+s3], $0x70, $0x38;
	[tilespmem:$0x88E0] =	vst v63  }
0x5e: {  	_ = 	snop  }
0x5f: {  	[spmem:s2] =	stream.indirect.scatter.add.f32 [tilespmem:s10], [sflag:$0x5], $0x40, s11, s11, $0xb8;
	[tilespmem:$0x88E0] =	vst v63  }
0x60: {  	_ =	swait.ge [sflag:s6], $0x1C00  }
0x61: {  	[sflag:s6] =	ssyncset.done $0x0  }
0x62: {  	[sflag:s6] =	ssyncadd.s32 $0xFFFFE400  }
0x63: {  	_ =	swait.ge [sflag:s19], $0x1C00  }
0x64: {  	[sflag:s19] =	ssyncset.done $0x0  }
0x65: {  	[sflag:s19] =	ssyncadd.s32 $0xFFFFE400  }
0x66: {  	_ =	swait.ge [sflag:s21], $0x70  }
0x67: {  	[sflag:s21] =	ssyncset.done $0x0  }
0x68: {  	s0 =	rddreg [dreg:$0xb];
	[sflag:s21] =	ssyncadd.s32 $0xFFFFFF90  }
0x69: {  	[tilespmem:s10], [sflag:$0x2] =	stream.strided.gather [hbm4b:s0+s14], $0x1C00, s16, s14, $0x38;
	[tilespmem:$0x88E0] =	vst v63  }
0x6a: {  	s31 =	rddreg [dreg:$0xc]  }
0x6b: {  	[tilespmem:s11], [sflag:$0x4] =	stream.linear.gather [hbm4b:s31+s3], $0x70, $0x38;
	[tilespmem:$0x88E0] =	vst v63  }
0x6c: {  	_ = 	snop  }
0x6d: {  	[spmem:s2] =	stream.indirect.scatter.add.f32 [tilespmem:s15], [sflag:$0x5], $0x40, s3, s11, $0xb8;
	[tilespmem:$0x88E0] =	vst v63  }
0x6e: {  	_ =	swait.ge [sflag:s6], $0x1C00  }
0x6f: {  	[sflag:s6] =	ssyncset.done $0x0  }
0x70: {  	[sflag:s6] =	ssyncadd.s32 $0xFFFFE400  }
0x71: {  	_ =	swait.ge [sflag:s18], $0x1C00  }
0x72: {  	[sflag:s18] =	ssyncset.done $0x0  }
0x73: {  	[sflag:s18] =	ssyncadd.s32 $0xFFFFE400  }
0x74: {  	_ =	swait.ge [sflag:s17], $0x70  }
0x75: {  	[sflag:s17] =	ssyncset.done $0x0  }
0x76: {  	s0 =	rddreg [dreg:$0xd];
	[sflag:s17] =	ssyncadd.s32 $0xFFFFFF90  }
0x77: {  	[tilespmem:s15], [sflag:$0x1] =	stream.strided.gather [hbm4b:s0+s14], $0x1C00, s16, s14, $0x38;
	[tilespmem:$0x88E0] =	vst v63  }
0x78: {  	s31 =	rddreg [dreg:$0xe]  }
0x79: {  	[tilespmem:s3], [sflag:$0x3] =	stream.linear.gather [hbm4b:s31+s3], $0x70, $0x38;
	[tilespmem:$0x88E0] =	vst v63  }
0x7a: {  	_ = 	snop  }
0x7b: {  	[spmem:s2] =	stream.indirect.scatter.add.f32 [tilespmem:s10], [sflag:$0x5], $0x40, s11, s11, $0xb8;
	[tilespmem:$0x88E0] =	vst v63  }
0x7c: {  	_ =	swait.ge [sflag:s6], $0x1C00  }
0x7d: {  	[sflag:s6] =	ssyncset.done $0x0  }
0x7e: {  	[sflag:s6] =	ssyncadd.s32 $0xFFFFE400  }
0x7f: {  	_ =	swait.ge [sflag:s19], $0x1C00  }
0x80: {  	[sflag:s19] =	ssyncset.done $0x0  }
0x81: {  	[sflag:s19] =	ssyncadd.s32 $0xFFFFE400  }
0x82: {  	_ =	swait.ge [sflag:s21], $0x70  }
0x83: {  	[sflag:s21] =	ssyncset.done $0x0  }
0x84: {  	s0 =	rddreg [dreg:$0xf];
	[sflag:s21] =	ssyncadd.s32 $0xFFFFFF90  }
0x85: {  	[tilespmem:s10], [sflag:$0x2] =	stream.strided.gather [hbm4b:s0+s14], $0x1C00, s16, s14, $0x38;
	[tilespmem:$0x88E0] =	vst v63  }
0x86: {  	s31 =	rddreg [dreg:$0x10]  }
0x87: {  	[tilespmem:s11], [sflag:$0x4] =	stream.linear.gather [hbm4b:s31+s3], $0x70, $0x38;
	[tilespmem:$0x88E0] =	vst v63  }
0x88: {  	_ = 	snop  }
0x89: {  	[spmem:s2] =	stream.indirect.scatter.add.f32 [tilespmem:s15], [sflag:$0x5], $0x40, s3, s11, $0xb8;
	[tilespmem:$0x88E0] =	vst v63  }
0x8a: {  	_ =	swait.ge [sflag:s6], $0x1C00  }
0x8b: {  	[sflag:s6] =	ssyncset.done $0x0  }
0x8c: {  	[sflag:s6] =	ssyncadd.s32 $0xFFFFE400  }
0x8d: {  	_ =	swait.ge [sflag:s18], $0x1C00  }
0x8e: {  	[sflag:s18] =	ssyncset.done $0x0  }
0x8f: {  	[sflag:s18] =	ssyncadd.s32 $0xFFFFE400  }
0x90: {  	_ =	swait.ge [sflag:s17], $0x70  }
0x91: {  	[sflag:s17] =	ssyncset.done $0x0  }
0x92: {  	s0 =	rddreg [dreg:$0x11];
	[sflag:s17] =	ssyncadd.s32 $0xFFFFFF90  }
0x93: {  	[tilespmem:s15], [sflag:$0x1] =	stream.strided.gather [hbm4b:s0+s14], $0x1C00, s16, s14, $0x38;
	[tilespmem:$0x88E0] =	vst v63  }
0x94: {  	s31 =	rddreg [dreg:$0x12]  }
0x95: {  	[tilespmem:s3], [sflag:$0x3] =	stream.linear.gather [hbm4b:s31+s3], $0x70, $0x38;
	[tilespmem:$0x88E0] =	vst v63  }
0x96: {  	_ = 	snop  }
0x97: {  	[spmem:s2] =	stream.indirect.scatter.add.f32 [tilespmem:s10], [sflag:$0x5], $0x40, s11, s11, $0xb8;
	[tilespmem:$0x88E0] =	vst v63  }
0x98: {  	_ =	swait.ge [sflag:s6], $0x1C00  }
0x99: {  	[sflag:s6] =	ssyncset.done $0x0  }
0x9a: {  	[sflag:s6] =	ssyncadd.s32 $0xFFFFE400  }
0x9b: {  	_ =	swait.ge [sflag:s19], $0x1C00  }
0x9c: {  	[sflag:s19] =	ssyncset.done $0x0  }
0x9d: {  	[sflag:s19] =	ssyncadd.s32 $0xFFFFE400  }
0x9e: {  	_ =	swait.ge [sflag:s21], $0x70  }
0x9f: {  	[sflag:s21] =	ssyncset.done $0x0  }
0xa0: {  	s0 =	rddreg [dreg:$0x13];
	[sflag:s21] =	ssyncadd.s32 $0xFFFFFF90  }
0xa1: {  	[tilespmem:s10], [sflag:$0x2] =	stream.strided.gather [hbm4b:s0+s14], $0x1C00, s16, s14, $0x38;
	[tilespmem:$0x88E0] =	vst v63  }
0xa2: {  	s31 =	rddreg [dreg:$0x14]  }
0xa3: {  	[tilespmem:s11], [sflag:$0x4] =	stream.linear.gather [hbm4b:s31+s3], $0x70, $0x38;
	[tilespmem:$0x88E0] =	vst v63  }
0xa4: {  	_ = 	snop  }
0xa5: {  	[spmem:s2] =	stream.indirect.scatter.add.f32 [tilespmem:s15], [sflag:$0x5], $0x40, s3, s11, $0xb8;
	[tilespmem:$0x88E0] =	vst v63  }
0xa6: {  	_ =	swait.ge [sflag:s6], $0x1C00  }
0xa7: {  	[sflag:s6] =	ssyncset.done $0x0  }
0xa8: {  	[sflag:s6] =	ssyncadd.s32 $0xFFFFE400  }
0xa9: {  	_ =	swait.ge [sflag:s18], $0x1C00  }
0xaa: {  	[sflag:s18] =	ssyncset.done $0x0  }
0xab: {  	[sflag:s18] =	ssyncadd.s32 $0xFFFFE400  }
0xac: {  	_ =	swait.ge [sflag:s17], $0x70  }
0xad: {  	[sflag:s17] =	ssyncset.done $0x0  }
0xae: {  	s0 =	rddreg [dreg:$0x15];
	[sflag:s17] =	ssyncadd.s32 $0xFFFFFF90  }
0xaf: {  	[tilespmem:s15], [sflag:$0x1] =	stream.strided.gather [hbm4b:s0+s14], $0x1C00, s16, s14, $0x38;
	[tilespmem:$0x88E0] =	vst v63  }
0xb0: {  	s31 =	rddreg [dreg:$0x16]  }
0xb1: {  	[tilespmem:s3], [sflag:$0x3] =	stream.linear.gather [hbm4b:s31+s3], $0x70, $0x38;
	[tilespmem:$0x88E0] =	vst v63  }
0xb2: {  	_ = 	snop  }
0xb3: {  	[spmem:s2] =	stream.indirect.scatter.add.f32 [tilespmem:s10], [sflag:$0x5], $0x40, s11, s11, $0xb8;
	[tilespmem:$0x88E0] =	vst v63  }
0xb4: {  	_ =	swait.ge [sflag:s6], $0x1C00  }
0xb5: {  	[sflag:s6] =	ssyncset.done $0x0  }
0xb6: {  	[sflag:s6] =	ssyncadd.s32 $0xFFFFE400  }
0xb7: {  	_ =	swait.ge [sflag:s19], $0x1C00  }
0xb8: {  	[sflag:s19] =	ssyncset.done $0x0  }
0xb9: {  	[sflag:s19] =	ssyncadd.s32 $0xFFFFE400  }
0xba: {  	_ =	swait.ge [sflag:s21], $0x70  }
0xbb: {  	[sflag:s21] =	ssyncset.done $0x0  }
0xbc: {  	s0 =	rddreg [dreg:$0x17];
	[sflag:s21] =	ssyncadd.s32 $0xFFFFFF90  }
0xbd: {  	[tilespmem:s10], [sflag:$0x2] =	stream.strided.gather [hbm4b:s0+s14], $0x1C00, s16, s14, $0x38;
	[tilespmem:$0x88E0] =	vst v63  }
0xbe: {  	s31 =	rddreg [dreg:$0x18]  }
0xbf: {  	[tilespmem:s11], [sflag:$0x4] =	stream.linear.gather [hbm4b:s31+s3], $0x70, $0x38;
	[tilespmem:$0x88E0] =	vst v63  }
0xc0: {  	_ = 	snop  }
0xc1: {  	[spmem:s2] =	stream.indirect.scatter.add.f32 [tilespmem:s15], [sflag:$0x5], $0x40, s3, s11, $0xb8;
	[tilespmem:$0x88E0] =	vst v63  }
0xc2: {  	_ =	swait.ge [sflag:s6], $0x1C00  }
0xc3: {  	[sflag:s6] =	ssyncset.done $0x0  }
0xc4: {  	[sflag:s6] =	ssyncadd.s32 $0xFFFFE400  }
0xc5: {  	_ =	swait.ge [sflag:s18], $0x1C00  }
0xc6: {  	[sflag:s18] =	ssyncset.done $0x0  }
0xc7: {  	[sflag:s18] =	ssyncadd.s32 $0xFFFFE400  }
0xc8: {  	_ =	swait.ge [sflag:s17], $0x70  }
0xc9: {  	[sflag:s17] =	ssyncset.done $0x0  }
0xca: {  	s0 =	rddreg [dreg:$0x19];
	[sflag:s17] =	ssyncadd.s32 $0xFFFFFF90  }
0xcb: {  	[tilespmem:s15], [sflag:$0x1] =	stream.strided.gather [hbm4b:s0+s14], $0x1C00, s16, s14, $0x38;
	[tilespmem:$0x88E0] =	vst v63  }
0xcc: {  	s31 =	rddreg [dreg:$0x1a]  }
0xcd: {  	[tilespmem:s3], [sflag:$0x3] =	stream.linear.gather [hbm4b:s31+s3], $0x70, $0x38;
	[tilespmem:$0x88E0] =	vst v63  }
0xce: {  	_ = 	snop  }
0xcf: {  	[spmem:s2] =	stream.indirect.scatter.add.f32 [tilespmem:s10], [sflag:$0x5], $0x40, s11, s11, $0xb8;
	[tilespmem:$0x88E0] =	vst v63  }
0xd0: {  	_ =	swait.ge [sflag:s6], $0x1C00  }
0xd1: {  	[sflag:s6] =	ssyncset.done $0x0  }
0xd2: {  	[sflag:s6] =	ssyncadd.s32 $0xFFFFE400  }
0xd3: {  	_ =	swait.ge [sflag:s19], $0x1C00  }
0xd4: {  	[sflag:s19] =	ssyncset.done $0x0  }
0xd5: {  	[sflag:s19] =	ssyncadd.s32 $0xFFFFE400  }
0xd6: {  	_ =	swait.ge [sflag:s21], $0x70  }
0xd7: {  	[sflag:s21] =	ssyncset.done $0x0  }
0xd8: {  	s0 =	rddreg [dreg:$0x1b];
	[sflag:s21] =	ssyncadd.s32 $0xFFFFFF90  }
0xd9: {  	[tilespmem:s10], [sflag:$0x2] =	stream.strided.gather [hbm4b:s0+s14], $0x1C00, s16, s14, $0x38;
	[tilespmem:$0x88E0] =	vst v63  }
0xda: {  	s31 =	rddreg [dreg:$0x1c]  }
0xdb: {  	[tilespmem:s11], [sflag:$0x4] =	stream.linear.gather [hbm4b:s31+s3], $0x70, $0x38;
	[tilespmem:$0x88E0] =	vst v63  }
0xdc: {  	_ = 	snop  }
0xdd: {  	[spmem:s2] =	stream.indirect.scatter.add.f32 [tilespmem:s15], [sflag:$0x5], $0x40, s3, s11, $0xb8;
	[tilespmem:$0x88E0] =	vst v63  }
0xde: {  	_ =	swait.ge [sflag:s6], $0x1C00  }
0xdf: {  	[sflag:s6] =	ssyncset.done $0x0  }
0xe0: {  	[sflag:s6] =	ssyncadd.s32 $0xFFFFE400  }
0xe1: {  	_ =	swait.ge [sflag:s18], $0x1C00  }
0xe2: {  	[sflag:s18] =	ssyncset.done $0x0  }
0xe3: {  	[sflag:s18] =	ssyncadd.s32 $0xFFFFE400  }
0xe4: {  	_ =	swait.ge [sflag:s17], $0x70  }
0xe5: {  	[sflag:s17] =	ssyncset.done $0x0  }
0xe6: {  	s0 =	rddreg [dreg:$0x1d];
	[sflag:s17] =	ssyncadd.s32 $0xFFFFFF90  }
0xe7: {  	[tilespmem:s15], [sflag:$0x1] =	stream.strided.gather [hbm4b:s0+s14], $0x1C00, s16, s14, $0x38;
	[tilespmem:$0x88E0] =	vst v63  }
0xe8: {  	s31 =	rddreg [dreg:$0x1e]  }
0xe9: {  	[tilespmem:s3], [sflag:$0x3] =	stream.linear.gather [hbm4b:s31+s3], $0x70, $0x38;
	[tilespmem:$0x88E0] =	vst v63  }
0xea: {  	_ = 	snop  }
0xeb: {  	[spmem:s2] =	stream.indirect.scatter.add.f32 [tilespmem:s10], [sflag:$0x5], $0x40, s11, s11, $0xb8;
	[tilespmem:$0x88E0] =	vst v63  }
0xec: {  	_ =	swait.ge [sflag:s6], $0x1C00  }
0xed: {  	[sflag:s6] =	ssyncset.done $0x0  }
0xee: {  	[sflag:s6] =	ssyncadd.s32 $0xFFFFE400  }
0xef: {  	_ =	swait.ge [sflag:s19], $0x1C00  }
0xf0: {  	[sflag:s19] =	ssyncset.done $0x0  }
0xf1: {  	[sflag:s19] =	ssyncadd.s32 $0xFFFFE400  }
0xf2: {  	_ =	swait.ge [sflag:s21], $0x70  }
0xf3: {  	s0 =	rddreg [dreg:$0x1f];
	[sflag:s21] =	ssyncset.done $0x0  }
0xf4: {  	s31 =	sld [smem:$0x7ED];
	[sflag:s21] =	ssyncadd.s32 $0xFFFFFF90  }
0xf5: {  	[tilespmem:s10], [sflag:$0x2] =	stream.strided.gather [hbm4b:s0+s14], $0x1C00, s16, s14, $0x38;
	[tilespmem:$0x88E0] =	vst v63  }
0xf6: {  	_ = 	snop  }
0xf7: {  	[tilespmem:s11], [sflag:$0x4] =	stream.linear.gather [hbm4b:s31+s3], $0x70, $0x38;
	[tilespmem:$0x88E0] =	vst v63  }
0xf8: {  	_ = 	snop  }
0xf9: {  	[spmem:s2] =	stream.indirect.scatter.add.f32 [tilespmem:s15], [sflag:$0x5], $0x40, s3, s11, $0xb8;
	[tilespmem:$0x88E0] =	vst v63  }
0xfa: {  	_ =	swait.ge [sflag:s6], $0x1C00  }
0xfb: {  	[sflag:s6] =	ssyncset.done $0x0  }
0xfc: {  	[sflag:s6] =	ssyncadd.s32 $0xFFFFE400  }
0xfd: {  	_ =	swait.ge [sflag:s18], $0x1C00  }
0xfe: {  	[sflag:s18] =	ssyncset.done $0x0  }
0xff: {  	[sflag:s18] =	ssyncadd.s32 $0xFFFFE400  }
0x100: {  	_ =	swait.ge [sflag:s17], $0x70  }
0x101: {  	s0 =	sld [smem:$0x7EE]  }
0x102: {  	[sflag:s17] =	ssyncset.done $0x0  }
0x103: {  	s31 =	sld [smem:$0x7EF];
	[sflag:s17] =	ssyncadd.s32 $0xFFFFFF90  }
0x104: {  	[tilespmem:s15], [sflag:$0x1] =	stream.strided.gather [hbm4b:s0+s14], $0x1C00, s16, s14, $0x38;
	[tilespmem:$0x88E0] =	vst v63  }
0x105: {  	_ = 	snop  }
0x106: {  	[tilespmem:s3], [sflag:$0x3] =	stream.linear.gather [hbm4b:s31+s3], $0x70, $0x38;
	[tilespmem:$0x88E0] =	vst v63  }
0x107: {  	_ = 	snop  }
0x108: {  	[spmem:s2] =	stream.indirect.scatter.add.f32 [tilespmem:s10], [sflag:$0x5], $0x40, s11, s11, $0xb8;
	[tilespmem:$0x88E0] =	vst v63  }
0x109: {  	_ =	swait.ge [sflag:s6], $0x1C00  }
0x10a: {  	[sflag:s6] =	ssyncset.done $0x0  }
0x10b: {  	[sflag:s6] =	ssyncadd.s32 $0xFFFFE400  }
0x10c: {  	_ =	swait.ge [sflag:s19], $0x1C00  }
0x10d: {  	[sflag:s19] =	ssyncset.done $0x0  }
0x10e: {  	[sflag:s19] =	ssyncadd.s32 $0xFFFFE400  }
0x10f: {  	_ =	swait.ge [sflag:s21], $0x70  }
0x110: {  	s0 =	sld [smem:$0x7F0]  }
0x111: {  	[sflag:s21] =	ssyncset.done $0x0  }
0x112: {  	s31 =	sld [smem:$0x7F1];
	[sflag:s21] =	ssyncadd.s32 $0xFFFFFF90  }
0x113: {  	[tilespmem:s10], [sflag:$0x2] =	stream.strided.gather [hbm4b:s0+s14], $0x1C00, s16, s14, $0x38;
	[tilespmem:$0x88E0] =	vst v63  }
0x114: {  	_ = 	snop  }
0x115: {  	[tilespmem:s11], [sflag:$0x4] =	stream.linear.gather [hbm4b:s31+s3], $0x70, $0x38;
	[tilespmem:$0x88E0] =	vst v63  }
0x116: {  	_ = 	snop  }
0x117: {  	[spmem:s2] =	stream.indirect.scatter.add.f32 [tilespmem:s15], [sflag:$0x5], $0x40, s3, s11, $0xb8;
	[tilespmem:$0x88E0] =	vst v63  }
0x118: {  	_ =	swait.ge [sflag:s6], $0x1C00  }
0x119: {  	[sflag:s6] =	ssyncset.done $0x0  }
0x11a: {  	[sflag:s6] =	ssyncadd.s32 $0xFFFFE400  }
0x11b: {  	_ =	swait.ge [sflag:s18], $0x1C00  }
0x11c: {  	[sflag:s18] =	ssyncset.done $0x0  }
0x11d: {  	[sflag:s18] =	ssyncadd.s32 $0xFFFFE400  }
0x11e: {  	_ =	swait.ge [sflag:s17], $0x70  }
0x11f: {  	s0 =	sld [smem:$0x7F2]  }
0x120: {  	[sflag:s17] =	ssyncset.done $0x0  }
0x121: {  	s31 =	sld [smem:$0x7F3];
	[sflag:s17] =	ssyncadd.s32 $0xFFFFFF90  }
0x122: {  	[tilespmem:s15], [sflag:$0x1] =	stream.strided.gather [hbm4b:s0+s14], $0x1C00, s16, s14, $0x38;
	[tilespmem:$0x88E0] =	vst v63  }
0x123: {  	_ = 	snop  }
0x124: {  	[tilespmem:s3], [sflag:$0x3] =	stream.linear.gather [hbm4b:s31+s3], $0x70, $0x38;
	[tilespmem:$0x88E0] =	vst v63  }
0x125: {  	_ = 	snop  }
0x126: {  	[spmem:s2] =	stream.indirect.scatter.add.f32 [tilespmem:s10], [sflag:$0x5], $0x40, s11, s11, $0xb8;
	[tilespmem:$0x88E0] =	vst v63  }
0x127: {  	_ =	swait.ge [sflag:s6], $0x1C00  }
0x128: {  	[sflag:s6] =	ssyncset.done $0x0  }
0x129: {  	[sflag:s6] =	ssyncadd.s32 $0xFFFFE400  }
0x12a: {  	_ =	swait.ge [sflag:s19], $0x1C00  }
0x12b: {  	[sflag:s19] =	ssyncset.done $0x0  }
0x12c: {  	[sflag:s19] =	ssyncadd.s32 $0xFFFFE400  }
0x12d: {  	_ =	swait.ge [sflag:s21], $0x70  }
0x12e: {  	s0 =	sld [smem:$0x7F4]  }
0x12f: {  	[sflag:s21] =	ssyncset.done $0x0  }
0x130: {  	s31 =	sld [smem:$0x7F5];
	[sflag:s21] =	ssyncadd.s32 $0xFFFFFF90  }
0x131: {  	[tilespmem:s10], [sflag:$0x2] =	stream.strided.gather [hbm4b:s0+s14], $0x1C00, s16, s14, $0x38;
	[tilespmem:$0x88E0] =	vst v63  }
0x132: {  	_ = 	snop  }
0x133: {  	[tilespmem:s11], [sflag:$0x4] =	stream.linear.gather [hbm4b:s31+s3], $0x70, $0x38;
	[tilespmem:$0x88E0] =	vst v63  }
0x134: {  	_ = 	snop  }
0x135: {  	[spmem:s2] =	stream.indirect.scatter.add.f32 [tilespmem:s15], [sflag:$0x5], $0x40, s3, s11, $0xb8;
	[tilespmem:$0x88E0] =	vst v63  }
0x136: {  	_ =	swait.ge [sflag:s6], $0x1C00  }
0x137: {  	[sflag:s6] =	ssyncset.done $0x0  }
0x138: {  	[sflag:s6] =	ssyncadd.s32 $0xFFFFE400  }
0x139: {  	_ =	swait.ge [sflag:s18], $0x1C00  }
0x13a: {  	[sflag:s18] =	ssyncset.done $0x0  }
0x13b: {  	[sflag:s18] =	ssyncadd.s32 $0xFFFFE400  }
0x13c: {  	_ =	swait.ge [sflag:s17], $0x70  }
0x13d: {  	s0 =	sld [smem:$0x7F6]  }
0x13e: {  	[sflag:s17] =	ssyncset.done $0x0  }
0x13f: {  	s31 =	sld [smem:$0x7F7];
	[sflag:s17] =	ssyncadd.s32 $0xFFFFFF90  }
0x140: {  	[tilespmem:s15], [sflag:$0x1] =	stream.strided.gather [hbm4b:s0+s14], $0x1C00, s16, s14, $0x38;
	[tilespmem:$0x88E0] =	vst v63  }
0x141: {  	_ = 	snop  }
0x142: {  	[tilespmem:s3], [sflag:$0x3] =	stream.linear.gather [hbm4b:s31+s3], $0x70, $0x38;
	[tilespmem:$0x88E0] =	vst v63  }
0x143: {  	_ = 	snop  }
0x144: {  	[spmem:s2] =	stream.indirect.scatter.add.f32 [tilespmem:s10], [sflag:$0x5], $0x40, s11, s11, $0xb8;
	[tilespmem:$0x88E0] =	vst v63  }
0x145: {  	_ =	swait.ge [sflag:s6], $0x1C00  }
0x146: {  	[sflag:s6] =	ssyncset.done $0x0  }
0x147: {  	[sflag:s6] =	ssyncadd.s32 $0xFFFFE400  }
0x148: {  	_ =	swait.ge [sflag:s19], $0x1C00  }
0x149: {  	[sflag:s19] =	ssyncset.done $0x0  }
0x14a: {  	[sflag:s19] =	ssyncadd.s32 $0xFFFFE400  }
0x14b: {  	_ =	swait.ge [sflag:s21], $0x70  }
0x14c: {  	s0 =	sld [smem:$0x7F8]  }
0x14d: {  	[sflag:s21] =	ssyncset.done $0x0  }
0x14e: {  	s31 =	sld [smem:$0x7F9];
	[sflag:s21] =	ssyncadd.s32 $0xFFFFFF90  }
0x14f: {  	[tilespmem:s10], [sflag:$0x2] =	stream.strided.gather [hbm4b:s0+s14], $0x1C00, s16, s14, $0x38;
	[tilespmem:$0x88E0] =	vst v63  }
0x150: {  	_ = 	snop  }
0x151: {  	[tilespmem:s11], [sflag:$0x4] =	stream.linear.gather [hbm4b:s31+s3], $0x70, $0x38;
	[tilespmem:$0x88E0] =	vst v63  }
0x152: {  	_ = 	snop  }
0x153: {  	[spmem:s2] =	stream.indirect.scatter.add.f32 [tilespmem:s15], [sflag:$0x5], $0x40, s3, s11, $0xb8;
	[tilespmem:$0x88E0] =	vst v63  }
0x154: {  	_ =	swait.ge [sflag:s6], $0x1C00  }
0x155: {  	[sflag:s6] =	ssyncset.done $0x0  }
0x156: {  	[sflag:s6] =	ssyncadd.s32 $0xFFFFE400  }
0x157: {  	_ =	swait.ge [sflag:s18], $0x1C00  }
0x158: {  	[sflag:s18] =	ssyncset.done $0x0  }
0x159: {  	[sflag:s18] =	ssyncadd.s32 $0xFFFFE400  }
0x15a: {  	_ =	swait.ge [sflag:s17], $0x70  }
0x15b: {  	s0 =	sld [smem:$0x7FA]  }
0x15c: {  	[sflag:s17] =	ssyncset.done $0x0  }
0x15d: {  	s31 =	sld [smem:$0x7FB];
	[sflag:s17] =	ssyncadd.s32 $0xFFFFFF90  }
0x15e: {  	[tilespmem:s15], [sflag:$0x1] =	stream.strided.gather [hbm4b:s0+s14], $0x1C00, s16, s14, $0x38;
	[tilespmem:$0x88E0] =	vst v63  }
0x15f: {  	_ = 	snop  }
0x160: {  	[tilespmem:s3], [sflag:$0x3] =	stream.linear.gather [hbm4b:s31+s3], $0x70, $0x38;
	[tilespmem:$0x88E0] =	vst v63  }
0x161: {  	_ = 	snop  }
0x162: {  	[spmem:s2] =	stream.indirect.scatter.add.f32 [tilespmem:s10], [sflag:$0x5], $0x40, s11, s11, $0xb8;
	[tilespmem:$0x88E0] =	vst v63  }
0x163: {  	_ =	swait.ge [sflag:s6], $0x1C00  }
0x164: {  	[sflag:s6] =	ssyncset.done $0x0  }
0x165: {  	[sflag:s6] =	ssyncadd.s32 $0xFFFFE400  }
0x166: {  	_ =	swait.ge [sflag:s19], $0x1C00  }
0x167: {  	[sflag:s19] =	ssyncset.done $0x0  }
0x168: {  	[sflag:s19] =	ssyncadd.s32 $0xFFFFE400  }
0x169: {  	_ =	swait.ge [sflag:s21], $0x70  }
0x16a: {  	s0 =	sld [smem:$0x7FC]  }
0x16b: {  	[sflag:s21] =	ssyncset.done $0x0  }
0x16c: {  	s31 =	sld [smem:$0x7FD];
	[sflag:s21] =	ssyncadd.s32 $0xFFFFFF90  }
0x16d: {  	[tilespmem:s10], [sflag:$0x2] =	stream.strided.gather [hbm4b:s0+s14], $0x1C00, s16, s14, $0x38;
	[tilespmem:$0x88E0] =	vst v63  }
0x16e: {  	_ = 	snop  }
0x16f: {  	[tilespmem:s11], [sflag:$0x4] =	stream.linear.gather [hbm4b:s31+s3], $0x70, $0x38;
	[tilespmem:$0x88E0] =	vst v63  }
0x170: {  	_ = 	snop  }
0x171: {  	[spmem:s2] =	stream.indirect.scatter.add.f32 [tilespmem:s15], [sflag:$0x5], $0x40, s3, s11, $0xb8;
	[tilespmem:$0x88E0] =	vst v63  }
0x172: {  	_ =	swait.ge [sflag:s6], $0x1C00  }
0x173: {  	[sflag:s6] =	ssyncset.done $0x0  }
0x174: {  	[sflag:s6] =	ssyncadd.s32 $0xFFFFE400  }
0x175: {  	_ =	swait.ge [sflag:s18], $0x1C00  }
0x176: {  	[sflag:s18] =	ssyncset.done $0x0  }
0x177: {  	[sflag:s18] =	ssyncadd.s32 $0xFFFFE400  }
0x178: {  	_ =	swait.ge [sflag:s17], $0x70  }
0x179: {  	[sflag:s17] =	ssyncset.done $0x0  }
0x17a: {  	[sflag:s17] =	ssyncadd.s32 $0xFFFFFF90  }
0x17b: {  	[tilespmem:s15], [sflag:$0x1] =	stream.strided.gather [hbm4b:s29+s14], $0x1C00, s16, s14, $0x38;
	[tilespmem:$0x88E0] =	vst v63  }
0x17c: {  	_ = 	snop  }
0x17d: {  	[tilespmem:s3], [sflag:$0x3] =	stream.linear.gather [hbm4b:s28+s3], $0x70, $0x38;
	[tilespmem:$0x88E0] =	vst v63  }
0x17e: {  	_ = 	snop  }
0x17f: {  	[spmem:s2] =	stream.indirect.scatter.add.f32 [tilespmem:s10], [sflag:$0x5], $0x40, s11, s11, $0xb8;
	[tilespmem:$0x88E0] =	vst v63  }
0x180: {  	_ =	swait.ge [sflag:s6], $0x1C00  }
0x181: {  	[sflag:s6] =	ssyncset.done $0x0  }
0x182: {  	[sflag:s6] =	ssyncadd.s32 $0xFFFFE400  }
0x183: {  	_ =	swait.ge [sflag:s19], $0x1C00  }
0x184: {  	[sflag:s19] =	ssyncset.done $0x0  }
0x185: {  	[sflag:s19] =	ssyncadd.s32 $0xFFFFE400  }
0x186: {  	_ =	swait.ge [sflag:s21], $0x70  }
0x187: {  	[sflag:s21] =	ssyncset.done $0x0  }
0x188: {  	[sflag:s21] =	ssyncadd.s32 $0xFFFFFF90  }
0x189: {  	[tilespmem:s10], [sflag:$0x2] =	stream.strided.gather [hbm4b:s26+s14], $0x1C00, s16, s14, $0x38;
	[tilespmem:$0x88E0] =	vst v63  }
0x18a: {  	_ = 	snop  }
0x18b: {  	[tilespmem:s11], [sflag:$0x4] =	stream.linear.gather [hbm4b:s25+s3], $0x70, $0x38;
	[tilespmem:$0x88E0] =	vst v63  }
0x18c: {  	_ = 	snop  }
0x18d: {  	[spmem:s2] =	stream.indirect.scatter.add.f32 [tilespmem:s15], [sflag:$0x5], $0x40, s3, s11, $0xb8;
	[tilespmem:$0x88E0] =	vst v63  }
0x18e: {  	_ =	swait.ge [sflag:s6], $0x1C00  }
0x18f: {  	[sflag:s6] =	ssyncset.done $0x0  }
0x190: {  	[sflag:s6] =	ssyncadd.s32 $0xFFFFE400  }
0x191: {  	_ =	swait.ge [sflag:s18], $0x1C00  }
0x192: {  	[sflag:s18] =	ssyncset.done $0x0  }
0x193: {  	[sflag:s18] =	ssyncadd.s32 $0xFFFFE400  }
0x194: {  	_ =	swait.ge [sflag:s17], $0x70  }
0x195: {  	[sflag:s17] =	ssyncset.done $0x0  }
0x196: {  	[sflag:s17] =	ssyncadd.s32 $0xFFFFFF90  }
0x197: {  	[tilespmem:s15], [sflag:$0x1] =	stream.strided.gather [hbm4b:s24+s14], $0x1C00, s16, s14, $0x38;
	[tilespmem:$0x88E0] =	vst v63  }
0x198: {  	_ = 	snop  }
0x199: {  	[tilespmem:s3], [sflag:$0x3] =	stream.linear.gather [hbm4b:s23+s3], $0x70, $0x38;
	[tilespmem:$0x88E0] =	vst v63  }
0x19a: {  	_ = 	snop  }
0x19b: {  	[spmem:s2] =	stream.indirect.scatter.add.f32 [tilespmem:s10], [sflag:$0x5], $0x40, s11, s11, $0xb8;
	[tilespmem:$0x88E0] =	vst v63  }
0x19c: {  	_ =	swait.ge [sflag:s6], $0x1C00  }
0x19d: {  	[sflag:s6] =	ssyncset.done $0x0  }
0x19e: {  	[sflag:s6] =	ssyncadd.s32 $0xFFFFE400  }
0x19f: {  	_ =	swait.ge [sflag:s19], $0x1C00  }
0x1a0: {  	[sflag:s19] =	ssyncset.done $0x0  }
0x1a1: {  	[sflag:s19] =	ssyncadd.s32 $0xFFFFE400  }
0x1a2: {  	_ =	swait.ge [sflag:s21], $0x70  }
0x1a3: {  	[sflag:s21] =	ssyncset.done $0x0  }
0x1a4: {  	[sflag:s21] =	ssyncadd.s32 $0xFFFFFF90  }
0x1a5: {  	[tilespmem:s10], [sflag:$0x2] =	stream.strided.gather [hbm4b:s22+s14], $0x1C00, s16, s14, $0x38;
	[tilespmem:$0x88E0] =	vst v63  }
0x1a6: {  	_ = 	snop  }
0x1a7: {  	[tilespmem:s11], [sflag:$0x4] =	stream.linear.gather [hbm4b:s20+s3], $0x70, $0x38;
	[tilespmem:$0x88E0] =	vst v63  }
0x1a8: {  	_ = 	snop  }
0x1a9: {  	[spmem:s2] =	stream.indirect.scatter.add.f32 [tilespmem:s15], [sflag:$0x5], $0x40, s3, s11, $0xb8;
	[tilespmem:$0x88E0] =	vst v63  }
0x1aa: {  	_ =	swait.ge [sflag:s6], $0x1C00  }
0x1ab: {  	[sflag:s6] =	ssyncset.done $0x0  }
0x1ac: {  	[sflag:s6] =	ssyncadd.s32 $0xFFFFE400  }
0x1ad: {  	_ =	swait.ge [sflag:s18], $0x1C00  }
0x1ae: {  	[sflag:s18] =	ssyncset.done $0x0  }
0x1af: {  	[sflag:s18] =	ssyncadd.s32 $0xFFFFE400  }
0x1b0: {  	_ =	swait.ge [sflag:s17], $0x70  }
0x1b1: {  	[sflag:s17] =	ssyncset.done $0x0  }
0x1b2: {  	[sflag:s17] =	ssyncadd.s32 $0xFFFFFF90  }
0x1b3: {  	[tilespmem:s15], [sflag:$0x1] =	stream.strided.gather [hbm4b:s12+s14], $0x1C00, s16, s14, $0x38;
	[tilespmem:$0x88E0] =	vst v63  }
0x1b4: {  	_ = 	snop  }
0x1b5: {  	[tilespmem:s3], [sflag:$0x3] =	stream.linear.gather [hbm4b:s13+s3], $0x70, $0x38;
	[tilespmem:$0x88E0] =	vst v63  }
0x1b6: {  	_ = 	snop  }
0x1b7: {  	[spmem:s2] =	stream.indirect.scatter.add.f32 [tilespmem:s10], [sflag:$0x5], $0x40, s11, s11, $0xb8;
	[tilespmem:$0x88E0] =	vst v63  }
0x1b8: {  	_ =	swait.ge [sflag:s6], $0x1C00  }
0x1b9: {  	[sflag:s6] =	ssyncset.done $0x0  }
0x1ba: {  	[sflag:s6] =	ssyncadd.s32 $0xFFFFE400  }
0x1bb: {  	_ =	swait.ge [sflag:s19], $0x1C00  }
0x1bc: {  	[sflag:s19] =	ssyncset.done $0x0  }
0x1bd: {  	[sflag:s19] =	ssyncadd.s32 $0xFFFFE400  }
0x1be: {  	_ =	swait.ge [sflag:s21], $0x70  }
0x1bf: {  	[sflag:s21] =	ssyncset.done $0x0  }
0x1c0: {  	[sflag:s21] =	ssyncadd.s32 $0xFFFFFF90  }
0x1c1: {  	[tilespmem:s10], [sflag:$0x2] =	stream.strided.gather [hbm4b:s8+s14], $0x1C00, s16, s14, $0x38;
	[tilespmem:$0x88E0] =	vst v63  }
0x1c2: {  	_ = 	snop  }
0x1c3: {  	[tilespmem:s11], [sflag:$0x4] =	stream.linear.gather [hbm4b:s9+s3], $0x70, $0x38;
	[tilespmem:$0x88E0] =	vst v63  }
0x1c4: {  	_ = 	snop  }
0x1c5: {  	[spmem:s2] =	stream.indirect.scatter.add.f32 [tilespmem:s15], [sflag:$0x5], $0x40, s3, s11, $0xb8;
	[tilespmem:$0x88E0] =	vst v63  }
0x1c6: {  	_ =	swait.ge [sflag:s6], $0x1C00  }
0x1c7: {  	[sflag:s6] =	ssyncset.done $0x0  }
0x1c8: {  	[sflag:s6] =	ssyncadd.s32 $0xFFFFE400  }
0x1c9: {  	_ =	swait.ge [sflag:s18], $0x1C00  }
0x1ca: {  	[sflag:s18] =	ssyncset.done $0x0  }
0x1cb: {  	[sflag:s18] =	ssyncadd.s32 $0xFFFFE400  }
0x1cc: {  	_ =	swait.ge [sflag:s17], $0x70  }
0x1cd: {  	[sflag:s17] =	ssyncset.done $0x0  }
0x1ce: {  	[sflag:s17] =	ssyncadd.s32 $0xFFFFFF90  }
0x1cf: {  	[spmem:s2] =	stream.indirect.scatter.add.f32 [tilespmem:s10], [sflag:$0x5], $0x40, s11, s11, $0xb8;
	[tilespmem:$0x88E0] =	vst v63  }
0x1d0: {  	_ =	swait.ge [sflag:s6], $0x1C00  }
0x1d1: {  	s1 =	sadd.s32 $0xFFFFFFFF, s1;
	[sflag:s6] =	ssyncset.done $0x0  }
0x1d2: {  	p2 =	sne.s32 s1, $0x0;
	[sflag:s6] =	ssyncadd.s32 $0xFFFFE400  }
.Ltmp1:
0x1d3: {  	s31 =	simm.s32 @!p0 $0x5;
	[bflag:$0x0] =	sbarrier.arrive $0xFFFF;
	(pc) =	sbr.rel @!p2 .LBB2_4-.Ltmp1, $4  }
0x1d4: {  	[hbm:s5], [sflag:s4] =	dma.local @!p0 [spmem:s7], $0x1388  }
0x1d5: {  	_ =	swait.ge @!p0 [sflag:s31], $0x1388  }
0x1d6: {  	s0 =	rddreg [dreg:$0x4]  }
0x1d7: {  	p1 =	por $0x1, $0x1;
	[sflag:s31] =	ssyncset.done @!p0 $0x0;
	[smem:$0x7EC] =	sst s4  }
.LBB2_3:
0x1d8: {  	[sflag:s31] =	ssyncadd.s32 @!p0 $0xFFFFEC78  }
0x1d9: {  	[spmem:s30], [sflag:s4] =	dma.local [hbm:s0], $0xA00  }
0x1da: {  	s4 =	smov.u32 s30;
	s30 =	smov.u32 s29;
	s29 =	smov.u32 s28  }
0x1db: {  	s28 =	smov.u32 s26;
	s26 =	smov.u32 s25;
	_ =	swait.ge [sflag:s6], $0xA00  }
0x1dc: {  	s25 =	smov.u32 s24;
	s24 =	smov.u32 s23;
	[sflag:s6] =	ssyncset.done $0x0  }
0x1dd: {  	s23 =	smov.u32 s22;
	s22 =	smov.u32 s20;
	[sflag:s6] =	ssyncadd.s32 $0xFFFFF600  }
0x1de: {  	s20 =	smov.u32 s13;
	s13 =	smov.u32 s12;
	[bflag:$0x0] =	sbarrier.arrive $0xFFFF  }
0x1df: {  	s12 =	smov.u32 s9;
	s9 =	smov.u32 s8;
	s0 =	rddreg [dreg:$0x5]  }
0x1e0: {  	[tilespmem:s15], [sflag:$0x1] =	stream.strided.gather [hbm4b:s0+s14], $0x1C00, s16, s14, $0x38;
	[tilespmem:$0x88E0] =	vst v63  }
0x1e1: {  	s8 =	smov.u32 s7;
	s7 =	smov.u32 s5;
	s5 =	rddreg [dreg:$0x6]  }
0x1e2: {  	[tilespmem:s3], [sflag:$0x3] =	stream.linear.gather [hbm4b:s5+s3], $0x70, $0x38;
	[tilespmem:$0x88E0] =	vst v63  }
0x1e3: {  	_ =	swait.ge [sflag:s19], $0x1C00  }
0x1e4: {  	[sflag:s19] =	ssyncset.done $0x0  }
0x1e5: {  	[sflag:s19] =	ssyncadd.s32 $0xFFFFE400  }
0x1e6: {  	_ =	swait.ge [sflag:s21], $0x70  }
0x1e7: {  	[sflag:s21] =	ssyncset.done $0x0  }
0x1e8: {  	s0 =	rddreg [dreg:$0x7];
	[sflag:s21] =	ssyncadd.s32 $0xFFFFFF90  }
0x1e9: {  	[tilespmem:s10], [sflag:$0x2] =	stream.strided.gather [hbm4b:s0+s14], $0x1C00, s16, s14, $0x38;
	[tilespmem:$0x88E0] =	vst v63  }
0x1ea: {  	s5 =	rddreg [dreg:$0x8]  }
0x1eb: {  	[tilespmem:s11], [sflag:$0x4] =	stream.linear.gather [hbm4b:s5+s3], $0x70, $0x38;
	[tilespmem:$0x88E0] =	vst v63  }
0x1ec: {  	_ = 	snop  }
0x1ed: {  	[spmem:s2] =	stream.indirect.scatter.add.f32 [tilespmem:s15], [sflag:$0x5], $0x40, s3, s11, $0xb8;
	[tilespmem:$0x88E0] =	vst v63  }
0x1ee: {  	_ =	swait.ge [sflag:s6], $0x1C00  }
0x1ef: {  	[sflag:s6] =	ssyncset.done $0x0  }
0x1f0: {  	[sflag:s6] =	ssyncadd.s32 $0xFFFFE400  }
0x1f1: {  	_ =	swait.ge [sflag:s18], $0x1C00  }
0x1f2: {  	[sflag:s18] =	ssyncset.done $0x0  }
0x1f3: {  	[sflag:s18] =	ssyncadd.s32 $0xFFFFE400  }
0x1f4: {  	_ =	swait.ge [sflag:s17], $0x70  }
0x1f5: {  	[sflag:s17] =	ssyncset.done $0x0  }
0x1f6: {  	s0 =	rddreg [dreg:$0x9];
	[sflag:s17] =	ssyncadd.s32 $0xFFFFFF90  }
0x1f7: {  	[tilespmem:s15], [sflag:$0x1] =	stream.strided.gather [hbm4b:s0+s14], $0x1C00, s16, s14, $0x38;
	[tilespmem:$0x88E0] =	vst v63  }
0x1f8: {  	s5 =	rddreg [dreg:$0xa]  }
0x1f9: {  	[tilespmem:s3], [sflag:$0x3] =	stream.linear.gather [hbm4b:s5+s3], $0x70, $0x38;
	[tilespmem:$0x88E0] =	vst v63  }
0x1fa: {  	_ = 	snop  }
0x1fb: {  	[spmem:s2] =	stream.indirect.scatter.add.f32 [tilespmem:s10], [sflag:$0x5], $0x40, s11, s11, $0xb8;
	[tilespmem:$0x88E0] =	vst v63  }
0x1fc: {  	_ =	swait.ge [sflag:s6], $0x1C00  }
0x1fd: {  	[sflag:s6] =	ssyncset.done $0x0  }
0x1fe: {  	[sflag:s6] =	ssyncadd.s32 $0xFFFFE400  }
0x1ff: {  	_ =	swait.ge [sflag:s19], $0x1C00  }
0x200: {  	[sflag:s19] =	ssyncset.done $0x0  }
0x201: {  	[sflag:s19] =	ssyncadd.s32 $0xFFFFE400  }
0x202: {  	_ =	swait.ge [sflag:s21], $0x70  }
0x203: {  	[sflag:s21] =	ssyncset.done $0x0  }
0x204: {  	s0 =	rddreg [dreg:$0xb];
	[sflag:s21] =	ssyncadd.s32 $0xFFFFFF90  }
0x205: {  	[tilespmem:s10], [sflag:$0x2] =	stream.strided.gather [hbm4b:s0+s14], $0x1C00, s16, s14, $0x38;
	[tilespmem:$0x88E0] =	vst v63  }
0x206: {  	s5 =	rddreg [dreg:$0xc]  }
0x207: {  	[tilespmem:s11], [sflag:$0x4] =	stream.linear.gather [hbm4b:s5+s3], $0x70, $0x38;
	[tilespmem:$0x88E0] =	vst v63  }
0x208: {  	_ = 	snop  }
0x209: {  	[spmem:s2] =	stream.indirect.scatter.add.f32 [tilespmem:s15], [sflag:$0x5], $0x40, s3, s11, $0xb8;
	[tilespmem:$0x88E0] =	vst v63  }
0x20a: {  	_ =	swait.ge [sflag:s6], $0x1C00  }
0x20b: {  	[sflag:s6] =	ssyncset.done $0x0  }
0x20c: {  	[sflag:s6] =	ssyncadd.s32 $0xFFFFE400  }
0x20d: {  	_ =	swait.ge [sflag:s18], $0x1C00  }
0x20e: {  	[sflag:s18] =	ssyncset.done $0x0  }
0x20f: {  	[sflag:s18] =	ssyncadd.s32 $0xFFFFE400  }
0x210: {  	_ =	swait.ge [sflag:s17], $0x70  }
0x211: {  	[sflag:s17] =	ssyncset.done $0x0  }
0x212: {  	s0 =	rddreg [dreg:$0xd];
	[sflag:s17] =	ssyncadd.s32 $0xFFFFFF90  }
0x213: {  	[tilespmem:s15], [sflag:$0x1] =	stream.strided.gather [hbm4b:s0+s14], $0x1C00, s16, s14, $0x38;
	[tilespmem:$0x88E0] =	vst v63  }
0x214: {  	s5 =	rddreg [dreg:$0xe]  }
0x215: {  	[tilespmem:s3], [sflag:$0x3] =	stream.linear.gather [hbm4b:s5+s3], $0x70, $0x38;
	[tilespmem:$0x88E0] =	vst v63  }
0x216: {  	_ = 	snop  }
0x217: {  	[spmem:s2] =	stream.indirect.scatter.add.f32 [tilespmem:s10], [sflag:$0x5], $0x40, s11, s11, $0xb8;
	[tilespmem:$0x88E0] =	vst v63  }
0x218: {  	_ =	swait.ge [sflag:s6], $0x1C00  }
0x219: {  	[sflag:s6] =	ssyncset.done $0x0  }
0x21a: {  	[sflag:s6] =	ssyncadd.s32 $0xFFFFE400  }
0x21b: {  	_ =	swait.ge [sflag:s19], $0x1C00  }
0x21c: {  	[sflag:s19] =	ssyncset.done $0x0  }
0x21d: {  	[sflag:s19] =	ssyncadd.s32 $0xFFFFE400  }
0x21e: {  	_ =	swait.ge [sflag:s21], $0x70  }
0x21f: {  	[sflag:s21] =	ssyncset.done $0x0  }
0x220: {  	s0 =	rddreg [dreg:$0xf];
	[sflag:s21] =	ssyncadd.s32 $0xFFFFFF90  }
0x221: {  	[tilespmem:s10], [sflag:$0x2] =	stream.strided.gather [hbm4b:s0+s14], $0x1C00, s16, s14, $0x38;
	[tilespmem:$0x88E0] =	vst v63  }
0x222: {  	s5 =	rddreg [dreg:$0x10]  }
0x223: {  	[tilespmem:s11], [sflag:$0x4] =	stream.linear.gather [hbm4b:s5+s3], $0x70, $0x38;
	[tilespmem:$0x88E0] =	vst v63  }
0x224: {  	_ = 	snop  }
0x225: {  	[spmem:s2] =	stream.indirect.scatter.add.f32 [tilespmem:s15], [sflag:$0x5], $0x40, s3, s11, $0xb8;
	[tilespmem:$0x88E0] =	vst v63  }
0x226: {  	_ =	swait.ge [sflag:s6], $0x1C00  }
0x227: {  	[sflag:s6] =	ssyncset.done $0x0  }
0x228: {  	[sflag:s6] =	ssyncadd.s32 $0xFFFFE400  }
0x229: {  	_ =	swait.ge [sflag:s18], $0x1C00  }
0x22a: {  	[sflag:s18] =	ssyncset.done $0x0  }
0x22b: {  	[sflag:s18] =	ssyncadd.s32 $0xFFFFE400  }
0x22c: {  	_ =	swait.ge [sflag:s17], $0x70  }
0x22d: {  	[sflag:s17] =	ssyncset.done $0x0  }
0x22e: {  	s0 =	rddreg [dreg:$0x11];
	[sflag:s17] =	ssyncadd.s32 $0xFFFFFF90  }
0x22f: {  	[tilespmem:s15], [sflag:$0x1] =	stream.strided.gather [hbm4b:s0+s14], $0x1C00, s16, s14, $0x38;
	[tilespmem:$0x88E0] =	vst v63  }
0x230: {  	s5 =	rddreg [dreg:$0x12]  }
0x231: {  	[tilespmem:s3], [sflag:$0x3] =	stream.linear.gather [hbm4b:s5+s3], $0x70, $0x38;
	[tilespmem:$0x88E0] =	vst v63  }
0x232: {  	_ = 	snop  }
0x233: {  	[spmem:s2] =	stream.indirect.scatter.add.f32 [tilespmem:s10], [sflag:$0x5], $0x40, s11, s11, $0xb8;
	[tilespmem:$0x88E0] =	vst v63  }
0x234: {  	_ =	swait.ge [sflag:s6], $0x1C00  }
0x235: {  	[sflag:s6] =	ssyncset.done $0x0  }
0x236: {  	[sflag:s6] =	ssyncadd.s32 $0xFFFFE400  }
0x237: {  	_ =	swait.ge [sflag:s19], $0x1C00  }
0x238: {  	[sflag:s19] =	ssyncset.done $0x0  }
0x239: {  	[sflag:s19] =	ssyncadd.s32 $0xFFFFE400  }
0x23a: {  	_ =	swait.ge [sflag:s21], $0x70  }
0x23b: {  	[sflag:s21] =	ssyncset.done $0x0  }
0x23c: {  	s0 =	rddreg [dreg:$0x13];
	[sflag:s21] =	ssyncadd.s32 $0xFFFFFF90  }
0x23d: {  	[tilespmem:s10], [sflag:$0x2] =	stream.strided.gather [hbm4b:s0+s14], $0x1C00, s16, s14, $0x38;
	[tilespmem:$0x88E0] =	vst v63  }
0x23e: {  	s5 =	rddreg [dreg:$0x14]  }
0x23f: {  	[tilespmem:s11], [sflag:$0x4] =	stream.linear.gather [hbm4b:s5+s3], $0x70, $0x38;
	[tilespmem:$0x88E0] =	vst v63  }
0x240: {  	_ = 	snop  }
0x241: {  	[spmem:s2] =	stream.indirect.scatter.add.f32 [tilespmem:s15], [sflag:$0x5], $0x40, s3, s11, $0xb8;
	[tilespmem:$0x88E0] =	vst v63  }
0x242: {  	_ =	swait.ge [sflag:s6], $0x1C00  }
0x243: {  	[sflag:s6] =	ssyncset.done $0x0  }
0x244: {  	[sflag:s6] =	ssyncadd.s32 $0xFFFFE400  }
0x245: {  	_ =	swait.ge [sflag:s18], $0x1C00  }
0x246: {  	[sflag:s18] =	ssyncset.done $0x0  }
0x247: {  	[sflag:s18] =	ssyncadd.s32 $0xFFFFE400  }
0x248: {  	_ =	swait.ge [sflag:s17], $0x70  }
0x249: {  	[sflag:s17] =	ssyncset.done $0x0  }
0x24a: {  	s0 =	rddreg [dreg:$0x15];
	[sflag:s17] =	ssyncadd.s32 $0xFFFFFF90  }
0x24b: {  	[tilespmem:s15], [sflag:$0x1] =	stream.strided.gather [hbm4b:s0+s14], $0x1C00, s16, s14, $0x38;
	[tilespmem:$0x88E0] =	vst v63  }
0x24c: {  	s5 =	rddreg [dreg:$0x16]  }
0x24d: {  	[tilespmem:s3], [sflag:$0x3] =	stream.linear.gather [hbm4b:s5+s3], $0x70, $0x38;
	[tilespmem:$0x88E0] =	vst v63  }
0x24e: {  	_ = 	snop  }
0x24f: {  	[spmem:s2] =	stream.indirect.scatter.add.f32 [tilespmem:s10], [sflag:$0x5], $0x40, s11, s11, $0xb8;
	[tilespmem:$0x88E0] =	vst v63  }
0x250: {  	_ =	swait.ge [sflag:s6], $0x1C00  }
0x251: {  	[sflag:s6] =	ssyncset.done $0x0  }
0x252: {  	[sflag:s6] =	ssyncadd.s32 $0xFFFFE400  }
0x253: {  	_ =	swait.ge [sflag:s19], $0x1C00  }
0x254: {  	[sflag:s19] =	ssyncset.done $0x0  }
0x255: {  	[sflag:s19] =	ssyncadd.s32 $0xFFFFE400  }
0x256: {  	_ =	swait.ge [sflag:s21], $0x70  }
0x257: {  	[sflag:s21] =	ssyncset.done $0x0  }
0x258: {  	s0 =	rddreg [dreg:$0x17];
	[sflag:s21] =	ssyncadd.s32 $0xFFFFFF90  }
0x259: {  	[tilespmem:s10], [sflag:$0x2] =	stream.strided.gather [hbm4b:s0+s14], $0x1C00, s16, s14, $0x38;
	[tilespmem:$0x88E0] =	vst v63  }
0x25a: {  	s5 =	rddreg [dreg:$0x18]  }
0x25b: {  	[tilespmem:s11], [sflag:$0x4] =	stream.linear.gather [hbm4b:s5+s3], $0x70, $0x38;
	[tilespmem:$0x88E0] =	vst v63  }
0x25c: {  	_ = 	snop  }
0x25d: {  	[spmem:s2] =	stream.indirect.scatter.add.f32 [tilespmem:s15], [sflag:$0x5], $0x40, s3, s11, $0xb8;
	[tilespmem:$0x88E0] =	vst v63  }
0x25e: {  	_ =	swait.ge [sflag:s6], $0x1C00  }
0x25f: {  	[sflag:s6] =	ssyncset.done $0x0  }
0x260: {  	[sflag:s6] =	ssyncadd.s32 $0xFFFFE400  }
0x261: {  	_ =	swait.ge [sflag:s18], $0x1C00  }
0x262: {  	[sflag:s18] =	ssyncset.done $0x0  }
0x263: {  	[sflag:s18] =	ssyncadd.s32 $0xFFFFE400  }
0x264: {  	_ =	swait.ge [sflag:s17], $0x70  }
0x265: {  	[sflag:s17] =	ssyncset.done $0x0  }
0x266: {  	s0 =	rddreg [dreg:$0x19];
	[sflag:s17] =	ssyncadd.s32 $0xFFFFFF90  }
0x267: {  	[tilespmem:s15], [sflag:$0x1] =	stream.strided.gather [hbm4b:s0+s14], $0x1C00, s16, s14, $0x38;
	[tilespmem:$0x88E0] =	vst v63  }
0x268: {  	s5 =	rddreg [dreg:$0x1a]  }
0x269: {  	[tilespmem:s3], [sflag:$0x3] =	stream.linear.gather [hbm4b:s5+s3], $0x70, $0x38;
	[tilespmem:$0x88E0] =	vst v63  }
0x26a: {  	_ = 	snop  }
0x26b: {  	[spmem:s2] =	stream.indirect.scatter.add.f32 [tilespmem:s10], [sflag:$0x5], $0x40, s11, s11, $0xb8;
	[tilespmem:$0x88E0] =	vst v63  }
0x26c: {  	_ =	swait.ge [sflag:s6], $0x1C00  }
0x26d: {  	[sflag:s6] =	ssyncset.done $0x0  }
0x26e: {  	[sflag:s6] =	ssyncadd.s32 $0xFFFFE400  }
0x26f: {  	_ =	swait.ge [sflag:s19], $0x1C00  }
0x270: {  	[sflag:s19] =	ssyncset.done $0x0  }
0x271: {  	[sflag:s19] =	ssyncadd.s32 $0xFFFFE400  }
0x272: {  	_ =	swait.ge [sflag:s21], $0x70  }
0x273: {  	[sflag:s21] =	ssyncset.done $0x0  }
0x274: {  	s0 =	rddreg [dreg:$0x1b];
	[sflag:s21] =	ssyncadd.s32 $0xFFFFFF90  }
0x275: {  	[tilespmem:s10], [sflag:$0x2] =	stream.strided.gather [hbm4b:s0+s14], $0x1C00, s16, s14, $0x38;
	[tilespmem:$0x88E0] =	vst v63  }
0x276: {  	s5 =	rddreg [dreg:$0x1c]  }
0x277: {  	[tilespmem:s11], [sflag:$0x4] =	stream.linear.gather [hbm4b:s5+s3], $0x70, $0x38;
	[tilespmem:$0x88E0] =	vst v63  }
0x278: {  	_ = 	snop  }
0x279: {  	[spmem:s2] =	stream.indirect.scatter.add.f32 [tilespmem:s15], [sflag:$0x5], $0x40, s3, s11, $0xb8;
	[tilespmem:$0x88E0] =	vst v63  }
0x27a: {  	_ =	swait.ge [sflag:s6], $0x1C00  }
0x27b: {  	[sflag:s6] =	ssyncset.done $0x0  }
0x27c: {  	[sflag:s6] =	ssyncadd.s32 $0xFFFFE400  }
0x27d: {  	_ =	swait.ge [sflag:s18], $0x1C00  }
0x27e: {  	[sflag:s18] =	ssyncset.done $0x0  }
0x27f: {  	[sflag:s18] =	ssyncadd.s32 $0xFFFFE400  }
0x280: {  	_ =	swait.ge [sflag:s17], $0x70  }
0x281: {  	[sflag:s17] =	ssyncset.done $0x0  }
0x282: {  	s0 =	rddreg [dreg:$0x1d];
	[sflag:s17] =	ssyncadd.s32 $0xFFFFFF90  }
0x283: {  	[tilespmem:s15], [sflag:$0x1] =	stream.strided.gather [hbm4b:s0+s14], $0x1C00, s16, s14, $0x38;
	[tilespmem:$0x88E0] =	vst v63  }
0x284: {  	s5 =	rddreg [dreg:$0x1e]  }
0x285: {  	[tilespmem:s3], [sflag:$0x3] =	stream.linear.gather [hbm4b:s5+s3], $0x70, $0x38;
	[tilespmem:$0x88E0] =	vst v63  }
0x286: {  	_ = 	snop  }
0x287: {  	[spmem:s2] =	stream.indirect.scatter.add.f32 [tilespmem:s10], [sflag:$0x5], $0x40, s11, s11, $0xb8;
	[tilespmem:$0x88E0] =	vst v63  }
0x288: {  	_ =	swait.ge [sflag:s6], $0x1C00  }
0x289: {  	[sflag:s6] =	ssyncset.done $0x0  }
0x28a: {  	[sflag:s6] =	ssyncadd.s32 $0xFFFFE400  }
0x28b: {  	_ =	swait.ge [sflag:s19], $0x1C00  }
0x28c: {  	[sflag:s19] =	ssyncset.done $0x0  }
0x28d: {  	[sflag:s19] =	ssyncadd.s32 $0xFFFFE400  }
0x28e: {  	_ =	swait.ge [sflag:s21], $0x70  }
0x28f: {  	s0 =	rddreg [dreg:$0x1f];
	[sflag:s21] =	ssyncset.done $0x0  }
0x290: {  	s5 =	sld [smem:$0x7ED];
	[sflag:s21] =	ssyncadd.s32 $0xFFFFFF90  }
0x291: {  	[tilespmem:s10], [sflag:$0x2] =	stream.strided.gather [hbm4b:s0+s14], $0x1C00, s16, s14, $0x38;
	[tilespmem:$0x88E0] =	vst v63  }
0x292: {  	_ = 	snop  }
0x293: {  	[tilespmem:s11], [sflag:$0x4] =	stream.linear.gather [hbm4b:s5+s3], $0x70, $0x38;
	[tilespmem:$0x88E0] =	vst v63  }
0x294: {  	_ = 	snop  }
0x295: {  	[spmem:s2] =	stream.indirect.scatter.add.f32 [tilespmem:s15], [sflag:$0x5], $0x40, s3, s11, $0xb8;
	[tilespmem:$0x88E0] =	vst v63  }
0x296: {  	_ =	swait.ge [sflag:s6], $0x1C00  }
0x297: {  	[sflag:s6] =	ssyncset.done $0x0  }
0x298: {  	[sflag:s6] =	ssyncadd.s32 $0xFFFFE400  }
0x299: {  	_ =	swait.ge [sflag:s18], $0x1C00  }
0x29a: {  	[sflag:s18] =	ssyncset.done $0x0  }
0x29b: {  	[sflag:s18] =	ssyncadd.s32 $0xFFFFE400  }
0x29c: {  	_ =	swait.ge [sflag:s17], $0x70  }
0x29d: {  	s0 =	sld [smem:$0x7EE]  }
0x29e: {  	[sflag:s17] =	ssyncset.done $0x0  }
0x29f: {  	s5 =	sld [smem:$0x7EF];
	[sflag:s17] =	ssyncadd.s32 $0xFFFFFF90  }
0x2a0: {  	[tilespmem:s15], [sflag:$0x1] =	stream.strided.gather [hbm4b:s0+s14], $0x1C00, s16, s14, $0x38;
	[tilespmem:$0x88E0] =	vst v63  }
0x2a1: {  	_ = 	snop  }
0x2a2: {  	[tilespmem:s3], [sflag:$0x3] =	stream.linear.gather [hbm4b:s5+s3], $0x70, $0x38;
	[tilespmem:$0x88E0] =	vst v63  }
0x2a3: {  	_ = 	snop  }
0x2a4: {  	[spmem:s2] =	stream.indirect.scatter.add.f32 [tilespmem:s10], [sflag:$0x5], $0x40, s11, s11, $0xb8;
	[tilespmem:$0x88E0] =	vst v63  }
0x2a5: {  	_ =	swait.ge [sflag:s6], $0x1C00  }
0x2a6: {  	[sflag:s6] =	ssyncset.done $0x0  }
0x2a7: {  	[sflag:s6] =	ssyncadd.s32 $0xFFFFE400  }
0x2a8: {  	_ =	swait.ge [sflag:s19], $0x1C00  }
0x2a9: {  	[sflag:s19] =	ssyncset.done $0x0  }
0x2aa: {  	[sflag:s19] =	ssyncadd.s32 $0xFFFFE400  }
0x2ab: {  	_ =	swait.ge [sflag:s21], $0x70  }
0x2ac: {  	s0 =	sld [smem:$0x7F0]  }
0x2ad: {  	[sflag:s21] =	ssyncset.done $0x0  }
0x2ae: {  	s5 =	sld [smem:$0x7F1];
	[sflag:s21] =	ssyncadd.s32 $0xFFFFFF90  }
0x2af: {  	[tilespmem:s10], [sflag:$0x2] =	stream.strided.gather [hbm4b:s0+s14], $0x1C00, s16, s14, $0x38;
	[tilespmem:$0x88E0] =	vst v63  }
0x2b0: {  	_ = 	snop  }
0x2b1: {  	[tilespmem:s11], [sflag:$0x4] =	stream.linear.gather [hbm4b:s5+s3], $0x70, $0x38;
	[tilespmem:$0x88E0] =	vst v63  }
0x2b2: {  	_ = 	snop  }
0x2b3: {  	[spmem:s2] =	stream.indirect.scatter.add.f32 [tilespmem:s15], [sflag:$0x5], $0x40, s3, s11, $0xb8;
	[tilespmem:$0x88E0] =	vst v63  }
0x2b4: {  	_ =	swait.ge [sflag:s6], $0x1C00  }
0x2b5: {  	[sflag:s6] =	ssyncset.done $0x0  }
0x2b6: {  	[sflag:s6] =	ssyncadd.s32 $0xFFFFE400  }
0x2b7: {  	_ =	swait.ge [sflag:s18], $0x1C00  }
0x2b8: {  	[sflag:s18] =	ssyncset.done $0x0  }
0x2b9: {  	[sflag:s18] =	ssyncadd.s32 $0xFFFFE400  }
0x2ba: {  	_ =	swait.ge [sflag:s17], $0x70  }
0x2bb: {  	s0 =	sld [smem:$0x7F2]  }
0x2bc: {  	[sflag:s17] =	ssyncset.done $0x0  }
0x2bd: {  	s5 =	sld [smem:$0x7F3];
	[sflag:s17] =	ssyncadd.s32 $0xFFFFFF90  }
0x2be: {  	[tilespmem:s15], [sflag:$0x1] =	stream.strided.gather [hbm4b:s0+s14], $0x1C00, s16, s14, $0x38;
	[tilespmem:$0x88E0] =	vst v63  }
0x2bf: {  	_ = 	snop  }
0x2c0: {  	[tilespmem:s3], [sflag:$0x3] =	stream.linear.gather [hbm4b:s5+s3], $0x70, $0x38;
	[tilespmem:$0x88E0] =	vst v63  }
0x2c1: {  	_ = 	snop  }
0x2c2: {  	[spmem:s2] =	stream.indirect.scatter.add.f32 [tilespmem:s10], [sflag:$0x5], $0x40, s11, s11, $0xb8;
	[tilespmem:$0x88E0] =	vst v63  }
0x2c3: {  	_ =	swait.ge [sflag:s6], $0x1C00  }
0x2c4: {  	[sflag:s6] =	ssyncset.done $0x0  }
0x2c5: {  	[sflag:s6] =	ssyncadd.s32 $0xFFFFE400  }
0x2c6: {  	_ =	swait.ge [sflag:s19], $0x1C00  }
0x2c7: {  	[sflag:s19] =	ssyncset.done $0x0  }
0x2c8: {  	[sflag:s19] =	ssyncadd.s32 $0xFFFFE400  }
0x2c9: {  	_ =	swait.ge [sflag:s21], $0x70  }
0x2ca: {  	s0 =	sld [smem:$0x7F4]  }
0x2cb: {  	[sflag:s21] =	ssyncset.done $0x0  }
0x2cc: {  	s5 =	sld [smem:$0x7F5];
	[sflag:s21] =	ssyncadd.s32 $0xFFFFFF90  }
0x2cd: {  	[tilespmem:s10], [sflag:$0x2] =	stream.strided.gather [hbm4b:s0+s14], $0x1C00, s16, s14, $0x38;
	[tilespmem:$0x88E0] =	vst v63  }
0x2ce: {  	_ = 	snop  }
0x2cf: {  	[tilespmem:s11], [sflag:$0x4] =	stream.linear.gather [hbm4b:s5+s3], $0x70, $0x38;
	[tilespmem:$0x88E0] =	vst v63  }
0x2d0: {  	_ = 	snop  }
0x2d1: {  	[spmem:s2] =	stream.indirect.scatter.add.f32 [tilespmem:s15], [sflag:$0x5], $0x40, s3, s11, $0xb8;
	[tilespmem:$0x88E0] =	vst v63  }
0x2d2: {  	_ =	swait.ge [sflag:s6], $0x1C00  }
0x2d3: {  	[sflag:s6] =	ssyncset.done $0x0  }
0x2d4: {  	[sflag:s6] =	ssyncadd.s32 $0xFFFFE400  }
0x2d5: {  	_ =	swait.ge [sflag:s18], $0x1C00  }
0x2d6: {  	[sflag:s18] =	ssyncset.done $0x0  }
0x2d7: {  	[sflag:s18] =	ssyncadd.s32 $0xFFFFE400  }
0x2d8: {  	_ =	swait.ge [sflag:s17], $0x70  }
0x2d9: {  	s0 =	sld [smem:$0x7F6]  }
0x2da: {  	[sflag:s17] =	ssyncset.done $0x0  }
0x2db: {  	s5 =	sld [smem:$0x7F7];
	[sflag:s17] =	ssyncadd.s32 $0xFFFFFF90  }
0x2dc: {  	[tilespmem:s15], [sflag:$0x1] =	stream.strided.gather [hbm4b:s0+s14], $0x1C00, s16, s14, $0x38;
	[tilespmem:$0x88E0] =	vst v63  }
0x2dd: {  	_ = 	snop  }
0x2de: {  	[tilespmem:s3], [sflag:$0x3] =	stream.linear.gather [hbm4b:s5+s3], $0x70, $0x38;
	[tilespmem:$0x88E0] =	vst v63  }
0x2df: {  	_ = 	snop  }
0x2e0: {  	[spmem:s2] =	stream.indirect.scatter.add.f32 [tilespmem:s10], [sflag:$0x5], $0x40, s11, s11, $0xb8;
	[tilespmem:$0x88E0] =	vst v63  }
0x2e1: {  	_ =	swait.ge [sflag:s6], $0x1C00  }
0x2e2: {  	[sflag:s6] =	ssyncset.done $0x0  }
0x2e3: {  	[sflag:s6] =	ssyncadd.s32 $0xFFFFE400  }
0x2e4: {  	_ =	swait.ge [sflag:s19], $0x1C00  }
0x2e5: {  	[sflag:s19] =	ssyncset.done $0x0  }
0x2e6: {  	[sflag:s19] =	ssyncadd.s32 $0xFFFFE400  }
0x2e7: {  	_ =	swait.ge [sflag:s21], $0x70  }
0x2e8: {  	s0 =	sld [smem:$0x7F8]  }
0x2e9: {  	[sflag:s21] =	ssyncset.done $0x0  }
0x2ea: {  	s5 =	sld [smem:$0x7F9];
	[sflag:s21] =	ssyncadd.s32 $0xFFFFFF90  }
0x2eb: {  	[tilespmem:s10], [sflag:$0x2] =	stream.strided.gather [hbm4b:s0+s14], $0x1C00, s16, s14, $0x38;
	[tilespmem:$0x88E0] =	vst v63  }
0x2ec: {  	_ = 	snop  }
0x2ed: {  	[tilespmem:s11], [sflag:$0x4] =	stream.linear.gather [hbm4b:s5+s3], $0x70, $0x38;
	[tilespmem:$0x88E0] =	vst v63  }
0x2ee: {  	_ = 	snop  }
0x2ef: {  	[spmem:s2] =	stream.indirect.scatter.add.f32 [tilespmem:s15], [sflag:$0x5], $0x40, s3, s11, $0xb8;
	[tilespmem:$0x88E0] =	vst v63  }
0x2f0: {  	_ =	swait.ge [sflag:s6], $0x1C00  }
0x2f1: {  	[sflag:s6] =	ssyncset.done $0x0  }
0x2f2: {  	[sflag:s6] =	ssyncadd.s32 $0xFFFFE400  }
0x2f3: {  	_ =	swait.ge [sflag:s18], $0x1C00  }
0x2f4: {  	[sflag:s18] =	ssyncset.done $0x0  }
0x2f5: {  	[sflag:s18] =	ssyncadd.s32 $0xFFFFE400  }
0x2f6: {  	_ =	swait.ge [sflag:s17], $0x70  }
0x2f7: {  	s0 =	sld [smem:$0x7FA]  }
0x2f8: {  	[sflag:s17] =	ssyncset.done $0x0  }
0x2f9: {  	s5 =	sld [smem:$0x7FB];
	[sflag:s17] =	ssyncadd.s32 $0xFFFFFF90  }
0x2fa: {  	[tilespmem:s15], [sflag:$0x1] =	stream.strided.gather [hbm4b:s0+s14], $0x1C00, s16, s14, $0x38;
	[tilespmem:$0x88E0] =	vst v63  }
0x2fb: {  	_ = 	snop  }
0x2fc: {  	[tilespmem:s3], [sflag:$0x3] =	stream.linear.gather [hbm4b:s5+s3], $0x70, $0x38;
	[tilespmem:$0x88E0] =	vst v63  }
0x2fd: {  	_ = 	snop  }
0x2fe: {  	[spmem:s2] =	stream.indirect.scatter.add.f32 [tilespmem:s10], [sflag:$0x5], $0x40, s11, s11, $0xb8;
	[tilespmem:$0x88E0] =	vst v63  }
0x2ff: {  	_ =	swait.ge [sflag:s6], $0x1C00  }
0x300: {  	[sflag:s6] =	ssyncset.done $0x0  }
0x301: {  	[sflag:s6] =	ssyncadd.s32 $0xFFFFE400  }
0x302: {  	_ =	swait.ge [sflag:s19], $0x1C00  }
0x303: {  	[sflag:s19] =	ssyncset.done $0x0  }
0x304: {  	[sflag:s19] =	ssyncadd.s32 $0xFFFFE400  }
0x305: {  	_ =	swait.ge [sflag:s21], $0x70  }
0x306: {  	s0 =	sld [smem:$0x7FC]  }
0x307: {  	[sflag:s21] =	ssyncset.done $0x0  }
0x308: {  	s5 =	sld [smem:$0x7FD];
	[sflag:s21] =	ssyncadd.s32 $0xFFFFFF90  }
0x309: {  	[tilespmem:s10], [sflag:$0x2] =	stream.strided.gather [hbm4b:s0+s14], $0x1C00, s16, s14, $0x38;
	[tilespmem:$0x88E0] =	vst v63  }
0x30a: {  	_ = 	snop  }
0x30b: {  	[tilespmem:s11], [sflag:$0x4] =	stream.linear.gather [hbm4b:s5+s3], $0x70, $0x38;
	[tilespmem:$0x88E0] =	vst v63  }
0x30c: {  	s5 =	smov.u32 s7;
	s7 =	smov.u32 s8  }
0x30d: {  	s8 =	smov.u32 s9;
	s9 =	smov.u32 s12;
	s12 =	smov.u32 s13  }
0x30e: {  	s13 =	smov.u32 s20;
	s20 =	smov.u32 s22;
	s22 =	smov.u32 s23  }
0x30f: {  	s23 =	smov.u32 s24;
	s24 =	smov.u32 s25;
	s25 =	smov.u32 s26  }
0x310: {  	s26 =	smov.u32 s28;
	s28 =	smov.u32 s29;
	s29 =	smov.u32 s30  }
0x311: {  	[spmem:s2] =	stream.indirect.scatter.add.f32 [tilespmem:s15], [sflag:$0x5], $0x40, s3, s11, $0xb8;
	[tilespmem:$0x88E0] =	vst v63  }
0x312: {  	s30 =	smov.u32 s4;
	s4 =	sld [smem:$0x7EC];
	_ =	swait.ge [sflag:s6], $0x1C00  }
0x313: {  	[sflag:s6] =	ssyncset.done $0x0  }
0x314: {  	[sflag:s6] =	ssyncadd.s32 $0xFFFFE400  }
0x315: {  	_ =	swait.ge [sflag:s18], $0x1C00  }
0x316: {  	[sflag:s18] =	ssyncset.done $0x0  }
0x317: {  	[sflag:s18] =	ssyncadd.s32 $0xFFFFE400  }
0x318: {  	_ =	swait.ge [sflag:s17], $0x70  }
0x319: {  	[sflag:s17] =	ssyncset.done $0x0  }
0x31a: {  	[sflag:s17] =	ssyncadd.s32 $0xFFFFFF90  }
0x31b: {  	[tilespmem:s15], [sflag:$0x1] =	stream.strided.gather [hbm4b:s29+s14], $0x1C00, s16, s14, $0x38;
	[tilespmem:$0x88E0] =	vst v63  }
0x31c: {  	_ = 	snop  }
0x31d: {  	[tilespmem:s3], [sflag:$0x3] =	stream.linear.gather [hbm4b:s28+s3], $0x70, $0x38;
	[tilespmem:$0x88E0] =	vst v63  }
0x31e: {  	_ = 	snop  }
0x31f: {  	[spmem:s2] =	stream.indirect.scatter.add.f32 [tilespmem:s10], [sflag:$0x5], $0x40, s11, s11, $0xb8;
	[tilespmem:$0x88E0] =	vst v63  }
0x320: {  	_ =	swait.ge [sflag:s6], $0x1C00  }
0x321: {  	[sflag:s6] =	ssyncset.done $0x0  }
0x322: {  	[sflag:s6] =	ssyncadd.s32 $0xFFFFE400  }
0x323: {  	_ =	swait.ge [sflag:s19], $0x1C00  }
0x324: {  	[sflag:s19] =	ssyncset.done $0x0  }
0x325: {  	[sflag:s19] =	ssyncadd.s32 $0xFFFFE400  }
0x326: {  	_ =	swait.ge [sflag:s21], $0x70  }
0x327: {  	[sflag:s21] =	ssyncset.done $0x0  }
0x328: {  	[sflag:s21] =	ssyncadd.s32 $0xFFFFFF90  }
0x329: {  	[tilespmem:s10], [sflag:$0x2] =	stream.strided.gather [hbm4b:s26+s14], $0x1C00, s16, s14, $0x38;
	[tilespmem:$0x88E0] =	vst v63  }
0x32a: {  	_ = 	snop  }
0x32b: {  	[tilespmem:s11], [sflag:$0x4] =	stream.linear.gather [hbm4b:s25+s3], $0x70, $0x38;
	[tilespmem:$0x88E0] =	vst v63  }
0x32c: {  	_ = 	snop  }
0x32d: {  	[spmem:s2] =	stream.indirect.scatter.add.f32 [tilespmem:s15], [sflag:$0x5], $0x40, s3, s11, $0xb8;
	[tilespmem:$0x88E0] =	vst v63  }
0x32e: {  	_ =	swait.ge [sflag:s6], $0x1C00  }
0x32f: {  	[sflag:s6] =	ssyncset.done $0x0  }
0x330: {  	[sflag:s6] =	ssyncadd.s32 $0xFFFFE400  }
0x331: {  	_ =	swait.ge [sflag:s18], $0x1C00  }
0x332: {  	[sflag:s18] =	ssyncset.done $0x0  }
0x333: {  	[sflag:s18] =	ssyncadd.s32 $0xFFFFE400  }
0x334: {  	_ =	swait.ge [sflag:s17], $0x70  }
0x335: {  	[sflag:s17] =	ssyncset.done $0x0  }
0x336: {  	[sflag:s17] =	ssyncadd.s32 $0xFFFFFF90  }
0x337: {  	[tilespmem:s15], [sflag:$0x1] =	stream.strided.gather [hbm4b:s24+s14], $0x1C00, s16, s14, $0x38;
	[tilespmem:$0x88E0] =	vst v63  }
0x338: {  	_ = 	snop  }
0x339: {  	[tilespmem:s3], [sflag:$0x3] =	stream.linear.gather [hbm4b:s23+s3], $0x70, $0x38;
	[tilespmem:$0x88E0] =	vst v63  }
0x33a: {  	_ = 	snop  }
0x33b: {  	[spmem:s2] =	stream.indirect.scatter.add.f32 [tilespmem:s10], [sflag:$0x5], $0x40, s11, s11, $0xb8;
	[tilespmem:$0x88E0] =	vst v63  }
0x33c: {  	_ =	swait.ge [sflag:s6], $0x1C00  }
0x33d: {  	[sflag:s6] =	ssyncset.done $0x0  }
0x33e: {  	[sflag:s6] =	ssyncadd.s32 $0xFFFFE400  }
0x33f: {  	_ =	swait.ge [sflag:s19], $0x1C00  }
0x340: {  	[sflag:s19] =	ssyncset.done $0x0  }
0x341: {  	[sflag:s19] =	ssyncadd.s32 $0xFFFFE400  }
0x342: {  	_ =	swait.ge [sflag:s21], $0x70  }
0x343: {  	[sflag:s21] =	ssyncset.done $0x0  }
0x344: {  	[sflag:s21] =	ssyncadd.s32 $0xFFFFFF90  }
0x345: {  	[tilespmem:s10], [sflag:$0x2] =	stream.strided.gather [hbm4b:s22+s14], $0x1C00, s16, s14, $0x38;
	[tilespmem:$0x88E0] =	vst v63  }
0x346: {  	_ = 	snop  }
0x347: {  	[tilespmem:s11], [sflag:$0x4] =	stream.linear.gather [hbm4b:s20+s3], $0x70, $0x38;
	[tilespmem:$0x88E0] =	vst v63  }
0x348: {  	_ = 	snop  }
0x349: {  	[spmem:s2] =	stream.indirect.scatter.add.f32 [tilespmem:s15], [sflag:$0x5], $0x40, s3, s11, $0xb8;
	[tilespmem:$0x88E0] =	vst v63  }
0x34a: {  	_ =	swait.ge [sflag:s6], $0x1C00  }
0x34b: {  	[sflag:s6] =	ssyncset.done $0x0  }
0x34c: {  	[sflag:s6] =	ssyncadd.s32 $0xFFFFE400  }
0x34d: {  	_ =	swait.ge [sflag:s18], $0x1C00  }
0x34e: {  	[sflag:s18] =	ssyncset.done $0x0  }
0x34f: {  	[sflag:s18] =	ssyncadd.s32 $0xFFFFE400  }
0x350: {  	_ =	swait.ge [sflag:s17], $0x70  }
0x351: {  	[sflag:s17] =	ssyncset.done $0x0  }
0x352: {  	[sflag:s17] =	ssyncadd.s32 $0xFFFFFF90  }
0x353: {  	[tilespmem:s15], [sflag:$0x1] =	stream.strided.gather [hbm4b:s12+s14], $0x1C00, s16, s14, $0x38;
	[tilespmem:$0x88E0] =	vst v63  }
0x354: {  	_ = 	snop  }
0x355: {  	[tilespmem:s3], [sflag:$0x3] =	stream.linear.gather [hbm4b:s13+s3], $0x70, $0x38;
	[tilespmem:$0x88E0] =	vst v63  }
0x356: {  	_ = 	snop  }
0x357: {  	[spmem:s2] =	stream.indirect.scatter.add.f32 [tilespmem:s10], [sflag:$0x5], $0x40, s11, s11, $0xb8;
	[tilespmem:$0x88E0] =	vst v63  }
0x358: {  	_ =	swait.ge [sflag:s6], $0x1C00  }
0x359: {  	[sflag:s6] =	ssyncset.done $0x0  }
0x35a: {  	[sflag:s6] =	ssyncadd.s32 $0xFFFFE400  }
0x35b: {  	_ =	swait.ge [sflag:s19], $0x1C00  }
0x35c: {  	[sflag:s19] =	ssyncset.done $0x0  }
0x35d: {  	[sflag:s19] =	ssyncadd.s32 $0xFFFFE400  }
0x35e: {  	_ =	swait.ge [sflag:s21], $0x70  }
0x35f: {  	[sflag:s21] =	ssyncset.done $0x0  }
0x360: {  	[sflag:s21] =	ssyncadd.s32 $0xFFFFFF90  }
0x361: {  	[tilespmem:s10], [sflag:$0x2] =	stream.strided.gather [hbm4b:s8+s14], $0x1C00, s16, s14, $0x38;
	[tilespmem:$0x88E0] =	vst v63  }
0x362: {  	_ = 	snop  }
0x363: {  	[tilespmem:s11], [sflag:$0x4] =	stream.linear.gather [hbm4b:s9+s3], $0x70, $0x38;
	[tilespmem:$0x88E0] =	vst v63  }
0x364: {  	_ = 	snop  }
0x365: {  	[spmem:s2] =	stream.indirect.scatter.add.f32 [tilespmem:s15], [sflag:$0x5], $0x40, s3, s11, $0xb8;
	[tilespmem:$0x88E0] =	vst v63  }
0x366: {  	_ =	swait.ge [sflag:s6], $0x1C00  }
0x367: {  	[sflag:s6] =	ssyncset.done $0x0  }
0x368: {  	[sflag:s6] =	ssyncadd.s32 $0xFFFFE400  }
0x369: {  	_ =	swait.ge [sflag:s18], $0x1C00  }
0x36a: {  	[sflag:s18] =	ssyncset.done $0x0  }
0x36b: {  	[sflag:s18] =	ssyncadd.s32 $0xFFFFE400  }
0x36c: {  	_ =	swait.ge [sflag:s17], $0x70  }
0x36d: {  	[sflag:s17] =	ssyncset.done $0x0  }
0x36e: {  	[sflag:s17] =	ssyncadd.s32 $0xFFFFFF90  }
0x36f: {  	[spmem:s2] =	stream.indirect.scatter.add.f32 [tilespmem:s10], [sflag:$0x5], $0x40, s11, s11, $0xb8;
	[tilespmem:$0x88E0] =	vst v63  }
0x370: {  	s1 =	sadd.s32 $0xFFFFFFFF, s1;
	_ =	swait.ge [sflag:s6], $0x1C00  }
0x371: {  	p2 =	sne.s32 s1, $0x0;
	[sflag:s6] =	ssyncset.done $0x0  }
.Ltmp2:
0x372: {  	[sflag:s6] =	ssyncadd.s32 $0xFFFFE400;
	(pc) =	sbr.rel @p2 .LBB2_3-.Ltmp2, $4  }
0x373: {  	[bflag:$0x0] =	sbarrier.arrive $0xFFFF  }
0x374: {  	[hbm:s5], [sflag:s4] =	dma.local @!p0 [spmem:s7], $0x1388  }
0x375: {  	_ =	swait.ge @!p0 [sflag:s31], $0x1388  }
0x376: {  	s0 =	rddreg [dreg:$0x4];
	[sflag:s31] =	ssyncset.done @!p0 $0x0  }
.LBB2_4:
0x377: {  	p1 =	por p0, !p1  }
0x378: {  	[sflag:s31] =	ssyncadd.s32 @!p1 $0xFFFFEC78  }
0x379: {  	[spmem:s30], [sflag:s4] =	dma.local [hbm:s0], $0xA00  }
0x37a: {  	_ =	swait.ge [sflag:s6], $0xA00  }
0x37b: {  	[sflag:s6] =	ssyncset.done $0x0  }
0x37c: {  	[sflag:s6] =	ssyncadd.s32 $0xFFFFF600  }
0x37d: {  	[bflag:$0x0] =	sbarrier.arrive $0xFFFF  }
0x37e: {  	s31 =	rddreg [dreg:$0x5]  }
0x37f: {  	[tilespmem:s15], [sflag:$0x1] =	stream.strided.gather [hbm4b:s31+s14], $0x1C00, s16, s14, $0x38;
	[tilespmem:$0x88E0] =	vst v63  }
0x380: {  	s1 =	rddreg [dreg:$0x6]  }
0x381: {  	[tilespmem:s3], [sflag:$0x3] =	stream.linear.gather [hbm4b:s1+s3], $0x70, $0x38;
	[tilespmem:$0x88E0] =	vst v63  }
0x382: {  	_ =	swait.ge [sflag:s19], $0x1C00  }
0x383: {  	[sflag:s19] =	ssyncset.done $0x0  }
0x384: {  	[sflag:s19] =	ssyncadd.s32 $0xFFFFE400  }
0x385: {  	_ =	swait.ge [sflag:s21], $0x70  }
0x386: {  	[sflag:s21] =	ssyncset.done $0x0  }
0x387: {  	s30 =	rddreg [dreg:$0x7];
	[sflag:s21] =	ssyncadd.s32 $0xFFFFFF90  }
0x388: {  	[tilespmem:s10], [sflag:$0x2] =	stream.strided.gather [hbm4b:s30+s14], $0x1C00, s16, s14, $0x38;
	[tilespmem:$0x88E0] =	vst v63  }
0x389: {  	s31 =	rddreg [dreg:$0x8]  }
0x38a: {  	[tilespmem:s11], [sflag:$0x4] =	stream.linear.gather [hbm4b:s31+s3], $0x70, $0x38;
	[tilespmem:$0x88E0] =	vst v63  }
0x38b: {  	_ = 	snop  }
0x38c: {  	[spmem:s2] =	stream.indirect.scatter.add.f32 [tilespmem:s15], [sflag:$0x5], $0x40, s3, s11, $0xb8;
	[tilespmem:$0x88E0] =	vst v63  }
0x38d: {  	_ =	swait.ge [sflag:s6], $0x1C00  }
0x38e: {  	[sflag:s6] =	ssyncset.done $0x0  }
0x38f: {  	[sflag:s6] =	ssyncadd.s32 $0xFFFFE400  }
0x390: {  	_ =	swait.ge [sflag:s18], $0x1C00  }
0x391: {  	[sflag:s18] =	ssyncset.done $0x0  }
0x392: {  	[sflag:s18] =	ssyncadd.s32 $0xFFFFE400  }
0x393: {  	_ =	swait.ge [sflag:s17], $0x70  }
0x394: {  	[sflag:s17] =	ssyncset.done $0x0  }
0x395: {  	s30 =	rddreg [dreg:$0x9];
	[sflag:s17] =	ssyncadd.s32 $0xFFFFFF90  }
0x396: {  	[tilespmem:s15], [sflag:$0x1] =	stream.strided.gather [hbm4b:s30+s14], $0x1C00, s16, s14, $0x38;
	[tilespmem:$0x88E0] =	vst v63  }
0x397: {  	s31 =	rddreg [dreg:$0xa]  }
0x398: {  	[tilespmem:s3], [sflag:$0x3] =	stream.linear.gather [hbm4b:s31+s3], $0x70, $0x38;
	[tilespmem:$0x88E0] =	vst v63  }
0x399: {  	_ = 	snop  }
0x39a: {  	[spmem:s2] =	stream.indirect.scatter.add.f32 [tilespmem:s10], [sflag:$0x5], $0x40, s11, s11, $0xb8;
	[tilespmem:$0x88E0] =	vst v63  }
0x39b: {  	_ =	swait.ge [sflag:s6], $0x1C00  }
0x39c: {  	[sflag:s6] =	ssyncset.done $0x0  }
0x39d: {  	[sflag:s6] =	ssyncadd.s32 $0xFFFFE400  }
0x39e: {  	_ =	swait.ge [sflag:s19], $0x1C00  }
0x39f: {  	[sflag:s19] =	ssyncset.done $0x0  }
0x3a0: {  	[sflag:s19] =	ssyncadd.s32 $0xFFFFE400  }
0x3a1: {  	_ =	swait.ge [sflag:s21], $0x70  }
0x3a2: {  	[sflag:s21] =	ssyncset.done $0x0  }
0x3a3: {  	s30 =	rddreg [dreg:$0xb];
	[sflag:s21] =	ssyncadd.s32 $0xFFFFFF90  }
0x3a4: {  	[tilespmem:s10], [sflag:$0x2] =	stream.strided.gather [hbm4b:s30+s14], $0x1C00, s16, s14, $0x38;
	[tilespmem:$0x88E0] =	vst v63  }
0x3a5: {  	s31 =	rddreg [dreg:$0xc]  }
0x3a6: {  	[tilespmem:s11], [sflag:$0x4] =	stream.linear.gather [hbm4b:s31+s3], $0x70, $0x38;
	[tilespmem:$0x88E0] =	vst v63  }
0x3a7: {  	_ = 	snop  }
0x3a8: {  	[spmem:s2] =	stream.indirect.scatter.add.f32 [tilespmem:s15], [sflag:$0x5], $0x40, s3, s11, $0xb8;
	[tilespmem:$0x88E0] =	vst v63  }
0x3a9: {  	_ =	swait.ge [sflag:s6], $0x1C00  }
0x3aa: {  	[sflag:s6] =	ssyncset.done $0x0  }
0x3ab: {  	[sflag:s6] =	ssyncadd.s32 $0xFFFFE400  }
0x3ac: {  	_ =	swait.ge [sflag:s18], $0x1C00  }
0x3ad: {  	[sflag:s18] =	ssyncset.done $0x0  }
0x3ae: {  	[sflag:s18] =	ssyncadd.s32 $0xFFFFE400  }
0x3af: {  	_ =	swait.ge [sflag:s17], $0x70  }
0x3b0: {  	[sflag:s17] =	ssyncset.done $0x0  }
0x3b1: {  	s30 =	rddreg [dreg:$0xd];
	[sflag:s17] =	ssyncadd.s32 $0xFFFFFF90  }
0x3b2: {  	[tilespmem:s15], [sflag:$0x1] =	stream.strided.gather [hbm4b:s30+s14], $0x1C00, s16, s14, $0x38;
	[tilespmem:$0x88E0] =	vst v63  }
0x3b3: {  	s31 =	rddreg [dreg:$0xe]  }
0x3b4: {  	[tilespmem:s3], [sflag:$0x3] =	stream.linear.gather [hbm4b:s31+s3], $0x70, $0x38;
	[tilespmem:$0x88E0] =	vst v63  }
0x3b5: {  	_ = 	snop  }
0x3b6: {  	[spmem:s2] =	stream.indirect.scatter.add.f32 [tilespmem:s10], [sflag:$0x5], $0x40, s11, s11, $0xb8;
	[tilespmem:$0x88E0] =	vst v63  }
0x3b7: {  	_ =	swait.ge [sflag:s6], $0x1C00  }
0x3b8: {  	[sflag:s6] =	ssyncset.done $0x0  }
0x3b9: {  	[sflag:s6] =	ssyncadd.s32 $0xFFFFE400  }
0x3ba: {  	_ =	swait.ge [sflag:s19], $0x1C00  }
0x3bb: {  	[sflag:s19] =	ssyncset.done $0x0  }
0x3bc: {  	[sflag:s19] =	ssyncadd.s32 $0xFFFFE400  }
0x3bd: {  	_ =	swait.ge [sflag:s21], $0x70  }
0x3be: {  	[sflag:s21] =	ssyncset.done $0x0  }
0x3bf: {  	s30 =	rddreg [dreg:$0xf];
	[sflag:s21] =	ssyncadd.s32 $0xFFFFFF90  }
0x3c0: {  	[tilespmem:s10], [sflag:$0x2] =	stream.strided.gather [hbm4b:s30+s14], $0x1C00, s16, s14, $0x38;
	[tilespmem:$0x88E0] =	vst v63  }
0x3c1: {  	s31 =	rddreg [dreg:$0x10]  }
0x3c2: {  	[tilespmem:s11], [sflag:$0x4] =	stream.linear.gather [hbm4b:s31+s3], $0x70, $0x38;
	[tilespmem:$0x88E0] =	vst v63  }
0x3c3: {  	_ = 	snop  }
0x3c4: {  	[spmem:s2] =	stream.indirect.scatter.add.f32 [tilespmem:s15], [sflag:$0x5], $0x40, s3, s11, $0xb8;
	[tilespmem:$0x88E0] =	vst v63  }
0x3c5: {  	_ =	swait.ge [sflag:s6], $0x1C00  }
0x3c6: {  	[sflag:s6] =	ssyncset.done $0x0  }
0x3c7: {  	[sflag:s6] =	ssyncadd.s32 $0xFFFFE400  }
0x3c8: {  	_ =	swait.ge [sflag:s18], $0x1C00  }
0x3c9: {  	[sflag:s18] =	ssyncset.done $0x0  }
0x3ca: {  	[sflag:s18] =	ssyncadd.s32 $0xFFFFE400  }
0x3cb: {  	_ =	swait.ge [sflag:s17], $0x70  }
0x3cc: {  	[sflag:s17] =	ssyncset.done $0x0  }
0x3cd: {  	s30 =	rddreg [dreg:$0x11];
	[sflag:s17] =	ssyncadd.s32 $0xFFFFFF90  }
0x3ce: {  	[tilespmem:s15], [sflag:$0x1] =	stream.strided.gather [hbm4b:s30+s14], $0x1C00, s16, s14, $0x38;
	[tilespmem:$0x88E0] =	vst v63  }
0x3cf: {  	s31 =	rddreg [dreg:$0x12]  }
0x3d0: {  	[tilespmem:s3], [sflag:$0x3] =	stream.linear.gather [hbm4b:s31+s3], $0x70, $0x38;
	[tilespmem:$0x88E0] =	vst v63  }
0x3d1: {  	_ = 	snop  }
0x3d2: {  	[spmem:s2] =	stream.indirect.scatter.add.f32 [tilespmem:s10], [sflag:$0x5], $0x40, s11, s11, $0xb8;
	[tilespmem:$0x88E0] =	vst v63  }
0x3d3: {  	_ =	swait.ge [sflag:s6], $0x1C00  }
0x3d4: {  	[sflag:s6] =	ssyncset.done $0x0  }
0x3d5: {  	[sflag:s6] =	ssyncadd.s32 $0xFFFFE400  }
0x3d6: {  	_ =	swait.ge [sflag:s19], $0x1C00  }
0x3d7: {  	[sflag:s19] =	ssyncset.done $0x0  }
0x3d8: {  	[sflag:s19] =	ssyncadd.s32 $0xFFFFE400  }
0x3d9: {  	_ =	swait.ge [sflag:s21], $0x70  }
0x3da: {  	[sflag:s21] =	ssyncset.done $0x0  }
0x3db: {  	s30 =	rddreg [dreg:$0x13];
	[sflag:s21] =	ssyncadd.s32 $0xFFFFFF90  }
0x3dc: {  	[tilespmem:s10], [sflag:$0x2] =	stream.strided.gather [hbm4b:s30+s14], $0x1C00, s16, s14, $0x38;
	[tilespmem:$0x88E0] =	vst v63  }
0x3dd: {  	s31 =	rddreg [dreg:$0x14]  }
0x3de: {  	[tilespmem:s11], [sflag:$0x4] =	stream.linear.gather [hbm4b:s31+s3], $0x70, $0x38;
	[tilespmem:$0x88E0] =	vst v63  }
0x3df: {  	_ = 	snop  }
0x3e0: {  	[spmem:s2] =	stream.indirect.scatter.add.f32 [tilespmem:s15], [sflag:$0x5], $0x40, s3, s11, $0xb8;
	[tilespmem:$0x88E0] =	vst v63  }
0x3e1: {  	_ =	swait.ge [sflag:s6], $0x1C00  }
0x3e2: {  	[sflag:s6] =	ssyncset.done $0x0  }
0x3e3: {  	[sflag:s6] =	ssyncadd.s32 $0xFFFFE400  }
0x3e4: {  	_ =	swait.ge [sflag:s18], $0x1C00  }
0x3e5: {  	[sflag:s18] =	ssyncset.done $0x0  }
0x3e6: {  	[sflag:s18] =	ssyncadd.s32 $0xFFFFE400  }
0x3e7: {  	_ =	swait.ge [sflag:s17], $0x70  }
0x3e8: {  	[sflag:s17] =	ssyncset.done $0x0  }
0x3e9: {  	s30 =	rddreg [dreg:$0x15];
	[sflag:s17] =	ssyncadd.s32 $0xFFFFFF90  }
0x3ea: {  	[tilespmem:s15], [sflag:$0x1] =	stream.strided.gather [hbm4b:s30+s14], $0x1C00, s16, s14, $0x38;
	[tilespmem:$0x88E0] =	vst v63  }
0x3eb: {  	s31 =	rddreg [dreg:$0x16]  }
0x3ec: {  	[tilespmem:s3], [sflag:$0x3] =	stream.linear.gather [hbm4b:s31+s3], $0x70, $0x38;
	[tilespmem:$0x88E0] =	vst v63  }
0x3ed: {  	_ = 	snop  }
0x3ee: {  	[spmem:s2] =	stream.indirect.scatter.add.f32 [tilespmem:s10], [sflag:$0x5], $0x40, s11, s11, $0xb8;
	[tilespmem:$0x88E0] =	vst v63  }
0x3ef: {  	_ =	swait.ge [sflag:s6], $0x1C00  }
0x3f0: {  	[sflag:s6] =	ssyncset.done $0x0  }
0x3f1: {  	[sflag:s6] =	ssyncadd.s32 $0xFFFFE400  }
0x3f2: {  	_ =	swait.ge [sflag:s19], $0x1C00  }
0x3f3: {  	[sflag:s19] =	ssyncset.done $0x0  }
0x3f4: {  	[sflag:s19] =	ssyncadd.s32 $0xFFFFE400  }
0x3f5: {  	_ =	swait.ge [sflag:s21], $0x70  }
0x3f6: {  	[sflag:s21] =	ssyncset.done $0x0  }
0x3f7: {  	s30 =	rddreg [dreg:$0x17];
	[sflag:s21] =	ssyncadd.s32 $0xFFFFFF90  }
0x3f8: {  	[tilespmem:s10], [sflag:$0x2] =	stream.strided.gather [hbm4b:s30+s14], $0x1C00, s16, s14, $0x38;
	[tilespmem:$0x88E0] =	vst v63  }
0x3f9: {  	s31 =	rddreg [dreg:$0x18]  }
0x3fa: {  	[tilespmem:s11], [sflag:$0x4] =	stream.linear.gather [hbm4b:s31+s3], $0x70, $0x38;
	[tilespmem:$0x88E0] =	vst v63  }
0x3fb: {  	_ = 	snop  }
0x3fc: {  	[spmem:s2] =	stream.indirect.scatter.add.f32 [tilespmem:s15], [sflag:$0x5], $0x40, s3, s11, $0xb8;
	[tilespmem:$0x88E0] =	vst v63  }
0x3fd: {  	_ =	swait.ge [sflag:s6], $0x1C00  }
0x3fe: {  	[sflag:s6] =	ssyncset.done $0x0  }
0x3ff: {  	[sflag:s6] =	ssyncadd.s32 $0xFFFFE400  }
0x400: {  	_ =	swait.ge [sflag:s18], $0x1C00  }
0x401: {  	[sflag:s18] =	ssyncset.done $0x0  }
0x402: {  	[sflag:s18] =	ssyncadd.s32 $0xFFFFE400  }
0x403: {  	_ =	swait.ge [sflag:s17], $0x70  }
0x404: {  	[sflag:s17] =	ssyncset.done $0x0  }
0x405: {  	s30 =	rddreg [dreg:$0x19];
	[sflag:s17] =	ssyncadd.s32 $0xFFFFFF90  }
0x406: {  	[tilespmem:s15], [sflag:$0x1] =	stream.strided.gather [hbm4b:s30+s14], $0x1C00, s16, s14, $0x38;
	[tilespmem:$0x88E0] =	vst v63  }
0x407: {  	s31 =	rddreg [dreg:$0x1a]  }
0x408: {  	[tilespmem:s3], [sflag:$0x3] =	stream.linear.gather [hbm4b:s31+s3], $0x70, $0x38;
	[tilespmem:$0x88E0] =	vst v63  }
0x409: {  	_ = 	snop  }
0x40a: {  	[spmem:s2] =	stream.indirect.scatter.add.f32 [tilespmem:s10], [sflag:$0x5], $0x40, s11, s11, $0xb8;
	[tilespmem:$0x88E0] =	vst v63  }
0x40b: {  	_ =	swait.ge [sflag:s6], $0x1C00  }
0x40c: {  	[sflag:s6] =	ssyncset.done $0x0  }
0x40d: {  	[sflag:s6] =	ssyncadd.s32 $0xFFFFE400  }
0x40e: {  	_ =	swait.ge [sflag:s19], $0x1C00  }
0x40f: {  	[sflag:s19] =	ssyncset.done $0x0  }
0x410: {  	[sflag:s19] =	ssyncadd.s32 $0xFFFFE400  }
0x411: {  	_ =	swait.ge [sflag:s21], $0x70  }
0x412: {  	[sflag:s21] =	ssyncset.done $0x0  }
0x413: {  	s30 =	rddreg [dreg:$0x1b];
	[sflag:s21] =	ssyncadd.s32 $0xFFFFFF90  }
0x414: {  	[tilespmem:s10], [sflag:$0x2] =	stream.strided.gather [hbm4b:s30+s14], $0x1C00, s16, s14, $0x38;
	[tilespmem:$0x88E0] =	vst v63  }
0x415: {  	s31 =	rddreg [dreg:$0x1c]  }
0x416: {  	[tilespmem:s11], [sflag:$0x4] =	stream.linear.gather [hbm4b:s31+s3], $0x70, $0x38;
	[tilespmem:$0x88E0] =	vst v63  }
0x417: {  	_ = 	snop  }
0x418: {  	[spmem:s2] =	stream.indirect.scatter.add.f32 [tilespmem:s15], [sflag:$0x5], $0x40, s3, s11, $0xb8;
	[tilespmem:$0x88E0] =	vst v63  }
0x419: {  	_ =	swait.ge [sflag:s6], $0x1C00  }
0x41a: {  	[sflag:s6] =	ssyncset.done $0x0  }
0x41b: {  	[sflag:s6] =	ssyncadd.s32 $0xFFFFE400  }
0x41c: {  	_ =	swait.ge [sflag:s18], $0x1C00  }
0x41d: {  	[sflag:s18] =	ssyncset.done $0x0  }
0x41e: {  	[sflag:s18] =	ssyncadd.s32 $0xFFFFE400  }
0x41f: {  	_ =	swait.ge [sflag:s17], $0x70  }
0x420: {  	[sflag:s17] =	ssyncset.done $0x0  }
0x421: {  	s30 =	rddreg [dreg:$0x1d];
	[sflag:s17] =	ssyncadd.s32 $0xFFFFFF90  }
0x422: {  	[tilespmem:s15], [sflag:$0x1] =	stream.strided.gather [hbm4b:s30+s14], $0x1C00, s16, s14, $0x38;
	[tilespmem:$0x88E0] =	vst v63  }
0x423: {  	s31 =	rddreg [dreg:$0x1e]  }
0x424: {  	[tilespmem:s3], [sflag:$0x3] =	stream.linear.gather [hbm4b:s31+s3], $0x70, $0x38;
	[tilespmem:$0x88E0] =	vst v63  }
0x425: {  	_ = 	snop  }
0x426: {  	[spmem:s2] =	stream.indirect.scatter.add.f32 [tilespmem:s10], [sflag:$0x5], $0x40, s11, s11, $0xb8;
	[tilespmem:$0x88E0] =	vst v63  }
0x427: {  	_ =	swait.ge [sflag:s6], $0x1C00  }
0x428: {  	[sflag:s6] =	ssyncset.done $0x0  }
0x429: {  	[sflag:s6] =	ssyncadd.s32 $0xFFFFE400  }
0x42a: {  	_ =	swait.ge [sflag:s19], $0x1C00  }
0x42b: {  	[sflag:s19] =	ssyncset.done $0x0  }
0x42c: {  	[sflag:s19] =	ssyncadd.s32 $0xFFFFE400  }
0x42d: {  	_ =	swait.ge [sflag:s21], $0x70  }
0x42e: {  	s30 =	rddreg [dreg:$0x1f];
	[sflag:s21] =	ssyncset.done $0x0  }
0x42f: {  	s31 =	sld [smem:$0x7ED];
	[sflag:s21] =	ssyncadd.s32 $0xFFFFFF90  }
0x430: {  	[tilespmem:s10], [sflag:$0x2] =	stream.strided.gather [hbm4b:s30+s14], $0x1C00, s16, s14, $0x38;
	[tilespmem:$0x88E0] =	vst v63  }
0x431: {  	_ = 	snop  }
0x432: {  	[tilespmem:s11], [sflag:$0x4] =	stream.linear.gather [hbm4b:s31+s3], $0x70, $0x38;
	[tilespmem:$0x88E0] =	vst v63  }
0x433: {  	_ = 	snop  }
0x434: {  	[spmem:s2] =	stream.indirect.scatter.add.f32 [tilespmem:s15], [sflag:$0x5], $0x40, s3, s11, $0xb8;
	[tilespmem:$0x88E0] =	vst v63  }
0x435: {  	_ =	swait.ge [sflag:s6], $0x1C00  }
0x436: {  	[sflag:s6] =	ssyncset.done $0x0  }
0x437: {  	[sflag:s6] =	ssyncadd.s32 $0xFFFFE400  }
0x438: {  	_ =	swait.ge [sflag:s18], $0x1C00  }
0x439: {  	[sflag:s18] =	ssyncset.done $0x0  }
0x43a: {  	[sflag:s18] =	ssyncadd.s32 $0xFFFFE400  }
0x43b: {  	_ =	swait.ge [sflag:s17], $0x70  }
0x43c: {  	s30 =	sld [smem:$0x7EE]  }
0x43d: {  	[sflag:s17] =	ssyncset.done $0x0  }
0x43e: {  	s31 =	sld [smem:$0x7EF];
	[sflag:s17] =	ssyncadd.s32 $0xFFFFFF90  }
0x43f: {  	[tilespmem:s15], [sflag:$0x1] =	stream.strided.gather [hbm4b:s30+s14], $0x1C00, s16, s14, $0x38;
	[tilespmem:$0x88E0] =	vst v63  }
0x440: {  	_ = 	snop  }
0x441: {  	[tilespmem:s3], [sflag:$0x3] =	stream.linear.gather [hbm4b:s31+s3], $0x70, $0x38;
	[tilespmem:$0x88E0] =	vst v63  }
0x442: {  	_ = 	snop  }
0x443: {  	[spmem:s2] =	stream.indirect.scatter.add.f32 [tilespmem:s10], [sflag:$0x5], $0x40, s11, s11, $0xb8;
	[tilespmem:$0x88E0] =	vst v63  }
0x444: {  	_ =	swait.ge [sflag:s6], $0x1C00  }
0x445: {  	[sflag:s6] =	ssyncset.done $0x0  }
0x446: {  	[sflag:s6] =	ssyncadd.s32 $0xFFFFE400  }
0x447: {  	_ =	swait.ge [sflag:s19], $0x1C00  }
0x448: {  	[sflag:s19] =	ssyncset.done $0x0  }
0x449: {  	[sflag:s19] =	ssyncadd.s32 $0xFFFFE400  }
0x44a: {  	_ =	swait.ge [sflag:s21], $0x70  }
0x44b: {  	s30 =	sld [smem:$0x7F0]  }
0x44c: {  	[sflag:s21] =	ssyncset.done $0x0  }
0x44d: {  	s31 =	sld [smem:$0x7F1];
	[sflag:s21] =	ssyncadd.s32 $0xFFFFFF90  }
0x44e: {  	[tilespmem:s10], [sflag:$0x2] =	stream.strided.gather [hbm4b:s30+s14], $0x1C00, s16, s14, $0x38;
	[tilespmem:$0x88E0] =	vst v63  }
0x44f: {  	_ = 	snop  }
0x450: {  	[tilespmem:s11], [sflag:$0x4] =	stream.linear.gather [hbm4b:s31+s3], $0x70, $0x38;
	[tilespmem:$0x88E0] =	vst v63  }
0x451: {  	_ = 	snop  }
0x452: {  	[spmem:s2] =	stream.indirect.scatter.add.f32 [tilespmem:s15], [sflag:$0x5], $0x40, s3, s11, $0xb8;
	[tilespmem:$0x88E0] =	vst v63  }
0x453: {  	_ =	swait.ge [sflag:s6], $0x1C00  }
0x454: {  	[sflag:s6] =	ssyncset.done $0x0  }
0x455: {  	[sflag:s6] =	ssyncadd.s32 $0xFFFFE400  }
0x456: {  	_ =	swait.ge [sflag:s18], $0x1C00  }
0x457: {  	[sflag:s18] =	ssyncset.done $0x0  }
0x458: {  	[sflag:s18] =	ssyncadd.s32 $0xFFFFE400  }
0x459: {  	_ =	swait.ge [sflag:s17], $0x70  }
0x45a: {  	s30 =	sld [smem:$0x7F2]  }
0x45b: {  	[sflag:s17] =	ssyncset.done $0x0  }
0x45c: {  	s31 =	sld [smem:$0x7F3];
	[sflag:s17] =	ssyncadd.s32 $0xFFFFFF90  }
0x45d: {  	[tilespmem:s15], [sflag:$0x1] =	stream.strided.gather [hbm4b:s30+s14], $0x1C00, s16, s14, $0x38;
	[tilespmem:$0x88E0] =	vst v63  }
0x45e: {  	_ = 	snop  }
0x45f: {  	[tilespmem:s3], [sflag:$0x3] =	stream.linear.gather [hbm4b:s31+s3], $0x70, $0x38;
	[tilespmem:$0x88E0] =	vst v63  }
0x460: {  	_ = 	snop  }
0x461: {  	[spmem:s2] =	stream.indirect.scatter.add.f32 [tilespmem:s10], [sflag:$0x5], $0x40, s11, s11, $0xb8;
	[tilespmem:$0x88E0] =	vst v63  }
0x462: {  	_ =	swait.ge [sflag:s6], $0x1C00  }
0x463: {  	[sflag:s6] =	ssyncset.done $0x0  }
0x464: {  	[sflag:s6] =	ssyncadd.s32 $0xFFFFE400  }
0x465: {  	_ =	swait.ge [sflag:s19], $0x1C00  }
0x466: {  	[sflag:s19] =	ssyncset.done $0x0  }
0x467: {  	[sflag:s19] =	ssyncadd.s32 $0xFFFFE400  }
0x468: {  	_ =	swait.ge [sflag:s21], $0x70  }
0x469: {  	s30 =	sld [smem:$0x7F4]  }
0x46a: {  	[sflag:s21] =	ssyncset.done $0x0  }
0x46b: {  	s31 =	sld [smem:$0x7F5];
	[sflag:s21] =	ssyncadd.s32 $0xFFFFFF90  }
0x46c: {  	[tilespmem:s10], [sflag:$0x2] =	stream.strided.gather [hbm4b:s30+s14], $0x1C00, s16, s14, $0x38;
	[tilespmem:$0x88E0] =	vst v63  }
0x46d: {  	_ = 	snop  }
0x46e: {  	[tilespmem:s11], [sflag:$0x4] =	stream.linear.gather [hbm4b:s31+s3], $0x70, $0x38;
	[tilespmem:$0x88E0] =	vst v63  }
0x46f: {  	_ = 	snop  }
0x470: {  	[spmem:s2] =	stream.indirect.scatter.add.f32 [tilespmem:s15], [sflag:$0x5], $0x40, s3, s11, $0xb8;
	[tilespmem:$0x88E0] =	vst v63  }
0x471: {  	_ =	swait.ge [sflag:s6], $0x1C00  }
0x472: {  	[sflag:s6] =	ssyncset.done $0x0  }
0x473: {  	[sflag:s6] =	ssyncadd.s32 $0xFFFFE400  }
0x474: {  	_ =	swait.ge [sflag:s18], $0x1C00  }
0x475: {  	[sflag:s18] =	ssyncset.done $0x0  }
0x476: {  	[sflag:s18] =	ssyncadd.s32 $0xFFFFE400  }
0x477: {  	_ =	swait.ge [sflag:s17], $0x70  }
0x478: {  	s30 =	sld [smem:$0x7F6]  }
0x479: {  	[sflag:s17] =	ssyncset.done $0x0  }
0x47a: {  	s31 =	sld [smem:$0x7F7];
	[sflag:s17] =	ssyncadd.s32 $0xFFFFFF90  }
0x47b: {  	[tilespmem:s15], [sflag:$0x1] =	stream.strided.gather [hbm4b:s30+s14], $0x1C00, s16, s14, $0x38;
	[tilespmem:$0x88E0] =	vst v63  }
0x47c: {  	_ = 	snop  }
0x47d: {  	[tilespmem:s3], [sflag:$0x3] =	stream.linear.gather [hbm4b:s31+s3], $0x70, $0x38;
	[tilespmem:$0x88E0] =	vst v63  }
0x47e: {  	_ = 	snop  }
0x47f: {  	[spmem:s2] =	stream.indirect.scatter.add.f32 [tilespmem:s10], [sflag:$0x5], $0x40, s11, s11, $0xb8;
	[tilespmem:$0x88E0] =	vst v63  }
0x480: {  	_ =	swait.ge [sflag:s6], $0x1C00  }
0x481: {  	[sflag:s6] =	ssyncset.done $0x0  }
0x482: {  	[sflag:s6] =	ssyncadd.s32 $0xFFFFE400  }
0x483: {  	_ =	swait.ge [sflag:s19], $0x1C00  }
0x484: {  	[sflag:s19] =	ssyncset.done $0x0  }
0x485: {  	[sflag:s19] =	ssyncadd.s32 $0xFFFFE400  }
0x486: {  	_ =	swait.ge [sflag:s21], $0x70  }
0x487: {  	s30 =	sld [smem:$0x7F8]  }
0x488: {  	[sflag:s21] =	ssyncset.done $0x0  }
0x489: {  	s31 =	sld [smem:$0x7F9];
	[sflag:s21] =	ssyncadd.s32 $0xFFFFFF90  }
0x48a: {  	[tilespmem:s10], [sflag:$0x2] =	stream.strided.gather [hbm4b:s30+s14], $0x1C00, s16, s14, $0x38;
	[tilespmem:$0x88E0] =	vst v63  }
0x48b: {  	_ = 	snop  }
0x48c: {  	[tilespmem:s11], [sflag:$0x4] =	stream.linear.gather [hbm4b:s31+s3], $0x70, $0x38;
	[tilespmem:$0x88E0] =	vst v63  }
0x48d: {  	_ = 	snop  }
0x48e: {  	[spmem:s2] =	stream.indirect.scatter.add.f32 [tilespmem:s15], [sflag:$0x5], $0x40, s3, s11, $0xb8;
	[tilespmem:$0x88E0] =	vst v63  }
0x48f: {  	_ =	swait.ge [sflag:s6], $0x1C00  }
0x490: {  	[sflag:s6] =	ssyncset.done $0x0  }
0x491: {  	[sflag:s6] =	ssyncadd.s32 $0xFFFFE400  }
0x492: {  	_ =	swait.ge [sflag:s18], $0x1C00  }
0x493: {  	[sflag:s18] =	ssyncset.done $0x0  }
0x494: {  	[sflag:s18] =	ssyncadd.s32 $0xFFFFE400  }
0x495: {  	_ =	swait.ge [sflag:s17], $0x70  }
0x496: {  	s30 =	sld [smem:$0x7FA]  }
0x497: {  	[sflag:s17] =	ssyncset.done $0x0  }
0x498: {  	s31 =	sld [smem:$0x7FB];
	[sflag:s17] =	ssyncadd.s32 $0xFFFFFF90  }
0x499: {  	[tilespmem:s15], [sflag:$0x1] =	stream.strided.gather [hbm4b:s30+s14], $0x1C00, s16, s14, $0x38;
	[tilespmem:$0x88E0] =	vst v63  }
0x49a: {  	_ = 	snop  }
0x49b: {  	[tilespmem:s3], [sflag:$0x3] =	stream.linear.gather [hbm4b:s31+s3], $0x70, $0x38;
	[tilespmem:$0x88E0] =	vst v63  }
0x49c: {  	_ = 	snop  }
0x49d: {  	[spmem:s2] =	stream.indirect.scatter.add.f32 [tilespmem:s10], [sflag:$0x5], $0x40, s11, s11, $0xb8;
	[tilespmem:$0x88E0] =	vst v63  }
0x49e: {  	_ =	swait.ge [sflag:s6], $0x1C00  }
0x49f: {  	[sflag:s6] =	ssyncset.done $0x0  }
0x4a0: {  	[sflag:s6] =	ssyncadd.s32 $0xFFFFE400  }
0x4a1: {  	_ =	swait.ge [sflag:s19], $0x1C00  }
0x4a2: {  	[sflag:s19] =	ssyncset.done $0x0  }
0x4a3: {  	[sflag:s19] =	ssyncadd.s32 $0xFFFFE400  }
0x4a4: {  	_ =	swait.ge [sflag:s21], $0x70  }
0x4a5: {  	s1 =	sld [smem:$0x7FC]  }
0x4a6: {  	[sflag:s21] =	ssyncset.done $0x0  }
0x4a7: {  	s30 =	sld [smem:$0x7FD];
	[sflag:s21] =	ssyncadd.s32 $0xFFFFFF90  }
0x4a8: {  	[tilespmem:s10], [sflag:$0x2] =	stream.strided.gather [hbm4b:s1+s14], $0x1C00, s16, s14, $0x38;
	[tilespmem:$0x88E0] =	vst v63  }
0x4a9: {  	_ = 	snop  }
0x4aa: {  	[tilespmem:s11], [sflag:$0x4] =	stream.linear.gather [hbm4b:s30+s3], $0x70, $0x38;
	[tilespmem:$0x88E0] =	vst v63  }
0x4ab: {  	_ = 	snop  }
0x4ac: {  	[spmem:s2] =	stream.indirect.scatter.add.f32 [tilespmem:s15], [sflag:$0x5], $0x40, s3, s11, $0xb8;
	[tilespmem:$0x88E0] =	vst v63  }
0x4ad: {  	_ =	swait.ge [sflag:s6], $0x1C00  }
0x4ae: {  	[sflag:s6] =	ssyncset.done $0x0  }
0x4af: {  	[sflag:s6] =	ssyncadd.s32 $0xFFFFE400  }
0x4b0: {  	_ =	swait.ge [sflag:s18], $0x1C00  }
0x4b1: {  	[sflag:s18] =	ssyncset.done $0x0  }
0x4b2: {  	[sflag:s18] =	ssyncadd.s32 $0xFFFFE400  }
0x4b3: {  	_ =	swait.ge [sflag:s17], $0x70  }
0x4b4: {  	[sflag:s17] =	ssyncset.done $0x0  }
0x4b5: {  	[sflag:s17] =	ssyncadd.s32 $0xFFFFFF90  }
0x4b6: {  	[tilespmem:s15], [sflag:$0x1] =	stream.strided.gather [hbm4b:s29+s14], $0x1C00, s16, s14, $0x38;
	[tilespmem:$0x88E0] =	vst v63  }
0x4b7: {  	_ = 	snop  }
0x4b8: {  	[tilespmem:s3], [sflag:$0x3] =	stream.linear.gather [hbm4b:s28+s3], $0x70, $0x38;
	[tilespmem:$0x88E0] =	vst v63  }
0x4b9: {  	_ = 	snop  }
0x4ba: {  	[spmem:s2] =	stream.indirect.scatter.add.f32 [tilespmem:s10], [sflag:$0x5], $0x40, s11, s11, $0xb8;
	[tilespmem:$0x88E0] =	vst v63  }
0x4bb: {  	_ =	swait.ge [sflag:s6], $0x1C00  }
0x4bc: {  	[sflag:s6] =	ssyncset.done $0x0  }
0x4bd: {  	[sflag:s6] =	ssyncadd.s32 $0xFFFFE400  }
0x4be: {  	_ =	swait.ge [sflag:s19], $0x1C00  }
0x4bf: {  	[sflag:s19] =	ssyncset.done $0x0  }
0x4c0: {  	[sflag:s19] =	ssyncadd.s32 $0xFFFFE400  }
0x4c1: {  	_ =	swait.ge [sflag:s21], $0x70  }
0x4c2: {  	[sflag:s21] =	ssyncset.done $0x0  }
0x4c3: {  	[sflag:s21] =	ssyncadd.s32 $0xFFFFFF90  }
0x4c4: {  	[tilespmem:s10], [sflag:$0x2] =	stream.strided.gather [hbm4b:s26+s14], $0x1C00, s16, s14, $0x38;
	[tilespmem:$0x88E0] =	vst v63  }
0x4c5: {  	_ = 	snop  }
0x4c6: {  	[tilespmem:s11], [sflag:$0x4] =	stream.linear.gather [hbm4b:s25+s3], $0x70, $0x38;
	[tilespmem:$0x88E0] =	vst v63  }
0x4c7: {  	_ = 	snop  }
0x4c8: {  	[spmem:s2] =	stream.indirect.scatter.add.f32 [tilespmem:s15], [sflag:$0x5], $0x40, s3, s11, $0xb8;
	[tilespmem:$0x88E0] =	vst v63  }
0x4c9: {  	_ =	swait.ge [sflag:s6], $0x1C00  }
0x4ca: {  	[sflag:s6] =	ssyncset.done $0x0  }
0x4cb: {  	[sflag:s6] =	ssyncadd.s32 $0xFFFFE400  }
0x4cc: {  	_ =	swait.ge [sflag:s18], $0x1C00  }
0x4cd: {  	[sflag:s18] =	ssyncset.done $0x0  }
0x4ce: {  	[sflag:s18] =	ssyncadd.s32 $0xFFFFE400  }
0x4cf: {  	_ =	swait.ge [sflag:s17], $0x70  }
0x4d0: {  	[sflag:s17] =	ssyncset.done $0x0  }
0x4d1: {  	[sflag:s17] =	ssyncadd.s32 $0xFFFFFF90  }
0x4d2: {  	[tilespmem:s15], [sflag:$0x1] =	stream.strided.gather [hbm4b:s24+s14], $0x1C00, s16, s14, $0x38;
	[tilespmem:$0x88E0] =	vst v63  }
0x4d3: {  	_ = 	snop  }
0x4d4: {  	[tilespmem:s3], [sflag:$0x3] =	stream.linear.gather [hbm4b:s23+s3], $0x70, $0x38;
	[tilespmem:$0x88E0] =	vst v63  }
0x4d5: {  	_ = 	snop  }
0x4d6: {  	[spmem:s2] =	stream.indirect.scatter.add.f32 [tilespmem:s10], [sflag:$0x5], $0x40, s11, s11, $0xb8;
	[tilespmem:$0x88E0] =	vst v63  }
0x4d7: {  	_ =	swait.ge [sflag:s6], $0x1C00  }
0x4d8: {  	[sflag:s6] =	ssyncset.done $0x0  }
0x4d9: {  	[sflag:s6] =	ssyncadd.s32 $0xFFFFE400  }
0x4da: {  	_ =	swait.ge [sflag:s19], $0x1C00  }
0x4db: {  	[sflag:s19] =	ssyncset.done $0x0  }
0x4dc: {  	[sflag:s19] =	ssyncadd.s32 $0xFFFFE400  }
0x4dd: {  	_ =	swait.ge [sflag:s21], $0x70  }
0x4de: {  	[sflag:s21] =	ssyncset.done $0x0  }
0x4df: {  	[sflag:s21] =	ssyncadd.s32 $0xFFFFFF90  }
0x4e0: {  	[tilespmem:s10], [sflag:$0x2] =	stream.strided.gather [hbm4b:s22+s14], $0x1C00, s16, s14, $0x38;
	[tilespmem:$0x88E0] =	vst v63  }
0x4e1: {  	_ = 	snop  }
0x4e2: {  	[tilespmem:s11], [sflag:$0x4] =	stream.linear.gather [hbm4b:s20+s3], $0x70, $0x38;
	[tilespmem:$0x88E0] =	vst v63  }
0x4e3: {  	_ = 	snop  }
0x4e4: {  	[spmem:s2] =	stream.indirect.scatter.add.f32 [tilespmem:s15], [sflag:$0x5], $0x40, s3, s11, $0xb8;
	[tilespmem:$0x88E0] =	vst v63  }
0x4e5: {  	_ =	swait.ge [sflag:s6], $0x1C00  }
0x4e6: {  	[sflag:s6] =	ssyncset.done $0x0  }
0x4e7: {  	[sflag:s6] =	ssyncadd.s32 $0xFFFFE400  }
0x4e8: {  	_ =	swait.ge [sflag:s18], $0x1C00  }
0x4e9: {  	[sflag:s18] =	ssyncset.done $0x0  }
0x4ea: {  	[sflag:s18] =	ssyncadd.s32 $0xFFFFE400  }
0x4eb: {  	_ =	swait.ge [sflag:s17], $0x70  }
0x4ec: {  	[sflag:s17] =	ssyncset.done $0x0  }
0x4ed: {  	[sflag:s17] =	ssyncadd.s32 $0xFFFFFF90  }
0x4ee: {  	[tilespmem:s15], [sflag:$0x1] =	stream.strided.gather [hbm4b:s12+s14], $0x1C00, s16, s14, $0x38;
	[tilespmem:$0x88E0] =	vst v63  }
0x4ef: {  	_ = 	snop  }
0x4f0: {  	[tilespmem:s3], [sflag:$0x3] =	stream.linear.gather [hbm4b:s13+s3], $0x70, $0x38;
	[tilespmem:$0x88E0] =	vst v63  }
0x4f1: {  	_ = 	snop  }
0x4f2: {  	[spmem:s2] =	stream.indirect.scatter.add.f32 [tilespmem:s10], [sflag:$0x5], $0x40, s11, s11, $0xb8;
	[tilespmem:$0x88E0] =	vst v63  }
0x4f3: {  	_ =	swait.ge [sflag:s6], $0x1C00  }
0x4f4: {  	[sflag:s6] =	ssyncset.done $0x0  }
0x4f5: {  	[sflag:s6] =	ssyncadd.s32 $0xFFFFE400  }
0x4f6: {  	_ =	swait.ge [sflag:s19], $0x1C00  }
0x4f7: {  	[sflag:s19] =	ssyncset.done $0x0  }
0x4f8: {  	[sflag:s19] =	ssyncadd.s32 $0xFFFFE400  }
0x4f9: {  	_ =	swait.ge [sflag:s21], $0x70  }
0x4fa: {  	[sflag:s21] =	ssyncset.done $0x0  }
0x4fb: {  	[sflag:s21] =	ssyncadd.s32 $0xFFFFFF90  }
0x4fc: {  	[tilespmem:s10], [sflag:$0x2] =	stream.strided.gather [hbm4b:s8+s14], $0x1C00, s16, s14, $0x38;
	[tilespmem:$0x88E0] =	vst v63  }
0x4fd: {  	_ = 	snop  }
0x4fe: {  	[tilespmem:s11], [sflag:$0x4] =	stream.linear.gather [hbm4b:s9+s3], $0x70, $0x38;
	[tilespmem:$0x88E0] =	vst v63  }
0x4ff: {  	_ = 	snop  }
0x500: {  	[spmem:s2] =	stream.indirect.scatter.add.f32 [tilespmem:s15], [sflag:$0x5], $0x40, s3, s11, $0xb8;
	[tilespmem:$0x88E0] =	vst v63  }
0x501: {  	_ =	swait.ge [sflag:s6], $0x1C00  }
0x502: {  	[sflag:s6] =	ssyncset.done $0x0  }
0x503: {  	[sflag:s6] =	ssyncadd.s32 $0xFFFFE400  }
0x504: {  	_ =	swait.ge [sflag:s18], $0x1C00  }
0x505: {  	[sflag:s18] =	ssyncset.done $0x0  }
0x506: {  	[sflag:s18] =	ssyncadd.s32 $0xFFFFE400  }
0x507: {  	_ =	swait.ge [sflag:s17], $0x70  }
0x508: {  	[sflag:s17] =	ssyncset.done $0x0  }
0x509: {  	[sflag:s17] =	ssyncadd.s32 $0xFFFFFF90  }
0x50a: {  	[spmem:s2] =	stream.indirect.scatter.add.f32 [tilespmem:s10], [sflag:$0x5], $0x40, s11, s11, $0xb8;
	[tilespmem:$0x88E0] =	vst v63  }
0x50b: {  	_ =	swait.ge [sflag:s6], $0x1C00  }
0x50c: {  	[sflag:s6] =	ssyncset.done $0x0  }
0x50d: {  	[sflag:s6] =	ssyncadd.s32 $0xFFFFE400  }
0x50e: {  	s0 =	simm.s32 @!p0 $0x5;
	[bflag:$0x0] =	sbarrier.arrive $0xFFFF  }
0x50f: {  	[hbm:s5], [sflag:s4] =	dma.local @!p0 [spmem:s7], $0x1388  }
0x510: {  	_ =	swait.ge @!p0 [sflag:s0], $0x1388  }
0x511: {  	[sflag:s0] =	ssyncset.done @!p0 $0x0  }
0x512: {  	[sflag:s0] =	ssyncadd.s32 @!p0 $0xFFFFEC78  }
0x513: {  	_ =	sfence.sel $0x180000  }
0x514: {  	[bflag:$0x0] =	sbarrier.arrive $0xFFFF  }
0x515: {  	_ =	strace $0x9000004A  }
0x516: {  	s31 =	stileid.u32;
	[bflag:$0x2] =	sbarrier.arrive $0xFFFF  }
0x517: {  	p0 =	sne.s32 s31, $0x0;
	s0 =	rddreg [dreg:$0x3]  }
0x518: {  	s0 =	sadd.s32 @!p0 $0x100000, s0  }
0x519: {  	[sflag:s0] =	ssyncadd.tile.s32 @!p0 $0x1;
	_ =	shalt  }
.LBB2_1:
.Ltmp3:
0x51a: {  	(pc) =	sbr.rel .LBB2_4-.Ltmp3, $2  }
0x51b: {  	_ =	sdelay $0x2  }
0x51c: {  	_ = 	snop  }
.Lfunc_end2:
_tile_overlayer_lowered:
.L_overlay_start_2:
0x51d: {  	(tag) =	ssettag $0x2  }
0x51e: {  	s0 =	rddreg [dreg:$0x0];
	s2 =	stileid.u32  }
0x51f: {  	s1 =	rddreg [dreg:$0x1];
	p0 =	sne.s32 s2, $0x0  }
0x520: {  	s3 =	rddreg [dreg:$0x2];
	[bflag:$0x3] =	sbarrier.arrive $0xFFFF;
	s2 =	simm.s32 @!p0 $0x1C05  }
0x521: {  	[timem:s3], [sflag:s2] =	dma.local @!p0 [hbm:s0], s1  }
0x522: {  	s0 =	simm.s32 @!p0 $0x5  }
0x523: {  	_ =	swait.ge @!p0 [sflag:s0], s1  }
0x524: {  	s1 =	ssub.s32 @!p0 $0x0, s1;
	[sflag:s0] =	ssyncset.done @!p0 $0x0  }
0x525: {  	[sflag:s0] =	ssyncadd.s32 @!p0 s1  }
0x526: {  	[bflag:$0x3] =	sbarrier.arrive $0xFFFF  }
0x527: {  	_ =	shalt  }

</sc_bundles>
